<compile_context>
chip_gen: v7x
topology: tpu7x:2x2x1
jax: 0.10.2.dev20260603
libtpu: 0.0.44.dev20260713+nightly
codegen_flags: <defaults>
</compile_context>

<pallas_src>
import functools

import jax
import jax.numpy as jnp
from jax import lax
from jax.experimental import pallas as pl
from jax.experimental.pallas import tpu as pltpu
from jax.experimental.pallas import tpu_sc as plsc

D_MODEL = 1024
LANES = 16
CHUNK = 16
NXB = 4
NRB = 2


def _pe_add_kernel(n_rows: int):
    info = plsc.get_sparse_core_info()
    num_workers = info.num_cores * info.num_subcores
    rows_per_w = n_rows // num_workers
    n_chunks = rows_per_w // CHUNK
    assert n_chunks % NXB == 0
    mesh = plsc.VectorSubcoreMesh(core_axis_name="c", subcore_axis_name="s")

    buf = lambda: pltpu.VMEM((CHUNK, D_MODEL), jnp.float32)

    @functools.partial(
        pl.kernel,
        mesh=mesh,
        out_type=jax.ShapeDtypeStruct((n_rows, D_MODEL), jnp.float32),
        scratch_types=(
            [pltpu.VMEM((rows_per_w,), jnp.int32)]
            + [buf() for _ in range(NXB + NRB)]
            + [pltpu.SemaphoreType.DMA for _ in range(NXB + NRB + NXB)]
        ),
    )
    def k(x_hbm, idx_hbm, pe_hbm, out_hbm, idx_v, *bufs_sems):
        xbufs = bufs_sems[:NXB]
        rbufs = bufs_sems[NXB:NXB + NRB]
        xsems = bufs_sems[NXB + NRB:2 * NXB + NRB]
        gsems = bufs_sems[2 * NXB + NRB:2 * NXB + 2 * NRB]
        osems = bufs_sems[2 * NXB + 2 * NRB:]

        wid = lax.axis_index("s") * info.num_cores + lax.axis_index("c")
        base = wid * rows_per_w
        pltpu.sync_copy(idx_hbm.at[pl.ds(base, rows_per_w)], idx_v)

        def gather_cpy(c, rb):
            return pltpu.make_async_copy(
                pe_hbm.at[idx_v.at[pl.ds(c * CHUNK, CHUNK)]],
                rbufs[rb], gsems[rb])

        def xload_cpy(c, xb):
            return pltpu.make_async_copy(
                x_hbm.at[pl.ds(base + c * CHUNK, CHUNK)], xbufs[xb],
                xsems[xb])

        def store_cpy(c, xb):
            return pltpu.make_async_copy(
                xbufs[xb], out_hbm.at[pl.ds(base + c * CHUNK, CHUNK)],
                osems[xb])

        gather_cpy(0, 0).start()
        xload_cpy(0, 0).start()

        def outer(i, carry):
            g = i * NXB
            for xb in range(NXB):
                cur = g + xb
                rb = xb % NRB
                nrb, nxb = (xb + 1) % NRB, (xb + 1) % NXB

                @pl.when(cur + 1 < n_chunks)
                def _():
                    gather_cpy(cur + 1, nrb).start()

                    @pl.when(cur + 1 >= NXB)
                    def _():
                        store_cpy(cur + 1 - NXB, nxb).wait()

                    xload_cpy(cur + 1, nxb).start()

                gather_cpy(cur, rb).wait()
                xload_cpy(cur, xb).wait()

                xbr, rbr = xbufs[xb], rbufs[rb]

                def row_body(r, c):
                    for j in range(D_MODEL // LANES):
                        sl = pl.ds(j * LANES, LANES)
                        plsc.addupdate(xbr.at[r, sl], rbr[r, sl])
                    return c

                lax.fori_loop(0, CHUNK, row_body, 0)
                store_cpy(cur, xb).start()
            return carry

        lax.fori_loop(0, n_chunks // NXB, outer, 0)
        for xb in range(NXB):
            store_cpy(n_chunks - NXB + xb, xb).wait()

    return k


def kernel(input_embeddings, position_ids, pe):
    b, s, d = input_embeddings.shape
    n = b * s
    x2d = input_embeddings.reshape(n, d)
    idx = position_ids.reshape(n).astype(jnp.int32)
    out = _pe_add_kernel(n)(x2d, idx, pe)
    return out.reshape(b, s, d)

# --- scband reference (transcript-rebuilt; emitter-appended) ---
"""Pipeline reference for scband-sinusoidal-positional-encoding-41936060678340 (READ-ONLY COPY).

The authoritative reference and input builder live on the scoring server;
editing this copy changes nothing except your own understanding.
"""

import jax, jax.numpy as jnp
import numpy as np
import math

D_MODEL = 1024
MAX_POS = 32768
BASE = 10000.0
BATCH = 4
SEQ_LEN = 4096


def _build_pe():
    position = jnp.arange(0, MAX_POS, dtype=jnp.float32)[:, None]
    div_term = jnp.exp(jnp.arange(0, D_MODEL, 2, dtype=jnp.float32) * (-math.log(BASE) / D_MODEL))
    pe = jnp.zeros((MAX_POS, D_MODEL), dtype=jnp.float32)
    pe = pe.at[:, 0::2].set(jnp.sin(position * div_term))
    pe = pe.at[:, 1::2].set(jnp.cos(position * div_term))
    return pe


def setup_inputs(seed: int = 0) -> dict:
    key = jax.random.key(seed)
    k1, k2 = jax.random.split(key)
    input_embeddings = jax.random.normal(k1, (BATCH, SEQ_LEN, D_MODEL), dtype=jnp.float32)
    position_ids = jax.random.randint(k2, (BATCH, SEQ_LEN), 0, MAX_POS, dtype=jnp.int64 if jax.config.read('jax_enable_x64') else jnp.int32)
    pe = _build_pe()
    return {"input_embeddings": input_embeddings, "position_ids": position_ids, "pe": pe}


def reference(input_embeddings, position_ids, pe):
    # gather positional embeddings by id (embedding lookup)
    pos_embeddings = jnp.take(pe, position_ids, axis=0)  # [B, S, D]
    out = input_embeddings + pos_embeddings.astype(input_embeddings.dtype)
    # dropout p=0.0 (eval) -> identity
    return out

if __name__ == "__main__":
    import jax
    _d = setup_inputs()
    print(jax.jit(kernel)(*tuple(_d.values())))

</pallas_src>

<mosaic_0001>
#map = affine_map<(d0, d1) -> (0, 0)>
#map1 = affine_map<(d0, d1) -> (0)>
module attributes {stable_mosaic.version = 14 : i64} {
  func.func @k(%arg0: i32, %arg1: i32, %arg2: memref<16384x1024xf32, #tpu.memory_space<hbm>>, %arg3: memref<16384xi32, #tpu.memory_space<hbm>>, %arg4: memref<32768x1024xf32, #tpu.memory_space<hbm>>, %arg5: memref<16384x1024xf32, #tpu.memory_space<hbm>>, %arg6: memref<512xi32, #tpu.memory_space<vmem>>, %arg7: memref<16x1024xf32, #tpu.memory_space<vmem>>, %arg8: memref<16x1024xf32, #tpu.memory_space<vmem>>, %arg9: memref<16x1024xf32, #tpu.memory_space<vmem>>, %arg10: memref<16x1024xf32, #tpu.memory_space<vmem>>, %arg11: memref<16x1024xf32, #tpu.memory_space<vmem>>, %arg12: memref<16x1024xf32, #tpu.memory_space<vmem>>, %arg13: memref<!tpu.dma_semaphore, #tpu.memory_space<semaphore_mem>>, %arg14: memref<!tpu.dma_semaphore, #tpu.memory_space<semaphore_mem>>, %arg15: memref<!tpu.dma_semaphore, #tpu.memory_space<semaphore_mem>>, %arg16: memref<!tpu.dma_semaphore, #tpu.memory_space<semaphore_mem>>, %arg17: memref<!tpu.dma_semaphore, #tpu.memory_space<semaphore_mem>>, %arg18: memref<!tpu.dma_semaphore, #tpu.memory_space<semaphore_mem>>, %arg19: memref<!tpu.dma_semaphore, #tpu.memory_space<semaphore_mem>>, %arg20: memref<!tpu.dma_semaphore, #tpu.memory_space<semaphore_mem>>, %arg21: memref<!tpu.dma_semaphore, #tpu.memory_space<semaphore_mem>>, %arg22: memref<!tpu.dma_semaphore, #tpu.memory_space<semaphore_mem>>) attributes {dimension_semantics = [#tpu.dimension_semantics<core_parallel>, #tpu.dimension_semantics<subcore_parallel>], iteration_bounds = array<i64: 2, 16>, scalar_prefetch = 0 : i64, scratch_operands = 17 : i64, tpu.core_type = #tpu.core_type<sc_vector_subcore>, window_params = [{transform_indices = #map}, {transform_indices = #map1}, {transform_indices = #map}, {transform_indices = #map}]} {
    %mul3A = arith.constant 2 : i32
    %mul3A_0 = arith.muli %arg1, %mul3A : i32
    %add3A = arith.addi %mul3A_0, %arg0 : i32
    %mul3A_1 = arith.constant 512 : i32
    %mul3A_2 = arith.muli %add3A, %mul3A_1 : i32
    "tpu.region"() ({
      %run_scoped3A = tpu.sem_alloc : memref<!tpu.dma_semaphore, #tpu.memory_space<semaphore_mem>>
      %dma_start3A_41 = tpu.memref_slice %arg3[%mul3A_2] : memref<16384xi32, #tpu.memory_space<hbm>> -> memref<512xi32, #tpu.memory_space<hbm>>
      %dma_start3A_42 = tpu.memref_slice %arg3[%mul3A_2] : memref<16384xi32, #tpu.memory_space<hbm>> -> memref<512xi32, #tpu.memory_space<hbm>>
      tpu.enqueue_dma source(%dma_start3A_42 : memref<512xi32, #tpu.memory_space<hbm>>) target(%arg6 : memref<512xi32, #tpu.memory_space<vmem>>) target_semaphore(%run_scoped3A : memref<!tpu.dma_semaphore, #tpu.memory_space<semaphore_mem>>)
      %dma_wait3A_43 = tpu.memref_slice %arg3[%mul3A_2] : memref<16384xi32, #tpu.memory_space<hbm>> -> memref<512xi32, #tpu.memory_space<hbm>>
      %dma_wait3A_44 = tpu.memref_slice %arg3[%mul3A_2] : memref<16384xi32, #tpu.memory_space<hbm>> -> memref<512xi32, #tpu.memory_space<hbm>>
      tpu.wait_dma2 semaphore(%run_scoped3A : memref<!tpu.dma_semaphore, #tpu.memory_space<semaphore_mem>>) src(%dma_wait3A_44 : memref<512xi32, #tpu.memory_space<hbm>>) dst(%arg6 : memref<512xi32, #tpu.memory_space<vmem>>)
      tpu.yield
    }) : () -> ()
    %dma_start3A = arith.constant 0 : i32
    %dma_start3A_3 = tpu.memref_slice %arg6[%dma_start3A] : memref<512xi32, #tpu.memory_space<vmem>> -> memref<16xi32, #tpu.memory_space<vmem>>
    %dma_start3A_4 = arith.constant 0 : i32
    %dma_start3A_5 = arith.constant 0 : i32
    %dma_start3A_6 = tpu.memref_slice %arg4[%dma_start3A_4, %dma_start3A_5] : memref<32768x1024xf32, #tpu.memory_space<hbm>> -> memref<32768x1024xf32, #tpu.memory_space<hbm>>
    tpu.enqueue_indirect_dma source(%dma_start3A_6 : memref<32768x1024xf32, #tpu.memory_space<hbm>>) target(%arg11 : memref<16x1024xf32, #tpu.memory_space<vmem>>) offsets(%dma_start3A_3 : memref<16xi32, #tpu.memory_space<vmem>>) semaphore(%arg17 : memref<!tpu.dma_semaphore, #tpu.memory_space<semaphore_mem>>)
    %add3A_7 = arith.constant 0 : i32
    %add3A_8 = arith.addi %mul3A_2, %add3A_7 : i32
    %dma_start3A_9 = arith.constant 0 : i32
    %dma_start3A_10 = tpu.memref_slice %arg2[%add3A_8, %dma_start3A_9] : memref<16384x1024xf32, #tpu.memory_space<hbm>> -> memref<16x1024xf32, #tpu.memory_space<hbm>>
    %dma_start3A_11 = arith.constant 0 : i32
    %dma_start3A_12 = tpu.memref_slice %arg2[%add3A_8, %dma_start3A_11] : memref<16384x1024xf32, #tpu.memory_space<hbm>> -> memref<16x1024xf32, #tpu.memory_space<hbm>>
    tpu.enqueue_dma source(%dma_start3A_12 : memref<16x1024xf32, #tpu.memory_space<hbm>>) target(%arg7 : memref<16x1024xf32, #tpu.memory_space<vmem>>) target_semaphore(%arg13 : memref<!tpu.dma_semaphore, #tpu.memory_space<semaphore_mem>>)
    %scan3A = arith.constant 0 : i32
    %scan3A_13 = arith.constant 0 : i32
    %scan3A_14 = arith.constant 8 : i32
    %scan3A_15 = arith.addi %scan3A_13, %scan3A_14 : i32
    %scan3A_16 = arith.constant 1 : i32
    scf.for %scan3A_41 = %scan3A_13 to %scan3A_15 step %scan3A_16  : i32 {
      %mul3A_42 = arith.constant 4 : i32
      %mul3A_43 = arith.muli %scan3A_41, %mul3A_42 : i32
      %add3A_44 = arith.constant 0 : i32
      %add3A_45 = arith.addi %mul3A_43, %add3A_44 : i32
      %add3A_46 = arith.constant 1 : i32
      %add3A_47 = arith.addi %add3A_45, %add3A_46 : i32
      %lt3A = arith.constant 32 : i32
      %lt3A_48 = arith.cmpi slt, %add3A_47, %lt3A : i32
      %convert_element_type3A = arith.extui %lt3A_48 : i1 to i32
      %cond3A = arith.constant 0 : i32
      %cond3A_49 = arith.cmpi ne, %convert_element_type3A, %cond3A : i32
      scf.if %cond3A_49 {
        %add3A_181 = arith.constant 1 : i32
        %add3A_182 = arith.addi %add3A_45, %add3A_181 : i32
        %mul3A_183 = arith.constant 16 : i32
        %mul3A_184 = arith.muli %add3A_182, %mul3A_183 : i32
        %dma_start3A_185 = tpu.memref_slice %arg6[%mul3A_184] : memref<512xi32, #tpu.memory_space<vmem>> -> memref<16xi32, #tpu.memory_space<vmem>>
        %dma_start3A_186 = arith.constant 0 : i32
        %dma_start3A_187 = arith.constant 0 : i32
        %dma_start3A_188 = tpu.memref_slice %arg4[%dma_start3A_186, %dma_start3A_187] : memref<32768x1024xf32, #tpu.memory_space<hbm>> -> memref<32768x1024xf32, #tpu.memory_space<hbm>>
        tpu.enqueue_indirect_dma source(%dma_start3A_188 : memref<32768x1024xf32, #tpu.memory_space<hbm>>) target(%arg12 : memref<16x1024xf32, #tpu.memory_space<vmem>>) offsets(%dma_start3A_185 : memref<16xi32, #tpu.memory_space<vmem>>) semaphore(%arg18 : memref<!tpu.dma_semaphore, #tpu.memory_space<semaphore_mem>>)
        %add3A_189 = arith.constant 1 : i32
        %add3A_190 = arith.addi %add3A_45, %add3A_189 : i32
        %ge3A = arith.constant 4 : i32
        %ge3A_191 = arith.cmpi sge, %add3A_190, %ge3A : i32
        %convert_element_type3A_192 = arith.extui %ge3A_191 : i1 to i32
        %cond3A_193 = arith.constant 0 : i32
        %cond3A_194 = arith.cmpi ne, %convert_element_type3A_192, %cond3A_193 : i32
        scf.if %cond3A_194 {
          %add3A_204 = arith.constant 1 : i32
          %add3A_205 = arith.addi %add3A_45, %add3A_204 : i32
          %sub3A = arith.constant 4 : i32
          %sub3A_206 = arith.subi %add3A_205, %sub3A : i32
          %mul3A_207 = arith.constant 16 : i32
          %mul3A_208 = arith.muli %sub3A_206, %mul3A_207 : i32
          %add3A_209 = arith.addi %mul3A_2, %mul3A_208 : i32
          %dma_wait3A_210 = arith.constant 0 : i32
          %dma_wait3A_211 = tpu.memref_slice %arg5[%add3A_209, %dma_wait3A_210] : memref<16384x1024xf32, #tpu.memory_space<hbm>> -> memref<16x1024xf32, #tpu.memory_space<hbm>>
          %dma_wait3A_212 = arith.constant 0 : i32
          %dma_wait3A_213 = tpu.memref_slice %arg5[%add3A_209, %dma_wait3A_212] : memref<16384x1024xf32, #tpu.memory_space<hbm>> -> memref<16x1024xf32, #tpu.memory_space<hbm>>
          tpu.wait_dma2 semaphore(%arg20 : memref<!tpu.dma_semaphore, #tpu.memory_space<semaphore_mem>>) src(%arg8 : memref<16x1024xf32, #tpu.memory_space<vmem>>) dst(%dma_wait3A_213 : memref<16x1024xf32, #tpu.memory_space<hbm>>)
        } else {
        }
        %add3A_195 = arith.constant 1 : i32
        %add3A_196 = arith.addi %add3A_45, %add3A_195 : i32
        %mul3A_197 = arith.constant 16 : i32
        %mul3A_198 = arith.muli %add3A_196, %mul3A_197 : i32
        %add3A_199 = arith.addi %mul3A_2, %mul3A_198 : i32
        %dma_start3A_200 = arith.constant 0 : i32
        %dma_start3A_201 = tpu.memref_slice %arg2[%add3A_199, %dma_start3A_200] : memref<16384x1024xf32, #tpu.memory_space<hbm>> -> memref<16x1024xf32, #tpu.memory_space<hbm>>
        %dma_start3A_202 = arith.constant 0 : i32
        %dma_start3A_203 = tpu.memref_slice %arg2[%add3A_199, %dma_start3A_202] : memref<16384x1024xf32, #tpu.memory_space<hbm>> -> memref<16x1024xf32, #tpu.memory_space<hbm>>
        tpu.enqueue_dma source(%dma_start3A_203 : memref<16x1024xf32, #tpu.memory_space<hbm>>) target(%arg8 : memref<16x1024xf32, #tpu.memory_space<vmem>>) target_semaphore(%arg14 : memref<!tpu.dma_semaphore, #tpu.memory_space<semaphore_mem>>)
      } else {
      }
      %mul3A_50 = arith.constant 16 : i32
      %mul3A_51 = arith.muli %add3A_45, %mul3A_50 : i32
      %dma_wait3A_52 = tpu.memref_slice %arg6[%mul3A_51] : memref<512xi32, #tpu.memory_space<vmem>> -> memref<16xi32, #tpu.memory_space<vmem>>
      %dma_wait3A_53 = arith.constant 0 : i32
      %dma_wait3A_54 = arith.constant 0 : i32
      %dma_wait3A_55 = tpu.memref_slice %arg4[%dma_wait3A_53, %dma_wait3A_54] : memref<32768x1024xf32, #tpu.memory_space<hbm>> -> memref<32768x1024xf32, #tpu.memory_space<hbm>>
      tpu.wait_indirect_dma semaphore(%arg17 : memref<!tpu.dma_semaphore, #tpu.memory_space<semaphore_mem>>) src(%dma_wait3A_55 : memref<32768x1024xf32, #tpu.memory_space<hbm>>) dst(%arg11 : memref<16x1024xf32, #tpu.memory_space<vmem>>)
      %mul3A_56 = arith.constant 16 : i32
      %mul3A_57 = arith.muli %add3A_45, %mul3A_56 : i32
      %add3A_58 = arith.addi %mul3A_2, %mul3A_57 : i32
      %dma_wait3A_59 = arith.constant 0 : i32
      %dma_wait3A_60 = tpu.memref_slice %arg2[%add3A_58, %dma_wait3A_59] : memref<16384x1024xf32, #tpu.memory_space<hbm>> -> memref<16x1024xf32, #tpu.memory_space<hbm>>
      %dma_wait3A_61 = arith.constant 0 : i32
      %dma_wait3A_62 = tpu.memref_slice %arg2[%add3A_58, %dma_wait3A_61] : memref<16384x1024xf32, #tpu.memory_space<hbm>> -> memref<16x1024xf32, #tpu.memory_space<hbm>>
      tpu.wait_dma2 semaphore(%arg13 : memref<!tpu.dma_semaphore, #tpu.memory_space<semaphore_mem>>) src(%dma_wait3A_62 : memref<16x1024xf32, #tpu.memory_space<hbm>>) dst(%arg7 : memref<16x1024xf32, #tpu.memory_space<vmem>>)
      %scan3A_63 = arith.constant 0 : i32
      %scan3A_64 = arith.constant 0 : i32
      %scan3A_65 = arith.constant 16 : i32
      %scan3A_66 = arith.addi %scan3A_64, %scan3A_65 : i32
      %scan3A_67 = arith.constant 1 : i32
      scf.for %scan3A_181 = %scan3A_64 to %scan3A_66 step %scan3A_67  : i32 {
        %get3A = arith.index_cast %scan3A_181 : i32 to index
        %get3A_182 = arith.constant 0 : index
        %get3A_183 = tpu.vector_load %arg11[%get3A, %get3A_182] {strides = array<i32>} : memref<16x1024xf32, #tpu.memory_space<vmem>>, vector<1x16xf32>,
        %get3A_184 = vector.shape_cast %get3A_183 : vector<1x16xf32> to vector<16xf32>
        %swap3A = arith.index_cast %scan3A_181 : i32 to index
        %swap3A_185 = arith.constant 0 : index
        %swap3A_186 = tpu.vector_load %arg7[%swap3A, %swap3A_185] {strides = array<i32>} : memref<16x1024xf32, #tpu.memory_space<vmem>>, vector<1x16xf32>,
        %swap3A_187 = vector.shape_cast %swap3A_186 : vector<1x16xf32> to vector<16xf32>
        %swap3A_188 = vector.shape_cast %get3A_184 : vector<16xf32> to vector<1x16xf32>
        tpu.vector_store %arg7[%swap3A, %swap3A_185], %swap3A_188 {add = true, strides = array<i32>} : memref<16x1024xf32, #tpu.memory_space<vmem>>, vector<1x16xf32>,
        %get3A_189 = arith.index_cast %scan3A_181 : i32 to index
        %get3A_190 = arith.constant 16 : index
        %get3A_191 = tpu.vector_load %arg11[%get3A_189, %get3A_190] {strides = array<i32>} : memref<16x1024xf32, #tpu.memory_space<vmem>>, vector<1x16xf32>,
        %get3A_192 = vector.shape_cast %get3A_191 : vector<1x16xf32> to vector<16xf32>
        %swap3A_193 = arith.index_cast %scan3A_181 : i32 to index
        %swap3A_194 = arith.constant 16 : index
        %swap3A_195 = tpu.vector_load %arg7[%swap3A_193, %swap3A_194] {strides = array<i32>} : memref<16x1024xf32, #tpu.memory_space<vmem>>, vector<1x16xf32>,
        %swap3A_196 = vector.shape_cast %swap3A_195 : vector<1x16xf32> to vector<16xf32>
        %swap3A_197 = vector.shape_cast %get3A_192 : vector<16xf32> to vector<1x16xf32>
        tpu.vector_store %arg7[%swap3A_193, %swap3A_194], %swap3A_197 {add = true, strides = array<i32>} : memref<16x1024xf32, #tpu.memory_space<vmem>>, vector<1x16xf32>,
        %get3A_198 = arith.index_cast %scan3A_181 : i32 to index
        %get3A_199 = arith.constant 32 : index
        %get3A_200 = tpu.vector_load %arg11[%get3A_198, %get3A_199] {strides = array<i32>} : memref<16x1024xf32, #tpu.memory_space<vmem>>, vector<1x16xf32>,
        %get3A_201 = vector.shape_cast %get3A_200 : vector<1x16xf32> to vector<16xf32>
        %swap3A_202 = arith.index_cast %scan3A_181 : i32 to index
        %swap3A_203 = arith.constant 32 : index
        %swap3A_204 = tpu.vector_load %arg7[%swap3A_202, %swap3A_203] {strides = array<i32>} : memref<16x1024xf32, #tpu.memory_space<vmem>>, vector<1x16xf32>,
        %swap3A_205 = vector.shape_cast %swap3A_204 : vector<1x16xf32> to vector<16xf32>
        %swap3A_206 = vector.shape_cast %get3A_201 : vector<16xf32> to vector<1x16xf32>
        tpu.vector_store %arg7[%swap3A_202, %swap3A_203], %swap3A_206 {add = true, strides = array<i32>} : memref<16x1024xf32, #tpu.memory_space<vmem>>, vector<1x16xf32>,
        %get3A_207 = arith.index_cast %scan3A_181 : i32 to index
        %get3A_208 = arith.constant 48 : index
        %get3A_209 = tpu.vector_load %arg11[%get3A_207, %get3A_208] {strides = array<i32>} : memref<16x1024xf32, #tpu.memory_space<vmem>>, vector<1x16xf32>,
        %get3A_210 = vector.shape_cast %get3A_209 : vector<1x16xf32> to vector<16xf32>
        %swap3A_211 = arith.index_cast %scan3A_181 : i32 to index
        %swap3A_212 = arith.constant 48 : index
        %swap3A_213 = tpu.vector_load %arg7[%swap3A_211, %swap3A_212] {strides = array<i32>} : memref<16x1024xf32, #tpu.memory_space<vmem>>, vector<1x16xf32>,
        %swap3A_214 = vector.shape_cast %swap3A_213 : vector<1x16xf32> to vector<16xf32>
        %swap3A_215 = vector.shape_cast %get3A_210 : vector<16xf32> to vector<1x16xf32>
        tpu.vector_store %arg7[%swap3A_211, %swap3A_212], %swap3A_215 {add = true, strides = array<i32>} : memref<16x1024xf32, #tpu.memory_space<vmem>>, vector<1x16xf32>,
        %get3A_216 = arith.index_cast %scan3A_181 : i32 to index
        %get3A_217 = arith.constant 64 : index
        %get3A_218 = tpu.vector_load %arg11[%get3A_216, %get3A_217] {strides = array<i32>} : memref<16x1024xf32, #tpu.memory_space<vmem>>, vector<1x16xf32>,
        %get3A_219 = vector.shape_cast %get3A_218 : vector<1x16xf32> to vector<16xf32>
        %swap3A_220 = arith.index_cast %scan3A_181 : i32 to index
        %swap3A_221 = arith.constant 64 : index
        %swap3A_222 = tpu.vector_load %arg7[%swap3A_220, %swap3A_221] {strides = array<i32>} : memref<16x1024xf32, #tpu.memory_space<vmem>>, vector<1x16xf32>,
        %swap3A_223 = vector.shape_cast %swap3A_222 : vector<1x16xf32> to vector<16xf32>
        %swap3A_224 = vector.shape_cast %get3A_219 : vector<16xf32> to vector<1x16xf32>
        tpu.vector_store %arg7[%swap3A_220, %swap3A_221], %swap3A_224 {add = true, strides = array<i32>} : memref<16x1024xf32, #tpu.memory_space<vmem>>, vector<1x16xf32>,
        %get3A_225 = arith.index_cast %scan3A_181 : i32 to index
        %get3A_226 = arith.constant 80 : index
        %get3A_227 = tpu.vector_load %arg11[%get3A_225, %get3A_226] {strides = array<i32>} : memref<16x1024xf32, #tpu.memory_space<vmem>>, vector<1x16xf32>,
        %get3A_228 = vector.shape_cast %get3A_227 : vector<1x16xf32> to vector<16xf32>
        %swap3A_229 = arith.index_cast %scan3A_181 : i32 to index
        %swap3A_230 = arith.constant 80 : index
        %swap3A_231 = tpu.vector_load %arg7[%swap3A_229, %swap3A_230] {strides = array<i32>} : memref<16x1024xf32, #tpu.memory_space<vmem>>, vector<1x16xf32>,
        %swap3A_232 = vector.shape_cast %swap3A_231 : vector<1x16xf32> to vector<16xf32>
        %swap3A_233 = vector.shape_cast %get3A_228 : vector<16xf32> to vector<1x16xf32>
        tpu.vector_store %arg7[%swap3A_229, %swap3A_230], %swap3A_233 {add = true, strides = array<i32>} : memref<16x1024xf32, #tpu.memory_space<vmem>>, vector<1x16xf32>,
        %get3A_234 = arith.index_cast %scan3A_181 : i32 to index
        %get3A_235 = arith.constant 96 : index
        %get3A_236 = tpu.vector_load %arg11[%get3A_234, %get3A_235] {strides = array<i32>} : memref<16x1024xf32, #tpu.memory_space<vmem>>, vector<1x16xf32>,
        %get3A_237 = vector.shape_cast %get3A_236 : vector<1x16xf32> to vector<16xf32>
        %swap3A_238 = arith.index_cast %scan3A_181 : i32 to index
        %swap3A_239 = arith.constant 96 : index
        %swap3A_240 = tpu.vector_load %arg7[%swap3A_238, %swap3A_239] {strides = array<i32>} : memref<16x1024xf32, #tpu.memory_space<vmem>>, vector<1x16xf32>,
        %swap3A_241 = vector.shape_cast %swap3A_240 : vector<1x16xf32> to vector<16xf32>
        %swap3A_242 = vector.shape_cast %get3A_237 : vector<16xf32> to vector<1x16xf32>
        tpu.vector_store %arg7[%swap3A_238, %swap3A_239], %swap3A_242 {add = true, strides = array<i32>} : memref<16x1024xf32, #tpu.memory_space<vmem>>, vector<1x16xf32>,
        %get3A_243 = arith.index_cast %scan3A_181 : i32 to index
        %get3A_244 = arith.constant 112 : index
        %get3A_245 = tpu.vector_load %arg11[%get3A_243, %get3A_244] {strides = array<i32>} : memref<16x1024xf32, #tpu.memory_space<vmem>>, vector<1x16xf32>,
        %get3A_246 = vector.shape_cast %get3A_245 : vector<1x16xf32> to vector<16xf32>
        %swap3A_247 = arith.index_cast %scan3A_181 : i32 to index
        %swap3A_248 = arith.constant 112 : index
        %swap3A_249 = tpu.vector_load %arg7[%swap3A_247, %swap3A_248] {strides = array<i32>} : memref<16x1024xf32, #tpu.memory_space<vmem>>, vector<1x16xf32>,
        %swap3A_250 = vector.shape_cast %swap3A_249 : vector<1x16xf32> to vector<16xf32>
        %swap3A_251 = vector.shape_cast %get3A_246 : vector<16xf32> to vector<1x16xf32>
        tpu.vector_store %arg7[%swap3A_247, %swap3A_248], %swap3A_251 {add = true, strides = array<i32>} : memref<16x1024xf32, #tpu.memory_space<vmem>>, vector<1x16xf32>,
        %get3A_252 = arith.index_cast %scan3A_181 : i32 to index
        %get3A_253 = arith.constant 128 : index
        %get3A_254 = tpu.vector_load %arg11[%get3A_252, %get3A_253] {strides = array<i32>} : memref<16x1024xf32, #tpu.memory_space<vmem>>, vector<1x16xf32>,
        %get3A_255 = vector.shape_cast %get3A_254 : vector<1x16xf32> to vector<16xf32>
        %swap3A_256 = arith.index_cast %scan3A_181 : i32 to index
        %swap3A_257 = arith.constant 128 : index
        %swap3A_258 = tpu.vector_load %arg7[%swap3A_256, %swap3A_257] {strides = array<i32>} : memref<16x1024xf32, #tpu.memory_space<vmem>>, vector<1x16xf32>,
        %swap3A_259 = vector.shape_cast %swap3A_258 : vector<1x16xf32> to vector<16xf32>
        %swap3A_260 = vector.shape_cast %get3A_255 : vector<16xf32> to vector<1x16xf32>
        tpu.vector_store %arg7[%swap3A_256, %swap3A_257], %swap3A_260 {add = true, strides = array<i32>} : memref<16x1024xf32, #tpu.memory_space<vmem>>, vector<1x16xf32>,
        %get3A_261 = arith.index_cast %scan3A_181 : i32 to index
        %get3A_262 = arith.constant 144 : index
        %get3A_263 = tpu.vector_load %arg11[%get3A_261, %get3A_262] {strides = array<i32>} : memref<16x1024xf32, #tpu.memory_space<vmem>>, vector<1x16xf32>,
        %get3A_264 = vector.shape_cast %get3A_263 : vector<1x16xf32> to vector<16xf32>
        %swap3A_265 = arith.index_cast %scan3A_181 : i32 to index
        %swap3A_266 = arith.constant 144 : index
        %swap3A_267 = tpu.vector_load %arg7[%swap3A_265, %swap3A_266] {strides = array<i32>} : memref<16x1024xf32, #tpu.memory_space<vmem>>, vector<1x16xf32>,
        %swap3A_268 = vector.shape_cast %swap3A_267 : vector<1x16xf32> to vector<16xf32>
        %swap3A_269 = vector.shape_cast %get3A_264 : vector<16xf32> to vector<1x16xf32>
        tpu.vector_store %arg7[%swap3A_265, %swap3A_266], %swap3A_269 {add = true, strides = array<i32>} : memref<16x1024xf32, #tpu.memory_space<vmem>>, vector<1x16xf32>,
        %get3A_270 = arith.index_cast %scan3A_181 : i32 to index
        %get3A_271 = arith.constant 160 : index
        %get3A_272 = tpu.vector_load %arg11[%get3A_270, %get3A_271] {strides = array<i32>} : memref<16x1024xf32, #tpu.memory_space<vmem>>, vector<1x16xf32>,
        %get3A_273 = vector.shape_cast %get3A_272 : vector<1x16xf32> to vector<16xf32>
        %swap3A_274 = arith.index_cast %scan3A_181 : i32 to index
        %swap3A_275 = arith.constant 160 : index
        %swap3A_276 = tpu.vector_load %arg7[%swap3A_274, %swap3A_275] {strides = array<i32>} : memref<16x1024xf32, #tpu.memory_space<vmem>>, vector<1x16xf32>,
        %swap3A_277 = vector.shape_cast %swap3A_276 : vector<1x16xf32> to vector<16xf32>
        %swap3A_278 = vector.shape_cast %get3A_273 : vector<16xf32> to vector<1x16xf32>
        tpu.vector_store %arg7[%swap3A_274, %swap3A_275], %swap3A_278 {add = true, strides = array<i32>} : memref<16x1024xf32, #tpu.memory_space<vmem>>, vector<1x16xf32>,
        %get3A_279 = arith.index_cast %scan3A_181 : i32 to index
        %get3A_280 = arith.constant 176 : index
        %get3A_281 = tpu.vector_load %arg11[%get3A_279, %get3A_280] {strides = array<i32>} : memref<16x1024xf32, #tpu.memory_space<vmem>>, vector<1x16xf32>,
        %get3A_282 = vector.shape_cast %get3A_281 : vector<1x16xf32> to vector<16xf32>
        %swap3A_283 = arith.index_cast %scan3A_181 : i32 to index
        %swap3A_284 = arith.constant 176 : index
        %swap3A_285 = tpu.vector_load %arg7[%swap3A_283, %swap3A_284] {strides = array<i32>} : memref<16x1024xf32, #tpu.memory_space<vmem>>, vector<1x16xf32>,
        %swap3A_286 = vector.shape_cast %swap3A_285 : vector<1x16xf32> to vector<16xf32>
        %swap3A_287 = vector.shape_cast %get3A_282 : vector<16xf32> to vector<1x16xf32>
        tpu.vector_store %arg7[%swap3A_283, %swap3A_284], %swap3A_287 {add = true, strides = array<i32>} : memref<16x1024xf32, #tpu.memory_space<vmem>>, vector<1x16xf32>,
        %get3A_288 = arith.index_cast %scan3A_181 : i32 to index
        %get3A_289 = arith.constant 192 : index
        %get3A_290 = tpu.vector_load %arg11[%get3A_288, %get3A_289] {strides = array<i32>} : memref<16x1024xf32, #tpu.memory_space<vmem>>, vector<1x16xf32>,
        %get3A_291 = vector.shape_cast %get3A_290 : vector<1x16xf32> to vector<16xf32>
        %swap3A_292 = arith.index_cast %scan3A_181 : i32 to index
        %swap3A_293 = arith.constant 192 : index
        %swap3A_294 = tpu.vector_load %arg7[%swap3A_292, %swap3A_293] {strides = array<i32>} : memref<16x1024xf32, #tpu.memory_space<vmem>>, vector<1x16xf32>,
        %swap3A_295 = vector.shape_cast %swap3A_294 : vector<1x16xf32> to vector<16xf32>
        %swap3A_296 = vector.shape_cast %get3A_291 : vector<16xf32> to vector<1x16xf32>
        tpu.vector_store %arg7[%swap3A_292, %swap3A_293], %swap3A_296 {add = true, strides = array<i32>} : memref<16x1024xf32, #tpu.memory_space<vmem>>, vector<1x16xf32>,
        %get3A_297 = arith.index_cast %scan3A_181 : i32 to index
        %get3A_298 = arith.constant 208 : index
        %get3A_299 = tpu.vector_load %arg11[%get3A_297, %get3A_298] {strides = array<i32>} : memref<16x1024xf32, #tpu.memory_space<vmem>>, vector<1x16xf32>,
        %get3A_300 = vector.shape_cast %get3A_299 : vector<1x16xf32> to vector<16xf32>
        %swap3A_301 = arith.index_cast %scan3A_181 : i32 to index
        %swap3A_302 = arith.constant 208 : index
        %swap3A_303 = tpu.vector_load %arg7[%swap3A_301, %swap3A_302] {strides = array<i32>} : memref<16x1024xf32, #tpu.memory_space<vmem>>, vector<1x16xf32>,
        %swap3A_304 = vector.shape_cast %swap3A_303 : vector<1x16xf32> to vector<16xf32>
        %swap3A_305 = vector.shape_cast %get3A_300 : vector<16xf32> to vector<1x16xf32>
        tpu.vector_store %arg7[%swap3A_301, %swap3A_302], %swap3A_305 {add = true, strides = array<i32>} : memref<16x1024xf32, #tpu.memory_space<vmem>>, vector<1x16xf32>,
        %get3A_306 = arith.index_cast %scan3A_181 : i32 to index
        %get3A_307 = arith.constant 224 : index
        %get3A_308 = tpu.vector_load %arg11[%get3A_306, %get3A_307] {strides = array<i32>} : memref<16x1024xf32, #tpu.memory_space<vmem>>, vector<1x16xf32>,
        %get3A_309 = vector.shape_cast %get3A_308 : vector<1x16xf32> to vector<16xf32>
        %swap3A_310 = arith.index_cast %scan3A_181 : i32 to index
        %swap3A_311 = arith.constant 224 : index
        %swap3A_312 = tpu.vector_load %arg7[%swap3A_310, %swap3A_311] {strides = array<i32>} : memref<16x1024xf32, #tpu.memory_space<vmem>>, vector<1x16xf32>,
        %swap3A_313 = vector.shape_cast %swap3A_312 : vector<1x16xf32> to vector<16xf32>
        %swap3A_314 = vector.shape_cast %get3A_309 : vector<16xf32> to vector<1x16xf32>
        tpu.vector_store %arg7[%swap3A_310, %swap3A_311], %swap3A_314 {add = true, strides = array<i32>} : memref<16x1024xf32, #tpu.memory_space<vmem>>, vector<1x16xf32>,
        %get3A_315 = arith.index_cast %scan3A_181 : i32 to index
        %get3A_316 = arith.constant 240 : index
        %get3A_317 = tpu.vector_load %arg11[%get3A_315, %get3A_316] {strides = array<i32>} : memref<16x1024xf32, #tpu.memory_space<vmem>>, vector<1x16xf32>,
        %get3A_318 = vector.shape_cast %get3A_317 : vector<1x16xf32> to vector<16xf32>
        %swap3A_319 = arith.index_cast %scan3A_181 : i32 to index
        %swap3A_320 = arith.constant 240 : index
        %swap3A_321 = tpu.vector_load %arg7[%swap3A_319, %swap3A_320] {strides = array<i32>} : memref<16x1024xf32, #tpu.memory_space<vmem>>, vector<1x16xf32>,
        %swap3A_322 = vector.shape_cast %swap3A_321 : vector<1x16xf32> to vector<16xf32>
        %swap3A_323 = vector.shape_cast %get3A_318 : vector<16xf32> to vector<1x16xf32>
        tpu.vector_store %arg7[%swap3A_319, %swap3A_320], %swap3A_323 {add = true, strides = array<i32>} : memref<16x1024xf32, #tpu.memory_space<vmem>>, vector<1x16xf32>,
        %get3A_324 = arith.index_cast %scan3A_181 : i32 to index
        %get3A_325 = arith.constant 256 : index
        %get3A_326 = tpu.vector_load %arg11[%get3A_324, %get3A_325] {strides = array<i32>} : memref<16x1024xf32, #tpu.memory_space<vmem>>, vector<1x16xf32>,
        %get3A_327 = vector.shape_cast %get3A_326 : vector<1x16xf32> to vector<16xf32>
        %swap3A_328 = arith.index_cast %scan3A_181 : i32 to index
        %swap3A_329 = arith.constant 256 : index
        %swap3A_330 = tpu.vector_load %arg7[%swap3A_328, %swap3A_329] {strides = array<i32>} : memref<16x1024xf32, #tpu.memory_space<vmem>>, vector<1x16xf32>,
        %swap3A_331 = vector.shape_cast %swap3A_330 : vector<1x16xf32> to vector<16xf32>
        %swap3A_332 = vector.shape_cast %get3A_327 : vector<16xf32> to vector<1x16xf32>
        tpu.vector_store %arg7[%swap3A_328, %swap3A_329], %swap3A_332 {add = true, strides = array<i32>} : memref<16x1024xf32, #tpu.memory_space<vmem>>, vector<1x16xf32>,
        %get3A_333 = arith.index_cast %scan3A_181 : i32 to index
        %get3A_334 = arith.constant 272 : index
        %get3A_335 = tpu.vector_load %arg11[%get3A_333, %get3A_334] {strides = array<i32>} : memref<16x1024xf32, #tpu.memory_space<vmem>>, vector<1x16xf32>,
        %get3A_336 = vector.shape_cast %get3A_335 : vector<1x16xf32> to vector<16xf32>
        %swap3A_337 = arith.index_cast %scan3A_181 : i32 to index
        %swap3A_338 = arith.constant 272 : index
        %swap3A_339 = tpu.vector_load %arg7[%swap3A_337, %swap3A_338] {strides = array<i32>} : memref<16x1024xf32, #tpu.memory_space<vmem>>, vector<1x16xf32>,
        %swap3A_340 = vector.shape_cast %swap3A_339 : vector<1x16xf32> to vector<16xf32>
        %swap3A_341 = vector.shape_cast %get3A_336 : vector<16xf32> to vector<1x16xf32>
        tpu.vector_store %arg7[%swap3A_337, %swap3A_338], %swap3A_341 {add = true, strides = array<i32>} : memref<16x1024xf32, #tpu.memory_space<vmem>>, vector<1x16xf32>,
        %get3A_342 = arith.index_cast %scan3A_181 : i32 to index
        %get3A_343 = arith.constant 288 : index
        %get3A_344 = tpu.vector_load %arg11[%get3A_342, %get3A_343] {strides = array<i32>} : memref<16x1024xf32, #tpu.memory_space<vmem>>, vector<1x16xf32>,
        %get3A_345 = vector.shape_cast %get3A_344 : vector<1x16xf32> to vector<16xf32>
        %swap3A_346 = arith.index_cast %scan3A_181 : i32 to index
        %swap3A_347 = arith.constant 288 : index
        %swap3A_348 = tpu.vector_load %arg7[%swap3A_346, %swap3A_347] {strides = array<i32>} : memref<16x1024xf32, #tpu.memory_space<vmem>>, vector<1x16xf32>,
        %swap3A_349 = vector.shape_cast %swap3A_348 : vector<1x16xf32> to vector<16xf32>
        %swap3A_350 = vector.shape_cast %get3A_345 : vector<16xf32> to vector<1x16xf32>
        tpu.vector_store %arg7[%swap3A_346, %swap3A_347], %swap3A_350 {add = true, strides = array<i32>} : memref<16x1024xf32, #tpu.memory_space<vmem>>, vector<1x16xf32>,
        %get3A_351 = arith.index_cast %scan3A_181 : i32 to index
        %get3A_352 = arith.constant 304 : index
        %get3A_353 = tpu.vector_load %arg11[%get3A_351, %get3A_352] {strides = array<i32>} : memref<16x1024xf32, #tpu.memory_space<vmem>>, vector<1x16xf32>,
        %get3A_354 = vector.shape_cast %get3A_353 : vector<1x16xf32> to vector<16xf32>
        %swap3A_355 = arith.index_cast %scan3A_181 : i32 to index
        %swap3A_356 = arith.constant 304 : index
        %swap3A_357 = tpu.vector_load %arg7[%swap3A_355, %swap3A_356] {strides = array<i32>} : memref<16x1024xf32, #tpu.memory_space<vmem>>, vector<1x16xf32>,
        %swap3A_358 = vector.shape_cast %swap3A_357 : vector<1x16xf32> to vector<16xf32>
        %swap3A_359 = vector.shape_cast %get3A_354 : vector<16xf32> to vector<1x16xf32>
        tpu.vector_store %arg7[%swap3A_355, %swap3A_356], %swap3A_359 {add = true, strides = array<i32>} : memref<16x1024xf32, #tpu.memory_space<vmem>>, vector<1x16xf32>,
        %get3A_360 = arith.index_cast %scan3A_181 : i32 to index
        %get3A_361 = arith.constant 320 : index
        %get3A_362 = tpu.vector_load %arg11[%get3A_360, %get3A_361] {strides = array<i32>} : memref<16x1024xf32, #tpu.memory_space<vmem>>, vector<1x16xf32>,
        %get3A_363 = vector.shape_cast %get3A_362 : vector<1x16xf32> to vector<16xf32>
        %swap3A_364 = arith.index_cast %scan3A_181 : i32 to index
        %swap3A_365 = arith.constant 320 : index
        %swap3A_366 = tpu.vector_load %arg7[%swap3A_364, %swap3A_365] {strides = array<i32>} : memref<16x1024xf32, #tpu.memory_space<vmem>>, vector<1x16xf32>,
        %swap3A_367 = vector.shape_cast %swap3A_366 : vector<1x16xf32> to vector<16xf32>
        %swap3A_368 = vector.shape_cast %get3A_363 : vector<16xf32> to vector<1x16xf32>
        tpu.vector_store %arg7[%swap3A_364, %swap3A_365], %swap3A_368 {add = true, strides = array<i32>} : memref<16x1024xf32, #tpu.memory_space<vmem>>, vector<1x16xf32>,
        %get3A_369 = arith.index_cast %scan3A_181 : i32 to index
        %get3A_370 = arith.constant 336 : index
        %get3A_371 = tpu.vector_load %arg11[%get3A_369, %get3A_370] {strides = array<i32>} : memref<16x1024xf32, #tpu.memory_space<vmem>>, vector<1x16xf32>,
        %get3A_372 = vector.shape_cast %get3A_371 : vector<1x16xf32> to vector<16xf32>
        %swap3A_373 = arith.index_cast %scan3A_181 : i32 to index
        %swap3A_374 = arith.constant 336 : index
        %swap3A_375 = tpu.vector_load %arg7[%swap3A_373, %swap3A_374] {strides = array<i32>} : memref<16x1024xf32, #tpu.memory_space<vmem>>, vector<1x16xf32>,
        %swap3A_376 = vector.shape_cast %swap3A_375 : vector<1x16xf32> to vector<16xf32>
        %swap3A_377 = vector.shape_cast %get3A_372 : vector<16xf32> to vector<1x16xf32>
        tpu.vector_store %arg7[%swap3A_373, %swap3A_374], %swap3A_377 {add = true, strides = array<i32>} : memref<16x1024xf32, #tpu.memory_space<vmem>>, vector<1x16xf32>,
        %get3A_378 = arith.index_cast %scan3A_181 : i32 to index
        %get3A_379 = arith.constant 352 : index
        %get3A_380 = tpu.vector_load %arg11[%get3A_378, %get3A_379] {strides = array<i32>} : memref<16x1024xf32, #tpu.memory_space<vmem>>, vector<1x16xf32>,
        %get3A_381 = vector.shape_cast %get3A_380 : vector<1x16xf32> to vector<16xf32>
        %swap3A_382 = arith.index_cast %scan3A_181 : i32 to index
        %swap3A_383 = arith.constant 352 : index
        %swap3A_384 = tpu.vector_load %arg7[%swap3A_382, %swap3A_383] {strides = array<i32>} : memref<16x1024xf32, #tpu.memory_space<vmem>>, vector<1x16xf32>,
        %swap3A_385 = vector.shape_cast %swap3A_384 : vector<1x16xf32> to vector<16xf32>
        %swap3A_386 = vector.shape_cast %get3A_381 : vector<16xf32> to vector<1x16xf32>
        tpu.vector_store %arg7[%swap3A_382, %swap3A_383], %swap3A_386 {add = true, strides = array<i32>} : memref<16x1024xf32, #tpu.memory_space<vmem>>, vector<1x16xf32>,
        %get3A_387 = arith.index_cast %scan3A_181 : i32 to index
        %get3A_388 = arith.constant 368 : index
        %get3A_389 = tpu.vector_load %arg11[%get3A_387, %get3A_388] {strides = array<i32>} : memref<16x1024xf32, #tpu.memory_space<vmem>>, vector<1x16xf32>,
        %get3A_390 = vector.shape_cast %get3A_389 : vector<1x16xf32> to vector<16xf32>
        %swap3A_391 = arith.index_cast %scan3A_181 : i32 to index
        %swap3A_392 = arith.constant 368 : index
        %swap3A_393 = tpu.vector_load %arg7[%swap3A_391, %swap3A_392] {strides = array<i32>} : memref<16x1024xf32, #tpu.memory_space<vmem>>, vector<1x16xf32>,
        %swap3A_394 = vector.shape_cast %swap3A_393 : vector<1x16xf32> to vector<16xf32>
        %swap3A_395 = vector.shape_cast %get3A_390 : vector<16xf32> to vector<1x16xf32>
        tpu.vector_store %arg7[%swap3A_391, %swap3A_392], %swap3A_395 {add = true, strides = array<i32>} : memref<16x1024xf32, #tpu.memory_space<vmem>>, vector<1x16xf32>,
        %get3A_396 = arith.index_cast %scan3A_181 : i32 to index
        %get3A_397 = arith.constant 384 : index
        %get3A_398 = tpu.vector_load %arg11[%get3A_396, %get3A_397] {strides = array<i32>} : memref<16x1024xf32, #tpu.memory_space<vmem>>, vector<1x16xf32>,
        %get3A_399 = vector.shape_cast %get3A_398 : vector<1x16xf32> to vector<16xf32>
        %swap3A_400 = arith.index_cast %scan3A_181 : i32 to index
        %swap3A_401 = arith.constant 384 : index
        %swap3A_402 = tpu.vector_load %arg7[%swap3A_400, %swap3A_401] {strides = array<i32>} : memref<16x1024xf32, #tpu.memory_space<vmem>>, vector<1x16xf32>,
        %swap3A_403 = vector.shape_cast %swap3A_402 : vector<1x16xf32> to vector<16xf32>
        %swap3A_404 = vector.shape_cast %get3A_399 : vector<16xf32> to vector<1x16xf32>
        tpu.vector_store %arg7[%swap3A_400, %swap3A_401], %swap3A_404 {add = true, strides = array<i32>} : memref<16x1024xf32, #tpu.memory_space<vmem>>, vector<1x16xf32>,
        %get3A_405 = arith.index_cast %scan3A_181 : i32 to index
        %get3A_406 = arith.constant 400 : index
        %get3A_407 = tpu.vector_load %arg11[%get3A_405, %get3A_406] {strides = array<i32>} : memref<16x1024xf32, #tpu.memory_space<vmem>>, vector<1x16xf32>,
        %get3A_408 = vector.shape_cast %get3A_407 : vector<1x16xf32> to vector<16xf32>
        %swap3A_409 = arith.index_cast %scan3A_181 : i32 to index
        %swap3A_410 = arith.constant 400 : index
        %swap3A_411 = tpu.vector_load %arg7[%swap3A_409, %swap3A_410] {strides = array<i32>} : memref<16x1024xf32, #tpu.memory_space<vmem>>, vector<1x16xf32>,
        %swap3A_412 = vector.shape_cast %swap3A_411 : vector<1x16xf32> to vector<16xf32>
        %swap3A_413 = vector.shape_cast %get3A_408 : vector<16xf32> to vector<1x16xf32>
        tpu.vector_store %arg7[%swap3A_409, %swap3A_410], %swap3A_413 {add = true, strides = array<i32>} : memref<16x1024xf32, #tpu.memory_space<vmem>>, vector<1x16xf32>,
        %get3A_414 = arith.index_cast %scan3A_181 : i32 to index
        %get3A_415 = arith.constant 416 : index
        %get3A_416 = tpu.vector_load %arg11[%get3A_414, %get3A_415] {strides = array<i32>} : memref<16x1024xf32, #tpu.memory_space<vmem>>, vector<1x16xf32>,
        %get3A_417 = vector.shape_cast %get3A_416 : vector<1x16xf32> to vector<16xf32>
        %swap3A_418 = arith.index_cast %scan3A_181 : i32 to index
        %swap3A_419 = arith.constant 416 : index
        %swap3A_420 = tpu.vector_load %arg7[%swap3A_418, %swap3A_419] {strides = array<i32>} : memref<16x1024xf32, #tpu.memory_space<vmem>>, vector<1x16xf32>,
        %swap3A_421 = vector.shape_cast %swap3A_420 : vector<1x16xf32> to vector<16xf32>
        %swap3A_422 = vector.shape_cast %get3A_417 : vector<16xf32> to vector<1x16xf32>
        tpu.vector_store %arg7[%swap3A_418, %swap3A_419], %swap3A_422 {add = true, strides = array<i32>} : memref<16x1024xf32, #tpu.memory_space<vmem>>, vector<1x16xf32>,
        %get3A_423 = arith.index_cast %scan3A_181 : i32 to index
        %get3A_424 = arith.constant 432 : index
        %get3A_425 = tpu.vector_load %arg11[%get3A_423, %get3A_424] {strides = array<i32>} : memref<16x1024xf32, #tpu.memory_space<vmem>>, vector<1x16xf32>,
        %get3A_426 = vector.shape_cast %get3A_425 : vector<1x16xf32> to vector<16xf32>
        %swap3A_427 = arith.index_cast %scan3A_181 : i32 to index
        %swap3A_428 = arith.constant 432 : index
        %swap3A_429 = tpu.vector_load %arg7[%swap3A_427, %swap3A_428] {strides = array<i32>} : memref<16x1024xf32, #tpu.memory_space<vmem>>, vector<1x16xf32>,
        %swap3A_430 = vector.shape_cast %swap3A_429 : vector<1x16xf32> to vector<16xf32>
        %swap3A_431 = vector.shape_cast %get3A_426 : vector<16xf32> to vector<1x16xf32>
        tpu.vector_store %arg7[%swap3A_427, %swap3A_428], %swap3A_431 {add = true, strides = array<i32>} : memref<16x1024xf32, #tpu.memory_space<vmem>>, vector<1x16xf32>,
        %get3A_432 = arith.index_cast %scan3A_181 : i32 to index
        %get3A_433 = arith.constant 448 : index
        %get3A_434 = tpu.vector_load %arg11[%get3A_432, %get3A_433] {strides = array<i32>} : memref<16x1024xf32, #tpu.memory_space<vmem>>, vector<1x16xf32>,
        %get3A_435 = vector.shape_cast %get3A_434 : vector<1x16xf32> to vector<16xf32>
        %swap3A_436 = arith.index_cast %scan3A_181 : i32 to index
        %swap3A_437 = arith.constant 448 : index
        %swap3A_438 = tpu.vector_load %arg7[%swap3A_436, %swap3A_437] {strides = array<i32>} : memref<16x1024xf32, #tpu.memory_space<vmem>>, vector<1x16xf32>,
        %swap3A_439 = vector.shape_cast %swap3A_438 : vector<1x16xf32> to vector<16xf32>
        %swap3A_440 = vector.shape_cast %get3A_435 : vector<16xf32> to vector<1x16xf32>
        tpu.vector_store %arg7[%swap3A_436, %swap3A_437], %swap3A_440 {add = true, strides = array<i32>} : memref<16x1024xf32, #tpu.memory_space<vmem>>, vector<1x16xf32>,
        %get3A_441 = arith.index_cast %scan3A_181 : i32 to index
        %get3A_442 = arith.constant 464 : index
        %get3A_443 = tpu.vector_load %arg11[%get3A_441, %get3A_442] {strides = array<i32>} : memref<16x1024xf32, #tpu.memory_space<vmem>>, vector<1x16xf32>,
        %get3A_444 = vector.shape_cast %get3A_443 : vector<1x16xf32> to vector<16xf32>
        %swap3A_445 = arith.index_cast %scan3A_181 : i32 to index
        %swap3A_446 = arith.constant 464 : index
        %swap3A_447 = tpu.vector_load %arg7[%swap3A_445, %swap3A_446] {strides = array<i32>} : memref<16x1024xf32, #tpu.memory_space<vmem>>, vector<1x16xf32>,
        %swap3A_448 = vector.shape_cast %swap3A_447 : vector<1x16xf32> to vector<16xf32>
        %swap3A_449 = vector.shape_cast %get3A_444 : vector<16xf32> to vector<1x16xf32>
        tpu.vector_store %arg7[%swap3A_445, %swap3A_446], %swap3A_449 {add = true, strides = array<i32>} : memref<16x1024xf32, #tpu.memory_space<vmem>>, vector<1x16xf32>,
        %get3A_450 = arith.index_cast %scan3A_181 : i32 to index
        %get3A_451 = arith.constant 480 : index
        %get3A_452 = tpu.vector_load %arg11[%get3A_450, %get3A_451] {strides = array<i32>} : memref<16x1024xf32, #tpu.memory_space<vmem>>, vector<1x16xf32>,
        %get3A_453 = vector.shape_cast %get3A_452 : vector<1x16xf32> to vector<16xf32>
        %swap3A_454 = arith.index_cast %scan3A_181 : i32 to index
        %swap3A_455 = arith.constant 480 : index
        %swap3A_456 = tpu.vector_load %arg7[%swap3A_454, %swap3A_455] {strides = array<i32>} : memref<16x1024xf32, #tpu.memory_space<vmem>>, vector<1x16xf32>,
        %swap3A_457 = vector.shape_cast %swap3A_456 : vector<1x16xf32> to vector<16xf32>
        %swap3A_458 = vector.shape_cast %get3A_453 : vector<16xf32> to vector<1x16xf32>
        tpu.vector_store %arg7[%swap3A_454, %swap3A_455], %swap3A_458 {add = true, strides = array<i32>} : memref<16x1024xf32, #tpu.memory_space<vmem>>, vector<1x16xf32>,
        %get3A_459 = arith.index_cast %scan3A_181 : i32 to index
        %get3A_460 = arith.constant 496 : index
        %get3A_461 = tpu.vector_load %arg11[%get3A_459, %get3A_460] {strides = array<i32>} : memref<16x1024xf32, #tpu.memory_space<vmem>>, vector<1x16xf32>,
        %get3A_462 = vector.shape_cast %get3A_461 : vector<1x16xf32> to vector<16xf32>
        %swap3A_463 = arith.index_cast %scan3A_181 : i32 to index
        %swap3A_464 = arith.constant 496 : index
        %swap3A_465 = tpu.vector_load %arg7[%swap3A_463, %swap3A_464] {strides = array<i32>} : memref<16x1024xf32, #tpu.memory_space<vmem>>, vector<1x16xf32>,
        %swap3A_466 = vector.shape_cast %swap3A_465 : vector<1x16xf32> to vector<16xf32>
        %swap3A_467 = vector.shape_cast %get3A_462 : vector<16xf32> to vector<1x16xf32>
        tpu.vector_store %arg7[%swap3A_463, %swap3A_464], %swap3A_467 {add = true, strides = array<i32>} : memref<16x1024xf32, #tpu.memory_space<vmem>>, vector<1x16xf32>,
        %get3A_468 = arith.index_cast %scan3A_181 : i32 to index
        %get3A_469 = arith.constant 512 : index
        %get3A_470 = tpu.vector_load %arg11[%get3A_468, %get3A_469] {strides = array<i32>} : memref<16x1024xf32, #tpu.memory_space<vmem>>, vector<1x16xf32>,
        %get3A_471 = vector.shape_cast %get3A_470 : vector<1x16xf32> to vector<16xf32>
        %swap3A_472 = arith.index_cast %scan3A_181 : i32 to index
        %swap3A_473 = arith.constant 512 : index
        %swap3A_474 = tpu.vector_load %arg7[%swap3A_472, %swap3A_473] {strides = array<i32>} : memref<16x1024xf32, #tpu.memory_space<vmem>>, vector<1x16xf32>,
        %swap3A_475 = vector.shape_cast %swap3A_474 : vector<1x16xf32> to vector<16xf32>
        %swap3A_476 = vector.shape_cast %get3A_471 : vector<16xf32> to vector<1x16xf32>
        tpu.vector_store %arg7[%swap3A_472, %swap3A_473], %swap3A_476 {add = true, strides = array<i32>} : memref<16x1024xf32, #tpu.memory_space<vmem>>, vector<1x16xf32>,
        %get3A_477 = arith.index_cast %scan3A_181 : i32 to index
        %get3A_478 = arith.constant 528 : index
        %get3A_479 = tpu.vector_load %arg11[%get3A_477, %get3A_478] {strides = array<i32>} : memref<16x1024xf32, #tpu.memory_space<vmem>>, vector<1x16xf32>,
        %get3A_480 = vector.shape_cast %get3A_479 : vector<1x16xf32> to vector<16xf32>
        %swap3A_481 = arith.index_cast %scan3A_181 : i32 to index
        %swap3A_482 = arith.constant 528 : index
        %swap3A_483 = tpu.vector_load %arg7[%swap3A_481, %swap3A_482] {strides = array<i32>} : memref<16x1024xf32, #tpu.memory_space<vmem>>, vector<1x16xf32>,
        %swap3A_484 = vector.shape_cast %swap3A_483 : vector<1x16xf32> to vector<16xf32>
        %swap3A_485 = vector.shape_cast %get3A_480 : vector<16xf32> to vector<1x16xf32>
        tpu.vector_store %arg7[%swap3A_481, %swap3A_482], %swap3A_485 {add = true, strides = array<i32>} : memref<16x1024xf32, #tpu.memory_space<vmem>>, vector<1x16xf32>,
        %get3A_486 = arith.index_cast %scan3A_181 : i32 to index
        %get3A_487 = arith.constant 544 : index
        %get3A_488 = tpu.vector_load %arg11[%get3A_486, %get3A_487] {strides = array<i32>} : memref<16x1024xf32, #tpu.memory_space<vmem>>, vector<1x16xf32>,
        %get3A_489 = vector.shape_cast %get3A_488 : vector<1x16xf32> to vector<16xf32>
        %swap3A_490 = arith.index_cast %scan3A_181 : i32 to index
        %swap3A_491 = arith.constant 544 : index
        %swap3A_492 = tpu.vector_load %arg7[%swap3A_490, %swap3A_491] {strides = array<i32>} : memref<16x1024xf32, #tpu.memory_space<vmem>>, vector<1x16xf32>,
        %swap3A_493 = vector.shape_cast %swap3A_492 : vector<1x16xf32> to vector<16xf32>
        %swap3A_494 = vector.shape_cast %get3A_489 : vector<16xf32> to vector<1x16xf32>
        tpu.vector_store %arg7[%swap3A_490, %swap3A_491], %swap3A_494 {add = true, strides = array<i32>} : memref<16x1024xf32, #tpu.memory_space<vmem>>, vector<1x16xf32>,
        %get3A_495 = arith.index_cast %scan3A_181 : i32 to index
        %get3A_496 = arith.constant 560 : index
        %get3A_497 = tpu.vector_load %arg11[%get3A_495, %get3A_496] {strides = array<i32>} : memref<16x1024xf32, #tpu.memory_space<vmem>>, vector<1x16xf32>,
        %get3A_498 = vector.shape_cast %get3A_497 : vector<1x16xf32> to vector<16xf32>
        %swap3A_499 = arith.index_cast %scan3A_181 : i32 to index
        %swap3A_500 = arith.constant 560 : index
        %swap3A_501 = tpu.vector_load %arg7[%swap3A_499, %swap3A_500] {strides = array<i32>} : memref<16x1024xf32, #tpu.memory_space<vmem>>, vector<1x16xf32>,
        %swap3A_502 = vector.shape_cast %swap3A_501 : vector<1x16xf32> to vector<16xf32>
        %swap3A_503 = vector.shape_cast %get3A_498 : vector<16xf32> to vector<1x16xf32>
        tpu.vector_store %arg7[%swap3A_499, %swap3A_500], %swap3A_503 {add = true, strides = array<i32>} : memref<16x1024xf32, #tpu.memory_space<vmem>>, vector<1x16xf32>,
        %get3A_504 = arith.index_cast %scan3A_181 : i32 to index
        %get3A_505 = arith.constant 576 : index
        %get3A_506 = tpu.vector_load %arg11[%get3A_504, %get3A_505] {strides = array<i32>} : memref<16x1024xf32, #tpu.memory_space<vmem>>, vector<1x16xf32>,
        %get3A_507 = vector.shape_cast %get3A_506 : vector<1x16xf32> to vector<16xf32>
        %swap3A_508 = arith.index_cast %scan3A_181 : i32 to index
        %swap3A_509 = arith.constant 576 : index
        %swap3A_510 = tpu.vector_load %arg7[%swap3A_508, %swap3A_509] {strides = array<i32>} : memref<16x1024xf32, #tpu.memory_space<vmem>>, vector<1x16xf32>,
        %swap3A_511 = vector.shape_cast %swap3A_510 : vector<1x16xf32> to vector<16xf32>
        %swap3A_512 = vector.shape_cast %get3A_507 : vector<16xf32> to vector<1x16xf32>
        tpu.vector_store %arg7[%swap3A_508, %swap3A_509], %swap3A_512 {add = true, strides = array<i32>} : memref<16x1024xf32, #tpu.memory_space<vmem>>, vector<1x16xf32>,
        %get3A_513 = arith.index_cast %scan3A_181 : i32 to index
        %get3A_514 = arith.constant 592 : index
        %get3A_515 = tpu.vector_load %arg11[%get3A_513, %get3A_514] {strides = array<i32>} : memref<16x1024xf32, #tpu.memory_space<vmem>>, vector<1x16xf32>,
        %get3A_516 = vector.shape_cast %get3A_515 : vector<1x16xf32> to vector<16xf32>
        %swap3A_517 = arith.index_cast %scan3A_181 : i32 to index
        %swap3A_518 = arith.constant 592 : index
        %swap3A_519 = tpu.vector_load %arg7[%swap3A_517, %swap3A_518] {strides = array<i32>} : memref<16x1024xf32, #tpu.memory_space<vmem>>, vector<1x16xf32>,
        %swap3A_520 = vector.shape_cast %swap3A_519 : vector<1x16xf32> to vector<16xf32>
        %swap3A_521 = vector.shape_cast %get3A_516 : vector<16xf32> to vector<1x16xf32>
        tpu.vector_store %arg7[%swap3A_517, %swap3A_518], %swap3A_521 {add = true, strides = array<i32>} : memref<16x1024xf32, #tpu.memory_space<vmem>>, vector<1x16xf32>,
        %get3A_522 = arith.index_cast %scan3A_181 : i32 to index
        %get3A_523 = arith.constant 608 : index
        %get3A_524 = tpu.vector_load %arg11[%get3A_522, %get3A_523] {strides = array<i32>} : memref<16x1024xf32, #tpu.memory_space<vmem>>, vector<1x16xf32>,
        %get3A_525 = vector.shape_cast %get3A_524 : vector<1x16xf32> to vector<16xf32>
        %swap3A_526 = arith.index_cast %scan3A_181 : i32 to index
        %swap3A_527 = arith.constant 608 : index
        %swap3A_528 = tpu.vector_load %arg7[%swap3A_526, %swap3A_527] {strides = array<i32>} : memref<16x1024xf32, #tpu.memory_space<vmem>>, vector<1x16xf32>,
        %swap3A_529 = vector.shape_cast %swap3A_528 : vector<1x16xf32> to vector<16xf32>
        %swap3A_530 = vector.shape_cast %get3A_525 : vector<16xf32> to vector<1x16xf32>
        tpu.vector_store %arg7[%swap3A_526, %swap3A_527], %swap3A_530 {add = true, strides = array<i32>} : memref<16x1024xf32, #tpu.memory_space<vmem>>, vector<1x16xf32>,
        %get3A_531 = arith.index_cast %scan3A_181 : i32 to index
        %get3A_532 = arith.constant 624 : index
        %get3A_533 = tpu.vector_load %arg11[%get3A_531, %get3A_532] {strides = array<i32>} : memref<16x1024xf32, #tpu.memory_space<vmem>>, vector<1x16xf32>,
        %get3A_534 = vector.shape_cast %get3A_533 : vector<1x16xf32> to vector<16xf32>
        %swap3A_535 = arith.index_cast %scan3A_181 : i32 to index
        %swap3A_536 = arith.constant 624 : index
        %swap3A_537 = tpu.vector_load %arg7[%swap3A_535, %swap3A_536] {strides = array<i32>} : memref<16x1024xf32, #tpu.memory_space<vmem>>, vector<1x16xf32>,
        %swap3A_538 = vector.shape_cast %swap3A_537 : vector<1x16xf32> to vector<16xf32>
        %swap3A_539 = vector.shape_cast %get3A_534 : vector<16xf32> to vector<1x16xf32>
        tpu.vector_store %arg7[%swap3A_535, %swap3A_536], %swap3A_539 {add = true, strides = array<i32>} : memref<16x1024xf32, #tpu.memory_space<vmem>>, vector<1x16xf32>,
        %get3A_540 = arith.index_cast %scan3A_181 : i32 to index
        %get3A_541 = arith.constant 640 : index
        %get3A_542 = tpu.vector_load %arg11[%get3A_540, %get3A_541] {strides = array<i32>} : memref<16x1024xf32, #tpu.memory_space<vmem>>, vector<1x16xf32>,
        %get3A_543 = vector.shape_cast %get3A_542 : vector<1x16xf32> to vector<16xf32>
        %swap3A_544 = arith.index_cast %scan3A_181 : i32 to index
        %swap3A_545 = arith.constant 640 : index
        %swap3A_546 = tpu.vector_load %arg7[%swap3A_544, %swap3A_545] {strides = array<i32>} : memref<16x1024xf32, #tpu.memory_space<vmem>>, vector<1x16xf32>,
        %swap3A_547 = vector.shape_cast %swap3A_546 : vector<1x16xf32> to vector<16xf32>
        %swap3A_548 = vector.shape_cast %get3A_543 : vector<16xf32> to vector<1x16xf32>
        tpu.vector_store %arg7[%swap3A_544, %swap3A_545], %swap3A_548 {add = true, strides = array<i32>} : memref<16x1024xf32, #tpu.memory_space<vmem>>, vector<1x16xf32>,
        %get3A_549 = arith.index_cast %scan3A_181 : i32 to index
        %get3A_550 = arith.constant 656 : index
        %get3A_551 = tpu.vector_load %arg11[%get3A_549, %get3A_550] {strides = array<i32>} : memref<16x1024xf32, #tpu.memory_space<vmem>>, vector<1x16xf32>,
        %get3A_552 = vector.shape_cast %get3A_551 : vector<1x16xf32> to vector<16xf32>
        %swap3A_553 = arith.index_cast %scan3A_181 : i32 to index
        %swap3A_554 = arith.constant 656 : index
        %swap3A_555 = tpu.vector_load %arg7[%swap3A_553, %swap3A_554] {strides = array<i32>} : memref<16x1024xf32, #tpu.memory_space<vmem>>, vector<1x16xf32>,
        %swap3A_556 = vector.shape_cast %swap3A_555 : vector<1x16xf32> to vector<16xf32>
        %swap3A_557 = vector.shape_cast %get3A_552 : vector<16xf32> to vector<1x16xf32>
        tpu.vector_store %arg7[%swap3A_553, %swap3A_554], %swap3A_557 {add = true, strides = array<i32>} : memref<16x1024xf32, #tpu.memory_space<vmem>>, vector<1x16xf32>,
        %get3A_558 = arith.index_cast %scan3A_181 : i32 to index
        %get3A_559 = arith.constant 672 : index
        %get3A_560 = tpu.vector_load %arg11[%get3A_558, %get3A_559] {strides = array<i32>} : memref<16x1024xf32, #tpu.memory_space<vmem>>, vector<1x16xf32>,
        %get3A_561 = vector.shape_cast %get3A_560 : vector<1x16xf32> to vector<16xf32>
        %swap3A_562 = arith.index_cast %scan3A_181 : i32 to index
        %swap3A_563 = arith.constant 672 : index
        %swap3A_564 = tpu.vector_load %arg7[%swap3A_562, %swap3A_563] {strides = array<i32>} : memref<16x1024xf32, #tpu.memory_space<vmem>>, vector<1x16xf32>,
        %swap3A_565 = vector.shape_cast %swap3A_564 : vector<1x16xf32> to vector<16xf32>
        %swap3A_566 = vector.shape_cast %get3A_561 : vector<16xf32> to vector<1x16xf32>
        tpu.vector_store %arg7[%swap3A_562, %swap3A_563], %swap3A_566 {add = true, strides = array<i32>} : memref<16x1024xf32, #tpu.memory_space<vmem>>, vector<1x16xf32>,
        %get3A_567 = arith.index_cast %scan3A_181 : i32 to index
        %get3A_568 = arith.constant 688 : index
        %get3A_569 = tpu.vector_load %arg11[%get3A_567, %get3A_568] {strides = array<i32>} : memref<16x1024xf32, #tpu.memory_space<vmem>>, vector<1x16xf32>,
        %get3A_570 = vector.shape_cast %get3A_569 : vector<1x16xf32> to vector<16xf32>
        %swap3A_571 = arith.index_cast %scan3A_181 : i32 to index
        %swap3A_572 = arith.constant 688 : index
        %swap3A_573 = tpu.vector_load %arg7[%swap3A_571, %swap3A_572] {strides = array<i32>} : memref<16x1024xf32, #tpu.memory_space<vmem>>, vector<1x16xf32>,
        %swap3A_574 = vector.shape_cast %swap3A_573 : vector<1x16xf32> to vector<16xf32>
        %swap3A_575 = vector.shape_cast %get3A_570 : vector<16xf32> to vector<1x16xf32>
        tpu.vector_store %arg7[%swap3A_571, %swap3A_572], %swap3A_575 {add = true, strides = array<i32>} : memref<16x1024xf32, #tpu.memory_space<vmem>>, vector<1x16xf32>,
        %get3A_576 = arith.index_cast %scan3A_181 : i32 to index
        %get3A_577 = arith.constant 704 : index
        %get3A_578 = tpu.vector_load %arg11[%get3A_576, %get3A_577] {strides = array<i32>} : memref<16x1024xf32, #tpu.memory_space<vmem>>, vector<1x16xf32>,
        %get3A_579 = vector.shape_cast %get3A_578 : vector<1x16xf32> to vector<16xf32>
        %swap3A_580 = arith.index_cast %scan3A_181 : i32 to index
        %swap3A_581 = arith.constant 704 : index
        %swap3A_582 = tpu.vector_load %arg7[%swap3A_580, %swap3A_581] {strides = array<i32>} : memref<16x1024xf32, #tpu.memory_space<vmem>>, vector<1x16xf32>,
        %swap3A_583 = vector.shape_cast %swap3A_582 : vector<1x16xf32> to vector<16xf32>
        %swap3A_584 = vector.shape_cast %get3A_579 : vector<16xf32> to vector<1x16xf32>
        tpu.vector_store %arg7[%swap3A_580, %swap3A_581], %swap3A_584 {add = true, strides = array<i32>} : memref<16x1024xf32, #tpu.memory_space<vmem>>, vector<1x16xf32>,
        %get3A_585 = arith.index_cast %scan3A_181 : i32 to index
        %get3A_586 = arith.constant 720 : index
        %get3A_587 = tpu.vector_load %arg11[%get3A_585, %get3A_586] {strides = array<i32>} : memref<16x1024xf32, #tpu.memory_space<vmem>>, vector<1x16xf32>,
        %get3A_588 = vector.shape_cast %get3A_587 : vector<1x16xf32> to vector<16xf32>
        %swap3A_589 = arith.index_cast %scan3A_181 : i32 to index
        %swap3A_590 = arith.constant 720 : index
        %swap3A_591 = tpu.vector_load %arg7[%swap3A_589, %swap3A_590] {strides = array<i32>} : memref<16x1024xf32, #tpu.memory_space<vmem>>, vector<1x16xf32>,
        %swap3A_592 = vector.shape_cast %swap3A_591 : vector<1x16xf32> to vector<16xf32>
        %swap3A_593 = vector.shape_cast %get3A_588 : vector<16xf32> to vector<1x16xf32>
        tpu.vector_store %arg7[%swap3A_589, %swap3A_590], %swap3A_593 {add = true, strides = array<i32>} : memref<16x1024xf32, #tpu.memory_space<vmem>>, vector<1x16xf32>,
        %get3A_594 = arith.index_cast %scan3A_181 : i32 to index
        %get3A_595 = arith.constant 736 : index
        %get3A_596 = tpu.vector_load %arg11[%get3A_594, %get3A_595] {strides = array<i32>} : memref<16x1024xf32, #tpu.memory_space<vmem>>, vector<1x16xf32>,
        %get3A_597 = vector.shape_cast %get3A_596 : vector<1x16xf32> to vector<16xf32>
        %swap3A_598 = arith.index_cast %scan3A_181 : i32 to index
        %swap3A_599 = arith.constant 736 : index
        %swap3A_600 = tpu.vector_load %arg7[%swap3A_598, %swap3A_599] {strides = array<i32>} : memref<16x1024xf32, #tpu.memory_space<vmem>>, vector<1x16xf32>,
        %swap3A_601 = vector.shape_cast %swap3A_600 : vector<1x16xf32> to vector<16xf32>
        %swap3A_602 = vector.shape_cast %get3A_597 : vector<16xf32> to vector<1x16xf32>
        tpu.vector_store %arg7[%swap3A_598, %swap3A_599], %swap3A_602 {add = true, strides = array<i32>} : memref<16x1024xf32, #tpu.memory_space<vmem>>, vector<1x16xf32>,
        %get3A_603 = arith.index_cast %scan3A_181 : i32 to index
        %get3A_604 = arith.constant 752 : index
        %get3A_605 = tpu.vector_load %arg11[%get3A_603, %get3A_604] {strides = array<i32>} : memref<16x1024xf32, #tpu.memory_space<vmem>>, vector<1x16xf32>,
        %get3A_606 = vector.shape_cast %get3A_605 : vector<1x16xf32> to vector<16xf32>
        %swap3A_607 = arith.index_cast %scan3A_181 : i32 to index
        %swap3A_608 = arith.constant 752 : index
        %swap3A_609 = tpu.vector_load %arg7[%swap3A_607, %swap3A_608] {strides = array<i32>} : memref<16x1024xf32, #tpu.memory_space<vmem>>, vector<1x16xf32>,
        %swap3A_610 = vector.shape_cast %swap3A_609 : vector<1x16xf32> to vector<16xf32>
        %swap3A_611 = vector.shape_cast %get3A_606 : vector<16xf32> to vector<1x16xf32>
        tpu.vector_store %arg7[%swap3A_607, %swap3A_608], %swap3A_611 {add = true, strides = array<i32>} : memref<16x1024xf32, #tpu.memory_space<vmem>>, vector<1x16xf32>,
        %get3A_612 = arith.index_cast %scan3A_181 : i32 to index
        %get3A_613 = arith.constant 768 : index
        %get3A_614 = tpu.vector_load %arg11[%get3A_612, %get3A_613] {strides = array<i32>} : memref<16x1024xf32, #tpu.memory_space<vmem>>, vector<1x16xf32>,
        %get3A_615 = vector.shape_cast %get3A_614 : vector<1x16xf32> to vector<16xf32>
        %swap3A_616 = arith.index_cast %scan3A_181 : i32 to index
        %swap3A_617 = arith.constant 768 : index
        %swap3A_618 = tpu.vector_load %arg7[%swap3A_616, %swap3A_617] {strides = array<i32>} : memref<16x1024xf32, #tpu.memory_space<vmem>>, vector<1x16xf32>,
        %swap3A_619 = vector.shape_cast %swap3A_618 : vector<1x16xf32> to vector<16xf32>
        %swap3A_620 = vector.shape_cast %get3A_615 : vector<16xf32> to vector<1x16xf32>
        tpu.vector_store %arg7[%swap3A_616, %swap3A_617], %swap3A_620 {add = true, strides = array<i32>} : memref<16x1024xf32, #tpu.memory_space<vmem>>, vector<1x16xf32>,
        %get3A_621 = arith.index_cast %scan3A_181 : i32 to index
        %get3A_622 = arith.constant 784 : index
        %get3A_623 = tpu.vector_load %arg11[%get3A_621, %get3A_622] {strides = array<i32>} : memref<16x1024xf32, #tpu.memory_space<vmem>>, vector<1x16xf32>,
        %get3A_624 = vector.shape_cast %get3A_623 : vector<1x16xf32> to vector<16xf32>
        %swap3A_625 = arith.index_cast %scan3A_181 : i32 to index
        %swap3A_626 = arith.constant 784 : index
        %swap3A_627 = tpu.vector_load %arg7[%swap3A_625, %swap3A_626] {strides = array<i32>} : memref<16x1024xf32, #tpu.memory_space<vmem>>, vector<1x16xf32>,
        %swap3A_628 = vector.shape_cast %swap3A_627 : vector<1x16xf32> to vector<16xf32>
        %swap3A_629 = vector.shape_cast %get3A_624 : vector<16xf32> to vector<1x16xf32>
        tpu.vector_store %arg7[%swap3A_625, %swap3A_626], %swap3A_629 {add = true, strides = array<i32>} : memref<16x1024xf32, #tpu.memory_space<vmem>>, vector<1x16xf32>,
        %get3A_630 = arith.index_cast %scan3A_181 : i32 to index
        %get3A_631 = arith.constant 800 : index
        %get3A_632 = tpu.vector_load %arg11[%get3A_630, %get3A_631] {strides = array<i32>} : memref<16x1024xf32, #tpu.memory_space<vmem>>, vector<1x16xf32>,
        %get3A_633 = vector.shape_cast %get3A_632 : vector<1x16xf32> to vector<16xf32>
        %swap3A_634 = arith.index_cast %scan3A_181 : i32 to index
        %swap3A_635 = arith.constant 800 : index
        %swap3A_636 = tpu.vector_load %arg7[%swap3A_634, %swap3A_635] {strides = array<i32>} : memref<16x1024xf32, #tpu.memory_space<vmem>>, vector<1x16xf32>,
        %swap3A_637 = vector.shape_cast %swap3A_636 : vector<1x16xf32> to vector<16xf32>
        %swap3A_638 = vector.shape_cast %get3A_633 : vector<16xf32> to vector<1x16xf32>
        tpu.vector_store %arg7[%swap3A_634, %swap3A_635], %swap3A_638 {add = true, strides = array<i32>} : memref<16x1024xf32, #tpu.memory_space<vmem>>, vector<1x16xf32>,
        %get3A_639 = arith.index_cast %scan3A_181 : i32 to index
        %get3A_640 = arith.constant 816 : index
        %get3A_641 = tpu.vector_load %arg11[%get3A_639, %get3A_640] {strides = array<i32>} : memref<16x1024xf32, #tpu.memory_space<vmem>>, vector<1x16xf32>,
        %get3A_642 = vector.shape_cast %get3A_641 : vector<1x16xf32> to vector<16xf32>
        %swap3A_643 = arith.index_cast %scan3A_181 : i32 to index
        %swap3A_644 = arith.constant 816 : index
        %swap3A_645 = tpu.vector_load %arg7[%swap3A_643, %swap3A_644] {strides = array<i32>} : memref<16x1024xf32, #tpu.memory_space<vmem>>, vector<1x16xf32>,
        %swap3A_646 = vector.shape_cast %swap3A_645 : vector<1x16xf32> to vector<16xf32>
        %swap3A_647 = vector.shape_cast %get3A_642 : vector<16xf32> to vector<1x16xf32>
        tpu.vector_store %arg7[%swap3A_643, %swap3A_644], %swap3A_647 {add = true, strides = array<i32>} : memref<16x1024xf32, #tpu.memory_space<vmem>>, vector<1x16xf32>,
        %get3A_648 = arith.index_cast %scan3A_181 : i32 to index
        %get3A_649 = arith.constant 832 : index
        %get3A_650 = tpu.vector_load %arg11[%get3A_648, %get3A_649] {strides = array<i32>} : memref<16x1024xf32, #tpu.memory_space<vmem>>, vector<1x16xf32>,
        %get3A_651 = vector.shape_cast %get3A_650 : vector<1x16xf32> to vector<16xf32>
        %swap3A_652 = arith.index_cast %scan3A_181 : i32 to index
        %swap3A_653 = arith.constant 832 : index
        %swap3A_654 = tpu.vector_load %arg7[%swap3A_652, %swap3A_653] {strides = array<i32>} : memref<16x1024xf32, #tpu.memory_space<vmem>>, vector<1x16xf32>,
        %swap3A_655 = vector.shape_cast %swap3A_654 : vector<1x16xf32> to vector<16xf32>
        %swap3A_656 = vector.shape_cast %get3A_651 : vector<16xf32> to vector<1x16xf32>
        tpu.vector_store %arg7[%swap3A_652, %swap3A_653], %swap3A_656 {add = true, strides = array<i32>} : memref<16x1024xf32, #tpu.memory_space<vmem>>, vector<1x16xf32>,
        %get3A_657 = arith.index_cast %scan3A_181 : i32 to index
        %get3A_658 = arith.constant 848 : index
        %get3A_659 = tpu.vector_load %arg11[%get3A_657, %get3A_658] {strides = array<i32>} : memref<16x1024xf32, #tpu.memory_space<vmem>>, vector<1x16xf32>,
        %get3A_660 = vector.shape_cast %get3A_659 : vector<1x16xf32> to vector<16xf32>
        %swap3A_661 = arith.index_cast %scan3A_181 : i32 to index
        %swap3A_662 = arith.constant 848 : index
        %swap3A_663 = tpu.vector_load %arg7[%swap3A_661, %swap3A_662] {strides = array<i32>} : memref<16x1024xf32, #tpu.memory_space<vmem>>, vector<1x16xf32>,
        %swap3A_664 = vector.shape_cast %swap3A_663 : vector<1x16xf32> to vector<16xf32>
        %swap3A_665 = vector.shape_cast %get3A_660 : vector<16xf32> to vector<1x16xf32>
        tpu.vector_store %arg7[%swap3A_661, %swap3A_662], %swap3A_665 {add = true, strides = array<i32>} : memref<16x1024xf32, #tpu.memory_space<vmem>>, vector<1x16xf32>,
        %get3A_666 = arith.index_cast %scan3A_181 : i32 to index
        %get3A_667 = arith.constant 864 : index
        %get3A_668 = tpu.vector_load %arg11[%get3A_666, %get3A_667] {strides = array<i32>} : memref<16x1024xf32, #tpu.memory_space<vmem>>, vector<1x16xf32>,
        %get3A_669 = vector.shape_cast %get3A_668 : vector<1x16xf32> to vector<16xf32>
        %swap3A_670 = arith.index_cast %scan3A_181 : i32 to index
        %swap3A_671 = arith.constant 864 : index
        %swap3A_672 = tpu.vector_load %arg7[%swap3A_670, %swap3A_671] {strides = array<i32>} : memref<16x1024xf32, #tpu.memory_space<vmem>>, vector<1x16xf32>,
        %swap3A_673 = vector.shape_cast %swap3A_672 : vector<1x16xf32> to vector<16xf32>
        %swap3A_674 = vector.shape_cast %get3A_669 : vector<16xf32> to vector<1x16xf32>
        tpu.vector_store %arg7[%swap3A_670, %swap3A_671], %swap3A_674 {add = true, strides = array<i32>} : memref<16x1024xf32, #tpu.memory_space<vmem>>, vector<1x16xf32>,
        %get3A_675 = arith.index_cast %scan3A_181 : i32 to index
        %get3A_676 = arith.constant 880 : index
        %get3A_677 = tpu.vector_load %arg11[%get3A_675, %get3A_676] {strides = array<i32>} : memref<16x1024xf32, #tpu.memory_space<vmem>>, vector<1x16xf32>,
        %get3A_678 = vector.shape_cast %get3A_677 : vector<1x16xf32> to vector<16xf32>
        %swap3A_679 = arith.index_cast %scan3A_181 : i32 to index
        %swap3A_680 = arith.constant 880 : index
        %swap3A_681 = tpu.vector_load %arg7[%swap3A_679, %swap3A_680] {strides = array<i32>} : memref<16x1024xf32, #tpu.memory_space<vmem>>, vector<1x16xf32>,
        %swap3A_682 = vector.shape_cast %swap3A_681 : vector<1x16xf32> to vector<16xf32>
        %swap3A_683 = vector.shape_cast %get3A_678 : vector<16xf32> to vector<1x16xf32>
        tpu.vector_store %arg7[%swap3A_679, %swap3A_680], %swap3A_683 {add = true, strides = array<i32>} : memref<16x1024xf32, #tpu.memory_space<vmem>>, vector<1x16xf32>,
        %get3A_684 = arith.index_cast %scan3A_181 : i32 to index
        %get3A_685 = arith.constant 896 : index
        %get3A_686 = tpu.vector_load %arg11[%get3A_684, %get3A_685] {strides = array<i32>} : memref<16x1024xf32, #tpu.memory_space<vmem>>, vector<1x16xf32>,
        %get3A_687 = vector.shape_cast %get3A_686 : vector<1x16xf32> to vector<16xf32>
        %swap3A_688 = arith.index_cast %scan3A_181 : i32 to index
        %swap3A_689 = arith.constant 896 : index
        %swap3A_690 = tpu.vector_load %arg7[%swap3A_688, %swap3A_689] {strides = array<i32>} : memref<16x1024xf32, #tpu.memory_space<vmem>>, vector<1x16xf32>,
        %swap3A_691 = vector.shape_cast %swap3A_690 : vector<1x16xf32> to vector<16xf32>
        %swap3A_692 = vector.shape_cast %get3A_687 : vector<16xf32> to vector<1x16xf32>
        tpu.vector_store %arg7[%swap3A_688, %swap3A_689], %swap3A_692 {add = true, strides = array<i32>} : memref<16x1024xf32, #tpu.memory_space<vmem>>, vector<1x16xf32>,
        %get3A_693 = arith.index_cast %scan3A_181 : i32 to index
        %get3A_694 = arith.constant 912 : index
        %get3A_695 = tpu.vector_load %arg11[%get3A_693, %get3A_694] {strides = array<i32>} : memref<16x1024xf32, #tpu.memory_space<vmem>>, vector<1x16xf32>,
        %get3A_696 = vector.shape_cast %get3A_695 : vector<1x16xf32> to vector<16xf32>
        %swap3A_697 = arith.index_cast %scan3A_181 : i32 to index
        %swap3A_698 = arith.constant 912 : index
        %swap3A_699 = tpu.vector_load %arg7[%swap3A_697, %swap3A_698] {strides = array<i32>} : memref<16x1024xf32, #tpu.memory_space<vmem>>, vector<1x16xf32>,
        %swap3A_700 = vector.shape_cast %swap3A_699 : vector<1x16xf32> to vector<16xf32>
        %swap3A_701 = vector.shape_cast %get3A_696 : vector<16xf32> to vector<1x16xf32>
        tpu.vector_store %arg7[%swap3A_697, %swap3A_698], %swap3A_701 {add = true, strides = array<i32>} : memref<16x1024xf32, #tpu.memory_space<vmem>>, vector<1x16xf32>,
        %get3A_702 = arith.index_cast %scan3A_181 : i32 to index
        %get3A_703 = arith.constant 928 : index
        %get3A_704 = tpu.vector_load %arg11[%get3A_702, %get3A_703] {strides = array<i32>} : memref<16x1024xf32, #tpu.memory_space<vmem>>, vector<1x16xf32>,
        %get3A_705 = vector.shape_cast %get3A_704 : vector<1x16xf32> to vector<16xf32>
        %swap3A_706 = arith.index_cast %scan3A_181 : i32 to index
        %swap3A_707 = arith.constant 928 : index
        %swap3A_708 = tpu.vector_load %arg7[%swap3A_706, %swap3A_707] {strides = array<i32>} : memref<16x1024xf32, #tpu.memory_space<vmem>>, vector<1x16xf32>,
        %swap3A_709 = vector.shape_cast %swap3A_708 : vector<1x16xf32> to vector<16xf32>
        %swap3A_710 = vector.shape_cast %get3A_705 : vector<16xf32> to vector<1x16xf32>
        tpu.vector_store %arg7[%swap3A_706, %swap3A_707], %swap3A_710 {add = true, strides = array<i32>} : memref<16x1024xf32, #tpu.memory_space<vmem>>, vector<1x16xf32>,
        %get3A_711 = arith.index_cast %scan3A_181 : i32 to index
        %get3A_712 = arith.constant 944 : index
        %get3A_713 = tpu.vector_load %arg11[%get3A_711, %get3A_712] {strides = array<i32>} : memref<16x1024xf32, #tpu.memory_space<vmem>>, vector<1x16xf32>,
        %get3A_714 = vector.shape_cast %get3A_713 : vector<1x16xf32> to vector<16xf32>
        %swap3A_715 = arith.index_cast %scan3A_181 : i32 to index
        %swap3A_716 = arith.constant 944 : index
        %swap3A_717 = tpu.vector_load %arg7[%swap3A_715, %swap3A_716] {strides = array<i32>} : memref<16x1024xf32, #tpu.memory_space<vmem>>, vector<1x16xf32>,
        %swap3A_718 = vector.shape_cast %swap3A_717 : vector<1x16xf32> to vector<16xf32>
        %swap3A_719 = vector.shape_cast %get3A_714 : vector<16xf32> to vector<1x16xf32>
        tpu.vector_store %arg7[%swap3A_715, %swap3A_716], %swap3A_719 {add = true, strides = array<i32>} : memref<16x1024xf32, #tpu.memory_space<vmem>>, vector<1x16xf32>,
        %get3A_720 = arith.index_cast %scan3A_181 : i32 to index
        %get3A_721 = arith.constant 960 : index
        %get3A_722 = tpu.vector_load %arg11[%get3A_720, %get3A_721] {strides = array<i32>} : memref<16x1024xf32, #tpu.memory_space<vmem>>, vector<1x16xf32>,
        %get3A_723 = vector.shape_cast %get3A_722 : vector<1x16xf32> to vector<16xf32>
        %swap3A_724 = arith.index_cast %scan3A_181 : i32 to index
        %swap3A_725 = arith.constant 960 : index
        %swap3A_726 = tpu.vector_load %arg7[%swap3A_724, %swap3A_725] {strides = array<i32>} : memref<16x1024xf32, #tpu.memory_space<vmem>>, vector<1x16xf32>,
        %swap3A_727 = vector.shape_cast %swap3A_726 : vector<1x16xf32> to vector<16xf32>
        %swap3A_728 = vector.shape_cast %get3A_723 : vector<16xf32> to vector<1x16xf32>
        tpu.vector_store %arg7[%swap3A_724, %swap3A_725], %swap3A_728 {add = true, strides = array<i32>} : memref<16x1024xf32, #tpu.memory_space<vmem>>, vector<1x16xf32>,
        %get3A_729 = arith.index_cast %scan3A_181 : i32 to index
        %get3A_730 = arith.constant 976 : index
        %get3A_731 = tpu.vector_load %arg11[%get3A_729, %get3A_730] {strides = array<i32>} : memref<16x1024xf32, #tpu.memory_space<vmem>>, vector<1x16xf32>,
        %get3A_732 = vector.shape_cast %get3A_731 : vector<1x16xf32> to vector<16xf32>
        %swap3A_733 = arith.index_cast %scan3A_181 : i32 to index
        %swap3A_734 = arith.constant 976 : index
        %swap3A_735 = tpu.vector_load %arg7[%swap3A_733, %swap3A_734] {strides = array<i32>} : memref<16x1024xf32, #tpu.memory_space<vmem>>, vector<1x16xf32>,
        %swap3A_736 = vector.shape_cast %swap3A_735 : vector<1x16xf32> to vector<16xf32>
        %swap3A_737 = vector.shape_cast %get3A_732 : vector<16xf32> to vector<1x16xf32>
        tpu.vector_store %arg7[%swap3A_733, %swap3A_734], %swap3A_737 {add = true, strides = array<i32>} : memref<16x1024xf32, #tpu.memory_space<vmem>>, vector<1x16xf32>,
        %get3A_738 = arith.index_cast %scan3A_181 : i32 to index
        %get3A_739 = arith.constant 992 : index
        %get3A_740 = tpu.vector_load %arg11[%get3A_738, %get3A_739] {strides = array<i32>} : memref<16x1024xf32, #tpu.memory_space<vmem>>, vector<1x16xf32>,
        %get3A_741 = vector.shape_cast %get3A_740 : vector<1x16xf32> to vector<16xf32>
        %swap3A_742 = arith.index_cast %scan3A_181 : i32 to index
        %swap3A_743 = arith.constant 992 : index
        %swap3A_744 = tpu.vector_load %arg7[%swap3A_742, %swap3A_743] {strides = array<i32>} : memref<16x1024xf32, #tpu.memory_space<vmem>>, vector<1x16xf32>,
        %swap3A_745 = vector.shape_cast %swap3A_744 : vector<1x16xf32> to vector<16xf32>
        %swap3A_746 = vector.shape_cast %get3A_741 : vector<16xf32> to vector<1x16xf32>
        tpu.vector_store %arg7[%swap3A_742, %swap3A_743], %swap3A_746 {add = true, strides = array<i32>} : memref<16x1024xf32, #tpu.memory_space<vmem>>, vector<1x16xf32>,
        %get3A_747 = arith.index_cast %scan3A_181 : i32 to index
        %get3A_748 = arith.constant 1008 : index
        %get3A_749 = tpu.vector_load %arg11[%get3A_747, %get3A_748] {strides = array<i32>} : memref<16x1024xf32, #tpu.memory_space<vmem>>, vector<1x16xf32>,
        %get3A_750 = vector.shape_cast %get3A_749 : vector<1x16xf32> to vector<16xf32>
        %swap3A_751 = arith.index_cast %scan3A_181 : i32 to index
        %swap3A_752 = arith.constant 1008 : index
        %swap3A_753 = tpu.vector_load %arg7[%swap3A_751, %swap3A_752] {strides = array<i32>} : memref<16x1024xf32, #tpu.memory_space<vmem>>, vector<1x16xf32>,
        %swap3A_754 = vector.shape_cast %swap3A_753 : vector<1x16xf32> to vector<16xf32>
        %swap3A_755 = vector.shape_cast %get3A_750 : vector<16xf32> to vector<1x16xf32>
        tpu.vector_store %arg7[%swap3A_751, %swap3A_752], %swap3A_755 {add = true, strides = array<i32>} : memref<16x1024xf32, #tpu.memory_space<vmem>>, vector<1x16xf32>,
      }
      %scan3A_68 = arith.constant 16 : i32
      %mul3A_69 = arith.constant 16 : i32
      %mul3A_70 = arith.muli %add3A_45, %mul3A_69 : i32
      %add3A_71 = arith.addi %mul3A_2, %mul3A_70 : i32
      %dma_start3A_72 = arith.constant 0 : i32
      %dma_start3A_73 = tpu.memref_slice %arg5[%add3A_71, %dma_start3A_72] : memref<16384x1024xf32, #tpu.memory_space<hbm>> -> memref<16x1024xf32, #tpu.memory_space<hbm>>
      %dma_start3A_74 = arith.constant 0 : i32
      %dma_start3A_75 = tpu.memref_slice %arg5[%add3A_71, %dma_start3A_74] : memref<16384x1024xf32, #tpu.memory_space<hbm>> -> memref<16x1024xf32, #tpu.memory_space<hbm>>
      tpu.enqueue_dma source(%arg7 : memref<16x1024xf32, #tpu.memory_space<vmem>>) target(%dma_start3A_75 : memref<16x1024xf32, #tpu.memory_space<hbm>>) target_semaphore(%arg19 : memref<!tpu.dma_semaphore, #tpu.memory_space<semaphore_mem>>)
      %add3A_76 = arith.constant 1 : i32
      %add3A_77 = arith.addi %mul3A_43, %add3A_76 : i32
      %add3A_78 = arith.constant 1 : i32
      %add3A_79 = arith.addi %add3A_77, %add3A_78 : i32
      %lt3A_80 = arith.constant 32 : i32
      %lt3A_81 = arith.cmpi slt, %add3A_79, %lt3A_80 : i32
      %convert_element_type3A_82 = arith.extui %lt3A_81 : i1 to i32
      %cond3A_83 = arith.constant 0 : i32
      %cond3A_84 = arith.cmpi ne, %convert_element_type3A_82, %cond3A_83 : i32
      scf.if %cond3A_84 {
        %add3A_181 = arith.constant 1 : i32
        %add3A_182 = arith.addi %add3A_77, %add3A_181 : i32
        %mul3A_183 = arith.constant 16 : i32
        %mul3A_184 = arith.muli %add3A_182, %mul3A_183 : i32
        %dma_start3A_185 = tpu.memref_slice %arg6[%mul3A_184] : memref<512xi32, #tpu.memory_space<vmem>> -> memref<16xi32, #tpu.memory_space<vmem>>
        %dma_start3A_186 = arith.constant 0 : i32
        %dma_start3A_187 = arith.constant 0 : i32
        %dma_start3A_188 = tpu.memref_slice %arg4[%dma_start3A_186, %dma_start3A_187] : memref<32768x1024xf32, #tpu.memory_space<hbm>> -> memref<32768x1024xf32, #tpu.memory_space<hbm>>
        tpu.enqueue_indirect_dma source(%dma_start3A_188 : memref<32768x1024xf32, #tpu.memory_space<hbm>>) target(%arg11 : memref<16x1024xf32, #tpu.memory_space<vmem>>) offsets(%dma_start3A_185 : memref<16xi32, #tpu.memory_space<vmem>>) semaphore(%arg17 : memref<!tpu.dma_semaphore, #tpu.memory_space<semaphore_mem>>)
        %add3A_189 = arith.constant 1 : i32
        %add3A_190 = arith.addi %add3A_77, %add3A_189 : i32
        %ge3A = arith.constant 4 : i32
        %ge3A_191 = arith.cmpi sge, %add3A_190, %ge3A : i32
        %convert_element_type3A_192 = arith.extui %ge3A_191 : i1 to i32
        %cond3A_193 = arith.constant 0 : i32
        %cond3A_194 = arith.cmpi ne, %convert_element_type3A_192, %cond3A_193 : i32
        scf.if %cond3A_194 {
          %add3A_204 = arith.constant 1 : i32
          %add3A_205 = arith.addi %add3A_77, %add3A_204 : i32
          %sub3A = arith.constant 4 : i32
          %sub3A_206 = arith.subi %add3A_205, %sub3A : i32
          %mul3A_207 = arith.constant 16 : i32
          %mul3A_208 = arith.muli %sub3A_206, %mul3A_207 : i32
          %add3A_209 = arith.addi %mul3A_2, %mul3A_208 : i32
          %dma_wait3A_210 = arith.constant 0 : i32
          %dma_wait3A_211 = tpu.memref_slice %arg5[%add3A_209, %dma_wait3A_210] : memref<16384x1024xf32, #tpu.memory_space<hbm>> -> memref<16x1024xf32, #tpu.memory_space<hbm>>
          %dma_wait3A_212 = arith.constant 0 : i32
          %dma_wait3A_213 = tpu.memref_slice %arg5[%add3A_209, %dma_wait3A_212] : memref<16384x1024xf32, #tpu.memory_space<hbm>> -> memref<16x1024xf32, #tpu.memory_space<hbm>>
          tpu.wait_dma2 semaphore(%arg21 : memref<!tpu.dma_semaphore, #tpu.memory_space<semaphore_mem>>) src(%arg9 : memref<16x1024xf32, #tpu.memory_space<vmem>>) dst(%dma_wait3A_213 : memref<16x1024xf32, #tpu.memory_space<hbm>>)
        } else {
        }
        %add3A_195 = arith.constant 1 : i32
        %add3A_196 = arith.addi %add3A_77, %add3A_195 : i32
        %mul3A_197 = arith.constant 16 : i32
        %mul3A_198 = arith.muli %add3A_196, %mul3A_197 : i32
        %add3A_199 = arith.addi %mul3A_2, %mul3A_198 : i32
        %dma_start3A_200 = arith.constant 0 : i32
        %dma_start3A_201 = tpu.memref_slice %arg2[%add3A_199, %dma_start3A_200] : memref<16384x1024xf32, #tpu.memory_space<hbm>> -> memref<16x1024xf32, #tpu.memory_space<hbm>>
        %dma_start3A_202 = arith.constant 0 : i32
        %dma_start3A_203 = tpu.memref_slice %arg2[%add3A_199, %dma_start3A_202] : memref<16384x1024xf32, #tpu.memory_space<hbm>> -> memref<16x1024xf32, #tpu.memory_space<hbm>>
        tpu.enqueue_dma source(%dma_start3A_203 : memref<16x1024xf32, #tpu.memory_space<hbm>>) target(%arg9 : memref<16x1024xf32, #tpu.memory_space<vmem>>) target_semaphore(%arg15 : memref<!tpu.dma_semaphore, #tpu.memory_space<semaphore_mem>>)
      } else {
      }
      %mul3A_85 = arith.constant 16 : i32
      %mul3A_86 = arith.muli %add3A_77, %mul3A_85 : i32
      %dma_wait3A_87 = tpu.memref_slice %arg6[%mul3A_86] : memref<512xi32, #tpu.memory_space<vmem>> -> memref<16xi32, #tpu.memory_space<vmem>>
      %dma_wait3A_88 = arith.constant 0 : i32
      %dma_wait3A_89 = arith.constant 0 : i32
      %dma_wait3A_90 = tpu.memref_slice %arg4[%dma_wait3A_88, %dma_wait3A_89] : memref<32768x1024xf32, #tpu.memory_space<hbm>> -> memref<32768x1024xf32, #tpu.memory_space<hbm>>
      tpu.wait_indirect_dma semaphore(%arg18 : memref<!tpu.dma_semaphore, #tpu.memory_space<semaphore_mem>>) src(%dma_wait3A_90 : memref<32768x1024xf32, #tpu.memory_space<hbm>>) dst(%arg12 : memref<16x1024xf32, #tpu.memory_space<vmem>>)
      %mul3A_91 = arith.constant 16 : i32
      %mul3A_92 = arith.muli %add3A_77, %mul3A_91 : i32
      %add3A_93 = arith.addi %mul3A_2, %mul3A_92 : i32
      %dma_wait3A_94 = arith.constant 0 : i32
      %dma_wait3A_95 = tpu.memref_slice %arg2[%add3A_93, %dma_wait3A_94] : memref<16384x1024xf32, #tpu.memory_space<hbm>> -> memref<16x1024xf32, #tpu.memory_space<hbm>>
      %dma_wait3A_96 = arith.constant 0 : i32
      %dma_wait3A_97 = tpu.memref_slice %arg2[%add3A_93, %dma_wait3A_96] : memref<16384x1024xf32, #tpu.memory_space<hbm>> -> memref<16x1024xf32, #tpu.memory_space<hbm>>
      tpu.wait_dma2 semaphore(%arg14 : memref<!tpu.dma_semaphore, #tpu.memory_space<semaphore_mem>>) src(%dma_wait3A_97 : memref<16x1024xf32, #tpu.memory_space<hbm>>) dst(%arg8 : memref<16x1024xf32, #tpu.memory_space<vmem>>)
      %scan3A_98 = arith.constant 0 : i32
      %scan3A_99 = arith.constant 0 : i32
      %scan3A_100 = arith.constant 16 : i32
      %scan3A_101 = arith.addi %scan3A_99, %scan3A_100 : i32
      %scan3A_102 = arith.constant 1 : i32
      scf.for %scan3A_181 = %scan3A_99 to %scan3A_101 step %scan3A_102  : i32 {
        %get3A = arith.index_cast %scan3A_181 : i32 to index
        %get3A_182 = arith.constant 0 : index
        %get3A_183 = tpu.vector_load %arg12[%get3A, %get3A_182] {strides = array<i32>} : memref<16x1024xf32, #tpu.memory_space<vmem>>, vector<1x16xf32>,
        %get3A_184 = vector.shape_cast %get3A_183 : vector<1x16xf32> to vector<16xf32>
        %swap3A = arith.index_cast %scan3A_181 : i32 to index
        %swap3A_185 = arith.constant 0 : index
        %swap3A_186 = tpu.vector_load %arg8[%swap3A, %swap3A_185] {strides = array<i32>} : memref<16x1024xf32, #tpu.memory_space<vmem>>, vector<1x16xf32>,
        %swap3A_187 = vector.shape_cast %swap3A_186 : vector<1x16xf32> to vector<16xf32>
        %swap3A_188 = vector.shape_cast %get3A_184 : vector<16xf32> to vector<1x16xf32>
        tpu.vector_store %arg8[%swap3A, %swap3A_185], %swap3A_188 {add = true, strides = array<i32>} : memref<16x1024xf32, #tpu.memory_space<vmem>>, vector<1x16xf32>,
        %get3A_189 = arith.index_cast %scan3A_181 : i32 to index
        %get3A_190 = arith.constant 16 : index
        %get3A_191 = tpu.vector_load %arg12[%get3A_189, %get3A_190] {strides = array<i32>} : memref<16x1024xf32, #tpu.memory_space<vmem>>, vector<1x16xf32>,
        %get3A_192 = vector.shape_cast %get3A_191 : vector<1x16xf32> to vector<16xf32>
        %swap3A_193 = arith.index_cast %scan3A_181 : i32 to index
        %swap3A_194 = arith.constant 16 : index
        %swap3A_195 = tpu.vector_load %arg8[%swap3A_193, %swap3A_194] {strides = array<i32>} : memref<16x1024xf32, #tpu.memory_space<vmem>>, vector<1x16xf32>,
        %swap3A_196 = vector.shape_cast %swap3A_195 : vector<1x16xf32> to vector<16xf32>
        %swap3A_197 = vector.shape_cast %get3A_192 : vector<16xf32> to vector<1x16xf32>
        tpu.vector_store %arg8[%swap3A_193, %swap3A_194], %swap3A_197 {add = true, strides = array<i32>} : memref<16x1024xf32, #tpu.memory_space<vmem>>, vector<1x16xf32>,
        %get3A_198 = arith.index_cast %scan3A_181 : i32 to index
        %get3A_199 = arith.constant 32 : index
        %get3A_200 = tpu.vector_load %arg12[%get3A_198, %get3A_199] {strides = array<i32>} : memref<16x1024xf32, #tpu.memory_space<vmem>>, vector<1x16xf32>,
        %get3A_201 = vector.shape_cast %get3A_200 : vector<1x16xf32> to vector<16xf32>
        %swap3A_202 = arith.index_cast %scan3A_181 : i32 to index
        %swap3A_203 = arith.constant 32 : index
        %swap3A_204 = tpu.vector_load %arg8[%swap3A_202, %swap3A_203] {strides = array<i32>} : memref<16x1024xf32, #tpu.memory_space<vmem>>, vector<1x16xf32>,
        %swap3A_205 = vector.shape_cast %swap3A_204 : vector<1x16xf32> to vector<16xf32>
        %swap3A_206 = vector.shape_cast %get3A_201 : vector<16xf32> to vector<1x16xf32>
        tpu.vector_store %arg8[%swap3A_202, %swap3A_203], %swap3A_206 {add = true, strides = array<i32>} : memref<16x1024xf32, #tpu.memory_space<vmem>>, vector<1x16xf32>,
        %get3A_207 = arith.index_cast %scan3A_181 : i32 to index
        %get3A_208 = arith.constant 48 : index
        %get3A_209 = tpu.vector_load %arg12[%get3A_207, %get3A_208] {strides = array<i32>} : memref<16x1024xf32, #tpu.memory_space<vmem>>, vector<1x16xf32>,
        %get3A_210 = vector.shape_cast %get3A_209 : vector<1x16xf32> to vector<16xf32>
        %swap3A_211 = arith.index_cast %scan3A_181 : i32 to index
        %swap3A_212 = arith.constant 48 : index
        %swap3A_213 = tpu.vector_load %arg8[%swap3A_211, %swap3A_212] {strides = array<i32>} : memref<16x1024xf32, #tpu.memory_space<vmem>>, vector<1x16xf32>,
        %swap3A_214 = vector.shape_cast %swap3A_213 : vector<1x16xf32> to vector<16xf32>
        %swap3A_215 = vector.shape_cast %get3A_210 : vector<16xf32> to vector<1x16xf32>
        tpu.vector_store %arg8[%swap3A_211, %swap3A_212], %swap3A_215 {add = true, strides = array<i32>} : memref<16x1024xf32, #tpu.memory_space<vmem>>, vector<1x16xf32>,
        %get3A_216 = arith.index_cast %scan3A_181 : i32 to index
        %get3A_217 = arith.constant 64 : index
        %get3A_218 = tpu.vector_load %arg12[%get3A_216, %get3A_217] {strides = array<i32>} : memref<16x1024xf32, #tpu.memory_space<vmem>>, vector<1x16xf32>,
        %get3A_219 = vector.shape_cast %get3A_218 : vector<1x16xf32> to vector<16xf32>
        %swap3A_220 = arith.index_cast %scan3A_181 : i32 to index
        %swap3A_221 = arith.constant 64 : index
        %swap3A_222 = tpu.vector_load %arg8[%swap3A_220, %swap3A_221] {strides = array<i32>} : memref<16x1024xf32, #tpu.memory_space<vmem>>, vector<1x16xf32>,
        %swap3A_223 = vector.shape_cast %swap3A_222 : vector<1x16xf32> to vector<16xf32>
        %swap3A_224 = vector.shape_cast %get3A_219 : vector<16xf32> to vector<1x16xf32>
        tpu.vector_store %arg8[%swap3A_220, %swap3A_221], %swap3A_224 {add = true, strides = array<i32>} : memref<16x1024xf32, #tpu.memory_space<vmem>>, vector<1x16xf32>,
        %get3A_225 = arith.index_cast %scan3A_181 : i32 to index
        %get3A_226 = arith.constant 80 : index
        %get3A_227 = tpu.vector_load %arg12[%get3A_225, %get3A_226] {strides = array<i32>} : memref<16x1024xf32, #tpu.memory_space<vmem>>, vector<1x16xf32>,
        %get3A_228 = vector.shape_cast %get3A_227 : vector<1x16xf32> to vector<16xf32>
        %swap3A_229 = arith.index_cast %scan3A_181 : i32 to index
        %swap3A_230 = arith.constant 80 : index
        %swap3A_231 = tpu.vector_load %arg8[%swap3A_229, %swap3A_230] {strides = array<i32>} : memref<16x1024xf32, #tpu.memory_space<vmem>>, vector<1x16xf32>,
        %swap3A_232 = vector.shape_cast %swap3A_231 : vector<1x16xf32> to vector<16xf32>
        %swap3A_233 = vector.shape_cast %get3A_228 : vector<16xf32> to vector<1x16xf32>
        tpu.vector_store %arg8[%swap3A_229, %swap3A_230], %swap3A_233 {add = true, strides = array<i32>} : memref<16x1024xf32, #tpu.memory_space<vmem>>, vector<1x16xf32>,
        %get3A_234 = arith.index_cast %scan3A_181 : i32 to index
        %get3A_235 = arith.constant 96 : index
        %get3A_236 = tpu.vector_load %arg12[%get3A_234, %get3A_235] {strides = array<i32>} : memref<16x1024xf32, #tpu.memory_space<vmem>>, vector<1x16xf32>,
        %get3A_237 = vector.shape_cast %get3A_236 : vector<1x16xf32> to vector<16xf32>
        %swap3A_238 = arith.index_cast %scan3A_181 : i32 to index
        %swap3A_239 = arith.constant 96 : index
        %swap3A_240 = tpu.vector_load %arg8[%swap3A_238, %swap3A_239] {strides = array<i32>} : memref<16x1024xf32, #tpu.memory_space<vmem>>, vector<1x16xf32>,
        %swap3A_241 = vector.shape_cast %swap3A_240 : vector<1x16xf32> to vector<16xf32>
        %swap3A_242 = vector.shape_cast %get3A_237 : vector<16xf32> to vector<1x16xf32>
        tpu.vector_store %arg8[%swap3A_238, %swap3A_239], %swap3A_242 {add = true, strides = array<i32>} : memref<16x1024xf32, #tpu.memory_space<vmem>>, vector<1x16xf32>,
        %get3A_243 = arith.index_cast %scan3A_181 : i32 to index
        %get3A_244 = arith.constant 112 : index
        %get3A_245 = tpu.vector_load %arg12[%get3A_243, %get3A_244] {strides = array<i32>} : memref<16x1024xf32, #tpu.memory_space<vmem>>, vector<1x16xf32>,
        %get3A_246 = vector.shape_cast %get3A_245 : vector<1x16xf32> to vector<16xf32>
        %swap3A_247 = arith.index_cast %scan3A_181 : i32 to index
        %swap3A_248 = arith.constant 112 : index
        %swap3A_249 = tpu.vector_load %arg8[%swap3A_247, %swap3A_248] {strides = array<i32>} : memref<16x1024xf32, #tpu.memory_space<vmem>>, vector<1x16xf32>,
        %swap3A_250 = vector.shape_cast %swap3A_249 : vector<1x16xf32> to vector<16xf32>
        %swap3A_251 = vector.shape_cast %get3A_246 : vector<16xf32> to vector<1x16xf32>
        tpu.vector_store %arg8[%swap3A_247, %swap3A_248], %swap3A_251 {add = true, strides = array<i32>} : memref<16x1024xf32, #tpu.memory_space<vmem>>, vector<1x16xf32>,
        %get3A_252 = arith.index_cast %scan3A_181 : i32 to index
        %get3A_253 = arith.constant 128 : index
        %get3A_254 = tpu.vector_load %arg12[%get3A_252, %get3A_253] {strides = array<i32>} : memref<16x1024xf32, #tpu.memory_space<vmem>>, vector<1x16xf32>,
        %get3A_255 = vector.shape_cast %get3A_254 : vector<1x16xf32> to vector<16xf32>
        %swap3A_256 = arith.index_cast %scan3A_181 : i32 to index
        %swap3A_257 = arith.constant 128 : index
        %swap3A_258 = tpu.vector_load %arg8[%swap3A_256, %swap3A_257] {strides = array<i32>} : memref<16x1024xf32, #tpu.memory_space<vmem>>, vector<1x16xf32>,
        %swap3A_259 = vector.shape_cast %swap3A_258 : vector<1x16xf32> to vector<16xf32>
        %swap3A_260 = vector.shape_cast %get3A_255 : vector<16xf32> to vector<1x16xf32>
        tpu.vector_store %arg8[%swap3A_256, %swap3A_257], %swap3A_260 {add = true, strides = array<i32>} : memref<16x1024xf32, #tpu.memory_space<vmem>>, vector<1x16xf32>,
        %get3A_261 = arith.index_cast %scan3A_181 : i32 to index
        %get3A_262 = arith.constant 144 : index
        %get3A_263 = tpu.vector_load %arg12[%get3A_261, %get3A_262] {strides = array<i32>} : memref<16x1024xf32, #tpu.memory_space<vmem>>, vector<1x16xf32>,
        %get3A_264 = vector.shape_cast %get3A_263 : vector<1x16xf32> to vector<16xf32>
        %swap3A_265 = arith.index_cast %scan3A_181 : i32 to index
        %swap3A_266 = arith.constant 144 : index
        %swap3A_267 = tpu.vector_load %arg8[%swap3A_265, %swap3A_266] {strides = array<i32>} : memref<16x1024xf32, #tpu.memory_space<vmem>>, vector<1x16xf32>,
        %swap3A_268 = vector.shape_cast %swap3A_267 : vector<1x16xf32> to vector<16xf32>
        %swap3A_269 = vector.shape_cast %get3A_264 : vector<16xf32> to vector<1x16xf32>
        tpu.vector_store %arg8[%swap3A_265, %swap3A_266], %swap3A_269 {add = true, strides = array<i32>} : memref<16x1024xf32, #tpu.memory_space<vmem>>, vector<1x16xf32>,
        %get3A_270 = arith.index_cast %scan3A_181 : i32 to index
        %get3A_271 = arith.constant 160 : index
        %get3A_272 = tpu.vector_load %arg12[%get3A_270, %get3A_271] {strides = array<i32>} : memref<16x1024xf32, #tpu.memory_space<vmem>>, vector<1x16xf32>,
        %get3A_273 = vector.shape_cast %get3A_272 : vector<1x16xf32> to vector<16xf32>
        %swap3A_274 = arith.index_cast %scan3A_181 : i32 to index
        %swap3A_275 = arith.constant 160 : index
        %swap3A_276 = tpu.vector_load %arg8[%swap3A_274, %swap3A_275] {strides = array<i32>} : memref<16x1024xf32, #tpu.memory_space<vmem>>, vector<1x16xf32>,
        %swap3A_277 = vector.shape_cast %swap3A_276 : vector<1x16xf32> to vector<16xf32>
        %swap3A_278 = vector.shape_cast %get3A_273 : vector<16xf32> to vector<1x16xf32>
        tpu.vector_store %arg8[%swap3A_274, %swap3A_275], %swap3A_278 {add = true, strides = array<i32>} : memref<16x1024xf32, #tpu.memory_space<vmem>>, vector<1x16xf32>,
        %get3A_279 = arith.index_cast %scan3A_181 : i32 to index
        %get3A_280 = arith.constant 176 : index
        %get3A_281 = tpu.vector_load %arg12[%get3A_279, %get3A_280] {strides = array<i32>} : memref<16x1024xf32, #tpu.memory_space<vmem>>, vector<1x16xf32>,
        %get3A_282 = vector.shape_cast %get3A_281 : vector<1x16xf32> to vector<16xf32>
        %swap3A_283 = arith.index_cast %scan3A_181 : i32 to index
        %swap3A_284 = arith.constant 176 : index
        %swap3A_285 = tpu.vector_load %arg8[%swap3A_283, %swap3A_284] {strides = array<i32>} : memref<16x1024xf32, #tpu.memory_space<vmem>>, vector<1x16xf32>,
        %swap3A_286 = vector.shape_cast %swap3A_285 : vector<1x16xf32> to vector<16xf32>
        %swap3A_287 = vector.shape_cast %get3A_282 : vector<16xf32> to vector<1x16xf32>
        tpu.vector_store %arg8[%swap3A_283, %swap3A_284], %swap3A_287 {add = true, strides = array<i32>} : memref<16x1024xf32, #tpu.memory_space<vmem>>, vector<1x16xf32>,
        %get3A_288 = arith.index_cast %scan3A_181 : i32 to index
        %get3A_289 = arith.constant 192 : index
        %get3A_290 = tpu.vector_load %arg12[%get3A_288, %get3A_289] {strides = array<i32>} : memref<16x1024xf32, #tpu.memory_space<vmem>>, vector<1x16xf32>,
        %get3A_291 = vector.shape_cast %get3A_290 : vector<1x16xf32> to vector<16xf32>
        %swap3A_292 = arith.index_cast %scan3A_181 : i32 to index
        %swap3A_293 = arith.constant 192 : index
        %swap3A_294 = tpu.vector_load %arg8[%swap3A_292, %swap3A_293] {strides = array<i32>} : memref<16x1024xf32, #tpu.memory_space<vmem>>, vector<1x16xf32>,
        %swap3A_295 = vector.shape_cast %swap3A_294 : vector<1x16xf32> to vector<16xf32>
        %swap3A_296 = vector.shape_cast %get3A_291 : vector<16xf32> to vector<1x16xf32>
        tpu.vector_store %arg8[%swap3A_292, %swap3A_293], %swap3A_296 {add = true, strides = array<i32>} : memref<16x1024xf32, #tpu.memory_space<vmem>>, vector<1x16xf32>,
        %get3A_297 = arith.index_cast %scan3A_181 : i32 to index
        %get3A_298 = arith.constant 208 : index
        %get3A_299 = tpu.vector_load %arg12[%get3A_297, %get3A_298] {strides = array<i32>} : memref<16x1024xf32, #tpu.memory_space<vmem>>, vector<1x16xf32>,
        %get3A_300 = vector.shape_cast %get3A_299 : vector<1x16xf32> to vector<16xf32>
        %swap3A_301 = arith.index_cast %scan3A_181 : i32 to index
        %swap3A_302 = arith.constant 208 : index
        %swap3A_303 = tpu.vector_load %arg8[%swap3A_301, %swap3A_302] {strides = array<i32>} : memref<16x1024xf32, #tpu.memory_space<vmem>>, vector<1x16xf32>,
        %swap3A_304 = vector.shape_cast %swap3A_303 : vector<1x16xf32> to vector<16xf32>
        %swap3A_305 = vector.shape_cast %get3A_300 : vector<16xf32> to vector<1x16xf32>
        tpu.vector_store %arg8[%swap3A_301, %swap3A_302], %swap3A_305 {add = true, strides = array<i32>} : memref<16x1024xf32, #tpu.memory_space<vmem>>, vector<1x16xf32>,
        %get3A_306 = arith.index_cast %scan3A_181 : i32 to index
        %get3A_307 = arith.constant 224 : index
        %get3A_308 = tpu.vector_load %arg12[%get3A_306, %get3A_307] {strides = array<i32>} : memref<16x1024xf32, #tpu.memory_space<vmem>>, vector<1x16xf32>,
        %get3A_309 = vector.shape_cast %get3A_308 : vector<1x16xf32> to vector<16xf32>
        %swap3A_310 = arith.index_cast %scan3A_181 : i32 to index
        %swap3A_311 = arith.constant 224 : index
        %swap3A_312 = tpu.vector_load %arg8[%swap3A_310, %swap3A_311] {strides = array<i32>} : memref<16x1024xf32, #tpu.memory_space<vmem>>, vector<1x16xf32>,
        %swap3A_313 = vector.shape_cast %swap3A_312 : vector<1x16xf32> to vector<16xf32>
        %swap3A_314 = vector.shape_cast %get3A_309 : vector<16xf32> to vector<1x16xf32>
        tpu.vector_store %arg8[%swap3A_310, %swap3A_311], %swap3A_314 {add = true, strides = array<i32>} : memref<16x1024xf32, #tpu.memory_space<vmem>>, vector<1x16xf32>,
        %get3A_315 = arith.index_cast %scan3A_181 : i32 to index
        %get3A_316 = arith.constant 240 : index
        %get3A_317 = tpu.vector_load %arg12[%get3A_315, %get3A_316] {strides = array<i32>} : memref<16x1024xf32, #tpu.memory_space<vmem>>, vector<1x16xf32>,
        %get3A_318 = vector.shape_cast %get3A_317 : vector<1x16xf32> to vector<16xf32>
        %swap3A_319 = arith.index_cast %scan3A_181 : i32 to index
        %swap3A_320 = arith.constant 240 : index
        %swap3A_321 = tpu.vector_load %arg8[%swap3A_319, %swap3A_320] {strides = array<i32>} : memref<16x1024xf32, #tpu.memory_space<vmem>>, vector<1x16xf32>,
        %swap3A_322 = vector.shape_cast %swap3A_321 : vector<1x16xf32> to vector<16xf32>
        %swap3A_323 = vector.shape_cast %get3A_318 : vector<16xf32> to vector<1x16xf32>
        tpu.vector_store %arg8[%swap3A_319, %swap3A_320], %swap3A_323 {add = true, strides = array<i32>} : memref<16x1024xf32, #tpu.memory_space<vmem>>, vector<1x16xf32>,
        %get3A_324 = arith.index_cast %scan3A_181 : i32 to index
        %get3A_325 = arith.constant 256 : index
        %get3A_326 = tpu.vector_load %arg12[%get3A_324, %get3A_325] {strides = array<i32>} : memref<16x1024xf32, #tpu.memory_space<vmem>>, vector<1x16xf32>,
        %get3A_327 = vector.shape_cast %get3A_326 : vector<1x16xf32> to vector<16xf32>
        %swap3A_328 = arith.index_cast %scan3A_181 : i32 to index
        %swap3A_329 = arith.constant 256 : index
        %swap3A_330 = tpu.vector_load %arg8[%swap3A_328, %swap3A_329] {strides = array<i32>} : memref<16x1024xf32, #tpu.memory_space<vmem>>, vector<1x16xf32>,
        %swap3A_331 = vector.shape_cast %swap3A_330 : vector<1x16xf32> to vector<16xf32>
        %swap3A_332 = vector.shape_cast %get3A_327 : vector<16xf32> to vector<1x16xf32>
        tpu.vector_store %arg8[%swap3A_328, %swap3A_329], %swap3A_332 {add = true, strides = array<i32>} : memref<16x1024xf32, #tpu.memory_space<vmem>>, vector<1x16xf32>,
        %get3A_333 = arith.index_cast %scan3A_181 : i32 to index
        %get3A_334 = arith.constant 272 : index
        %get3A_335 = tpu.vector_load %arg12[%get3A_333, %get3A_334] {strides = array<i32>} : memref<16x1024xf32, #tpu.memory_space<vmem>>, vector<1x16xf32>,
        %get3A_336 = vector.shape_cast %get3A_335 : vector<1x16xf32> to vector<16xf32>
        %swap3A_337 = arith.index_cast %scan3A_181 : i32 to index
        %swap3A_338 = arith.constant 272 : index
        %swap3A_339 = tpu.vector_load %arg8[%swap3A_337, %swap3A_338] {strides = array<i32>} : memref<16x1024xf32, #tpu.memory_space<vmem>>, vector<1x16xf32>,
        %swap3A_340 = vector.shape_cast %swap3A_339 : vector<1x16xf32> to vector<16xf32>
        %swap3A_341 = vector.shape_cast %get3A_336 : vector<16xf32> to vector<1x16xf32>
        tpu.vector_store %arg8[%swap3A_337, %swap3A_338], %swap3A_341 {add = true, strides = array<i32>} : memref<16x1024xf32, #tpu.memory_space<vmem>>, vector<1x16xf32>,
        %get3A_342 = arith.index_cast %scan3A_181 : i32 to index
        %get3A_343 = arith.constant 288 : index
        %get3A_344 = tpu.vector_load %arg12[%get3A_342, %get3A_343] {strides = array<i32>} : memref<16x1024xf32, #tpu.memory_space<vmem>>, vector<1x16xf32>,
        %get3A_345 = vector.shape_cast %get3A_344 : vector<1x16xf32> to vector<16xf32>
        %swap3A_346 = arith.index_cast %scan3A_181 : i32 to index
        %swap3A_347 = arith.constant 288 : index
        %swap3A_348 = tpu.vector_load %arg8[%swap3A_346, %swap3A_347] {strides = array<i32>} : memref<16x1024xf32, #tpu.memory_space<vmem>>, vector<1x16xf32>,
        %swap3A_349 = vector.shape_cast %swap3A_348 : vector<1x16xf32> to vector<16xf32>
        %swap3A_350 = vector.shape_cast %get3A_345 : vector<16xf32> to vector<1x16xf32>
        tpu.vector_store %arg8[%swap3A_346, %swap3A_347], %swap3A_350 {add = true, strides = array<i32>} : memref<16x1024xf32, #tpu.memory_space<vmem>>, vector<1x16xf32>,
        %get3A_351 = arith.index_cast %scan3A_181 : i32 to index
        %get3A_352 = arith.constant 304 : index
        %get3A_353 = tpu.vector_load %arg12[%get3A_351, %get3A_352] {strides = array<i32>} : memref<16x1024xf32, #tpu.memory_space<vmem>>, vector<1x16xf32>,
        %get3A_354 = vector.shape_cast %get3A_353 : vector<1x16xf32> to vector<16xf32>
        %swap3A_355 = arith.index_cast %scan3A_181 : i32 to index
        %swap3A_356 = arith.constant 304 : index
        %swap3A_357 = tpu.vector_load %arg8[%swap3A_355, %swap3A_356] {strides = array<i32>} : memref<16x1024xf32, #tpu.memory_space<vmem>>, vector<1x16xf32>,
        %swap3A_358 = vector.shape_cast %swap3A_357 : vector<1x16xf32> to vector<16xf32>
        %swap3A_359 = vector.shape_cast %get3A_354 : vector<16xf32> to vector<1x16xf32>
        tpu.vector_store %arg8[%swap3A_355, %swap3A_356], %swap3A_359 {add = true, strides = array<i32>} : memref<16x1024xf32, #tpu.memory_space<vmem>>, vector<1x16xf32>,
        %get3A_360 = arith.index_cast %scan3A_181 : i32 to index
        %get3A_361 = arith.constant 320 : index
        %get3A_362 = tpu.vector_load %arg12[%get3A_360, %get3A_361] {strides = array<i32>} : memref<16x1024xf32, #tpu.memory_space<vmem>>, vector<1x16xf32>,
        %get3A_363 = vector.shape_cast %get3A_362 : vector<1x16xf32> to vector<16xf32>
        %swap3A_364 = arith.index_cast %scan3A_181 : i32 to index
        %swap3A_365 = arith.constant 320 : index
        %swap3A_366 = tpu.vector_load %arg8[%swap3A_364, %swap3A_365] {strides = array<i32>} : memref<16x1024xf32, #tpu.memory_space<vmem>>, vector<1x16xf32>,
        %swap3A_367 = vector.shape_cast %swap3A_366 : vector<1x16xf32> to vector<16xf32>
        %swap3A_368 = vector.shape_cast %get3A_363 : vector<16xf32> to vector<1x16xf32>
        tpu.vector_store %arg8[%swap3A_364, %swap3A_365], %swap3A_368 {add = true, strides = array<i32>} : memref<16x1024xf32, #tpu.memory_space<vmem>>, vector<1x16xf32>,
        %get3A_369 = arith.index_cast %scan3A_181 : i32 to index
        %get3A_370 = arith.constant 336 : index
        %get3A_371 = tpu.vector_load %arg12[%get3A_369, %get3A_370] {strides = array<i32>} : memref<16x1024xf32, #tpu.memory_space<vmem>>, vector<1x16xf32>,
        %get3A_372 = vector.shape_cast %get3A_371 : vector<1x16xf32> to vector<16xf32>
        %swap3A_373 = arith.index_cast %scan3A_181 : i32 to index
        %swap3A_374 = arith.constant 336 : index
        %swap3A_375 = tpu.vector_load %arg8[%swap3A_373, %swap3A_374] {strides = array<i32>} : memref<16x1024xf32, #tpu.memory_space<vmem>>, vector<1x16xf32>,
        %swap3A_376 = vector.shape_cast %swap3A_375 : vector<1x16xf32> to vector<16xf32>
        %swap3A_377 = vector.shape_cast %get3A_372 : vector<16xf32> to vector<1x16xf32>
        tpu.vector_store %arg8[%swap3A_373, %swap3A_374], %swap3A_377 {add = true, strides = array<i32>} : memref<16x1024xf32, #tpu.memory_space<vmem>>, vector<1x16xf32>,
        %get3A_378 = arith.index_cast %scan3A_181 : i32 to index
        %get3A_379 = arith.constant 352 : index
        %get3A_380 = tpu.vector_load %arg12[%get3A_378, %get3A_379] {strides = array<i32>} : memref<16x1024xf32, #tpu.memory_space<vmem>>, vector<1x16xf32>,
        %get3A_381 = vector.shape_cast %get3A_380 : vector<1x16xf32> to vector<16xf32>
        %swap3A_382 = arith.index_cast %scan3A_181 : i32 to index
        %swap3A_383 = arith.constant 352 : index
        %swap3A_384 = tpu.vector_load %arg8[%swap3A_382, %swap3A_383] {strides = array<i32>} : memref<16x1024xf32, #tpu.memory_space<vmem>>, vector<1x16xf32>,
        %swap3A_385 = vector.shape_cast %swap3A_384 : vector<1x16xf32> to vector<16xf32>
        %swap3A_386 = vector.shape_cast %get3A_381 : vector<16xf32> to vector<1x16xf32>
        tpu.vector_store %arg8[%swap3A_382, %swap3A_383], %swap3A_386 {add = true, strides = array<i32>} : memref<16x1024xf32, #tpu.memory_space<vmem>>, vector<1x16xf32>,
        %get3A_387 = arith.index_cast %scan3A_181 : i32 to index
        %get3A_388 = arith.constant 368 : index
        %get3A_389 = tpu.vector_load %arg12[%get3A_387, %get3A_388] {strides = array<i32>} : memref<16x1024xf32, #tpu.memory_space<vmem>>, vector<1x16xf32>,
        %get3A_390 = vector.shape_cast %get3A_389 : vector<1x16xf32> to vector<16xf32>
        %swap3A_391 = arith.index_cast %scan3A_181 : i32 to index
        %swap3A_392 = arith.constant 368 : index
        %swap3A_393 = tpu.vector_load %arg8[%swap3A_391, %swap3A_392] {strides = array<i32>} : memref<16x1024xf32, #tpu.memory_space<vmem>>, vector<1x16xf32>,
        %swap3A_394 = vector.shape_cast %swap3A_393 : vector<1x16xf32> to vector<16xf32>
        %swap3A_395 = vector.shape_cast %get3A_390 : vector<16xf32> to vector<1x16xf32>
        tpu.vector_store %arg8[%swap3A_391, %swap3A_392], %swap3A_395 {add = true, strides = array<i32>} : memref<16x1024xf32, #tpu.memory_space<vmem>>, vector<1x16xf32>,
        %get3A_396 = arith.index_cast %scan3A_181 : i32 to index
        %get3A_397 = arith.constant 384 : index
        %get3A_398 = tpu.vector_load %arg12[%get3A_396, %get3A_397] {strides = array<i32>} : memref<16x1024xf32, #tpu.memory_space<vmem>>, vector<1x16xf32>,
        %get3A_399 = vector.shape_cast %get3A_398 : vector<1x16xf32> to vector<16xf32>
        %swap3A_400 = arith.index_cast %scan3A_181 : i32 to index
        %swap3A_401 = arith.constant 384 : index
        %swap3A_402 = tpu.vector_load %arg8[%swap3A_400, %swap3A_401] {strides = array<i32>} : memref<16x1024xf32, #tpu.memory_space<vmem>>, vector<1x16xf32>,
        %swap3A_403 = vector.shape_cast %swap3A_402 : vector<1x16xf32> to vector<16xf32>
        %swap3A_404 = vector.shape_cast %get3A_399 : vector<16xf32> to vector<1x16xf32>
        tpu.vector_store %arg8[%swap3A_400, %swap3A_401], %swap3A_404 {add = true, strides = array<i32>} : memref<16x1024xf32, #tpu.memory_space<vmem>>, vector<1x16xf32>,
        %get3A_405 = arith.index_cast %scan3A_181 : i32 to index
        %get3A_406 = arith.constant 400 : index
        %get3A_407 = tpu.vector_load %arg12[%get3A_405, %get3A_406] {strides = array<i32>} : memref<16x1024xf32, #tpu.memory_space<vmem>>, vector<1x16xf32>,
        %get3A_408 = vector.shape_cast %get3A_407 : vector<1x16xf32> to vector<16xf32>
        %swap3A_409 = arith.index_cast %scan3A_181 : i32 to index
        %swap3A_410 = arith.constant 400 : index
        %swap3A_411 = tpu.vector_load %arg8[%swap3A_409, %swap3A_410] {strides = array<i32>} : memref<16x1024xf32, #tpu.memory_space<vmem>>, vector<1x16xf32>,
        %swap3A_412 = vector.shape_cast %swap3A_411 : vector<1x16xf32> to vector<16xf32>
        %swap3A_413 = vector.shape_cast %get3A_408 : vector<16xf32> to vector<1x16xf32>
        tpu.vector_store %arg8[%swap3A_409, %swap3A_410], %swap3A_413 {add = true, strides = array<i32>} : memref<16x1024xf32, #tpu.memory_space<vmem>>, vector<1x16xf32>,
        %get3A_414 = arith.index_cast %scan3A_181 : i32 to index
        %get3A_415 = arith.constant 416 : index
        %get3A_416 = tpu.vector_load %arg12[%get3A_414, %get3A_415] {strides = array<i32>} : memref<16x1024xf32, #tpu.memory_space<vmem>>, vector<1x16xf32>,
        %get3A_417 = vector.shape_cast %get3A_416 : vector<1x16xf32> to vector<16xf32>
        %swap3A_418 = arith.index_cast %scan3A_181 : i32 to index
        %swap3A_419 = arith.constant 416 : index
        %swap3A_420 = tpu.vector_load %arg8[%swap3A_418, %swap3A_419] {strides = array<i32>} : memref<16x1024xf32, #tpu.memory_space<vmem>>, vector<1x16xf32>,
        %swap3A_421 = vector.shape_cast %swap3A_420 : vector<1x16xf32> to vector<16xf32>
        %swap3A_422 = vector.shape_cast %get3A_417 : vector<16xf32> to vector<1x16xf32>
        tpu.vector_store %arg8[%swap3A_418, %swap3A_419], %swap3A_422 {add = true, strides = array<i32>} : memref<16x1024xf32, #tpu.memory_space<vmem>>, vector<1x16xf32>,
        %get3A_423 = arith.index_cast %scan3A_181 : i32 to index
        %get3A_424 = arith.constant 432 : index
        %get3A_425 = tpu.vector_load %arg12[%get3A_423, %get3A_424] {strides = array<i32>} : memref<16x1024xf32, #tpu.memory_space<vmem>>, vector<1x16xf32>,
        %get3A_426 = vector.shape_cast %get3A_425 : vector<1x16xf32> to vector<16xf32>
        %swap3A_427 = arith.index_cast %scan3A_181 : i32 to index
        %swap3A_428 = arith.constant 432 : index
        %swap3A_429 = tpu.vector_load %arg8[%swap3A_427, %swap3A_428] {strides = array<i32>} : memref<16x1024xf32, #tpu.memory_space<vmem>>, vector<1x16xf32>,
        %swap3A_430 = vector.shape_cast %swap3A_429 : vector<1x16xf32> to vector<16xf32>
        %swap3A_431 = vector.shape_cast %get3A_426 : vector<16xf32> to vector<1x16xf32>
        tpu.vector_store %arg8[%swap3A_427, %swap3A_428], %swap3A_431 {add = true, strides = array<i32>} : memref<16x1024xf32, #tpu.memory_space<vmem>>, vector<1x16xf32>,
        %get3A_432 = arith.index_cast %scan3A_181 : i32 to index
        %get3A_433 = arith.constant 448 : index
        %get3A_434 = tpu.vector_load %arg12[%get3A_432, %get3A_433] {strides = array<i32>} : memref<16x1024xf32, #tpu.memory_space<vmem>>, vector<1x16xf32>,
        %get3A_435 = vector.shape_cast %get3A_434 : vector<1x16xf32> to vector<16xf32>
        %swap3A_436 = arith.index_cast %scan3A_181 : i32 to index
        %swap3A_437 = arith.constant 448 : index
        %swap3A_438 = tpu.vector_load %arg8[%swap3A_436, %swap3A_437] {strides = array<i32>} : memref<16x1024xf32, #tpu.memory_space<vmem>>, vector<1x16xf32>,
        %swap3A_439 = vector.shape_cast %swap3A_438 : vector<1x16xf32> to vector<16xf32>
        %swap3A_440 = vector.shape_cast %get3A_435 : vector<16xf32> to vector<1x16xf32>
        tpu.vector_store %arg8[%swap3A_436, %swap3A_437], %swap3A_440 {add = true, strides = array<i32>} : memref<16x1024xf32, #tpu.memory_space<vmem>>, vector<1x16xf32>,
        %get3A_441 = arith.index_cast %scan3A_181 : i32 to index
        %get3A_442 = arith.constant 464 : index
        %get3A_443 = tpu.vector_load %arg12[%get3A_441, %get3A_442] {strides = array<i32>} : memref<16x1024xf32, #tpu.memory_space<vmem>>, vector<1x16xf32>,
        %get3A_444 = vector.shape_cast %get3A_443 : vector<1x16xf32> to vector<16xf32>
        %swap3A_445 = arith.index_cast %scan3A_181 : i32 to index
        %swap3A_446 = arith.constant 464 : index
        %swap3A_447 = tpu.vector_load %arg8[%swap3A_445, %swap3A_446] {strides = array<i32>} : memref<16x1024xf32, #tpu.memory_space<vmem>>, vector<1x16xf32>,
        %swap3A_448 = vector.shape_cast %swap3A_447 : vector<1x16xf32> to vector<16xf32>
        %swap3A_449 = vector.shape_cast %get3A_444 : vector<16xf32> to vector<1x16xf32>
        tpu.vector_store %arg8[%swap3A_445, %swap3A_446], %swap3A_449 {add = true, strides = array<i32>} : memref<16x1024xf32, #tpu.memory_space<vmem>>, vector<1x16xf32>,
        %get3A_450 = arith.index_cast %scan3A_181 : i32 to index
        %get3A_451 = arith.constant 480 : index
        %get3A_452 = tpu.vector_load %arg12[%get3A_450, %get3A_451] {strides = array<i32>} : memref<16x1024xf32, #tpu.memory_space<vmem>>, vector<1x16xf32>,
        %get3A_453 = vector.shape_cast %get3A_452 : vector<1x16xf32> to vector<16xf32>
        %swap3A_454 = arith.index_cast %scan3A_181 : i32 to index
        %swap3A_455 = arith.constant 480 : index
        %swap3A_456 = tpu.vector_load %arg8[%swap3A_454, %swap3A_455] {strides = array<i32>} : memref<16x1024xf32, #tpu.memory_space<vmem>>, vector<1x16xf32>,
        %swap3A_457 = vector.shape_cast %swap3A_456 : vector<1x16xf32> to vector<16xf32>
        %swap3A_458 = vector.shape_cast %get3A_453 : vector<16xf32> to vector<1x16xf32>
        tpu.vector_store %arg8[%swap3A_454, %swap3A_455], %swap3A_458 {add = true, strides = array<i32>} : memref<16x1024xf32, #tpu.memory_space<vmem>>, vector<1x16xf32>,
        %get3A_459 = arith.index_cast %scan3A_181 : i32 to index
        %get3A_460 = arith.constant 496 : index
        %get3A_461 = tpu.vector_load %arg12[%get3A_459, %get3A_460] {strides = array<i32>} : memref<16x1024xf32, #tpu.memory_space<vmem>>, vector<1x16xf32>,
        %get3A_462 = vector.shape_cast %get3A_461 : vector<1x16xf32> to vector<16xf32>
        %swap3A_463 = arith.index_cast %scan3A_181 : i32 to index
        %swap3A_464 = arith.constant 496 : index
        %swap3A_465 = tpu.vector_load %arg8[%swap3A_463, %swap3A_464] {strides = array<i32>} : memref<16x1024xf32, #tpu.memory_space<vmem>>, vector<1x16xf32>,
        %swap3A_466 = vector.shape_cast %swap3A_465 : vector<1x16xf32> to vector<16xf32>
        %swap3A_467 = vector.shape_cast %get3A_462 : vector<16xf32> to vector<1x16xf32>
        tpu.vector_store %arg8[%swap3A_463, %swap3A_464], %swap3A_467 {add = true, strides = array<i32>} : memref<16x1024xf32, #tpu.memory_space<vmem>>, vector<1x16xf32>,
        %get3A_468 = arith.index_cast %scan3A_181 : i32 to index
        %get3A_469 = arith.constant 512 : index
        %get3A_470 = tpu.vector_load %arg12[%get3A_468, %get3A_469] {strides = array<i32>} : memref<16x1024xf32, #tpu.memory_space<vmem>>, vector<1x16xf32>,
        %get3A_471 = vector.shape_cast %get3A_470 : vector<1x16xf32> to vector<16xf32>
        %swap3A_472 = arith.index_cast %scan3A_181 : i32 to index
        %swap3A_473 = arith.constant 512 : index
        %swap3A_474 = tpu.vector_load %arg8[%swap3A_472, %swap3A_473] {strides = array<i32>} : memref<16x1024xf32, #tpu.memory_space<vmem>>, vector<1x16xf32>,
        %swap3A_475 = vector.shape_cast %swap3A_474 : vector<1x16xf32> to vector<16xf32>
        %swap3A_476 = vector.shape_cast %get3A_471 : vector<16xf32> to vector<1x16xf32>
        tpu.vector_store %arg8[%swap3A_472, %swap3A_473], %swap3A_476 {add = true, strides = array<i32>} : memref<16x1024xf32, #tpu.memory_space<vmem>>, vector<1x16xf32>,
        %get3A_477 = arith.index_cast %scan3A_181 : i32 to index
        %get3A_478 = arith.constant 528 : index
        %get3A_479 = tpu.vector_load %arg12[%get3A_477, %get3A_478] {strides = array<i32>} : memref<16x1024xf32, #tpu.memory_space<vmem>>, vector<1x16xf32>,
        %get3A_480 = vector.shape_cast %get3A_479 : vector<1x16xf32> to vector<16xf32>
        %swap3A_481 = arith.index_cast %scan3A_181 : i32 to index
        %swap3A_482 = arith.constant 528 : index
        %swap3A_483 = tpu.vector_load %arg8[%swap3A_481, %swap3A_482] {strides = array<i32>} : memref<16x1024xf32, #tpu.memory_space<vmem>>, vector<1x16xf32>,
        %swap3A_484 = vector.shape_cast %swap3A_483 : vector<1x16xf32> to vector<16xf32>
        %swap3A_485 = vector.shape_cast %get3A_480 : vector<16xf32> to vector<1x16xf32>
        tpu.vector_store %arg8[%swap3A_481, %swap3A_482], %swap3A_485 {add = true, strides = array<i32>} : memref<16x1024xf32, #tpu.memory_space<vmem>>, vector<1x16xf32>,
        %get3A_486 = arith.index_cast %scan3A_181 : i32 to index
        %get3A_487 = arith.constant 544 : index
        %get3A_488 = tpu.vector_load %arg12[%get3A_486, %get3A_487] {strides = array<i32>} : memref<16x1024xf32, #tpu.memory_space<vmem>>, vector<1x16xf32>,
        %get3A_489 = vector.shape_cast %get3A_488 : vector<1x16xf32> to vector<16xf32>
        %swap3A_490 = arith.index_cast %scan3A_181 : i32 to index
        %swap3A_491 = arith.constant 544 : index
        %swap3A_492 = tpu.vector_load %arg8[%swap3A_490, %swap3A_491] {strides = array<i32>} : memref<16x1024xf32, #tpu.memory_space<vmem>>, vector<1x16xf32>,
        %swap3A_493 = vector.shape_cast %swap3A_492 : vector<1x16xf32> to vector<16xf32>
        %swap3A_494 = vector.shape_cast %get3A_489 : vector<16xf32> to vector<1x16xf32>
        tpu.vector_store %arg8[%swap3A_490, %swap3A_491], %swap3A_494 {add = true, strides = array<i32>} : memref<16x1024xf32, #tpu.memory_space<vmem>>, vector<1x16xf32>,
        %get3A_495 = arith.index_cast %scan3A_181 : i32 to index
        %get3A_496 = arith.constant 560 : index
        %get3A_497 = tpu.vector_load %arg12[%get3A_495, %get3A_496] {strides = array<i32>} : memref<16x1024xf32, #tpu.memory_space<vmem>>, vector<1x16xf32>,
        %get3A_498 = vector.shape_cast %get3A_497 : vector<1x16xf32> to vector<16xf32>
        %swap3A_499 = arith.index_cast %scan3A_181 : i32 to index
        %swap3A_500 = arith.constant 560 : index
        %swap3A_501 = tpu.vector_load %arg8[%swap3A_499, %swap3A_500] {strides = array<i32>} : memref<16x1024xf32, #tpu.memory_space<vmem>>, vector<1x16xf32>,
        %swap3A_502 = vector.shape_cast %swap3A_501 : vector<1x16xf32> to vector<16xf32>
        %swap3A_503 = vector.shape_cast %get3A_498 : vector<16xf32> to vector<1x16xf32>
        tpu.vector_store %arg8[%swap3A_499, %swap3A_500], %swap3A_503 {add = true, strides = array<i32>} : memref<16x1024xf32, #tpu.memory_space<vmem>>, vector<1x16xf32>,
        %get3A_504 = arith.index_cast %scan3A_181 : i32 to index
        %get3A_505 = arith.constant 576 : index
        %get3A_506 = tpu.vector_load %arg12[%get3A_504, %get3A_505] {strides = array<i32>} : memref<16x1024xf32, #tpu.memory_space<vmem>>, vector<1x16xf32>,
        %get3A_507 = vector.shape_cast %get3A_506 : vector<1x16xf32> to vector<16xf32>
        %swap3A_508 = arith.index_cast %scan3A_181 : i32 to index
        %swap3A_509 = arith.constant 576 : index
        %swap3A_510 = tpu.vector_load %arg8[%swap3A_508, %swap3A_509] {strides = array<i32>} : memref<16x1024xf32, #tpu.memory_space<vmem>>, vector<1x16xf32>,
        %swap3A_511 = vector.shape_cast %swap3A_510 : vector<1x16xf32> to vector<16xf32>
        %swap3A_512 = vector.shape_cast %get3A_507 : vector<16xf32> to vector<1x16xf32>
        tpu.vector_store %arg8[%swap3A_508, %swap3A_509], %swap3A_512 {add = true, strides = array<i32>} : memref<16x1024xf32, #tpu.memory_space<vmem>>, vector<1x16xf32>,
        %get3A_513 = arith.index_cast %scan3A_181 : i32 to index
        %get3A_514 = arith.constant 592 : index
        %get3A_515 = tpu.vector_load %arg12[%get3A_513, %get3A_514] {strides = array<i32>} : memref<16x1024xf32, #tpu.memory_space<vmem>>, vector<1x16xf32>,
        %get3A_516 = vector.shape_cast %get3A_515 : vector<1x16xf32> to vector<16xf32>
        %swap3A_517 = arith.index_cast %scan3A_181 : i32 to index
        %swap3A_518 = arith.constant 592 : index
        %swap3A_519 = tpu.vector_load %arg8[%swap3A_517, %swap3A_518] {strides = array<i32>} : memref<16x1024xf32, #tpu.memory_space<vmem>>, vector<1x16xf32>,
        %swap3A_520 = vector.shape_cast %swap3A_519 : vector<1x16xf32> to vector<16xf32>
        %swap3A_521 = vector.shape_cast %get3A_516 : vector<16xf32> to vector<1x16xf32>
        tpu.vector_store %arg8[%swap3A_517, %swap3A_518], %swap3A_521 {add = true, strides = array<i32>} : memref<16x1024xf32, #tpu.memory_space<vmem>>, vector<1x16xf32>,
        %get3A_522 = arith.index_cast %scan3A_181 : i32 to index
        %get3A_523 = arith.constant 608 : index
        %get3A_524 = tpu.vector_load %arg12[%get3A_522, %get3A_523] {strides = array<i32>} : memref<16x1024xf32, #tpu.memory_space<vmem>>, vector<1x16xf32>,
        %get3A_525 = vector.shape_cast %get3A_524 : vector<1x16xf32> to vector<16xf32>
        %swap3A_526 = arith.index_cast %scan3A_181 : i32 to index
        %swap3A_527 = arith.constant 608 : index
        %swap3A_528 = tpu.vector_load %arg8[%swap3A_526, %swap3A_527] {strides = array<i32>} : memref<16x1024xf32, #tpu.memory_space<vmem>>, vector<1x16xf32>,
        %swap3A_529 = vector.shape_cast %swap3A_528 : vector<1x16xf32> to vector<16xf32>
        %swap3A_530 = vector.shape_cast %get3A_525 : vector<16xf32> to vector<1x16xf32>
        tpu.vector_store %arg8[%swap3A_526, %swap3A_527], %swap3A_530 {add = true, strides = array<i32>} : memref<16x1024xf32, #tpu.memory_space<vmem>>, vector<1x16xf32>,
        %get3A_531 = arith.index_cast %scan3A_181 : i32 to index
        %get3A_532 = arith.constant 624 : index
        %get3A_533 = tpu.vector_load %arg12[%get3A_531, %get3A_532] {strides = array<i32>} : memref<16x1024xf32, #tpu.memory_space<vmem>>, vector<1x16xf32>,
        %get3A_534 = vector.shape_cast %get3A_533 : vector<1x16xf32> to vector<16xf32>
        %swap3A_535 = arith.index_cast %scan3A_181 : i32 to index
        %swap3A_536 = arith.constant 624 : index
        %swap3A_537 = tpu.vector_load %arg8[%swap3A_535, %swap3A_536] {strides = array<i32>} : memref<16x1024xf32, #tpu.memory_space<vmem>>, vector<1x16xf32>,
        %swap3A_538 = vector.shape_cast %swap3A_537 : vector<1x16xf32> to vector<16xf32>
        %swap3A_539 = vector.shape_cast %get3A_534 : vector<16xf32> to vector<1x16xf32>
        tpu.vector_store %arg8[%swap3A_535, %swap3A_536], %swap3A_539 {add = true, strides = array<i32>} : memref<16x1024xf32, #tpu.memory_space<vmem>>, vector<1x16xf32>,
        %get3A_540 = arith.index_cast %scan3A_181 : i32 to index
        %get3A_541 = arith.constant 640 : index
        %get3A_542 = tpu.vector_load %arg12[%get3A_540, %get3A_541] {strides = array<i32>} : memref<16x1024xf32, #tpu.memory_space<vmem>>, vector<1x16xf32>,
        %get3A_543 = vector.shape_cast %get3A_542 : vector<1x16xf32> to vector<16xf32>
        %swap3A_544 = arith.index_cast %scan3A_181 : i32 to index
        %swap3A_545 = arith.constant 640 : index
        %swap3A_546 = tpu.vector_load %arg8[%swap3A_544, %swap3A_545] {strides = array<i32>} : memref<16x1024xf32, #tpu.memory_space<vmem>>, vector<1x16xf32>,
        %swap3A_547 = vector.shape_cast %swap3A_546 : vector<1x16xf32> to vector<16xf32>
        %swap3A_548 = vector.shape_cast %get3A_543 : vector<16xf32> to vector<1x16xf32>
        tpu.vector_store %arg8[%swap3A_544, %swap3A_545], %swap3A_548 {add = true, strides = array<i32>} : memref<16x1024xf32, #tpu.memory_space<vmem>>, vector<1x16xf32>,
        %get3A_549 = arith.index_cast %scan3A_181 : i32 to index
        %get3A_550 = arith.constant 656 : index
        %get3A_551 = tpu.vector_load %arg12[%get3A_549, %get3A_550] {strides = array<i32>} : memref<16x1024xf32, #tpu.memory_space<vmem>>, vector<1x16xf32>,
        %get3A_552 = vector.shape_cast %get3A_551 : vector<1x16xf32> to vector<16xf32>
        %swap3A_553 = arith.index_cast %scan3A_181 : i32 to index
        %swap3A_554 = arith.constant 656 : index
        %swap3A_555 = tpu.vector_load %arg8[%swap3A_553, %swap3A_554] {strides = array<i32>} : memref<16x1024xf32, #tpu.memory_space<vmem>>, vector<1x16xf32>,
        %swap3A_556 = vector.shape_cast %swap3A_555 : vector<1x16xf32> to vector<16xf32>
        %swap3A_557 = vector.shape_cast %get3A_552 : vector<16xf32> to vector<1x16xf32>
        tpu.vector_store %arg8[%swap3A_553, %swap3A_554], %swap3A_557 {add = true, strides = array<i32>} : memref<16x1024xf32, #tpu.memory_space<vmem>>, vector<1x16xf32>,
        %get3A_558 = arith.index_cast %scan3A_181 : i32 to index
        %get3A_559 = arith.constant 672 : index
        %get3A_560 = tpu.vector_load %arg12[%get3A_558, %get3A_559] {strides = array<i32>} : memref<16x1024xf32, #tpu.memory_space<vmem>>, vector<1x16xf32>,
        %get3A_561 = vector.shape_cast %get3A_560 : vector<1x16xf32> to vector<16xf32>
        %swap3A_562 = arith.index_cast %scan3A_181 : i32 to index
        %swap3A_563 = arith.constant 672 : index
        %swap3A_564 = tpu.vector_load %arg8[%swap3A_562, %swap3A_563] {strides = array<i32>} : memref<16x1024xf32, #tpu.memory_space<vmem>>, vector<1x16xf32>,
        %swap3A_565 = vector.shape_cast %swap3A_564 : vector<1x16xf32> to vector<16xf32>
        %swap3A_566 = vector.shape_cast %get3A_561 : vector<16xf32> to vector<1x16xf32>
        tpu.vector_store %arg8[%swap3A_562, %swap3A_563], %swap3A_566 {add = true, strides = array<i32>} : memref<16x1024xf32, #tpu.memory_space<vmem>>, vector<1x16xf32>,
        %get3A_567 = arith.index_cast %scan3A_181 : i32 to index
        %get3A_568 = arith.constant 688 : index
        %get3A_569 = tpu.vector_load %arg12[%get3A_567, %get3A_568] {strides = array<i32>} : memref<16x1024xf32, #tpu.memory_space<vmem>>, vector<1x16xf32>,
        %get3A_570 = vector.shape_cast %get3A_569 : vector<1x16xf32> to vector<16xf32>
        %swap3A_571 = arith.index_cast %scan3A_181 : i32 to index
        %swap3A_572 = arith.constant 688 : index
        %swap3A_573 = tpu.vector_load %arg8[%swap3A_571, %swap3A_572] {strides = array<i32>} : memref<16x1024xf32, #tpu.memory_space<vmem>>, vector<1x16xf32>,
        %swap3A_574 = vector.shape_cast %swap3A_573 : vector<1x16xf32> to vector<16xf32>
        %swap3A_575 = vector.shape_cast %get3A_570 : vector<16xf32> to vector<1x16xf32>
        tpu.vector_store %arg8[%swap3A_571, %swap3A_572], %swap3A_575 {add = true, strides = array<i32>} : memref<16x1024xf32, #tpu.memory_space<vmem>>, vector<1x16xf32>,
        %get3A_576 = arith.index_cast %scan3A_181 : i32 to index
        %get3A_577 = arith.constant 704 : index
        %get3A_578 = tpu.vector_load %arg12[%get3A_576, %get3A_577] {strides = array<i32>} : memref<16x1024xf32, #tpu.memory_space<vmem>>, vector<1x16xf32>,
        %get3A_579 = vector.shape_cast %get3A_578 : vector<1x16xf32> to vector<16xf32>
        %swap3A_580 = arith.index_cast %scan3A_181 : i32 to index
        %swap3A_581 = arith.constant 704 : index
        %swap3A_582 = tpu.vector_load %arg8[%swap3A_580, %swap3A_581] {strides = array<i32>} : memref<16x1024xf32, #tpu.memory_space<vmem>>, vector<1x16xf32>,
        %swap3A_583 = vector.shape_cast %swap3A_582 : vector<1x16xf32> to vector<16xf32>
        %swap3A_584 = vector.shape_cast %get3A_579 : vector<16xf32> to vector<1x16xf32>
        tpu.vector_store %arg8[%swap3A_580, %swap3A_581], %swap3A_584 {add = true, strides = array<i32>} : memref<16x1024xf32, #tpu.memory_space<vmem>>, vector<1x16xf32>,
        %get3A_585 = arith.index_cast %scan3A_181 : i32 to index
        %get3A_586 = arith.constant 720 : index
        %get3A_587 = tpu.vector_load %arg12[%get3A_585, %get3A_586] {strides = array<i32>} : memref<16x1024xf32, #tpu.memory_space<vmem>>, vector<1x16xf32>,
        %get3A_588 = vector.shape_cast %get3A_587 : vector<1x16xf32> to vector<16xf32>
        %swap3A_589 = arith.index_cast %scan3A_181 : i32 to index
        %swap3A_590 = arith.constant 720 : index
        %swap3A_591 = tpu.vector_load %arg8[%swap3A_589, %swap3A_590] {strides = array<i32>} : memref<16x1024xf32, #tpu.memory_space<vmem>>, vector<1x16xf32>,
        %swap3A_592 = vector.shape_cast %swap3A_591 : vector<1x16xf32> to vector<16xf32>
        %swap3A_593 = vector.shape_cast %get3A_588 : vector<16xf32> to vector<1x16xf32>
        tpu.vector_store %arg8[%swap3A_589, %swap3A_590], %swap3A_593 {add = true, strides = array<i32>} : memref<16x1024xf32, #tpu.memory_space<vmem>>, vector<1x16xf32>,
        %get3A_594 = arith.index_cast %scan3A_181 : i32 to index
        %get3A_595 = arith.constant 736 : index
        %get3A_596 = tpu.vector_load %arg12[%get3A_594, %get3A_595] {strides = array<i32>} : memref<16x1024xf32, #tpu.memory_space<vmem>>, vector<1x16xf32>,
        %get3A_597 = vector.shape_cast %get3A_596 : vector<1x16xf32> to vector<16xf32>
        %swap3A_598 = arith.index_cast %scan3A_181 : i32 to index
        %swap3A_599 = arith.constant 736 : index
        %swap3A_600 = tpu.vector_load %arg8[%swap3A_598, %swap3A_599] {strides = array<i32>} : memref<16x1024xf32, #tpu.memory_space<vmem>>, vector<1x16xf32>,
        %swap3A_601 = vector.shape_cast %swap3A_600 : vector<1x16xf32> to vector<16xf32>
        %swap3A_602 = vector.shape_cast %get3A_597 : vector<16xf32> to vector<1x16xf32>
        tpu.vector_store %arg8[%swap3A_598, %swap3A_599], %swap3A_602 {add = true, strides = array<i32>} : memref<16x1024xf32, #tpu.memory_space<vmem>>, vector<1x16xf32>,
        %get3A_603 = arith.index_cast %scan3A_181 : i32 to index
        %get3A_604 = arith.constant 752 : index
        %get3A_605 = tpu.vector_load %arg12[%get3A_603, %get3A_604] {strides = array<i32>} : memref<16x1024xf32, #tpu.memory_space<vmem>>, vector<1x16xf32>,
        %get3A_606 = vector.shape_cast %get3A_605 : vector<1x16xf32> to vector<16xf32>
        %swap3A_607 = arith.index_cast %scan3A_181 : i32 to index
        %swap3A_608 = arith.constant 752 : index
        %swap3A_609 = tpu.vector_load %arg8[%swap3A_607, %swap3A_608] {strides = array<i32>} : memref<16x1024xf32, #tpu.memory_space<vmem>>, vector<1x16xf32>,
        %swap3A_610 = vector.shape_cast %swap3A_609 : vector<1x16xf32> to vector<16xf32>
        %swap3A_611 = vector.shape_cast %get3A_606 : vector<16xf32> to vector<1x16xf32>
        tpu.vector_store %arg8[%swap3A_607, %swap3A_608], %swap3A_611 {add = true, strides = array<i32>} : memref<16x1024xf32, #tpu.memory_space<vmem>>, vector<1x16xf32>,
        %get3A_612 = arith.index_cast %scan3A_181 : i32 to index
        %get3A_613 = arith.constant 768 : index
        %get3A_614 = tpu.vector_load %arg12[%get3A_612, %get3A_613] {strides = array<i32>} : memref<16x1024xf32, #tpu.memory_space<vmem>>, vector<1x16xf32>,
        %get3A_615 = vector.shape_cast %get3A_614 : vector<1x16xf32> to vector<16xf32>
        %swap3A_616 = arith.index_cast %scan3A_181 : i32 to index
        %swap3A_617 = arith.constant 768 : index
        %swap3A_618 = tpu.vector_load %arg8[%swap3A_616, %swap3A_617] {strides = array<i32>} : memref<16x1024xf32, #tpu.memory_space<vmem>>, vector<1x16xf32>,
        %swap3A_619 = vector.shape_cast %swap3A_618 : vector<1x16xf32> to vector<16xf32>
        %swap3A_620 = vector.shape_cast %get3A_615 : vector<16xf32> to vector<1x16xf32>
        tpu.vector_store %arg8[%swap3A_616, %swap3A_617], %swap3A_620 {add = true, strides = array<i32>} : memref<16x1024xf32, #tpu.memory_space<vmem>>, vector<1x16xf32>,
        %get3A_621 = arith.index_cast %scan3A_181 : i32 to index
        %get3A_622 = arith.constant 784 : index
        %get3A_623 = tpu.vector_load %arg12[%get3A_621, %get3A_622] {strides = array<i32>} : memref<16x1024xf32, #tpu.memory_space<vmem>>, vector<1x16xf32>,
        %get3A_624 = vector.shape_cast %get3A_623 : vector<1x16xf32> to vector<16xf32>
        %swap3A_625 = arith.index_cast %scan3A_181 : i32 to index
        %swap3A_626 = arith.constant 784 : index
        %swap3A_627 = tpu.vector_load %arg8[%swap3A_625, %swap3A_626] {strides = array<i32>} : memref<16x1024xf32, #tpu.memory_space<vmem>>, vector<1x16xf32>,
        %swap3A_628 = vector.shape_cast %swap3A_627 : vector<1x16xf32> to vector<16xf32>
        %swap3A_629 = vector.shape_cast %get3A_624 : vector<16xf32> to vector<1x16xf32>
        tpu.vector_store %arg8[%swap3A_625, %swap3A_626], %swap3A_629 {add = true, strides = array<i32>} : memref<16x1024xf32, #tpu.memory_space<vmem>>, vector<1x16xf32>,
        %get3A_630 = arith.index_cast %scan3A_181 : i32 to index
        %get3A_631 = arith.constant 800 : index
        %get3A_632 = tpu.vector_load %arg12[%get3A_630, %get3A_631] {strides = array<i32>} : memref<16x1024xf32, #tpu.memory_space<vmem>>, vector<1x16xf32>,
        %get3A_633 = vector.shape_cast %get3A_632 : vector<1x16xf32> to vector<16xf32>
        %swap3A_634 = arith.index_cast %scan3A_181 : i32 to index
        %swap3A_635 = arith.constant 800 : index
        %swap3A_636 = tpu.vector_load %arg8[%swap3A_634, %swap3A_635] {strides = array<i32>} : memref<16x1024xf32, #tpu.memory_space<vmem>>, vector<1x16xf32>,
        %swap3A_637 = vector.shape_cast %swap3A_636 : vector<1x16xf32> to vector<16xf32>
        %swap3A_638 = vector.shape_cast %get3A_633 : vector<16xf32> to vector<1x16xf32>
        tpu.vector_store %arg8[%swap3A_634, %swap3A_635], %swap3A_638 {add = true, strides = array<i32>} : memref<16x1024xf32, #tpu.memory_space<vmem>>, vector<1x16xf32>,
        %get3A_639 = arith.index_cast %scan3A_181 : i32 to index
        %get3A_640 = arith.constant 816 : index
        %get3A_641 = tpu.vector_load %arg12[%get3A_639, %get3A_640] {strides = array<i32>} : memref<16x1024xf32, #tpu.memory_space<vmem>>, vector<1x16xf32>,
        %get3A_642 = vector.shape_cast %get3A_641 : vector<1x16xf32> to vector<16xf32>
        %swap3A_643 = arith.index_cast %scan3A_181 : i32 to index
        %swap3A_644 = arith.constant 816 : index
        %swap3A_645 = tpu.vector_load %arg8[%swap3A_643, %swap3A_644] {strides = array<i32>} : memref<16x1024xf32, #tpu.memory_space<vmem>>, vector<1x16xf32>,
        %swap3A_646 = vector.shape_cast %swap3A_645 : vector<1x16xf32> to vector<16xf32>
        %swap3A_647 = vector.shape_cast %get3A_642 : vector<16xf32> to vector<1x16xf32>
        tpu.vector_store %arg8[%swap3A_643, %swap3A_644], %swap3A_647 {add = true, strides = array<i32>} : memref<16x1024xf32, #tpu.memory_space<vmem>>, vector<1x16xf32>,
        %get3A_648 = arith.index_cast %scan3A_181 : i32 to index
        %get3A_649 = arith.constant 832 : index
        %get3A_650 = tpu.vector_load %arg12[%get3A_648, %get3A_649] {strides = array<i32>} : memref<16x1024xf32, #tpu.memory_space<vmem>>, vector<1x16xf32>,
        %get3A_651 = vector.shape_cast %get3A_650 : vector<1x16xf32> to vector<16xf32>
        %swap3A_652 = arith.index_cast %scan3A_181 : i32 to index
        %swap3A_653 = arith.constant 832 : index
        %swap3A_654 = tpu.vector_load %arg8[%swap3A_652, %swap3A_653] {strides = array<i32>} : memref<16x1024xf32, #tpu.memory_space<vmem>>, vector<1x16xf32>,
        %swap3A_655 = vector.shape_cast %swap3A_654 : vector<1x16xf32> to vector<16xf32>
        %swap3A_656 = vector.shape_cast %get3A_651 : vector<16xf32> to vector<1x16xf32>
        tpu.vector_store %arg8[%swap3A_652, %swap3A_653], %swap3A_656 {add = true, strides = array<i32>} : memref<16x1024xf32, #tpu.memory_space<vmem>>, vector<1x16xf32>,
        %get3A_657 = arith.index_cast %scan3A_181 : i32 to index
        %get3A_658 = arith.constant 848 : index
        %get3A_659 = tpu.vector_load %arg12[%get3A_657, %get3A_658] {strides = array<i32>} : memref<16x1024xf32, #tpu.memory_space<vmem>>, vector<1x16xf32>,
        %get3A_660 = vector.shape_cast %get3A_659 : vector<1x16xf32> to vector<16xf32>
        %swap3A_661 = arith.index_cast %scan3A_181 : i32 to index
        %swap3A_662 = arith.constant 848 : index
        %swap3A_663 = tpu.vector_load %arg8[%swap3A_661, %swap3A_662] {strides = array<i32>} : memref<16x1024xf32, #tpu.memory_space<vmem>>, vector<1x16xf32>,
        %swap3A_664 = vector.shape_cast %swap3A_663 : vector<1x16xf32> to vector<16xf32>
        %swap3A_665 = vector.shape_cast %get3A_660 : vector<16xf32> to vector<1x16xf32>
        tpu.vector_store %arg8[%swap3A_661, %swap3A_662], %swap3A_665 {add = true, strides = array<i32>} : memref<16x1024xf32, #tpu.memory_space<vmem>>, vector<1x16xf32>,
        %get3A_666 = arith.index_cast %scan3A_181 : i32 to index
        %get3A_667 = arith.constant 864 : index
        %get3A_668 = tpu.vector_load %arg12[%get3A_666, %get3A_667] {strides = array<i32>} : memref<16x1024xf32, #tpu.memory_space<vmem>>, vector<1x16xf32>,
        %get3A_669 = vector.shape_cast %get3A_668 : vector<1x16xf32> to vector<16xf32>
        %swap3A_670 = arith.index_cast %scan3A_181 : i32 to index
        %swap3A_671 = arith.constant 864 : index
        %swap3A_672 = tpu.vector_load %arg8[%swap3A_670, %swap3A_671] {strides = array<i32>} : memref<16x1024xf32, #tpu.memory_space<vmem>>, vector<1x16xf32>,
        %swap3A_673 = vector.shape_cast %swap3A_672 : vector<1x16xf32> to vector<16xf32>
        %swap3A_674 = vector.shape_cast %get3A_669 : vector<16xf32> to vector<1x16xf32>
        tpu.vector_store %arg8[%swap3A_670, %swap3A_671], %swap3A_674 {add = true, strides = array<i32>} : memref<16x1024xf32, #tpu.memory_space<vmem>>, vector<1x16xf32>,
        %get3A_675 = arith.index_cast %scan3A_181 : i32 to index
        %get3A_676 = arith.constant 880 : index
        %get3A_677 = tpu.vector_load %arg12[%get3A_675, %get3A_676] {strides = array<i32>} : memref<16x1024xf32, #tpu.memory_space<vmem>>, vector<1x16xf32>,
        %get3A_678 = vector.shape_cast %get3A_677 : vector<1x16xf32> to vector<16xf32>
        %swap3A_679 = arith.index_cast %scan3A_181 : i32 to index
        %swap3A_680 = arith.constant 880 : index
        %swap3A_681 = tpu.vector_load %arg8[%swap3A_679, %swap3A_680] {strides = array<i32>} : memref<16x1024xf32, #tpu.memory_space<vmem>>, vector<1x16xf32>,
        %swap3A_682 = vector.shape_cast %swap3A_681 : vector<1x16xf32> to vector<16xf32>
        %swap3A_683 = vector.shape_cast %get3A_678 : vector<16xf32> to vector<1x16xf32>
        tpu.vector_store %arg8[%swap3A_679, %swap3A_680], %swap3A_683 {add = true, strides = array<i32>} : memref<16x1024xf32, #tpu.memory_space<vmem>>, vector<1x16xf32>,
        %get3A_684 = arith.index_cast %scan3A_181 : i32 to index
        %get3A_685 = arith.constant 896 : index
        %get3A_686 = tpu.vector_load %arg12[%get3A_684, %get3A_685] {strides = array<i32>} : memref<16x1024xf32, #tpu.memory_space<vmem>>, vector<1x16xf32>,
        %get3A_687 = vector.shape_cast %get3A_686 : vector<1x16xf32> to vector<16xf32>
        %swap3A_688 = arith.index_cast %scan3A_181 : i32 to index
        %swap3A_689 = arith.constant 896 : index
        %swap3A_690 = tpu.vector_load %arg8[%swap3A_688, %swap3A_689] {strides = array<i32>} : memref<16x1024xf32, #tpu.memory_space<vmem>>, vector<1x16xf32>,
        %swap3A_691 = vector.shape_cast %swap3A_690 : vector<1x16xf32> to vector<16xf32>
        %swap3A_692 = vector.shape_cast %get3A_687 : vector<16xf32> to vector<1x16xf32>
        tpu.vector_store %arg8[%swap3A_688, %swap3A_689], %swap3A_692 {add = true, strides = array<i32>} : memref<16x1024xf32, #tpu.memory_space<vmem>>, vector<1x16xf32>,
        %get3A_693 = arith.index_cast %scan3A_181 : i32 to index
        %get3A_694 = arith.constant 912 : index
        %get3A_695 = tpu.vector_load %arg12[%get3A_693, %get3A_694] {strides = array<i32>} : memref<16x1024xf32, #tpu.memory_space<vmem>>, vector<1x16xf32>,
        %get3A_696 = vector.shape_cast %get3A_695 : vector<1x16xf32> to vector<16xf32>
        %swap3A_697 = arith.index_cast %scan3A_181 : i32 to index
        %swap3A_698 = arith.constant 912 : index
        %swap3A_699 = tpu.vector_load %arg8[%swap3A_697, %swap3A_698] {strides = array<i32>} : memref<16x1024xf32, #tpu.memory_space<vmem>>, vector<1x16xf32>,
        %swap3A_700 = vector.shape_cast %swap3A_699 : vector<1x16xf32> to vector<16xf32>
        %swap3A_701 = vector.shape_cast %get3A_696 : vector<16xf32> to vector<1x16xf32>
        tpu.vector_store %arg8[%swap3A_697, %swap3A_698], %swap3A_701 {add = true, strides = array<i32>} : memref<16x1024xf32, #tpu.memory_space<vmem>>, vector<1x16xf32>,
        %get3A_702 = arith.index_cast %scan3A_181 : i32 to index
        %get3A_703 = arith.constant 928 : index
        %get3A_704 = tpu.vector_load %arg12[%get3A_702, %get3A_703] {strides = array<i32>} : memref<16x1024xf32, #tpu.memory_space<vmem>>, vector<1x16xf32>,
        %get3A_705 = vector.shape_cast %get3A_704 : vector<1x16xf32> to vector<16xf32>
        %swap3A_706 = arith.index_cast %scan3A_181 : i32 to index
        %swap3A_707 = arith.constant 928 : index
        %swap3A_708 = tpu.vector_load %arg8[%swap3A_706, %swap3A_707] {strides = array<i32>} : memref<16x1024xf32, #tpu.memory_space<vmem>>, vector<1x16xf32>,
        %swap3A_709 = vector.shape_cast %swap3A_708 : vector<1x16xf32> to vector<16xf32>
        %swap3A_710 = vector.shape_cast %get3A_705 : vector<16xf32> to vector<1x16xf32>
        tpu.vector_store %arg8[%swap3A_706, %swap3A_707], %swap3A_710 {add = true, strides = array<i32>} : memref<16x1024xf32, #tpu.memory_space<vmem>>, vector<1x16xf32>,
        %get3A_711 = arith.index_cast %scan3A_181 : i32 to index
        %get3A_712 = arith.constant 944 : index
        %get3A_713 = tpu.vector_load %arg12[%get3A_711, %get3A_712] {strides = array<i32>} : memref<16x1024xf32, #tpu.memory_space<vmem>>, vector<1x16xf32>,
        %get3A_714 = vector.shape_cast %get3A_713 : vector<1x16xf32> to vector<16xf32>
        %swap3A_715 = arith.index_cast %scan3A_181 : i32 to index
        %swap3A_716 = arith.constant 944 : index
        %swap3A_717 = tpu.vector_load %arg8[%swap3A_715, %swap3A_716] {strides = array<i32>} : memref<16x1024xf32, #tpu.memory_space<vmem>>, vector<1x16xf32>,
        %swap3A_718 = vector.shape_cast %swap3A_717 : vector<1x16xf32> to vector<16xf32>
        %swap3A_719 = vector.shape_cast %get3A_714 : vector<16xf32> to vector<1x16xf32>
        tpu.vector_store %arg8[%swap3A_715, %swap3A_716], %swap3A_719 {add = true, strides = array<i32>} : memref<16x1024xf32, #tpu.memory_space<vmem>>, vector<1x16xf32>,
        %get3A_720 = arith.index_cast %scan3A_181 : i32 to index
        %get3A_721 = arith.constant 960 : index
        %get3A_722 = tpu.vector_load %arg12[%get3A_720, %get3A_721] {strides = array<i32>} : memref<16x1024xf32, #tpu.memory_space<vmem>>, vector<1x16xf32>,
        %get3A_723 = vector.shape_cast %get3A_722 : vector<1x16xf32> to vector<16xf32>
        %swap3A_724 = arith.index_cast %scan3A_181 : i32 to index
        %swap3A_725 = arith.constant 960 : index
        %swap3A_726 = tpu.vector_load %arg8[%swap3A_724, %swap3A_725] {strides = array<i32>} : memref<16x1024xf32, #tpu.memory_space<vmem>>, vector<1x16xf32>,
        %swap3A_727 = vector.shape_cast %swap3A_726 : vector<1x16xf32> to vector<16xf32>
        %swap3A_728 = vector.shape_cast %get3A_723 : vector<16xf32> to vector<1x16xf32>
        tpu.vector_store %arg8[%swap3A_724, %swap3A_725], %swap3A_728 {add = true, strides = array<i32>} : memref<16x1024xf32, #tpu.memory_space<vmem>>, vector<1x16xf32>,
        %get3A_729 = arith.index_cast %scan3A_181 : i32 to index
        %get3A_730 = arith.constant 976 : index
        %get3A_731 = tpu.vector_load %arg12[%get3A_729, %get3A_730] {strides = array<i32>} : memref<16x1024xf32, #tpu.memory_space<vmem>>, vector<1x16xf32>,
        %get3A_732 = vector.shape_cast %get3A_731 : vector<1x16xf32> to vector<16xf32>
        %swap3A_733 = arith.index_cast %scan3A_181 : i32 to index
        %swap3A_734 = arith.constant 976 : index
        %swap3A_735 = tpu.vector_load %arg8[%swap3A_733, %swap3A_734] {strides = array<i32>} : memref<16x1024xf32, #tpu.memory_space<vmem>>, vector<1x16xf32>,
        %swap3A_736 = vector.shape_cast %swap3A_735 : vector<1x16xf32> to vector<16xf32>
        %swap3A_737 = vector.shape_cast %get3A_732 : vector<16xf32> to vector<1x16xf32>
        tpu.vector_store %arg8[%swap3A_733, %swap3A_734], %swap3A_737 {add = true, strides = array<i32>} : memref<16x1024xf32, #tpu.memory_space<vmem>>, vector<1x16xf32>,
        %get3A_738 = arith.index_cast %scan3A_181 : i32 to index
        %get3A_739 = arith.constant 992 : index
        %get3A_740 = tpu.vector_load %arg12[%get3A_738, %get3A_739] {strides = array<i32>} : memref<16x1024xf32, #tpu.memory_space<vmem>>, vector<1x16xf32>,
        %get3A_741 = vector.shape_cast %get3A_740 : vector<1x16xf32> to vector<16xf32>
        %swap3A_742 = arith.index_cast %scan3A_181 : i32 to index
        %swap3A_743 = arith.constant 992 : index
        %swap3A_744 = tpu.vector_load %arg8[%swap3A_742, %swap3A_743] {strides = array<i32>} : memref<16x1024xf32, #tpu.memory_space<vmem>>, vector<1x16xf32>,
        %swap3A_745 = vector.shape_cast %swap3A_744 : vector<1x16xf32> to vector<16xf32>
        %swap3A_746 = vector.shape_cast %get3A_741 : vector<16xf32> to vector<1x16xf32>
        tpu.vector_store %arg8[%swap3A_742, %swap3A_743], %swap3A_746 {add = true, strides = array<i32>} : memref<16x1024xf32, #tpu.memory_space<vmem>>, vector<1x16xf32>,
        %get3A_747 = arith.index_cast %scan3A_181 : i32 to index
        %get3A_748 = arith.constant 1008 : index
        %get3A_749 = tpu.vector_load %arg12[%get3A_747, %get3A_748] {strides = array<i32>} : memref<16x1024xf32, #tpu.memory_space<vmem>>, vector<1x16xf32>,
        %get3A_750 = vector.shape_cast %get3A_749 : vector<1x16xf32> to vector<16xf32>
        %swap3A_751 = arith.index_cast %scan3A_181 : i32 to index
        %swap3A_752 = arith.constant 1008 : index
        %swap3A_753 = tpu.vector_load %arg8[%swap3A_751, %swap3A_752] {strides = array<i32>} : memref<16x1024xf32, #tpu.memory_space<vmem>>, vector<1x16xf32>,
        %swap3A_754 = vector.shape_cast %swap3A_753 : vector<1x16xf32> to vector<16xf32>
        %swap3A_755 = vector.shape_cast %get3A_750 : vector<16xf32> to vector<1x16xf32>
        tpu.vector_store %arg8[%swap3A_751, %swap3A_752], %swap3A_755 {add = true, strides = array<i32>} : memref<16x1024xf32, #tpu.memory_space<vmem>>, vector<1x16xf32>,
      }
      %scan3A_103 = arith.constant 16 : i32
      %mul3A_104 = arith.constant 16 : i32
      %mul3A_105 = arith.muli %add3A_77, %mul3A_104 : i32
      %add3A_106 = arith.addi %mul3A_2, %mul3A_105 : i32
      %dma_start3A_107 = arith.constant 0 : i32
      %dma_start3A_108 = tpu.memref_slice %arg5[%add3A_106, %dma_start3A_107] : memref<16384x1024xf32, #tpu.memory_space<hbm>> -> memref<16x1024xf32, #tpu.memory_space<hbm>>
      %dma_start3A_109 = arith.constant 0 : i32
      %dma_start3A_110 = tpu.memref_slice %arg5[%add3A_106, %dma_start3A_109] : memref<16384x1024xf32, #tpu.memory_space<hbm>> -> memref<16x1024xf32, #tpu.memory_space<hbm>>
      tpu.enqueue_dma source(%arg8 : memref<16x1024xf32, #tpu.memory_space<vmem>>) target(%dma_start3A_110 : memref<16x1024xf32, #tpu.memory_space<hbm>>) target_semaphore(%arg20 : memref<!tpu.dma_semaphore, #tpu.memory_space<semaphore_mem>>)
      %add3A_111 = arith.constant 2 : i32
      %add3A_112 = arith.addi %mul3A_43, %add3A_111 : i32
      %add3A_113 = arith.constant 1 : i32
      %add3A_114 = arith.addi %add3A_112, %add3A_113 : i32
      %lt3A_115 = arith.constant 32 : i32
      %lt3A_116 = arith.cmpi slt, %add3A_114, %lt3A_115 : i32
      %convert_element_type3A_117 = arith.extui %lt3A_116 : i1 to i32
      %cond3A_118 = arith.constant 0 : i32
      %cond3A_119 = arith.cmpi ne, %convert_element_type3A_117, %cond3A_118 : i32
      scf.if %cond3A_119 {
        %add3A_181 = arith.constant 1 : i32
        %add3A_182 = arith.addi %add3A_112, %add3A_181 : i32
        %mul3A_183 = arith.constant 16 : i32
        %mul3A_184 = arith.muli %add3A_182, %mul3A_183 : i32
        %dma_start3A_185 = tpu.memref_slice %arg6[%mul3A_184] : memref<512xi32, #tpu.memory_space<vmem>> -> memref<16xi32, #tpu.memory_space<vmem>>
        %dma_start3A_186 = arith.constant 0 : i32
        %dma_start3A_187 = arith.constant 0 : i32
        %dma_start3A_188 = tpu.memref_slice %arg4[%dma_start3A_186, %dma_start3A_187] : memref<32768x1024xf32, #tpu.memory_space<hbm>> -> memref<32768x1024xf32, #tpu.memory_space<hbm>>
        tpu.enqueue_indirect_dma source(%dma_start3A_188 : memref<32768x1024xf32, #tpu.memory_space<hbm>>) target(%arg12 : memref<16x1024xf32, #tpu.memory_space<vmem>>) offsets(%dma_start3A_185 : memref<16xi32, #tpu.memory_space<vmem>>) semaphore(%arg18 : memref<!tpu.dma_semaphore, #tpu.memory_space<semaphore_mem>>)
        %add3A_189 = arith.constant 1 : i32
        %add3A_190 = arith.addi %add3A_112, %add3A_189 : i32
        %ge3A = arith.constant 4 : i32
        %ge3A_191 = arith.cmpi sge, %add3A_190, %ge3A : i32
        %convert_element_type3A_192 = arith.extui %ge3A_191 : i1 to i32
        %cond3A_193 = arith.constant 0 : i32
        %cond3A_194 = arith.cmpi ne, %convert_element_type3A_192, %cond3A_193 : i32
        scf.if %cond3A_194 {
          %add3A_204 = arith.constant 1 : i32
          %add3A_205 = arith.addi %add3A_112, %add3A_204 : i32
          %sub3A = arith.constant 4 : i32
          %sub3A_206 = arith.subi %add3A_205, %sub3A : i32
          %mul3A_207 = arith.constant 16 : i32
          %mul3A_208 = arith.muli %sub3A_206, %mul3A_207 : i32
          %add3A_209 = arith.addi %mul3A_2, %mul3A_208 : i32
          %dma_wait3A_210 = arith.constant 0 : i32
          %dma_wait3A_211 = tpu.memref_slice %arg5[%add3A_209, %dma_wait3A_210] : memref<16384x1024xf32, #tpu.memory_space<hbm>> -> memref<16x1024xf32, #tpu.memory_space<hbm>>
          %dma_wait3A_212 = arith.constant 0 : i32
          %dma_wait3A_213 = tpu.memref_slice %arg5[%add3A_209, %dma_wait3A_212] : memref<16384x1024xf32, #tpu.memory_space<hbm>> -> memref<16x1024xf32, #tpu.memory_space<hbm>>
          tpu.wait_dma2 semaphore(%arg22 : memref<!tpu.dma_semaphore, #tpu.memory_space<semaphore_mem>>) src(%arg10 : memref<16x1024xf32, #tpu.memory_space<vmem>>) dst(%dma_wait3A_213 : memref<16x1024xf32, #tpu.memory_space<hbm>>)
        } else {
        }
        %add3A_195 = arith.constant 1 : i32
        %add3A_196 = arith.addi %add3A_112, %add3A_195 : i32
        %mul3A_197 = arith.constant 16 : i32
        %mul3A_198 = arith.muli %add3A_196, %mul3A_197 : i32
        %add3A_199 = arith.addi %mul3A_2, %mul3A_198 : i32
        %dma_start3A_200 = arith.constant 0 : i32
        %dma_start3A_201 = tpu.memref_slice %arg2[%add3A_199, %dma_start3A_200] : memref<16384x1024xf32, #tpu.memory_space<hbm>> -> memref<16x1024xf32, #tpu.memory_space<hbm>>
        %dma_start3A_202 = arith.constant 0 : i32
        %dma_start3A_203 = tpu.memref_slice %arg2[%add3A_199, %dma_start3A_202] : memref<16384x1024xf32, #tpu.memory_space<hbm>> -> memref<16x1024xf32, #tpu.memory_space<hbm>>
        tpu.enqueue_dma source(%dma_start3A_203 : memref<16x1024xf32, #tpu.memory_space<hbm>>) target(%arg10 : memref<16x1024xf32, #tpu.memory_space<vmem>>) target_semaphore(%arg16 : memref<!tpu.dma_semaphore, #tpu.memory_space<semaphore_mem>>)
      } else {
      }
      %mul3A_120 = arith.constant 16 : i32
      %mul3A_121 = arith.muli %add3A_112, %mul3A_120 : i32
      %dma_wait3A_122 = tpu.memref_slice %arg6[%mul3A_121] : memref<512xi32, #tpu.memory_space<vmem>> -> memref<16xi32, #tpu.memory_space<vmem>>
      %dma_wait3A_123 = arith.constant 0 : i32
      %dma_wait3A_124 = arith.constant 0 : i32
      %dma_wait3A_125 = tpu.memref_slice %arg4[%dma_wait3A_123, %dma_wait3A_124] : memref<32768x1024xf32, #tpu.memory_space<hbm>> -> memref<32768x1024xf32, #tpu.memory_space<hbm>>
      tpu.wait_indirect_dma semaphore(%arg17 : memref<!tpu.dma_semaphore, #tpu.memory_space<semaphore_mem>>) src(%dma_wait3A_125 : memref<32768x1024xf32, #tpu.memory_space<hbm>>) dst(%arg11 : memref<16x1024xf32, #tpu.memory_space<vmem>>)
      %mul3A_126 = arith.constant 16 : i32
      %mul3A_127 = arith.muli %add3A_112, %mul3A_126 : i32
      %add3A_128 = arith.addi %mul3A_2, %mul3A_127 : i32
      %dma_wait3A_129 = arith.constant 0 : i32
      %dma_wait3A_130 = tpu.memref_slice %arg2[%add3A_128, %dma_wait3A_129] : memref<16384x1024xf32, #tpu.memory_space<hbm>> -> memref<16x1024xf32, #tpu.memory_space<hbm>>
      %dma_wait3A_131 = arith.constant 0 : i32
      %dma_wait3A_132 = tpu.memref_slice %arg2[%add3A_128, %dma_wait3A_131] : memref<16384x1024xf32, #tpu.memory_space<hbm>> -> memref<16x1024xf32, #tpu.memory_space<hbm>>
      tpu.wait_dma2 semaphore(%arg15 : memref<!tpu.dma_semaphore, #tpu.memory_space<semaphore_mem>>) src(%dma_wait3A_132 : memref<16x1024xf32, #tpu.memory_space<hbm>>) dst(%arg9 : memref<16x1024xf32, #tpu.memory_space<vmem>>)
      %scan3A_133 = arith.constant 0 : i32
      %scan3A_134 = arith.constant 0 : i32
      %scan3A_135 = arith.constant 16 : i32
      %scan3A_136 = arith.addi %scan3A_134, %scan3A_135 : i32
      %scan3A_137 = arith.constant 1 : i32
      scf.for %scan3A_181 = %scan3A_134 to %scan3A_136 step %scan3A_137  : i32 {
        %get3A = arith.index_cast %scan3A_181 : i32 to index
        %get3A_182 = arith.constant 0 : index
        %get3A_183 = tpu.vector_load %arg11[%get3A, %get3A_182] {strides = array<i32>} : memref<16x1024xf32, #tpu.memory_space<vmem>>, vector<1x16xf32>,
        %get3A_184 = vector.shape_cast %get3A_183 : vector<1x16xf32> to vector<16xf32>
        %swap3A = arith.index_cast %scan3A_181 : i32 to index
        %swap3A_185 = arith.constant 0 : index
        %swap3A_186 = tpu.vector_load %arg9[%swap3A, %swap3A_185] {strides = array<i32>} : memref<16x1024xf32, #tpu.memory_space<vmem>>, vector<1x16xf32>,
        %swap3A_187 = vector.shape_cast %swap3A_186 : vector<1x16xf32> to vector<16xf32>
        %swap3A_188 = vector.shape_cast %get3A_184 : vector<16xf32> to vector<1x16xf32>
        tpu.vector_store %arg9[%swap3A, %swap3A_185], %swap3A_188 {add = true, strides = array<i32>} : memref<16x1024xf32, #tpu.memory_space<vmem>>, vector<1x16xf32>,
        %get3A_189 = arith.index_cast %scan3A_181 : i32 to index
        %get3A_190 = arith.constant 16 : index
        %get3A_191 = tpu.vector_load %arg11[%get3A_189, %get3A_190] {strides = array<i32>} : memref<16x1024xf32, #tpu.memory_space<vmem>>, vector<1x16xf32>,
        %get3A_192 = vector.shape_cast %get3A_191 : vector<1x16xf32> to vector<16xf32>
        %swap3A_193 = arith.index_cast %scan3A_181 : i32 to index
        %swap3A_194 = arith.constant 16 : index
        %swap3A_195 = tpu.vector_load %arg9[%swap3A_193, %swap3A_194] {strides = array<i32>} : memref<16x1024xf32, #tpu.memory_space<vmem>>, vector<1x16xf32>,
        %swap3A_196 = vector.shape_cast %swap3A_195 : vector<1x16xf32> to vector<16xf32>
        %swap3A_197 = vector.shape_cast %get3A_192 : vector<16xf32> to vector<1x16xf32>
        tpu.vector_store %arg9[%swap3A_193, %swap3A_194], %swap3A_197 {add = true, strides = array<i32>} : memref<16x1024xf32, #tpu.memory_space<vmem>>, vector<1x16xf32>,
        %get3A_198 = arith.index_cast %scan3A_181 : i32 to index
        %get3A_199 = arith.constant 32 : index
        %get3A_200 = tpu.vector_load %arg11[%get3A_198, %get3A_199] {strides = array<i32>} : memref<16x1024xf32, #tpu.memory_space<vmem>>, vector<1x16xf32>,
        %get3A_201 = vector.shape_cast %get3A_200 : vector<1x16xf32> to vector<16xf32>
        %swap3A_202 = arith.index_cast %scan3A_181 : i32 to index
        %swap3A_203 = arith.constant 32 : index
        %swap3A_204 = tpu.vector_load %arg9[%swap3A_202, %swap3A_203] {strides = array<i32>} : memref<16x1024xf32, #tpu.memory_space<vmem>>, vector<1x16xf32>,
        %swap3A_205 = vector.shape_cast %swap3A_204 : vector<1x16xf32> to vector<16xf32>
        %swap3A_206 = vector.shape_cast %get3A_201 : vector<16xf32> to vector<1x16xf32>
        tpu.vector_store %arg9[%swap3A_202, %swap3A_203], %swap3A_206 {add = true, strides = array<i32>} : memref<16x1024xf32, #tpu.memory_space<vmem>>, vector<1x16xf32>,
        %get3A_207 = arith.index_cast %scan3A_181 : i32 to index
        %get3A_208 = arith.constant 48 : index
        %get3A_209 = tpu.vector_load %arg11[%get3A_207, %get3A_208] {strides = array<i32>} : memref<16x1024xf32, #tpu.memory_space<vmem>>, vector<1x16xf32>,
        %get3A_210 = vector.shape_cast %get3A_209 : vector<1x16xf32> to vector<16xf32>
        %swap3A_211 = arith.index_cast %scan3A_181 : i32 to index
        %swap3A_212 = arith.constant 48 : index
        %swap3A_213 = tpu.vector_load %arg9[%swap3A_211, %swap3A_212] {strides = array<i32>} : memref<16x1024xf32, #tpu.memory_space<vmem>>, vector<1x16xf32>,
        %swap3A_214 = vector.shape_cast %swap3A_213 : vector<1x16xf32> to vector<16xf32>
        %swap3A_215 = vector.shape_cast %get3A_210 : vector<16xf32> to vector<1x16xf32>
        tpu.vector_store %arg9[%swap3A_211, %swap3A_212], %swap3A_215 {add = true, strides = array<i32>} : memref<16x1024xf32, #tpu.memory_space<vmem>>, vector<1x16xf32>,
        %get3A_216 = arith.index_cast %scan3A_181 : i32 to index
        %get3A_217 = arith.constant 64 : index
        %get3A_218 = tpu.vector_load %arg11[%get3A_216, %get3A_217] {strides = array<i32>} : memref<16x1024xf32, #tpu.memory_space<vmem>>, vector<1x16xf32>,
        %get3A_219 = vector.shape_cast %get3A_218 : vector<1x16xf32> to vector<16xf32>
        %swap3A_220 = arith.index_cast %scan3A_181 : i32 to index
        %swap3A_221 = arith.constant 64 : index
        %swap3A_222 = tpu.vector_load %arg9[%swap3A_220, %swap3A_221] {strides = array<i32>} : memref<16x1024xf32, #tpu.memory_space<vmem>>, vector<1x16xf32>,
        %swap3A_223 = vector.shape_cast %swap3A_222 : vector<1x16xf32> to vector<16xf32>
        %swap3A_224 = vector.shape_cast %get3A_219 : vector<16xf32> to vector<1x16xf32>
        tpu.vector_store %arg9[%swap3A_220, %swap3A_221], %swap3A_224 {add = true, strides = array<i32>} : memref<16x1024xf32, #tpu.memory_space<vmem>>, vector<1x16xf32>,
        %get3A_225 = arith.index_cast %scan3A_181 : i32 to index
        %get3A_226 = arith.constant 80 : index
        %get3A_227 = tpu.vector_load %arg11[%get3A_225, %get3A_226] {strides = array<i32>} : memref<16x1024xf32, #tpu.memory_space<vmem>>, vector<1x16xf32>,
        %get3A_228 = vector.shape_cast %get3A_227 : vector<1x16xf32> to vector<16xf32>
        %swap3A_229 = arith.index_cast %scan3A_181 : i32 to index
        %swap3A_230 = arith.constant 80 : index
        %swap3A_231 = tpu.vector_load %arg9[%swap3A_229, %swap3A_230] {strides = array<i32>} : memref<16x1024xf32, #tpu.memory_space<vmem>>, vector<1x16xf32>,
        %swap3A_232 = vector.shape_cast %swap3A_231 : vector<1x16xf32> to vector<16xf32>
        %swap3A_233 = vector.shape_cast %get3A_228 : vector<16xf32> to vector<1x16xf32>
        tpu.vector_store %arg9[%swap3A_229, %swap3A_230], %swap3A_233 {add = true, strides = array<i32>} : memref<16x1024xf32, #tpu.memory_space<vmem>>, vector<1x16xf32>,
        %get3A_234 = arith.index_cast %scan3A_181 : i32 to index
        %get3A_235 = arith.constant 96 : index
        %get3A_236 = tpu.vector_load %arg11[%get3A_234, %get3A_235] {strides = array<i32>} : memref<16x1024xf32, #tpu.memory_space<vmem>>, vector<1x16xf32>,
        %get3A_237 = vector.shape_cast %get3A_236 : vector<1x16xf32> to vector<16xf32>
        %swap3A_238 = arith.index_cast %scan3A_181 : i32 to index
        %swap3A_239 = arith.constant 96 : index
        %swap3A_240 = tpu.vector_load %arg9[%swap3A_238, %swap3A_239] {strides = array<i32>} : memref<16x1024xf32, #tpu.memory_space<vmem>>, vector<1x16xf32>,
        %swap3A_241 = vector.shape_cast %swap3A_240 : vector<1x16xf32> to vector<16xf32>
        %swap3A_242 = vector.shape_cast %get3A_237 : vector<16xf32> to vector<1x16xf32>
        tpu.vector_store %arg9[%swap3A_238, %swap3A_239], %swap3A_242 {add = true, strides = array<i32>} : memref<16x1024xf32, #tpu.memory_space<vmem>>, vector<1x16xf32>,
        %get3A_243 = arith.index_cast %scan3A_181 : i32 to index
        %get3A_244 = arith.constant 112 : index
        %get3A_245 = tpu.vector_load %arg11[%get3A_243, %get3A_244] {strides = array<i32>} : memref<16x1024xf32, #tpu.memory_space<vmem>>, vector<1x16xf32>,
        %get3A_246 = vector.shape_cast %get3A_245 : vector<1x16xf32> to vector<16xf32>
        %swap3A_247 = arith.index_cast %scan3A_181 : i32 to index
        %swap3A_248 = arith.constant 112 : index
        %swap3A_249 = tpu.vector_load %arg9[%swap3A_247, %swap3A_248] {strides = array<i32>} : memref<16x1024xf32, #tpu.memory_space<vmem>>, vector<1x16xf32>,
        %swap3A_250 = vector.shape_cast %swap3A_249 : vector<1x16xf32> to vector<16xf32>
        %swap3A_251 = vector.shape_cast %get3A_246 : vector<16xf32> to vector<1x16xf32>
        tpu.vector_store %arg9[%swap3A_247, %swap3A_248], %swap3A_251 {add = true, strides = array<i32>} : memref<16x1024xf32, #tpu.memory_space<vmem>>, vector<1x16xf32>,
        %get3A_252 = arith.index_cast %scan3A_181 : i32 to index
        %get3A_253 = arith.constant 128 : index
        %get3A_254 = tpu.vector_load %arg11[%get3A_252, %get3A_253] {strides = array<i32>} : memref<16x1024xf32, #tpu.memory_space<vmem>>, vector<1x16xf32>,
        %get3A_255 = vector.shape_cast %get3A_254 : vector<1x16xf32> to vector<16xf32>
        %swap3A_256 = arith.index_cast %scan3A_181 : i32 to index
        %swap3A_257 = arith.constant 128 : index
        %swap3A_258 = tpu.vector_load %arg9[%swap3A_256, %swap3A_257] {strides = array<i32>} : memref<16x1024xf32, #tpu.memory_space<vmem>>, vector<1x16xf32>,
        %swap3A_259 = vector.shape_cast %swap3A_258 : vector<1x16xf32> to vector<16xf32>
        %swap3A_260 = vector.shape_cast %get3A_255 : vector<16xf32> to vector<1x16xf32>
        tpu.vector_store %arg9[%swap3A_256, %swap3A_257], %swap3A_260 {add = true, strides = array<i32>} : memref<16x1024xf32, #tpu.memory_space<vmem>>, vector<1x16xf32>,
        %get3A_261 = arith.index_cast %scan3A_181 : i32 to index
        %get3A_262 = arith.constant 144 : index
        %get3A_263 = tpu.vector_load %arg11[%get3A_261, %get3A_262] {strides = array<i32>} : memref<16x1024xf32, #tpu.memory_space<vmem>>, vector<1x16xf32>,
        %get3A_264 = vector.shape_cast %get3A_263 : vector<1x16xf32> to vector<16xf32>
        %swap3A_265 = arith.index_cast %scan3A_181 : i32 to index
        %swap3A_266 = arith.constant 144 : index
        %swap3A_267 = tpu.vector_load %arg9[%swap3A_265, %swap3A_266] {strides = array<i32>} : memref<16x1024xf32, #tpu.memory_space<vmem>>, vector<1x16xf32>,
        %swap3A_268 = vector.shape_cast %swap3A_267 : vector<1x16xf32> to vector<16xf32>
        %swap3A_269 = vector.shape_cast %get3A_264 : vector<16xf32> to vector<1x16xf32>
        tpu.vector_store %arg9[%swap3A_265, %swap3A_266], %swap3A_269 {add = true, strides = array<i32>} : memref<16x1024xf32, #tpu.memory_space<vmem>>, vector<1x16xf32>,
        %get3A_270 = arith.index_cast %scan3A_181 : i32 to index
        %get3A_271 = arith.constant 160 : index
        %get3A_272 = tpu.vector_load %arg11[%get3A_270, %get3A_271] {strides = array<i32>} : memref<16x1024xf32, #tpu.memory_space<vmem>>, vector<1x16xf32>,
        %get3A_273 = vector.shape_cast %get3A_272 : vector<1x16xf32> to vector<16xf32>
        %swap3A_274 = arith.index_cast %scan3A_181 : i32 to index
        %swap3A_275 = arith.constant 160 : index
        %swap3A_276 = tpu.vector_load %arg9[%swap3A_274, %swap3A_275] {strides = array<i32>} : memref<16x1024xf32, #tpu.memory_space<vmem>>, vector<1x16xf32>,
        %swap3A_277 = vector.shape_cast %swap3A_276 : vector<1x16xf32> to vector<16xf32>
        %swap3A_278 = vector.shape_cast %get3A_273 : vector<16xf32> to vector<1x16xf32>
        tpu.vector_store %arg9[%swap3A_274, %swap3A_275], %swap3A_278 {add = true, strides = array<i32>} : memref<16x1024xf32, #tpu.memory_space<vmem>>, vector<1x16xf32>,
        %get3A_279 = arith.index_cast %scan3A_181 : i32 to index
        %get3A_280 = arith.constant 176 : index
        %get3A_281 = tpu.vector_load %arg11[%get3A_279, %get3A_280] {strides = array<i32>} : memref<16x1024xf32, #tpu.memory_space<vmem>>, vector<1x16xf32>,
        %get3A_282 = vector.shape_cast %get3A_281 : vector<1x16xf32> to vector<16xf32>
        %swap3A_283 = arith.index_cast %scan3A_181 : i32 to index
        %swap3A_284 = arith.constant 176 : index
        %swap3A_285 = tpu.vector_load %arg9[%swap3A_283, %swap3A_284] {strides = array<i32>} : memref<16x1024xf32, #tpu.memory_space<vmem>>, vector<1x16xf32>,
        %swap3A_286 = vector.shape_cast %swap3A_285 : vector<1x16xf32> to vector<16xf32>
        %swap3A_287 = vector.shape_cast %get3A_282 : vector<16xf32> to vector<1x16xf32>
        tpu.vector_store %arg9[%swap3A_283, %swap3A_284], %swap3A_287 {add = true, strides = array<i32>} : memref<16x1024xf32, #tpu.memory_space<vmem>>, vector<1x16xf32>,
        %get3A_288 = arith.index_cast %scan3A_181 : i32 to index
        %get3A_289 = arith.constant 192 : index
        %get3A_290 = tpu.vector_load %arg11[%get3A_288, %get3A_289] {strides = array<i32>} : memref<16x1024xf32, #tpu.memory_space<vmem>>, vector<1x16xf32>,
        %get3A_291 = vector.shape_cast %get3A_290 : vector<1x16xf32> to vector<16xf32>
        %swap3A_292 = arith.index_cast %scan3A_181 : i32 to index
        %swap3A_293 = arith.constant 192 : index
        %swap3A_294 = tpu.vector_load %arg9[%swap3A_292, %swap3A_293] {strides = array<i32>} : memref<16x1024xf32, #tpu.memory_space<vmem>>, vector<1x16xf32>,
        %swap3A_295 = vector.shape_cast %swap3A_294 : vector<1x16xf32> to vector<16xf32>
        %swap3A_296 = vector.shape_cast %get3A_291 : vector<16xf32> to vector<1x16xf32>
        tpu.vector_store %arg9[%swap3A_292, %swap3A_293], %swap3A_296 {add = true, strides = array<i32>} : memref<16x1024xf32, #tpu.memory_space<vmem>>, vector<1x16xf32>,
        %get3A_297 = arith.index_cast %scan3A_181 : i32 to index
        %get3A_298 = arith.constant 208 : index
        %get3A_299 = tpu.vector_load %arg11[%get3A_297, %get3A_298] {strides = array<i32>} : memref<16x1024xf32, #tpu.memory_space<vmem>>, vector<1x16xf32>,
        %get3A_300 = vector.shape_cast %get3A_299 : vector<1x16xf32> to vector<16xf32>
        %swap3A_301 = arith.index_cast %scan3A_181 : i32 to index
        %swap3A_302 = arith.constant 208 : index
        %swap3A_303 = tpu.vector_load %arg9[%swap3A_301, %swap3A_302] {strides = array<i32>} : memref<16x1024xf32, #tpu.memory_space<vmem>>, vector<1x16xf32>,
        %swap3A_304 = vector.shape_cast %swap3A_303 : vector<1x16xf32> to vector<16xf32>
        %swap3A_305 = vector.shape_cast %get3A_300 : vector<16xf32> to vector<1x16xf32>
        tpu.vector_store %arg9[%swap3A_301, %swap3A_302], %swap3A_305 {add = true, strides = array<i32>} : memref<16x1024xf32, #tpu.memory_space<vmem>>, vector<1x16xf32>,
        %get3A_306 = arith.index_cast %scan3A_181 : i32 to index
        %get3A_307 = arith.constant 224 : index
        %get3A_308 = tpu.vector_load %arg11[%get3A_306, %get3A_307] {strides = array<i32>} : memref<16x1024xf32, #tpu.memory_space<vmem>>, vector<1x16xf32>,
        %get3A_309 = vector.shape_cast %get3A_308 : vector<1x16xf32> to vector<16xf32>
        %swap3A_310 = arith.index_cast %scan3A_181 : i32 to index
        %swap3A_311 = arith.constant 224 : index
        %swap3A_312 = tpu.vector_load %arg9[%swap3A_310, %swap3A_311] {strides = array<i32>} : memref<16x1024xf32, #tpu.memory_space<vmem>>, vector<1x16xf32>,
        %swap3A_313 = vector.shape_cast %swap3A_312 : vector<1x16xf32> to vector<16xf32>
        %swap3A_314 = vector.shape_cast %get3A_309 : vector<16xf32> to vector<1x16xf32>
        tpu.vector_store %arg9[%swap3A_310, %swap3A_311], %swap3A_314 {add = true, strides = array<i32>} : memref<16x1024xf32, #tpu.memory_space<vmem>>, vector<1x16xf32>,
        %get3A_315 = arith.index_cast %scan3A_181 : i32 to index
        %get3A_316 = arith.constant 240 : index
        %get3A_317 = tpu.vector_load %arg11[%get3A_315, %get3A_316] {strides = array<i32>} : memref<16x1024xf32, #tpu.memory_space<vmem>>, vector<1x16xf32>,
        %get3A_318 = vector.shape_cast %get3A_317 : vector<1x16xf32> to vector<16xf32>
        %swap3A_319 = arith.index_cast %scan3A_181 : i32 to index
        %swap3A_320 = arith.constant 240 : index
        %swap3A_321 = tpu.vector_load %arg9[%swap3A_319, %swap3A_320] {strides = array<i32>} : memref<16x1024xf32, #tpu.memory_space<vmem>>, vector<1x16xf32>,
        %swap3A_322 = vector.shape_cast %swap3A_321 : vector<1x16xf32> to vector<16xf32>
        %swap3A_323 = vector.shape_cast %get3A_318 : vector<16xf32> to vector<1x16xf32>
        tpu.vector_store %arg9[%swap3A_319, %swap3A_320], %swap3A_323 {add = true, strides = array<i32>} : memref<16x1024xf32, #tpu.memory_space<vmem>>, vector<1x16xf32>,
        %get3A_324 = arith.index_cast %scan3A_181 : i32 to index
        %get3A_325 = arith.constant 256 : index
        %get3A_326 = tpu.vector_load %arg11[%get3A_324, %get3A_325] {strides = array<i32>} : memref<16x1024xf32, #tpu.memory_space<vmem>>, vector<1x16xf32>,
        %get3A_327 = vector.shape_cast %get3A_326 : vector<1x16xf32> to vector<16xf32>
        %swap3A_328 = arith.index_cast %scan3A_181 : i32 to index
        %swap3A_329 = arith.constant 256 : index
        %swap3A_330 = tpu.vector_load %arg9[%swap3A_328, %swap3A_329] {strides = array<i32>} : memref<16x1024xf32, #tpu.memory_space<vmem>>, vector<1x16xf32>,
        %swap3A_331 = vector.shape_cast %swap3A_330 : vector<1x16xf32> to vector<16xf32>
        %swap3A_332 = vector.shape_cast %get3A_327 : vector<16xf32> to vector<1x16xf32>
        tpu.vector_store %arg9[%swap3A_328, %swap3A_329], %swap3A_332 {add = true, strides = array<i32>} : memref<16x1024xf32, #tpu.memory_space<vmem>>, vector<1x16xf32>,
        %get3A_333 = arith.index_cast %scan3A_181 : i32 to index
        %get3A_334 = arith.constant 272 : index
        %get3A_335 = tpu.vector_load %arg11[%get3A_333, %get3A_334] {strides = array<i32>} : memref<16x1024xf32, #tpu.memory_space<vmem>>, vector<1x16xf32>,
        %get3A_336 = vector.shape_cast %get3A_335 : vector<1x16xf32> to vector<16xf32>
        %swap3A_337 = arith.index_cast %scan3A_181 : i32 to index
        %swap3A_338 = arith.constant 272 : index
        %swap3A_339 = tpu.vector_load %arg9[%swap3A_337, %swap3A_338] {strides = array<i32>} : memref<16x1024xf32, #tpu.memory_space<vmem>>, vector<1x16xf32>,
        %swap3A_340 = vector.shape_cast %swap3A_339 : vector<1x16xf32> to vector<16xf32>
        %swap3A_341 = vector.shape_cast %get3A_336 : vector<16xf32> to vector<1x16xf32>
        tpu.vector_store %arg9[%swap3A_337, %swap3A_338], %swap3A_341 {add = true, strides = array<i32>} : memref<16x1024xf32, #tpu.memory_space<vmem>>, vector<1x16xf32>,
        %get3A_342 = arith.index_cast %scan3A_181 : i32 to index
        %get3A_343 = arith.constant 288 : index
        %get3A_344 = tpu.vector_load %arg11[%get3A_342, %get3A_343] {strides = array<i32>} : memref<16x1024xf32, #tpu.memory_space<vmem>>, vector<1x16xf32>,
        %get3A_345 = vector.shape_cast %get3A_344 : vector<1x16xf32> to vector<16xf32>
        %swap3A_346 = arith.index_cast %scan3A_181 : i32 to index
        %swap3A_347 = arith.constant 288 : index
        %swap3A_348 = tpu.vector_load %arg9[%swap3A_346, %swap3A_347] {strides = array<i32>} : memref<16x1024xf32, #tpu.memory_space<vmem>>, vector<1x16xf32>,
        %swap3A_349 = vector.shape_cast %swap3A_348 : vector<1x16xf32> to vector<16xf32>
        %swap3A_350 = vector.shape_cast %get3A_345 : vector<16xf32> to vector<1x16xf32>
        tpu.vector_store %arg9[%swap3A_346, %swap3A_347], %swap3A_350 {add = true, strides = array<i32>} : memref<16x1024xf32, #tpu.memory_space<vmem>>, vector<1x16xf32>,
        %get3A_351 = arith.index_cast %scan3A_181 : i32 to index
        %get3A_352 = arith.constant 304 : index
        %get3A_353 = tpu.vector_load %arg11[%get3A_351, %get3A_352] {strides = array<i32>} : memref<16x1024xf32, #tpu.memory_space<vmem>>, vector<1x16xf32>,
        %get3A_354 = vector.shape_cast %get3A_353 : vector<1x16xf32> to vector<16xf32>
        %swap3A_355 = arith.index_cast %scan3A_181 : i32 to index
        %swap3A_356 = arith.constant 304 : index
        %swap3A_357 = tpu.vector_load %arg9[%swap3A_355, %swap3A_356] {strides = array<i32>} : memref<16x1024xf32, #tpu.memory_space<vmem>>, vector<1x16xf32>,
        %swap3A_358 = vector.shape_cast %swap3A_357 : vector<1x16xf32> to vector<16xf32>
        %swap3A_359 = vector.shape_cast %get3A_354 : vector<16xf32> to vector<1x16xf32>
        tpu.vector_store %arg9[%swap3A_355, %swap3A_356], %swap3A_359 {add = true, strides = array<i32>} : memref<16x1024xf32, #tpu.memory_space<vmem>>, vector<1x16xf32>,
        %get3A_360 = arith.index_cast %scan3A_181 : i32 to index
        %get3A_361 = arith.constant 320 : index
        %get3A_362 = tpu.vector_load %arg11[%get3A_360, %get3A_361] {strides = array<i32>} : memref<16x1024xf32, #tpu.memory_space<vmem>>, vector<1x16xf32>,
        %get3A_363 = vector.shape_cast %get3A_362 : vector<1x16xf32> to vector<16xf32>
        %swap3A_364 = arith.index_cast %scan3A_181 : i32 to index
        %swap3A_365 = arith.constant 320 : index
        %swap3A_366 = tpu.vector_load %arg9[%swap3A_364, %swap3A_365] {strides = array<i32>} : memref<16x1024xf32, #tpu.memory_space<vmem>>, vector<1x16xf32>,
        %swap3A_367 = vector.shape_cast %swap3A_366 : vector<1x16xf32> to vector<16xf32>
        %swap3A_368 = vector.shape_cast %get3A_363 : vector<16xf32> to vector<1x16xf32>
        tpu.vector_store %arg9[%swap3A_364, %swap3A_365], %swap3A_368 {add = true, strides = array<i32>} : memref<16x1024xf32, #tpu.memory_space<vmem>>, vector<1x16xf32>,
        %get3A_369 = arith.index_cast %scan3A_181 : i32 to index
        %get3A_370 = arith.constant 336 : index
        %get3A_371 = tpu.vector_load %arg11[%get3A_369, %get3A_370] {strides = array<i32>} : memref<16x1024xf32, #tpu.memory_space<vmem>>, vector<1x16xf32>,
        %get3A_372 = vector.shape_cast %get3A_371 : vector<1x16xf32> to vector<16xf32>
        %swap3A_373 = arith.index_cast %scan3A_181 : i32 to index
        %swap3A_374 = arith.constant 336 : index
        %swap3A_375 = tpu.vector_load %arg9[%swap3A_373, %swap3A_374] {strides = array<i32>} : memref<16x1024xf32, #tpu.memory_space<vmem>>, vector<1x16xf32>,
        %swap3A_376 = vector.shape_cast %swap3A_375 : vector<1x16xf32> to vector<16xf32>
        %swap3A_377 = vector.shape_cast %get3A_372 : vector<16xf32> to vector<1x16xf32>
        tpu.vector_store %arg9[%swap3A_373, %swap3A_374], %swap3A_377 {add = true, strides = array<i32>} : memref<16x1024xf32, #tpu.memory_space<vmem>>, vector<1x16xf32>,
        %get3A_378 = arith.index_cast %scan3A_181 : i32 to index
        %get3A_379 = arith.constant 352 : index
        %get3A_380 = tpu.vector_load %arg11[%get3A_378, %get3A_379] {strides = array<i32>} : memref<16x1024xf32, #tpu.memory_space<vmem>>, vector<1x16xf32>,
        %get3A_381 = vector.shape_cast %get3A_380 : vector<1x16xf32> to vector<16xf32>
        %swap3A_382 = arith.index_cast %scan3A_181 : i32 to index
        %swap3A_383 = arith.constant 352 : index
        %swap3A_384 = tpu.vector_load %arg9[%swap3A_382, %swap3A_383] {strides = array<i32>} : memref<16x1024xf32, #tpu.memory_space<vmem>>, vector<1x16xf32>,
        %swap3A_385 = vector.shape_cast %swap3A_384 : vector<1x16xf32> to vector<16xf32>
        %swap3A_386 = vector.shape_cast %get3A_381 : vector<16xf32> to vector<1x16xf32>
        tpu.vector_store %arg9[%swap3A_382, %swap3A_383], %swap3A_386 {add = true, strides = array<i32>} : memref<16x1024xf32, #tpu.memory_space<vmem>>, vector<1x16xf32>,
        %get3A_387 = arith.index_cast %scan3A_181 : i32 to index
        %get3A_388 = arith.constant 368 : index
        %get3A_389 = tpu.vector_load %arg11[%get3A_387, %get3A_388] {strides = array<i32>} : memref<16x1024xf32, #tpu.memory_space<vmem>>, vector<1x16xf32>,
        %get3A_390 = vector.shape_cast %get3A_389 : vector<1x16xf32> to vector<16xf32>
        %swap3A_391 = arith.index_cast %scan3A_181 : i32 to index
        %swap3A_392 = arith.constant 368 : index
        %swap3A_393 = tpu.vector_load %arg9[%swap3A_391, %swap3A_392] {strides = array<i32>} : memref<16x1024xf32, #tpu.memory_space<vmem>>, vector<1x16xf32>,
        %swap3A_394 = vector.shape_cast %swap3A_393 : vector<1x16xf32> to vector<16xf32>
        %swap3A_395 = vector.shape_cast %get3A_390 : vector<16xf32> to vector<1x16xf32>
        tpu.vector_store %arg9[%swap3A_391, %swap3A_392], %swap3A_395 {add = true, strides = array<i32>} : memref<16x1024xf32, #tpu.memory_space<vmem>>, vector<1x16xf32>,
        %get3A_396 = arith.index_cast %scan3A_181 : i32 to index
        %get3A_397 = arith.constant 384 : index
        %get3A_398 = tpu.vector_load %arg11[%get3A_396, %get3A_397] {strides = array<i32>} : memref<16x1024xf32, #tpu.memory_space<vmem>>, vector<1x16xf32>,
        %get3A_399 = vector.shape_cast %get3A_398 : vector<1x16xf32> to vector<16xf32>
        %swap3A_400 = arith.index_cast %scan3A_181 : i32 to index
        %swap3A_401 = arith.constant 384 : index
        %swap3A_402 = tpu.vector_load %arg9[%swap3A_400, %swap3A_401] {strides = array<i32>} : memref<16x1024xf32, #tpu.memory_space<vmem>>, vector<1x16xf32>,
        %swap3A_403 = vector.shape_cast %swap3A_402 : vector<1x16xf32> to vector<16xf32>
        %swap3A_404 = vector.shape_cast %get3A_399 : vector<16xf32> to vector<1x16xf32>
        tpu.vector_store %arg9[%swap3A_400, %swap3A_401], %swap3A_404 {add = true, strides = array<i32>} : memref<16x1024xf32, #tpu.memory_space<vmem>>, vector<1x16xf32>,
        %get3A_405 = arith.index_cast %scan3A_181 : i32 to index
        %get3A_406 = arith.constant 400 : index
        %get3A_407 = tpu.vector_load %arg11[%get3A_405, %get3A_406] {strides = array<i32>} : memref<16x1024xf32, #tpu.memory_space<vmem>>, vector<1x16xf32>,
        %get3A_408 = vector.shape_cast %get3A_407 : vector<1x16xf32> to vector<16xf32>
        %swap3A_409 = arith.index_cast %scan3A_181 : i32 to index
        %swap3A_410 = arith.constant 400 : index
        %swap3A_411 = tpu.vector_load %arg9[%swap3A_409, %swap3A_410] {strides = array<i32>} : memref<16x1024xf32, #tpu.memory_space<vmem>>, vector<1x16xf32>,
        %swap3A_412 = vector.shape_cast %swap3A_411 : vector<1x16xf32> to vector<16xf32>
        %swap3A_413 = vector.shape_cast %get3A_408 : vector<16xf32> to vector<1x16xf32>
        tpu.vector_store %arg9[%swap3A_409, %swap3A_410], %swap3A_413 {add = true, strides = array<i32>} : memref<16x1024xf32, #tpu.memory_space<vmem>>, vector<1x16xf32>,
        %get3A_414 = arith.index_cast %scan3A_181 : i32 to index
        %get3A_415 = arith.constant 416 : index
        %get3A_416 = tpu.vector_load %arg11[%get3A_414, %get3A_415] {strides = array<i32>} : memref<16x1024xf32, #tpu.memory_space<vmem>>, vector<1x16xf32>,
        %get3A_417 = vector.shape_cast %get3A_416 : vector<1x16xf32> to vector<16xf32>
        %swap3A_418 = arith.index_cast %scan3A_181 : i32 to index
        %swap3A_419 = arith.constant 416 : index
        %swap3A_420 = tpu.vector_load %arg9[%swap3A_418, %swap3A_419] {strides = array<i32>} : memref<16x1024xf32, #tpu.memory_space<vmem>>, vector<1x16xf32>,
        %swap3A_421 = vector.shape_cast %swap3A_420 : vector<1x16xf32> to vector<16xf32>
        %swap3A_422 = vector.shape_cast %get3A_417 : vector<16xf32> to vector<1x16xf32>
        tpu.vector_store %arg9[%swap3A_418, %swap3A_419], %swap3A_422 {add = true, strides = array<i32>} : memref<16x1024xf32, #tpu.memory_space<vmem>>, vector<1x16xf32>,
        %get3A_423 = arith.index_cast %scan3A_181 : i32 to index
        %get3A_424 = arith.constant 432 : index
        %get3A_425 = tpu.vector_load %arg11[%get3A_423, %get3A_424] {strides = array<i32>} : memref<16x1024xf32, #tpu.memory_space<vmem>>, vector<1x16xf32>,
        %get3A_426 = vector.shape_cast %get3A_425 : vector<1x16xf32> to vector<16xf32>
        %swap3A_427 = arith.index_cast %scan3A_181 : i32 to index
        %swap3A_428 = arith.constant 432 : index
        %swap3A_429 = tpu.vector_load %arg9[%swap3A_427, %swap3A_428] {strides = array<i32>} : memref<16x1024xf32, #tpu.memory_space<vmem>>, vector<1x16xf32>,
        %swap3A_430 = vector.shape_cast %swap3A_429 : vector<1x16xf32> to vector<16xf32>
        %swap3A_431 = vector.shape_cast %get3A_426 : vector<16xf32> to vector<1x16xf32>
        tpu.vector_store %arg9[%swap3A_427, %swap3A_428], %swap3A_431 {add = true, strides = array<i32>} : memref<16x1024xf32, #tpu.memory_space<vmem>>, vector<1x16xf32>,
        %get3A_432 = arith.index_cast %scan3A_181 : i32 to index
        %get3A_433 = arith.constant 448 : index
        %get3A_434 = tpu.vector_load %arg11[%get3A_432, %get3A_433] {strides = array<i32>} : memref<16x1024xf32, #tpu.memory_space<vmem>>, vector<1x16xf32>,
        %get3A_435 = vector.shape_cast %get3A_434 : vector<1x16xf32> to vector<16xf32>
        %swap3A_436 = arith.index_cast %scan3A_181 : i32 to index
        %swap3A_437 = arith.constant 448 : index
        %swap3A_438 = tpu.vector_load %arg9[%swap3A_436, %swap3A_437] {strides = array<i32>} : memref<16x1024xf32, #tpu.memory_space<vmem>>, vector<1x16xf32>,
        %swap3A_439 = vector.shape_cast %swap3A_438 : vector<1x16xf32> to vector<16xf32>
        %swap3A_440 = vector.shape_cast %get3A_435 : vector<16xf32> to vector<1x16xf32>
        tpu.vector_store %arg9[%swap3A_436, %swap3A_437], %swap3A_440 {add = true, strides = array<i32>} : memref<16x1024xf32, #tpu.memory_space<vmem>>, vector<1x16xf32>,
        %get3A_441 = arith.index_cast %scan3A_181 : i32 to index
        %get3A_442 = arith.constant 464 : index
        %get3A_443 = tpu.vector_load %arg11[%get3A_441, %get3A_442] {strides = array<i32>} : memref<16x1024xf32, #tpu.memory_space<vmem>>, vector<1x16xf32>,
        %get3A_444 = vector.shape_cast %get3A_443 : vector<1x16xf32> to vector<16xf32>
        %swap3A_445 = arith.index_cast %scan3A_181 : i32 to index
        %swap3A_446 = arith.constant 464 : index
        %swap3A_447 = tpu.vector_load %arg9[%swap3A_445, %swap3A_446] {strides = array<i32>} : memref<16x1024xf32, #tpu.memory_space<vmem>>, vector<1x16xf32>,
        %swap3A_448 = vector.shape_cast %swap3A_447 : vector<1x16xf32> to vector<16xf32>
        %swap3A_449 = vector.shape_cast %get3A_444 : vector<16xf32> to vector<1x16xf32>
        tpu.vector_store %arg9[%swap3A_445, %swap3A_446], %swap3A_449 {add = true, strides = array<i32>} : memref<16x1024xf32, #tpu.memory_space<vmem>>, vector<1x16xf32>,
        %get3A_450 = arith.index_cast %scan3A_181 : i32 to index
        %get3A_451 = arith.constant 480 : index
        %get3A_452 = tpu.vector_load %arg11[%get3A_450, %get3A_451] {strides = array<i32>} : memref<16x1024xf32, #tpu.memory_space<vmem>>, vector<1x16xf32>,
        %get3A_453 = vector.shape_cast %get3A_452 : vector<1x16xf32> to vector<16xf32>
        %swap3A_454 = arith.index_cast %scan3A_181 : i32 to index
        %swap3A_455 = arith.constant 480 : index
        %swap3A_456 = tpu.vector_load %arg9[%swap3A_454, %swap3A_455] {strides = array<i32>} : memref<16x1024xf32, #tpu.memory_space<vmem>>, vector<1x16xf32>,
        %swap3A_457 = vector.shape_cast %swap3A_456 : vector<1x16xf32> to vector<16xf32>
        %swap3A_458 = vector.shape_cast %get3A_453 : vector<16xf32> to vector<1x16xf32>
        tpu.vector_store %arg9[%swap3A_454, %swap3A_455], %swap3A_458 {add = true, strides = array<i32>} : memref<16x1024xf32, #tpu.memory_space<vmem>>, vector<1x16xf32>,
        %get3A_459 = arith.index_cast %scan3A_181 : i32 to index
        %get3A_460 = arith.constant 496 : index
        %get3A_461 = tpu.vector_load %arg11[%get3A_459, %get3A_460] {strides = array<i32>} : memref<16x1024xf32, #tpu.memory_space<vmem>>, vector<1x16xf32>,
        %get3A_462 = vector.shape_cast %get3A_461 : vector<1x16xf32> to vector<16xf32>
        %swap3A_463 = arith.index_cast %scan3A_181 : i32 to index
        %swap3A_464 = arith.constant 496 : index
        %swap3A_465 = tpu.vector_load %arg9[%swap3A_463, %swap3A_464] {strides = array<i32>} : memref<16x1024xf32, #tpu.memory_space<vmem>>, vector<1x16xf32>,
        %swap3A_466 = vector.shape_cast %swap3A_465 : vector<1x16xf32> to vector<16xf32>
        %swap3A_467 = vector.shape_cast %get3A_462 : vector<16xf32> to vector<1x16xf32>
        tpu.vector_store %arg9[%swap3A_463, %swap3A_464], %swap3A_467 {add = true, strides = array<i32>} : memref<16x1024xf32, #tpu.memory_space<vmem>>, vector<1x16xf32>,
        %get3A_468 = arith.index_cast %scan3A_181 : i32 to index
        %get3A_469 = arith.constant 512 : index
        %get3A_470 = tpu.vector_load %arg11[%get3A_468, %get3A_469] {strides = array<i32>} : memref<16x1024xf32, #tpu.memory_space<vmem>>, vector<1x16xf32>,
        %get3A_471 = vector.shape_cast %get3A_470 : vector<1x16xf32> to vector<16xf32>
        %swap3A_472 = arith.index_cast %scan3A_181 : i32 to index
        %swap3A_473 = arith.constant 512 : index
        %swap3A_474 = tpu.vector_load %arg9[%swap3A_472, %swap3A_473] {strides = array<i32>} : memref<16x1024xf32, #tpu.memory_space<vmem>>, vector<1x16xf32>,
        %swap3A_475 = vector.shape_cast %swap3A_474 : vector<1x16xf32> to vector<16xf32>
        %swap3A_476 = vector.shape_cast %get3A_471 : vector<16xf32> to vector<1x16xf32>
        tpu.vector_store %arg9[%swap3A_472, %swap3A_473], %swap3A_476 {add = true, strides = array<i32>} : memref<16x1024xf32, #tpu.memory_space<vmem>>, vector<1x16xf32>,
        %get3A_477 = arith.index_cast %scan3A_181 : i32 to index
        %get3A_478 = arith.constant 528 : index
        %get3A_479 = tpu.vector_load %arg11[%get3A_477, %get3A_478] {strides = array<i32>} : memref<16x1024xf32, #tpu.memory_space<vmem>>, vector<1x16xf32>,
        %get3A_480 = vector.shape_cast %get3A_479 : vector<1x16xf32> to vector<16xf32>
        %swap3A_481 = arith.index_cast %scan3A_181 : i32 to index
        %swap3A_482 = arith.constant 528 : index
        %swap3A_483 = tpu.vector_load %arg9[%swap3A_481, %swap3A_482] {strides = array<i32>} : memref<16x1024xf32, #tpu.memory_space<vmem>>, vector<1x16xf32>,
        %swap3A_484 = vector.shape_cast %swap3A_483 : vector<1x16xf32> to vector<16xf32>
        %swap3A_485 = vector.shape_cast %get3A_480 : vector<16xf32> to vector<1x16xf32>
        tpu.vector_store %arg9[%swap3A_481, %swap3A_482], %swap3A_485 {add = true, strides = array<i32>} : memref<16x1024xf32, #tpu.memory_space<vmem>>, vector<1x16xf32>,
        %get3A_486 = arith.index_cast %scan3A_181 : i32 to index
        %get3A_487 = arith.constant 544 : index
        %get3A_488 = tpu.vector_load %arg11[%get3A_486, %get3A_487] {strides = array<i32>} : memref<16x1024xf32, #tpu.memory_space<vmem>>, vector<1x16xf32>,
        %get3A_489 = vector.shape_cast %get3A_488 : vector<1x16xf32> to vector<16xf32>
        %swap3A_490 = arith.index_cast %scan3A_181 : i32 to index
        %swap3A_491 = arith.constant 544 : index
        %swap3A_492 = tpu.vector_load %arg9[%swap3A_490, %swap3A_491] {strides = array<i32>} : memref<16x1024xf32, #tpu.memory_space<vmem>>, vector<1x16xf32>,
        %swap3A_493 = vector.shape_cast %swap3A_492 : vector<1x16xf32> to vector<16xf32>
        %swap3A_494 = vector.shape_cast %get3A_489 : vector<16xf32> to vector<1x16xf32>
        tpu.vector_store %arg9[%swap3A_490, %swap3A_491], %swap3A_494 {add = true, strides = array<i32>} : memref<16x1024xf32, #tpu.memory_space<vmem>>, vector<1x16xf32>,
        %get3A_495 = arith.index_cast %scan3A_181 : i32 to index
        %get3A_496 = arith.constant 560 : index
        %get3A_497 = tpu.vector_load %arg11[%get3A_495, %get3A_496] {strides = array<i32>} : memref<16x1024xf32, #tpu.memory_space<vmem>>, vector<1x16xf32>,
        %get3A_498 = vector.shape_cast %get3A_497 : vector<1x16xf32> to vector<16xf32>
        %swap3A_499 = arith.index_cast %scan3A_181 : i32 to index
        %swap3A_500 = arith.constant 560 : index
        %swap3A_501 = tpu.vector_load %arg9[%swap3A_499, %swap3A_500] {strides = array<i32>} : memref<16x1024xf32, #tpu.memory_space<vmem>>, vector<1x16xf32>,
        %swap3A_502 = vector.shape_cast %swap3A_501 : vector<1x16xf32> to vector<16xf32>
        %swap3A_503 = vector.shape_cast %get3A_498 : vector<16xf32> to vector<1x16xf32>
        tpu.vector_store %arg9[%swap3A_499, %swap3A_500], %swap3A_503 {add = true, strides = array<i32>} : memref<16x1024xf32, #tpu.memory_space<vmem>>, vector<1x16xf32>,
        %get3A_504 = arith.index_cast %scan3A_181 : i32 to index
        %get3A_505 = arith.constant 576 : index
        %get3A_506 = tpu.vector_load %arg11[%get3A_504, %get3A_505] {strides = array<i32>} : memref<16x1024xf32, #tpu.memory_space<vmem>>, vector<1x16xf32>,
        %get3A_507 = vector.shape_cast %get3A_506 : vector<1x16xf32> to vector<16xf32>
        %swap3A_508 = arith.index_cast %scan3A_181 : i32 to index
        %swap3A_509 = arith.constant 576 : index
        %swap3A_510 = tpu.vector_load %arg9[%swap3A_508, %swap3A_509] {strides = array<i32>} : memref<16x1024xf32, #tpu.memory_space<vmem>>, vector<1x16xf32>,
        %swap3A_511 = vector.shape_cast %swap3A_510 : vector<1x16xf32> to vector<16xf32>
        %swap3A_512 = vector.shape_cast %get3A_507 : vector<16xf32> to vector<1x16xf32>
        tpu.vector_store %arg9[%swap3A_508, %swap3A_509], %swap3A_512 {add = true, strides = array<i32>} : memref<16x1024xf32, #tpu.memory_space<vmem>>, vector<1x16xf32>,
        %get3A_513 = arith.index_cast %scan3A_181 : i32 to index
        %get3A_514 = arith.constant 592 : index
        %get3A_515 = tpu.vector_load %arg11[%get3A_513, %get3A_514] {strides = array<i32>} : memref<16x1024xf32, #tpu.memory_space<vmem>>, vector<1x16xf32>,
        %get3A_516 = vector.shape_cast %get3A_515 : vector<1x16xf32> to vector<16xf32>
        %swap3A_517 = arith.index_cast %scan3A_181 : i32 to index
        %swap3A_518 = arith.constant 592 : index
        %swap3A_519 = tpu.vector_load %arg9[%swap3A_517, %swap3A_518] {strides = array<i32>} : memref<16x1024xf32, #tpu.memory_space<vmem>>, vector<1x16xf32>,
        %swap3A_520 = vector.shape_cast %swap3A_519 : vector<1x16xf32> to vector<16xf32>
        %swap3A_521 = vector.shape_cast %get3A_516 : vector<16xf32> to vector<1x16xf32>
        tpu.vector_store %arg9[%swap3A_517, %swap3A_518], %swap3A_521 {add = true, strides = array<i32>} : memref<16x1024xf32, #tpu.memory_space<vmem>>, vector<1x16xf32>,
        %get3A_522 = arith.index_cast %scan3A_181 : i32 to index
        %get3A_523 = arith.constant 608 : index
        %get3A_524 = tpu.vector_load %arg11[%get3A_522, %get3A_523] {strides = array<i32>} : memref<16x1024xf32, #tpu.memory_space<vmem>>, vector<1x16xf32>,
        %get3A_525 = vector.shape_cast %get3A_524 : vector<1x16xf32> to vector<16xf32>
        %swap3A_526 = arith.index_cast %scan3A_181 : i32 to index
        %swap3A_527 = arith.constant 608 : index
        %swap3A_528 = tpu.vector_load %arg9[%swap3A_526, %swap3A_527] {strides = array<i32>} : memref<16x1024xf32, #tpu.memory_space<vmem>>, vector<1x16xf32>,
        %swap3A_529 = vector.shape_cast %swap3A_528 : vector<1x16xf32> to vector<16xf32>
        %swap3A_530 = vector.shape_cast %get3A_525 : vector<16xf32> to vector<1x16xf32>
        tpu.vector_store %arg9[%swap3A_526, %swap3A_527], %swap3A_530 {add = true, strides = array<i32>} : memref<16x1024xf32, #tpu.memory_space<vmem>>, vector<1x16xf32>,
        %get3A_531 = arith.index_cast %scan3A_181 : i32 to index
        %get3A_532 = arith.constant 624 : index
        %get3A_533 = tpu.vector_load %arg11[%get3A_531, %get3A_532] {strides = array<i32>} : memref<16x1024xf32, #tpu.memory_space<vmem>>, vector<1x16xf32>,
        %get3A_534 = vector.shape_cast %get3A_533 : vector<1x16xf32> to vector<16xf32>
        %swap3A_535 = arith.index_cast %scan3A_181 : i32 to index
        %swap3A_536 = arith.constant 624 : index
        %swap3A_537 = tpu.vector_load %arg9[%swap3A_535, %swap3A_536] {strides = array<i32>} : memref<16x1024xf32, #tpu.memory_space<vmem>>, vector<1x16xf32>,
        %swap3A_538 = vector.shape_cast %swap3A_537 : vector<1x16xf32> to vector<16xf32>
        %swap3A_539 = vector.shape_cast %get3A_534 : vector<16xf32> to vector<1x16xf32>
        tpu.vector_store %arg9[%swap3A_535, %swap3A_536], %swap3A_539 {add = true, strides = array<i32>} : memref<16x1024xf32, #tpu.memory_space<vmem>>, vector<1x16xf32>,
        %get3A_540 = arith.index_cast %scan3A_181 : i32 to index
        %get3A_541 = arith.constant 640 : index
        %get3A_542 = tpu.vector_load %arg11[%get3A_540, %get3A_541] {strides = array<i32>} : memref<16x1024xf32, #tpu.memory_space<vmem>>, vector<1x16xf32>,
        %get3A_543 = vector.shape_cast %get3A_542 : vector<1x16xf32> to vector<16xf32>
        %swap3A_544 = arith.index_cast %scan3A_181 : i32 to index
        %swap3A_545 = arith.constant 640 : index
        %swap3A_546 = tpu.vector_load %arg9[%swap3A_544, %swap3A_545] {strides = array<i32>} : memref<16x1024xf32, #tpu.memory_space<vmem>>, vector<1x16xf32>,
        %swap3A_547 = vector.shape_cast %swap3A_546 : vector<1x16xf32> to vector<16xf32>
        %swap3A_548 = vector.shape_cast %get3A_543 : vector<16xf32> to vector<1x16xf32>
        tpu.vector_store %arg9[%swap3A_544, %swap3A_545], %swap3A_548 {add = true, strides = array<i32>} : memref<16x1024xf32, #tpu.memory_space<vmem>>, vector<1x16xf32>,
        %get3A_549 = arith.index_cast %scan3A_181 : i32 to index
        %get3A_550 = arith.constant 656 : index
        %get3A_551 = tpu.vector_load %arg11[%get3A_549, %get3A_550] {strides = array<i32>} : memref<16x1024xf32, #tpu.memory_space<vmem>>, vector<1x16xf32>,
        %get3A_552 = vector.shape_cast %get3A_551 : vector<1x16xf32> to vector<16xf32>
        %swap3A_553 = arith.index_cast %scan3A_181 : i32 to index
        %swap3A_554 = arith.constant 656 : index
        %swap3A_555 = tpu.vector_load %arg9[%swap3A_553, %swap3A_554] {strides = array<i32>} : memref<16x1024xf32, #tpu.memory_space<vmem>>, vector<1x16xf32>,
        %swap3A_556 = vector.shape_cast %swap3A_555 : vector<1x16xf32> to vector<16xf32>
        %swap3A_557 = vector.shape_cast %get3A_552 : vector<16xf32> to vector<1x16xf32>
        tpu.vector_store %arg9[%swap3A_553, %swap3A_554], %swap3A_557 {add = true, strides = array<i32>} : memref<16x1024xf32, #tpu.memory_space<vmem>>, vector<1x16xf32>,
        %get3A_558 = arith.index_cast %scan3A_181 : i32 to index
        %get3A_559 = arith.constant 672 : index
        %get3A_560 = tpu.vector_load %arg11[%get3A_558, %get3A_559] {strides = array<i32>} : memref<16x1024xf32, #tpu.memory_space<vmem>>, vector<1x16xf32>,
        %get3A_561 = vector.shape_cast %get3A_560 : vector<1x16xf32> to vector<16xf32>
        %swap3A_562 = arith.index_cast %scan3A_181 : i32 to index
        %swap3A_563 = arith.constant 672 : index
        %swap3A_564 = tpu.vector_load %arg9[%swap3A_562, %swap3A_563] {strides = array<i32>} : memref<16x1024xf32, #tpu.memory_space<vmem>>, vector<1x16xf32>,
        %swap3A_565 = vector.shape_cast %swap3A_564 : vector<1x16xf32> to vector<16xf32>
        %swap3A_566 = vector.shape_cast %get3A_561 : vector<16xf32> to vector<1x16xf32>
        tpu.vector_store %arg9[%swap3A_562, %swap3A_563], %swap3A_566 {add = true, strides = array<i32>} : memref<16x1024xf32, #tpu.memory_space<vmem>>, vector<1x16xf32>,
        %get3A_567 = arith.index_cast %scan3A_181 : i32 to index
        %get3A_568 = arith.constant 688 : index
        %get3A_569 = tpu.vector_load %arg11[%get3A_567, %get3A_568] {strides = array<i32>} : memref<16x1024xf32, #tpu.memory_space<vmem>>, vector<1x16xf32>,
        %get3A_570 = vector.shape_cast %get3A_569 : vector<1x16xf32> to vector<16xf32>
        %swap3A_571 = arith.index_cast %scan3A_181 : i32 to index
        %swap3A_572 = arith.constant 688 : index
        %swap3A_573 = tpu.vector_load %arg9[%swap3A_571, %swap3A_572] {strides = array<i32>} : memref<16x1024xf32, #tpu.memory_space<vmem>>, vector<1x16xf32>,
        %swap3A_574 = vector.shape_cast %swap3A_573 : vector<1x16xf32> to vector<16xf32>
        %swap3A_575 = vector.shape_cast %get3A_570 : vector<16xf32> to vector<1x16xf32>
        tpu.vector_store %arg9[%swap3A_571, %swap3A_572], %swap3A_575 {add = true, strides = array<i32>} : memref<16x1024xf32, #tpu.memory_space<vmem>>, vector<1x16xf32>,
        %get3A_576 = arith.index_cast %scan3A_181 : i32 to index
        %get3A_577 = arith.constant 704 : index
        %get3A_578 = tpu.vector_load %arg11[%get3A_576, %get3A_577] {strides = array<i32>} : memref<16x1024xf32, #tpu.memory_space<vmem>>, vector<1x16xf32>,
        %get3A_579 = vector.shape_cast %get3A_578 : vector<1x16xf32> to vector<16xf32>
        %swap3A_580 = arith.index_cast %scan3A_181 : i32 to index
        %swap3A_581 = arith.constant 704 : index
        %swap3A_582 = tpu.vector_load %arg9[%swap3A_580, %swap3A_581] {strides = array<i32>} : memref<16x1024xf32, #tpu.memory_space<vmem>>, vector<1x16xf32>,
        %swap3A_583 = vector.shape_cast %swap3A_582 : vector<1x16xf32> to vector<16xf32>
        %swap3A_584 = vector.shape_cast %get3A_579 : vector<16xf32> to vector<1x16xf32>
        tpu.vector_store %arg9[%swap3A_580, %swap3A_581], %swap3A_584 {add = true, strides = array<i32>} : memref<16x1024xf32, #tpu.memory_space<vmem>>, vector<1x16xf32>,
        %get3A_585 = arith.index_cast %scan3A_181 : i32 to index
        %get3A_586 = arith.constant 720 : index
        %get3A_587 = tpu.vector_load %arg11[%get3A_585, %get3A_586] {strides = array<i32>} : memref<16x1024xf32, #tpu.memory_space<vmem>>, vector<1x16xf32>,
        %get3A_588 = vector.shape_cast %get3A_587 : vector<1x16xf32> to vector<16xf32>
        %swap3A_589 = arith.index_cast %scan3A_181 : i32 to index
        %swap3A_590 = arith.constant 720 : index
        %swap3A_591 = tpu.vector_load %arg9[%swap3A_589, %swap3A_590] {strides = array<i32>} : memref<16x1024xf32, #tpu.memory_space<vmem>>, vector<1x16xf32>,
        %swap3A_592 = vector.shape_cast %swap3A_591 : vector<1x16xf32> to vector<16xf32>
        %swap3A_593 = vector.shape_cast %get3A_588 : vector<16xf32> to vector<1x16xf32>
        tpu.vector_store %arg9[%swap3A_589, %swap3A_590], %swap3A_593 {add = true, strides = array<i32>} : memref<16x1024xf32, #tpu.memory_space<vmem>>, vector<1x16xf32>,
        %get3A_594 = arith.index_cast %scan3A_181 : i32 to index
        %get3A_595 = arith.constant 736 : index
        %get3A_596 = tpu.vector_load %arg11[%get3A_594, %get3A_595] {strides = array<i32>} : memref<16x1024xf32, #tpu.memory_space<vmem>>, vector<1x16xf32>,
        %get3A_597 = vector.shape_cast %get3A_596 : vector<1x16xf32> to vector<16xf32>
        %swap3A_598 = arith.index_cast %scan3A_181 : i32 to index
        %swap3A_599 = arith.constant 736 : index
        %swap3A_600 = tpu.vector_load %arg9[%swap3A_598, %swap3A_599] {strides = array<i32>} : memref<16x1024xf32, #tpu.memory_space<vmem>>, vector<1x16xf32>,
        %swap3A_601 = vector.shape_cast %swap3A_600 : vector<1x16xf32> to vector<16xf32>
        %swap3A_602 = vector.shape_cast %get3A_597 : vector<16xf32> to vector<1x16xf32>
        tpu.vector_store %arg9[%swap3A_598, %swap3A_599], %swap3A_602 {add = true, strides = array<i32>} : memref<16x1024xf32, #tpu.memory_space<vmem>>, vector<1x16xf32>,
        %get3A_603 = arith.index_cast %scan3A_181 : i32 to index
        %get3A_604 = arith.constant 752 : index
        %get3A_605 = tpu.vector_load %arg11[%get3A_603, %get3A_604] {strides = array<i32>} : memref<16x1024xf32, #tpu.memory_space<vmem>>, vector<1x16xf32>,
        %get3A_606 = vector.shape_cast %get3A_605 : vector<1x16xf32> to vector<16xf32>
        %swap3A_607 = arith.index_cast %scan3A_181 : i32 to index
        %swap3A_608 = arith.constant 752 : index
        %swap3A_609 = tpu.vector_load %arg9[%swap3A_607, %swap3A_608] {strides = array<i32>} : memref<16x1024xf32, #tpu.memory_space<vmem>>, vector<1x16xf32>,
        %swap3A_610 = vector.shape_cast %swap3A_609 : vector<1x16xf32> to vector<16xf32>
        %swap3A_611 = vector.shape_cast %get3A_606 : vector<16xf32> to vector<1x16xf32>
        tpu.vector_store %arg9[%swap3A_607, %swap3A_608], %swap3A_611 {add = true, strides = array<i32>} : memref<16x1024xf32, #tpu.memory_space<vmem>>, vector<1x16xf32>,
        %get3A_612 = arith.index_cast %scan3A_181 : i32 to index
        %get3A_613 = arith.constant 768 : index
        %get3A_614 = tpu.vector_load %arg11[%get3A_612, %get3A_613] {strides = array<i32>} : memref<16x1024xf32, #tpu.memory_space<vmem>>, vector<1x16xf32>,
        %get3A_615 = vector.shape_cast %get3A_614 : vector<1x16xf32> to vector<16xf32>
        %swap3A_616 = arith.index_cast %scan3A_181 : i32 to index
        %swap3A_617 = arith.constant 768 : index
        %swap3A_618 = tpu.vector_load %arg9[%swap3A_616, %swap3A_617] {strides = array<i32>} : memref<16x1024xf32, #tpu.memory_space<vmem>>, vector<1x16xf32>,
        %swap3A_619 = vector.shape_cast %swap3A_618 : vector<1x16xf32> to vector<16xf32>
        %swap3A_620 = vector.shape_cast %get3A_615 : vector<16xf32> to vector<1x16xf32>
        tpu.vector_store %arg9[%swap3A_616, %swap3A_617], %swap3A_620 {add = true, strides = array<i32>} : memref<16x1024xf32, #tpu.memory_space<vmem>>, vector<1x16xf32>,
        %get3A_621 = arith.index_cast %scan3A_181 : i32 to index
        %get3A_622 = arith.constant 784 : index
        %get3A_623 = tpu.vector_load %arg11[%get3A_621, %get3A_622] {strides = array<i32>} : memref<16x1024xf32, #tpu.memory_space<vmem>>, vector<1x16xf32>,
        %get3A_624 = vector.shape_cast %get3A_623 : vector<1x16xf32> to vector<16xf32>
        %swap3A_625 = arith.index_cast %scan3A_181 : i32 to index
        %swap3A_626 = arith.constant 784 : index
        %swap3A_627 = tpu.vector_load %arg9[%swap3A_625, %swap3A_626] {strides = array<i32>} : memref<16x1024xf32, #tpu.memory_space<vmem>>, vector<1x16xf32>,
        %swap3A_628 = vector.shape_cast %swap3A_627 : vector<1x16xf32> to vector<16xf32>
        %swap3A_629 = vector.shape_cast %get3A_624 : vector<16xf32> to vector<1x16xf32>
        tpu.vector_store %arg9[%swap3A_625, %swap3A_626], %swap3A_629 {add = true, strides = array<i32>} : memref<16x1024xf32, #tpu.memory_space<vmem>>, vector<1x16xf32>,
        %get3A_630 = arith.index_cast %scan3A_181 : i32 to index
        %get3A_631 = arith.constant 800 : index
        %get3A_632 = tpu.vector_load %arg11[%get3A_630, %get3A_631] {strides = array<i32>} : memref<16x1024xf32, #tpu.memory_space<vmem>>, vector<1x16xf32>,
        %get3A_633 = vector.shape_cast %get3A_632 : vector<1x16xf32> to vector<16xf32>
        %swap3A_634 = arith.index_cast %scan3A_181 : i32 to index
        %swap3A_635 = arith.constant 800 : index
        %swap3A_636 = tpu.vector_load %arg9[%swap3A_634, %swap3A_635] {strides = array<i32>} : memref<16x1024xf32, #tpu.memory_space<vmem>>, vector<1x16xf32>,
        %swap3A_637 = vector.shape_cast %swap3A_636 : vector<1x16xf32> to vector<16xf32>
        %swap3A_638 = vector.shape_cast %get3A_633 : vector<16xf32> to vector<1x16xf32>
        tpu.vector_store %arg9[%swap3A_634, %swap3A_635], %swap3A_638 {add = true, strides = array<i32>} : memref<16x1024xf32, #tpu.memory_space<vmem>>, vector<1x16xf32>,
        %get3A_639 = arith.index_cast %scan3A_181 : i32 to index
        %get3A_640 = arith.constant 816 : index
        %get3A_641 = tpu.vector_load %arg11[%get3A_639, %get3A_640] {strides = array<i32>} : memref<16x1024xf32, #tpu.memory_space<vmem>>, vector<1x16xf32>,
        %get3A_642 = vector.shape_cast %get3A_641 : vector<1x16xf32> to vector<16xf32>
        %swap3A_643 = arith.index_cast %scan3A_181 : i32 to index
        %swap3A_644 = arith.constant 816 : index
        %swap3A_645 = tpu.vector_load %arg9[%swap3A_643, %swap3A_644] {strides = array<i32>} : memref<16x1024xf32, #tpu.memory_space<vmem>>, vector<1x16xf32>,
        %swap3A_646 = vector.shape_cast %swap3A_645 : vector<1x16xf32> to vector<16xf32>
        %swap3A_647 = vector.shape_cast %get3A_642 : vector<16xf32> to vector<1x16xf32>
        tpu.vector_store %arg9[%swap3A_643, %swap3A_644], %swap3A_647 {add = true, strides = array<i32>} : memref<16x1024xf32, #tpu.memory_space<vmem>>, vector<1x16xf32>,
        %get3A_648 = arith.index_cast %scan3A_181 : i32 to index
        %get3A_649 = arith.constant 832 : index
        %get3A_650 = tpu.vector_load %arg11[%get3A_648, %get3A_649] {strides = array<i32>} : memref<16x1024xf32, #tpu.memory_space<vmem>>, vector<1x16xf32>,
        %get3A_651 = vector.shape_cast %get3A_650 : vector<1x16xf32> to vector<16xf32>
        %swap3A_652 = arith.index_cast %scan3A_181 : i32 to index
        %swap3A_653 = arith.constant 832 : index
        %swap3A_654 = tpu.vector_load %arg9[%swap3A_652, %swap3A_653] {strides = array<i32>} : memref<16x1024xf32, #tpu.memory_space<vmem>>, vector<1x16xf32>,
        %swap3A_655 = vector.shape_cast %swap3A_654 : vector<1x16xf32> to vector<16xf32>
        %swap3A_656 = vector.shape_cast %get3A_651 : vector<16xf32> to vector<1x16xf32>
        tpu.vector_store %arg9[%swap3A_652, %swap3A_653], %swap3A_656 {add = true, strides = array<i32>} : memref<16x1024xf32, #tpu.memory_space<vmem>>, vector<1x16xf32>,
        %get3A_657 = arith.index_cast %scan3A_181 : i32 to index
        %get3A_658 = arith.constant 848 : index
        %get3A_659 = tpu.vector_load %arg11[%get3A_657, %get3A_658] {strides = array<i32>} : memref<16x1024xf32, #tpu.memory_space<vmem>>, vector<1x16xf32>,
        %get3A_660 = vector.shape_cast %get3A_659 : vector<1x16xf32> to vector<16xf32>
        %swap3A_661 = arith.index_cast %scan3A_181 : i32 to index
        %swap3A_662 = arith.constant 848 : index
        %swap3A_663 = tpu.vector_load %arg9[%swap3A_661, %swap3A_662] {strides = array<i32>} : memref<16x1024xf32, #tpu.memory_space<vmem>>, vector<1x16xf32>,
        %swap3A_664 = vector.shape_cast %swap3A_663 : vector<1x16xf32> to vector<16xf32>
        %swap3A_665 = vector.shape_cast %get3A_660 : vector<16xf32> to vector<1x16xf32>
        tpu.vector_store %arg9[%swap3A_661, %swap3A_662], %swap3A_665 {add = true, strides = array<i32>} : memref<16x1024xf32, #tpu.memory_space<vmem>>, vector<1x16xf32>,
        %get3A_666 = arith.index_cast %scan3A_181 : i32 to index
        %get3A_667 = arith.constant 864 : index
        %get3A_668 = tpu.vector_load %arg11[%get3A_666, %get3A_667] {strides = array<i32>} : memref<16x1024xf32, #tpu.memory_space<vmem>>, vector<1x16xf32>,
        %get3A_669 = vector.shape_cast %get3A_668 : vector<1x16xf32> to vector<16xf32>
        %swap3A_670 = arith.index_cast %scan3A_181 : i32 to index
        %swap3A_671 = arith.constant 864 : index
        %swap3A_672 = tpu.vector_load %arg9[%swap3A_670, %swap3A_671] {strides = array<i32>} : memref<16x1024xf32, #tpu.memory_space<vmem>>, vector<1x16xf32>,
        %swap3A_673 = vector.shape_cast %swap3A_672 : vector<1x16xf32> to vector<16xf32>
        %swap3A_674 = vector.shape_cast %get3A_669 : vector<16xf32> to vector<1x16xf32>
        tpu.vector_store %arg9[%swap3A_670, %swap3A_671], %swap3A_674 {add = true, strides = array<i32>} : memref<16x1024xf32, #tpu.memory_space<vmem>>, vector<1x16xf32>,
        %get3A_675 = arith.index_cast %scan3A_181 : i32 to index
        %get3A_676 = arith.constant 880 : index
        %get3A_677 = tpu.vector_load %arg11[%get3A_675, %get3A_676] {strides = array<i32>} : memref<16x1024xf32, #tpu.memory_space<vmem>>, vector<1x16xf32>,
        %get3A_678 = vector.shape_cast %get3A_677 : vector<1x16xf32> to vector<16xf32>
        %swap3A_679 = arith.index_cast %scan3A_181 : i32 to index
        %swap3A_680 = arith.constant 880 : index
        %swap3A_681 = tpu.vector_load %arg9[%swap3A_679, %swap3A_680] {strides = array<i32>} : memref<16x1024xf32, #tpu.memory_space<vmem>>, vector<1x16xf32>,
        %swap3A_682 = vector.shape_cast %swap3A_681 : vector<1x16xf32> to vector<16xf32>
        %swap3A_683 = vector.shape_cast %get3A_678 : vector<16xf32> to vector<1x16xf32>
        tpu.vector_store %arg9[%swap3A_679, %swap3A_680], %swap3A_683 {add = true, strides = array<i32>} : memref<16x1024xf32, #tpu.memory_space<vmem>>, vector<1x16xf32>,
        %get3A_684 = arith.index_cast %scan3A_181 : i32 to index
        %get3A_685 = arith.constant 896 : index
        %get3A_686 = tpu.vector_load %arg11[%get3A_684, %get3A_685] {strides = array<i32>} : memref<16x1024xf32, #tpu.memory_space<vmem>>, vector<1x16xf32>,
        %get3A_687 = vector.shape_cast %get3A_686 : vector<1x16xf32> to vector<16xf32>
        %swap3A_688 = arith.index_cast %scan3A_181 : i32 to index
        %swap3A_689 = arith.constant 896 : index
        %swap3A_690 = tpu.vector_load %arg9[%swap3A_688, %swap3A_689] {strides = array<i32>} : memref<16x1024xf32, #tpu.memory_space<vmem>>, vector<1x16xf32>,
        %swap3A_691 = vector.shape_cast %swap3A_690 : vector<1x16xf32> to vector<16xf32>
        %swap3A_692 = vector.shape_cast %get3A_687 : vector<16xf32> to vector<1x16xf32>
        tpu.vector_store %arg9[%swap3A_688, %swap3A_689], %swap3A_692 {add = true, strides = array<i32>} : memref<16x1024xf32, #tpu.memory_space<vmem>>, vector<1x16xf32>,
        %get3A_693 = arith.index_cast %scan3A_181 : i32 to index
        %get3A_694 = arith.constant 912 : index
        %get3A_695 = tpu.vector_load %arg11[%get3A_693, %get3A_694] {strides = array<i32>} : memref<16x1024xf32, #tpu.memory_space<vmem>>, vector<1x16xf32>,
        %get3A_696 = vector.shape_cast %get3A_695 : vector<1x16xf32> to vector<16xf32>
        %swap3A_697 = arith.index_cast %scan3A_181 : i32 to index
        %swap3A_698 = arith.constant 912 : index
        %swap3A_699 = tpu.vector_load %arg9[%swap3A_697, %swap3A_698] {strides = array<i32>} : memref<16x1024xf32, #tpu.memory_space<vmem>>, vector<1x16xf32>,
        %swap3A_700 = vector.shape_cast %swap3A_699 : vector<1x16xf32> to vector<16xf32>
        %swap3A_701 = vector.shape_cast %get3A_696 : vector<16xf32> to vector<1x16xf32>
        tpu.vector_store %arg9[%swap3A_697, %swap3A_698], %swap3A_701 {add = true, strides = array<i32>} : memref<16x1024xf32, #tpu.memory_space<vmem>>, vector<1x16xf32>,
        %get3A_702 = arith.index_cast %scan3A_181 : i32 to index
        %get3A_703 = arith.constant 928 : index
        %get3A_704 = tpu.vector_load %arg11[%get3A_702, %get3A_703] {strides = array<i32>} : memref<16x1024xf32, #tpu.memory_space<vmem>>, vector<1x16xf32>,
        %get3A_705 = vector.shape_cast %get3A_704 : vector<1x16xf32> to vector<16xf32>
        %swap3A_706 = arith.index_cast %scan3A_181 : i32 to index
        %swap3A_707 = arith.constant 928 : index
        %swap3A_708 = tpu.vector_load %arg9[%swap3A_706, %swap3A_707] {strides = array<i32>} : memref<16x1024xf32, #tpu.memory_space<vmem>>, vector<1x16xf32>,
        %swap3A_709 = vector.shape_cast %swap3A_708 : vector<1x16xf32> to vector<16xf32>
        %swap3A_710 = vector.shape_cast %get3A_705 : vector<16xf32> to vector<1x16xf32>
        tpu.vector_store %arg9[%swap3A_706, %swap3A_707], %swap3A_710 {add = true, strides = array<i32>} : memref<16x1024xf32, #tpu.memory_space<vmem>>, vector<1x16xf32>,
        %get3A_711 = arith.index_cast %scan3A_181 : i32 to index
        %get3A_712 = arith.constant 944 : index
        %get3A_713 = tpu.vector_load %arg11[%get3A_711, %get3A_712] {strides = array<i32>} : memref<16x1024xf32, #tpu.memory_space<vmem>>, vector<1x16xf32>,
        %get3A_714 = vector.shape_cast %get3A_713 : vector<1x16xf32> to vector<16xf32>
        %swap3A_715 = arith.index_cast %scan3A_181 : i32 to index
        %swap3A_716 = arith.constant 944 : index
        %swap3A_717 = tpu.vector_load %arg9[%swap3A_715, %swap3A_716] {strides = array<i32>} : memref<16x1024xf32, #tpu.memory_space<vmem>>, vector<1x16xf32>,
        %swap3A_718 = vector.shape_cast %swap3A_717 : vector<1x16xf32> to vector<16xf32>
        %swap3A_719 = vector.shape_cast %get3A_714 : vector<16xf32> to vector<1x16xf32>
        tpu.vector_store %arg9[%swap3A_715, %swap3A_716], %swap3A_719 {add = true, strides = array<i32>} : memref<16x1024xf32, #tpu.memory_space<vmem>>, vector<1x16xf32>,
        %get3A_720 = arith.index_cast %scan3A_181 : i32 to index
        %get3A_721 = arith.constant 960 : index
        %get3A_722 = tpu.vector_load %arg11[%get3A_720, %get3A_721] {strides = array<i32>} : memref<16x1024xf32, #tpu.memory_space<vmem>>, vector<1x16xf32>,
        %get3A_723 = vector.shape_cast %get3A_722 : vector<1x16xf32> to vector<16xf32>
        %swap3A_724 = arith.index_cast %scan3A_181 : i32 to index
        %swap3A_725 = arith.constant 960 : index
        %swap3A_726 = tpu.vector_load %arg9[%swap3A_724, %swap3A_725] {strides = array<i32>} : memref<16x1024xf32, #tpu.memory_space<vmem>>, vector<1x16xf32>,
        %swap3A_727 = vector.shape_cast %swap3A_726 : vector<1x16xf32> to vector<16xf32>
        %swap3A_728 = vector.shape_cast %get3A_723 : vector<16xf32> to vector<1x16xf32>
        tpu.vector_store %arg9[%swap3A_724, %swap3A_725], %swap3A_728 {add = true, strides = array<i32>} : memref<16x1024xf32, #tpu.memory_space<vmem>>, vector<1x16xf32>,
        %get3A_729 = arith.index_cast %scan3A_181 : i32 to index
        %get3A_730 = arith.constant 976 : index
        %get3A_731 = tpu.vector_load %arg11[%get3A_729, %get3A_730] {strides = array<i32>} : memref<16x1024xf32, #tpu.memory_space<vmem>>, vector<1x16xf32>,
        %get3A_732 = vector.shape_cast %get3A_731 : vector<1x16xf32> to vector<16xf32>
        %swap3A_733 = arith.index_cast %scan3A_181 : i32 to index
        %swap3A_734 = arith.constant 976 : index
        %swap3A_735 = tpu.vector_load %arg9[%swap3A_733, %swap3A_734] {strides = array<i32>} : memref<16x1024xf32, #tpu.memory_space<vmem>>, vector<1x16xf32>,
        %swap3A_736 = vector.shape_cast %swap3A_735 : vector<1x16xf32> to vector<16xf32>
        %swap3A_737 = vector.shape_cast %get3A_732 : vector<16xf32> to vector<1x16xf32>
        tpu.vector_store %arg9[%swap3A_733, %swap3A_734], %swap3A_737 {add = true, strides = array<i32>} : memref<16x1024xf32, #tpu.memory_space<vmem>>, vector<1x16xf32>,
        %get3A_738 = arith.index_cast %scan3A_181 : i32 to index
        %get3A_739 = arith.constant 992 : index
        %get3A_740 = tpu.vector_load %arg11[%get3A_738, %get3A_739] {strides = array<i32>} : memref<16x1024xf32, #tpu.memory_space<vmem>>, vector<1x16xf32>,
        %get3A_741 = vector.shape_cast %get3A_740 : vector<1x16xf32> to vector<16xf32>
        %swap3A_742 = arith.index_cast %scan3A_181 : i32 to index
        %swap3A_743 = arith.constant 992 : index
        %swap3A_744 = tpu.vector_load %arg9[%swap3A_742, %swap3A_743] {strides = array<i32>} : memref<16x1024xf32, #tpu.memory_space<vmem>>, vector<1x16xf32>,
        %swap3A_745 = vector.shape_cast %swap3A_744 : vector<1x16xf32> to vector<16xf32>
        %swap3A_746 = vector.shape_cast %get3A_741 : vector<16xf32> to vector<1x16xf32>
        tpu.vector_store %arg9[%swap3A_742, %swap3A_743], %swap3A_746 {add = true, strides = array<i32>} : memref<16x1024xf32, #tpu.memory_space<vmem>>, vector<1x16xf32>,
        %get3A_747 = arith.index_cast %scan3A_181 : i32 to index
        %get3A_748 = arith.constant 1008 : index
        %get3A_749 = tpu.vector_load %arg11[%get3A_747, %get3A_748] {strides = array<i32>} : memref<16x1024xf32, #tpu.memory_space<vmem>>, vector<1x16xf32>,
        %get3A_750 = vector.shape_cast %get3A_749 : vector<1x16xf32> to vector<16xf32>
        %swap3A_751 = arith.index_cast %scan3A_181 : i32 to index
        %swap3A_752 = arith.constant 1008 : index
        %swap3A_753 = tpu.vector_load %arg9[%swap3A_751, %swap3A_752] {strides = array<i32>} : memref<16x1024xf32, #tpu.memory_space<vmem>>, vector<1x16xf32>,
        %swap3A_754 = vector.shape_cast %swap3A_753 : vector<1x16xf32> to vector<16xf32>
        %swap3A_755 = vector.shape_cast %get3A_750 : vector<16xf32> to vector<1x16xf32>
        tpu.vector_store %arg9[%swap3A_751, %swap3A_752], %swap3A_755 {add = true, strides = array<i32>} : memref<16x1024xf32, #tpu.memory_space<vmem>>, vector<1x16xf32>,
      }
      %scan3A_138 = arith.constant 16 : i32
      %mul3A_139 = arith.constant 16 : i32
      %mul3A_140 = arith.muli %add3A_112, %mul3A_139 : i32
      %add3A_141 = arith.addi %mul3A_2, %mul3A_140 : i32
      %dma_start3A_142 = arith.constant 0 : i32
      %dma_start3A_143 = tpu.memref_slice %arg5[%add3A_141, %dma_start3A_142] : memref<16384x1024xf32, #tpu.memory_space<hbm>> -> memref<16x1024xf32, #tpu.memory_space<hbm>>
      %dma_start3A_144 = arith.constant 0 : i32
      %dma_start3A_145 = tpu.memref_slice %arg5[%add3A_141, %dma_start3A_144] : memref<16384x1024xf32, #tpu.memory_space<hbm>> -> memref<16x1024xf32, #tpu.memory_space<hbm>>
      tpu.enqueue_dma source(%arg9 : memref<16x1024xf32, #tpu.memory_space<vmem>>) target(%dma_start3A_145 : memref<16x1024xf32, #tpu.memory_space<hbm>>) target_semaphore(%arg21 : memref<!tpu.dma_semaphore, #tpu.memory_space<semaphore_mem>>)
      %add3A_146 = arith.constant 3 : i32
      %add3A_147 = arith.addi %mul3A_43, %add3A_146 : i32
      %add3A_148 = arith.constant 1 : i32
      %add3A_149 = arith.addi %add3A_147, %add3A_148 : i32
      %lt3A_150 = arith.constant 32 : i32
      %lt3A_151 = arith.cmpi slt, %add3A_149, %lt3A_150 : i32
      %convert_element_type3A_152 = arith.extui %lt3A_151 : i1 to i32
      %cond3A_153 = arith.constant 0 : i32
      %cond3A_154 = arith.cmpi ne, %convert_element_type3A_152, %cond3A_153 : i32
      scf.if %cond3A_154 {
        %add3A_181 = arith.constant 1 : i32
        %add3A_182 = arith.addi %add3A_147, %add3A_181 : i32
        %mul3A_183 = arith.constant 16 : i32
        %mul3A_184 = arith.muli %add3A_182, %mul3A_183 : i32
        %dma_start3A_185 = tpu.memref_slice %arg6[%mul3A_184] : memref<512xi32, #tpu.memory_space<vmem>> -> memref<16xi32, #tpu.memory_space<vmem>>
        %dma_start3A_186 = arith.constant 0 : i32
        %dma_start3A_187 = arith.constant 0 : i32
        %dma_start3A_188 = tpu.memref_slice %arg4[%dma_start3A_186, %dma_start3A_187] : memref<32768x1024xf32, #tpu.memory_space<hbm>> -> memref<32768x1024xf32, #tpu.memory_space<hbm>>
        tpu.enqueue_indirect_dma source(%dma_start3A_188 : memref<32768x1024xf32, #tpu.memory_space<hbm>>) target(%arg11 : memref<16x1024xf32, #tpu.memory_space<vmem>>) offsets(%dma_start3A_185 : memref<16xi32, #tpu.memory_space<vmem>>) semaphore(%arg17 : memref<!tpu.dma_semaphore, #tpu.memory_space<semaphore_mem>>)
        %add3A_189 = arith.constant 1 : i32
        %add3A_190 = arith.addi %add3A_147, %add3A_189 : i32
        %ge3A = arith.constant 4 : i32
        %ge3A_191 = arith.cmpi sge, %add3A_190, %ge3A : i32
        %convert_element_type3A_192 = arith.extui %ge3A_191 : i1 to i32
        %cond3A_193 = arith.constant 0 : i32
        %cond3A_194 = arith.cmpi ne, %convert_element_type3A_192, %cond3A_193 : i32
        scf.if %cond3A_194 {
          %add3A_204 = arith.constant 1 : i32
          %add3A_205 = arith.addi %add3A_147, %add3A_204 : i32
          %sub3A = arith.constant 4 : i32
          %sub3A_206 = arith.subi %add3A_205, %sub3A : i32
          %mul3A_207 = arith.constant 16 : i32
          %mul3A_208 = arith.muli %sub3A_206, %mul3A_207 : i32
          %add3A_209 = arith.addi %mul3A_2, %mul3A_208 : i32
          %dma_wait3A_210 = arith.constant 0 : i32
          %dma_wait3A_211 = tpu.memref_slice %arg5[%add3A_209, %dma_wait3A_210] : memref<16384x1024xf32, #tpu.memory_space<hbm>> -> memref<16x1024xf32, #tpu.memory_space<hbm>>
          %dma_wait3A_212 = arith.constant 0 : i32
          %dma_wait3A_213 = tpu.memref_slice %arg5[%add3A_209, %dma_wait3A_212] : memref<16384x1024xf32, #tpu.memory_space<hbm>> -> memref<16x1024xf32, #tpu.memory_space<hbm>>
          tpu.wait_dma2 semaphore(%arg19 : memref<!tpu.dma_semaphore, #tpu.memory_space<semaphore_mem>>) src(%arg7 : memref<16x1024xf32, #tpu.memory_space<vmem>>) dst(%dma_wait3A_213 : memref<16x1024xf32, #tpu.memory_space<hbm>>)
        } else {
        }
        %add3A_195 = arith.constant 1 : i32
        %add3A_196 = arith.addi %add3A_147, %add3A_195 : i32
        %mul3A_197 = arith.constant 16 : i32
        %mul3A_198 = arith.muli %add3A_196, %mul3A_197 : i32
        %add3A_199 = arith.addi %mul3A_2, %mul3A_198 : i32
        %dma_start3A_200 = arith.constant 0 : i32
        %dma_start3A_201 = tpu.memref_slice %arg2[%add3A_199, %dma_start3A_200] : memref<16384x1024xf32, #tpu.memory_space<hbm>> -> memref<16x1024xf32, #tpu.memory_space<hbm>>
        %dma_start3A_202 = arith.constant 0 : i32
        %dma_start3A_203 = tpu.memref_slice %arg2[%add3A_199, %dma_start3A_202] : memref<16384x1024xf32, #tpu.memory_space<hbm>> -> memref<16x1024xf32, #tpu.memory_space<hbm>>
        tpu.enqueue_dma source(%dma_start3A_203 : memref<16x1024xf32, #tpu.memory_space<hbm>>) target(%arg7 : memref<16x1024xf32, #tpu.memory_space<vmem>>) target_semaphore(%arg13 : memref<!tpu.dma_semaphore, #tpu.memory_space<semaphore_mem>>)
      } else {
      }
      %mul3A_155 = arith.constant 16 : i32
      %mul3A_156 = arith.muli %add3A_147, %mul3A_155 : i32
      %dma_wait3A_157 = tpu.memref_slice %arg6[%mul3A_156] : memref<512xi32, #tpu.memory_space<vmem>> -> memref<16xi32, #tpu.memory_space<vmem>>
      %dma_wait3A_158 = arith.constant 0 : i32
      %dma_wait3A_159 = arith.constant 0 : i32
      %dma_wait3A_160 = tpu.memref_slice %arg4[%dma_wait3A_158, %dma_wait3A_159] : memref<32768x1024xf32, #tpu.memory_space<hbm>> -> memref<32768x1024xf32, #tpu.memory_space<hbm>>
      tpu.wait_indirect_dma semaphore(%arg18 : memref<!tpu.dma_semaphore, #tpu.memory_space<semaphore_mem>>) src(%dma_wait3A_160 : memref<32768x1024xf32, #tpu.memory_space<hbm>>) dst(%arg12 : memref<16x1024xf32, #tpu.memory_space<vmem>>)
      %mul3A_161 = arith.constant 16 : i32
      %mul3A_162 = arith.muli %add3A_147, %mul3A_161 : i32
      %add3A_163 = arith.addi %mul3A_2, %mul3A_162 : i32
      %dma_wait3A_164 = arith.constant 0 : i32
      %dma_wait3A_165 = tpu.memref_slice %arg2[%add3A_163, %dma_wait3A_164] : memref<16384x1024xf32, #tpu.memory_space<hbm>> -> memref<16x1024xf32, #tpu.memory_space<hbm>>
      %dma_wait3A_166 = arith.constant 0 : i32
      %dma_wait3A_167 = tpu.memref_slice %arg2[%add3A_163, %dma_wait3A_166] : memref<16384x1024xf32, #tpu.memory_space<hbm>> -> memref<16x1024xf32, #tpu.memory_space<hbm>>
      tpu.wait_dma2 semaphore(%arg16 : memref<!tpu.dma_semaphore, #tpu.memory_space<semaphore_mem>>) src(%dma_wait3A_167 : memref<16x1024xf32, #tpu.memory_space<hbm>>) dst(%arg10 : memref<16x1024xf32, #tpu.memory_space<vmem>>)
      %scan3A_168 = arith.constant 0 : i32
      %scan3A_169 = arith.constant 0 : i32
      %scan3A_170 = arith.constant 16 : i32
      %scan3A_171 = arith.addi %scan3A_169, %scan3A_170 : i32
      %scan3A_172 = arith.constant 1 : i32
      scf.for %scan3A_181 = %scan3A_169 to %scan3A_171 step %scan3A_172  : i32 {
        %get3A = arith.index_cast %scan3A_181 : i32 to index
        %get3A_182 = arith.constant 0 : index
        %get3A_183 = tpu.vector_load %arg12[%get3A, %get3A_182] {strides = array<i32>} : memref<16x1024xf32, #tpu.memory_space<vmem>>, vector<1x16xf32>,
        %get3A_184 = vector.shape_cast %get3A_183 : vector<1x16xf32> to vector<16xf32>
        %swap3A = arith.index_cast %scan3A_181 : i32 to index
        %swap3A_185 = arith.constant 0 : index
        %swap3A_186 = tpu.vector_load %arg10[%swap3A, %swap3A_185] {strides = array<i32>} : memref<16x1024xf32, #tpu.memory_space<vmem>>, vector<1x16xf32>,
        %swap3A_187 = vector.shape_cast %swap3A_186 : vector<1x16xf32> to vector<16xf32>
        %swap3A_188 = vector.shape_cast %get3A_184 : vector<16xf32> to vector<1x16xf32>
        tpu.vector_store %arg10[%swap3A, %swap3A_185], %swap3A_188 {add = true, strides = array<i32>} : memref<16x1024xf32, #tpu.memory_space<vmem>>, vector<1x16xf32>,
        %get3A_189 = arith.index_cast %scan3A_181 : i32 to index
        %get3A_190 = arith.constant 16 : index
        %get3A_191 = tpu.vector_load %arg12[%get3A_189, %get3A_190] {strides = array<i32>} : memref<16x1024xf32, #tpu.memory_space<vmem>>, vector<1x16xf32>,
        %get3A_192 = vector.shape_cast %get3A_191 : vector<1x16xf32> to vector<16xf32>
        %swap3A_193 = arith.index_cast %scan3A_181 : i32 to index
        %swap3A_194 = arith.constant 16 : index
        %swap3A_195 = tpu.vector_load %arg10[%swap3A_193, %swap3A_194] {strides = array<i32>} : memref<16x1024xf32, #tpu.memory_space<vmem>>, vector<1x16xf32>,
        %swap3A_196 = vector.shape_cast %swap3A_195 : vector<1x16xf32> to vector<16xf32>
        %swap3A_197 = vector.shape_cast %get3A_192 : vector<16xf32> to vector<1x16xf32>
        tpu.vector_store %arg10[%swap3A_193, %swap3A_194], %swap3A_197 {add = true, strides = array<i32>} : memref<16x1024xf32, #tpu.memory_space<vmem>>, vector<1x16xf32>,
        %get3A_198 = arith.index_cast %scan3A_181 : i32 to index
        %get3A_199 = arith.constant 32 : index
        %get3A_200 = tpu.vector_load %arg12[%get3A_198, %get3A_199] {strides = array<i32>} : memref<16x1024xf32, #tpu.memory_space<vmem>>, vector<1x16xf32>,
        %get3A_201 = vector.shape_cast %get3A_200 : vector<1x16xf32> to vector<16xf32>
        %swap3A_202 = arith.index_cast %scan3A_181 : i32 to index
        %swap3A_203 = arith.constant 32 : index
        %swap3A_204 = tpu.vector_load %arg10[%swap3A_202, %swap3A_203] {strides = array<i32>} : memref<16x1024xf32, #tpu.memory_space<vmem>>, vector<1x16xf32>,
        %swap3A_205 = vector.shape_cast %swap3A_204 : vector<1x16xf32> to vector<16xf32>
        %swap3A_206 = vector.shape_cast %get3A_201 : vector<16xf32> to vector<1x16xf32>
        tpu.vector_store %arg10[%swap3A_202, %swap3A_203], %swap3A_206 {add = true, strides = array<i32>} : memref<16x1024xf32, #tpu.memory_space<vmem>>, vector<1x16xf32>,
        %get3A_207 = arith.index_cast %scan3A_181 : i32 to index
        %get3A_208 = arith.constant 48 : index
        %get3A_209 = tpu.vector_load %arg12[%get3A_207, %get3A_208] {strides = array<i32>} : memref<16x1024xf32, #tpu.memory_space<vmem>>, vector<1x16xf32>,
        %get3A_210 = vector.shape_cast %get3A_209 : vector<1x16xf32> to vector<16xf32>
        %swap3A_211 = arith.index_cast %scan3A_181 : i32 to index
        %swap3A_212 = arith.constant 48 : index
        %swap3A_213 = tpu.vector_load %arg10[%swap3A_211, %swap3A_212] {strides = array<i32>} : memref<16x1024xf32, #tpu.memory_space<vmem>>, vector<1x16xf32>,
        %swap3A_214 = vector.shape_cast %swap3A_213 : vector<1x16xf32> to vector<16xf32>
        %swap3A_215 = vector.shape_cast %get3A_210 : vector<16xf32> to vector<1x16xf32>
        tpu.vector_store %arg10[%swap3A_211, %swap3A_212], %swap3A_215 {add = true, strides = array<i32>} : memref<16x1024xf32, #tpu.memory_space<vmem>>, vector<1x16xf32>,
        %get3A_216 = arith.index_cast %scan3A_181 : i32 to index
        %get3A_217 = arith.constant 64 : index
        %get3A_218 = tpu.vector_load %arg12[%get3A_216, %get3A_217] {strides = array<i32>} : memref<16x1024xf32, #tpu.memory_space<vmem>>, vector<1x16xf32>,
        %get3A_219 = vector.shape_cast %get3A_218 : vector<1x16xf32> to vector<16xf32>
        %swap3A_220 = arith.index_cast %scan3A_181 : i32 to index
        %swap3A_221 = arith.constant 64 : index
        %swap3A_222 = tpu.vector_load %arg10[%swap3A_220, %swap3A_221] {strides = array<i32>} : memref<16x1024xf32, #tpu.memory_space<vmem>>, vector<1x16xf32>,
        %swap3A_223 = vector.shape_cast %swap3A_222 : vector<1x16xf32> to vector<16xf32>
        %swap3A_224 = vector.shape_cast %get3A_219 : vector<16xf32> to vector<1x16xf32>
        tpu.vector_store %arg10[%swap3A_220, %swap3A_221], %swap3A_224 {add = true, strides = array<i32>} : memref<16x1024xf32, #tpu.memory_space<vmem>>, vector<1x16xf32>,
        %get3A_225 = arith.index_cast %scan3A_181 : i32 to index
        %get3A_226 = arith.constant 80 : index
        %get3A_227 = tpu.vector_load %arg12[%get3A_225, %get3A_226] {strides = array<i32>} : memref<16x1024xf32, #tpu.memory_space<vmem>>, vector<1x16xf32>,
        %get3A_228 = vector.shape_cast %get3A_227 : vector<1x16xf32> to vector<16xf32>
        %swap3A_229 = arith.index_cast %scan3A_181 : i32 to index
        %swap3A_230 = arith.constant 80 : index
        %swap3A_231 = tpu.vector_load %arg10[%swap3A_229, %swap3A_230] {strides = array<i32>} : memref<16x1024xf32, #tpu.memory_space<vmem>>, vector<1x16xf32>,
        %swap3A_232 = vector.shape_cast %swap3A_231 : vector<1x16xf32> to vector<16xf32>
        %swap3A_233 = vector.shape_cast %get3A_228 : vector<16xf32> to vector<1x16xf32>
        tpu.vector_store %arg10[%swap3A_229, %swap3A_230], %swap3A_233 {add = true, strides = array<i32>} : memref<16x1024xf32, #tpu.memory_space<vmem>>, vector<1x16xf32>,
        %get3A_234 = arith.index_cast %scan3A_181 : i32 to index
        %get3A_235 = arith.constant 96 : index
        %get3A_236 = tpu.vector_load %arg12[%get3A_234, %get3A_235] {strides = array<i32>} : memref<16x1024xf32, #tpu.memory_space<vmem>>, vector<1x16xf32>,
        %get3A_237 = vector.shape_cast %get3A_236 : vector<1x16xf32> to vector<16xf32>
        %swap3A_238 = arith.index_cast %scan3A_181 : i32 to index
        %swap3A_239 = arith.constant 96 : index
        %swap3A_240 = tpu.vector_load %arg10[%swap3A_238, %swap3A_239] {strides = array<i32>} : memref<16x1024xf32, #tpu.memory_space<vmem>>, vector<1x16xf32>,
        %swap3A_241 = vector.shape_cast %swap3A_240 : vector<1x16xf32> to vector<16xf32>
        %swap3A_242 = vector.shape_cast %get3A_237 : vector<16xf32> to vector<1x16xf32>
        tpu.vector_store %arg10[%swap3A_238, %swap3A_239], %swap3A_242 {add = true, strides = array<i32>} : memref<16x1024xf32, #tpu.memory_space<vmem>>, vector<1x16xf32>,
        %get3A_243 = arith.index_cast %scan3A_181 : i32 to index
        %get3A_244 = arith.constant 112 : index
        %get3A_245 = tpu.vector_load %arg12[%get3A_243, %get3A_244] {strides = array<i32>} : memref<16x1024xf32, #tpu.memory_space<vmem>>, vector<1x16xf32>,
        %get3A_246 = vector.shape_cast %get3A_245 : vector<1x16xf32> to vector<16xf32>
        %swap3A_247 = arith.index_cast %scan3A_181 : i32 to index
        %swap3A_248 = arith.constant 112 : index
        %swap3A_249 = tpu.vector_load %arg10[%swap3A_247, %swap3A_248] {strides = array<i32>} : memref<16x1024xf32, #tpu.memory_space<vmem>>, vector<1x16xf32>,
        %swap3A_250 = vector.shape_cast %swap3A_249 : vector<1x16xf32> to vector<16xf32>
        %swap3A_251 = vector.shape_cast %get3A_246 : vector<16xf32> to vector<1x16xf32>
        tpu.vector_store %arg10[%swap3A_247, %swap3A_248], %swap3A_251 {add = true, strides = array<i32>} : memref<16x1024xf32, #tpu.memory_space<vmem>>, vector<1x16xf32>,
        %get3A_252 = arith.index_cast %scan3A_181 : i32 to index
        %get3A_253 = arith.constant 128 : index
        %get3A_254 = tpu.vector_load %arg12[%get3A_252, %get3A_253] {strides = array<i32>} : memref<16x1024xf32, #tpu.memory_space<vmem>>, vector<1x16xf32>,
        %get3A_255 = vector.shape_cast %get3A_254 : vector<1x16xf32> to vector<16xf32>
        %swap3A_256 = arith.index_cast %scan3A_181 : i32 to index
        %swap3A_257 = arith.constant 128 : index
        %swap3A_258 = tpu.vector_load %arg10[%swap3A_256, %swap3A_257] {strides = array<i32>} : memref<16x1024xf32, #tpu.memory_space<vmem>>, vector<1x16xf32>,
        %swap3A_259 = vector.shape_cast %swap3A_258 : vector<1x16xf32> to vector<16xf32>
        %swap3A_260 = vector.shape_cast %get3A_255 : vector<16xf32> to vector<1x16xf32>
        tpu.vector_store %arg10[%swap3A_256, %swap3A_257], %swap3A_260 {add = true, strides = array<i32>} : memref<16x1024xf32, #tpu.memory_space<vmem>>, vector<1x16xf32>,
        %get3A_261 = arith.index_cast %scan3A_181 : i32 to index
        %get3A_262 = arith.constant 144 : index
        %get3A_263 = tpu.vector_load %arg12[%get3A_261, %get3A_262] {strides = array<i32>} : memref<16x1024xf32, #tpu.memory_space<vmem>>, vector<1x16xf32>,
        %get3A_264 = vector.shape_cast %get3A_263 : vector<1x16xf32> to vector<16xf32>
        %swap3A_265 = arith.index_cast %scan3A_181 : i32 to index
        %swap3A_266 = arith.constant 144 : index
        %swap3A_267 = tpu.vector_load %arg10[%swap3A_265, %swap3A_266] {strides = array<i32>} : memref<16x1024xf32, #tpu.memory_space<vmem>>, vector<1x16xf32>,
        %swap3A_268 = vector.shape_cast %swap3A_267 : vector<1x16xf32> to vector<16xf32>
        %swap3A_269 = vector.shape_cast %get3A_264 : vector<16xf32> to vector<1x16xf32>
        tpu.vector_store %arg10[%swap3A_265, %swap3A_266], %swap3A_269 {add = true, strides = array<i32>} : memref<16x1024xf32, #tpu.memory_space<vmem>>, vector<1x16xf32>,
        %get3A_270 = arith.index_cast %scan3A_181 : i32 to index
        %get3A_271 = arith.constant 160 : index
        %get3A_272 = tpu.vector_load %arg12[%get3A_270, %get3A_271] {strides = array<i32>} : memref<16x1024xf32, #tpu.memory_space<vmem>>, vector<1x16xf32>,
        %get3A_273 = vector.shape_cast %get3A_272 : vector<1x16xf32> to vector<16xf32>
        %swap3A_274 = arith.index_cast %scan3A_181 : i32 to index
        %swap3A_275 = arith.constant 160 : index
        %swap3A_276 = tpu.vector_load %arg10[%swap3A_274, %swap3A_275] {strides = array<i32>} : memref<16x1024xf32, #tpu.memory_space<vmem>>, vector<1x16xf32>,
        %swap3A_277 = vector.shape_cast %swap3A_276 : vector<1x16xf32> to vector<16xf32>
        %swap3A_278 = vector.shape_cast %get3A_273 : vector<16xf32> to vector<1x16xf32>
        tpu.vector_store %arg10[%swap3A_274, %swap3A_275], %swap3A_278 {add = true, strides = array<i32>} : memref<16x1024xf32, #tpu.memory_space<vmem>>, vector<1x16xf32>,
        %get3A_279 = arith.index_cast %scan3A_181 : i32 to index
        %get3A_280 = arith.constant 176 : index
        %get3A_281 = tpu.vector_load %arg12[%get3A_279, %get3A_280] {strides = array<i32>} : memref<16x1024xf32, #tpu.memory_space<vmem>>, vector<1x16xf32>,
        %get3A_282 = vector.shape_cast %get3A_281 : vector<1x16xf32> to vector<16xf32>
        %swap3A_283 = arith.index_cast %scan3A_181 : i32 to index
        %swap3A_284 = arith.constant 176 : index
        %swap3A_285 = tpu.vector_load %arg10[%swap3A_283, %swap3A_284] {strides = array<i32>} : memref<16x1024xf32, #tpu.memory_space<vmem>>, vector<1x16xf32>,
        %swap3A_286 = vector.shape_cast %swap3A_285 : vector<1x16xf32> to vector<16xf32>
        %swap3A_287 = vector.shape_cast %get3A_282 : vector<16xf32> to vector<1x16xf32>
        tpu.vector_store %arg10[%swap3A_283, %swap3A_284], %swap3A_287 {add = true, strides = array<i32>} : memref<16x1024xf32, #tpu.memory_space<vmem>>, vector<1x16xf32>,
        %get3A_288 = arith.index_cast %scan3A_181 : i32 to index
        %get3A_289 = arith.constant 192 : index
        %get3A_290 = tpu.vector_load %arg12[%get3A_288, %get3A_289] {strides = array<i32>} : memref<16x1024xf32, #tpu.memory_space<vmem>>, vector<1x16xf32>,
        %get3A_291 = vector.shape_cast %get3A_290 : vector<1x16xf32> to vector<16xf32>
        %swap3A_292 = arith.index_cast %scan3A_181 : i32 to index
        %swap3A_293 = arith.constant 192 : index
        %swap3A_294 = tpu.vector_load %arg10[%swap3A_292, %swap3A_293] {strides = array<i32>} : memref<16x1024xf32, #tpu.memory_space<vmem>>, vector<1x16xf32>,
        %swap3A_295 = vector.shape_cast %swap3A_294 : vector<1x16xf32> to vector<16xf32>
        %swap3A_296 = vector.shape_cast %get3A_291 : vector<16xf32> to vector<1x16xf32>
        tpu.vector_store %arg10[%swap3A_292, %swap3A_293], %swap3A_296 {add = true, strides = array<i32>} : memref<16x1024xf32, #tpu.memory_space<vmem>>, vector<1x16xf32>,
        %get3A_297 = arith.index_cast %scan3A_181 : i32 to index
        %get3A_298 = arith.constant 208 : index
        %get3A_299 = tpu.vector_load %arg12[%get3A_297, %get3A_298] {strides = array<i32>} : memref<16x1024xf32, #tpu.memory_space<vmem>>, vector<1x16xf32>,
        %get3A_300 = vector.shape_cast %get3A_299 : vector<1x16xf32> to vector<16xf32>
        %swap3A_301 = arith.index_cast %scan3A_181 : i32 to index
        %swap3A_302 = arith.constant 208 : index
        %swap3A_303 = tpu.vector_load %arg10[%swap3A_301, %swap3A_302] {strides = array<i32>} : memref<16x1024xf32, #tpu.memory_space<vmem>>, vector<1x16xf32>,
        %swap3A_304 = vector.shape_cast %swap3A_303 : vector<1x16xf32> to vector<16xf32>
        %swap3A_305 = vector.shape_cast %get3A_300 : vector<16xf32> to vector<1x16xf32>
        tpu.vector_store %arg10[%swap3A_301, %swap3A_302], %swap3A_305 {add = true, strides = array<i32>} : memref<16x1024xf32, #tpu.memory_space<vmem>>, vector<1x16xf32>,
        %get3A_306 = arith.index_cast %scan3A_181 : i32 to index
        %get3A_307 = arith.constant 224 : index
        %get3A_308 = tpu.vector_load %arg12[%get3A_306, %get3A_307] {strides = array<i32>} : memref<16x1024xf32, #tpu.memory_space<vmem>>, vector<1x16xf32>,
        %get3A_309 = vector.shape_cast %get3A_308 : vector<1x16xf32> to vector<16xf32>
        %swap3A_310 = arith.index_cast %scan3A_181 : i32 to index
        %swap3A_311 = arith.constant 224 : index
        %swap3A_312 = tpu.vector_load %arg10[%swap3A_310, %swap3A_311] {strides = array<i32>} : memref<16x1024xf32, #tpu.memory_space<vmem>>, vector<1x16xf32>,
        %swap3A_313 = vector.shape_cast %swap3A_312 : vector<1x16xf32> to vector<16xf32>
        %swap3A_314 = vector.shape_cast %get3A_309 : vector<16xf32> to vector<1x16xf32>
        tpu.vector_store %arg10[%swap3A_310, %swap3A_311], %swap3A_314 {add = true, strides = array<i32>} : memref<16x1024xf32, #tpu.memory_space<vmem>>, vector<1x16xf32>,
        %get3A_315 = arith.index_cast %scan3A_181 : i32 to index
        %get3A_316 = arith.constant 240 : index
        %get3A_317 = tpu.vector_load %arg12[%get3A_315, %get3A_316] {strides = array<i32>} : memref<16x1024xf32, #tpu.memory_space<vmem>>, vector<1x16xf32>,
        %get3A_318 = vector.shape_cast %get3A_317 : vector<1x16xf32> to vector<16xf32>
        %swap3A_319 = arith.index_cast %scan3A_181 : i32 to index
        %swap3A_320 = arith.constant 240 : index
        %swap3A_321 = tpu.vector_load %arg10[%swap3A_319, %swap3A_320] {strides = array<i32>} : memref<16x1024xf32, #tpu.memory_space<vmem>>, vector<1x16xf32>,
        %swap3A_322 = vector.shape_cast %swap3A_321 : vector<1x16xf32> to vector<16xf32>
        %swap3A_323 = vector.shape_cast %get3A_318 : vector<16xf32> to vector<1x16xf32>
        tpu.vector_store %arg10[%swap3A_319, %swap3A_320], %swap3A_323 {add = true, strides = array<i32>} : memref<16x1024xf32, #tpu.memory_space<vmem>>, vector<1x16xf32>,
        %get3A_324 = arith.index_cast %scan3A_181 : i32 to index
        %get3A_325 = arith.constant 256 : index
        %get3A_326 = tpu.vector_load %arg12[%get3A_324, %get3A_325] {strides = array<i32>} : memref<16x1024xf32, #tpu.memory_space<vmem>>, vector<1x16xf32>,
        %get3A_327 = vector.shape_cast %get3A_326 : vector<1x16xf32> to vector<16xf32>
        %swap3A_328 = arith.index_cast %scan3A_181 : i32 to index
        %swap3A_329 = arith.constant 256 : index
        %swap3A_330 = tpu.vector_load %arg10[%swap3A_328, %swap3A_329] {strides = array<i32>} : memref<16x1024xf32, #tpu.memory_space<vmem>>, vector<1x16xf32>,
        %swap3A_331 = vector.shape_cast %swap3A_330 : vector<1x16xf32> to vector<16xf32>
        %swap3A_332 = vector.shape_cast %get3A_327 : vector<16xf32> to vector<1x16xf32>
        tpu.vector_store %arg10[%swap3A_328, %swap3A_329], %swap3A_332 {add = true, strides = array<i32>} : memref<16x1024xf32, #tpu.memory_space<vmem>>, vector<1x16xf32>,
        %get3A_333 = arith.index_cast %scan3A_181 : i32 to index
        %get3A_334 = arith.constant 272 : index
        %get3A_335 = tpu.vector_load %arg12[%get3A_333, %get3A_334] {strides = array<i32>} : memref<16x1024xf32, #tpu.memory_space<vmem>>, vector<1x16xf32>,
        %get3A_336 = vector.shape_cast %get3A_335 : vector<1x16xf32> to vector<16xf32>
        %swap3A_337 = arith.index_cast %scan3A_181 : i32 to index
        %swap3A_338 = arith.constant 272 : index
        %swap3A_339 = tpu.vector_load %arg10[%swap3A_337, %swap3A_338] {strides = array<i32>} : memref<16x1024xf32, #tpu.memory_space<vmem>>, vector<1x16xf32>,
        %swap3A_340 = vector.shape_cast %swap3A_339 : vector<1x16xf32> to vector<16xf32>
        %swap3A_341 = vector.shape_cast %get3A_336 : vector<16xf32> to vector<1x16xf32>
        tpu.vector_store %arg10[%swap3A_337, %swap3A_338], %swap3A_341 {add = true, strides = array<i32>} : memref<16x1024xf32, #tpu.memory_space<vmem>>, vector<1x16xf32>,
        %get3A_342 = arith.index_cast %scan3A_181 : i32 to index
        %get3A_343 = arith.constant 288 : index
        %get3A_344 = tpu.vector_load %arg12[%get3A_342, %get3A_343] {strides = array<i32>} : memref<16x1024xf32, #tpu.memory_space<vmem>>, vector<1x16xf32>,
        %get3A_345 = vector.shape_cast %get3A_344 : vector<1x16xf32> to vector<16xf32>
        %swap3A_346 = arith.index_cast %scan3A_181 : i32 to index
        %swap3A_347 = arith.constant 288 : index
        %swap3A_348 = tpu.vector_load %arg10[%swap3A_346, %swap3A_347] {strides = array<i32>} : memref<16x1024xf32, #tpu.memory_space<vmem>>, vector<1x16xf32>,
        %swap3A_349 = vector.shape_cast %swap3A_348 : vector<1x16xf32> to vector<16xf32>
        %swap3A_350 = vector.shape_cast %get3A_345 : vector<16xf32> to vector<1x16xf32>
        tpu.vector_store %arg10[%swap3A_346, %swap3A_347], %swap3A_350 {add = true, strides = array<i32>} : memref<16x1024xf32, #tpu.memory_space<vmem>>, vector<1x16xf32>,
        %get3A_351 = arith.index_cast %scan3A_181 : i32 to index
        %get3A_352 = arith.constant 304 : index
        %get3A_353 = tpu.vector_load %arg12[%get3A_351, %get3A_352] {strides = array<i32>} : memref<16x1024xf32, #tpu.memory_space<vmem>>, vector<1x16xf32>,
        %get3A_354 = vector.shape_cast %get3A_353 : vector<1x16xf32> to vector<16xf32>
        %swap3A_355 = arith.index_cast %scan3A_181 : i32 to index
        %swap3A_356 = arith.constant 304 : index
        %swap3A_357 = tpu.vector_load %arg10[%swap3A_355, %swap3A_356] {strides = array<i32>} : memref<16x1024xf32, #tpu.memory_space<vmem>>, vector<1x16xf32>,
        %swap3A_358 = vector.shape_cast %swap3A_357 : vector<1x16xf32> to vector<16xf32>
        %swap3A_359 = vector.shape_cast %get3A_354 : vector<16xf32> to vector<1x16xf32>
        tpu.vector_store %arg10[%swap3A_355, %swap3A_356], %swap3A_359 {add = true, strides = array<i32>} : memref<16x1024xf32, #tpu.memory_space<vmem>>, vector<1x16xf32>,
        %get3A_360 = arith.index_cast %scan3A_181 : i32 to index
        %get3A_361 = arith.constant 320 : index
        %get3A_362 = tpu.vector_load %arg12[%get3A_360, %get3A_361] {strides = array<i32>} : memref<16x1024xf32, #tpu.memory_space<vmem>>, vector<1x16xf32>,
        %get3A_363 = vector.shape_cast %get3A_362 : vector<1x16xf32> to vector<16xf32>
        %swap3A_364 = arith.index_cast %scan3A_181 : i32 to index
        %swap3A_365 = arith.constant 320 : index
        %swap3A_366 = tpu.vector_load %arg10[%swap3A_364, %swap3A_365] {strides = array<i32>} : memref<16x1024xf32, #tpu.memory_space<vmem>>, vector<1x16xf32>,
        %swap3A_367 = vector.shape_cast %swap3A_366 : vector<1x16xf32> to vector<16xf32>
        %swap3A_368 = vector.shape_cast %get3A_363 : vector<16xf32> to vector<1x16xf32>
        tpu.vector_store %arg10[%swap3A_364, %swap3A_365], %swap3A_368 {add = true, strides = array<i32>} : memref<16x1024xf32, #tpu.memory_space<vmem>>, vector<1x16xf32>,
        %get3A_369 = arith.index_cast %scan3A_181 : i32 to index
        %get3A_370 = arith.constant 336 : index
        %get3A_371 = tpu.vector_load %arg12[%get3A_369, %get3A_370] {strides = array<i32>} : memref<16x1024xf32, #tpu.memory_space<vmem>>, vector<1x16xf32>,
        %get3A_372 = vector.shape_cast %get3A_371 : vector<1x16xf32> to vector<16xf32>
        %swap3A_373 = arith.index_cast %scan3A_181 : i32 to index
        %swap3A_374 = arith.constant 336 : index
        %swap3A_375 = tpu.vector_load %arg10[%swap3A_373, %swap3A_374] {strides = array<i32>} : memref<16x1024xf32, #tpu.memory_space<vmem>>, vector<1x16xf32>,
        %swap3A_376 = vector.shape_cast %swap3A_375 : vector<1x16xf32> to vector<16xf32>
        %swap3A_377 = vector.shape_cast %get3A_372 : vector<16xf32> to vector<1x16xf32>
        tpu.vector_store %arg10[%swap3A_373, %swap3A_374], %swap3A_377 {add = true, strides = array<i32>} : memref<16x1024xf32, #tpu.memory_space<vmem>>, vector<1x16xf32>,
        %get3A_378 = arith.index_cast %scan3A_181 : i32 to index
        %get3A_379 = arith.constant 352 : index
        %get3A_380 = tpu.vector_load %arg12[%get3A_378, %get3A_379] {strides = array<i32>} : memref<16x1024xf32, #tpu.memory_space<vmem>>, vector<1x16xf32>,
        %get3A_381 = vector.shape_cast %get3A_380 : vector<1x16xf32> to vector<16xf32>
        %swap3A_382 = arith.index_cast %scan3A_181 : i32 to index
        %swap3A_383 = arith.constant 352 : index
        %swap3A_384 = tpu.vector_load %arg10[%swap3A_382, %swap3A_383] {strides = array<i32>} : memref<16x1024xf32, #tpu.memory_space<vmem>>, vector<1x16xf32>,
        %swap3A_385 = vector.shape_cast %swap3A_384 : vector<1x16xf32> to vector<16xf32>
        %swap3A_386 = vector.shape_cast %get3A_381 : vector<16xf32> to vector<1x16xf32>
        tpu.vector_store %arg10[%swap3A_382, %swap3A_383], %swap3A_386 {add = true, strides = array<i32>} : memref<16x1024xf32, #tpu.memory_space<vmem>>, vector<1x16xf32>,
        %get3A_387 = arith.index_cast %scan3A_181 : i32 to index
        %get3A_388 = arith.constant 368 : index
        %get3A_389 = tpu.vector_load %arg12[%get3A_387, %get3A_388] {strides = array<i32>} : memref<16x1024xf32, #tpu.memory_space<vmem>>, vector<1x16xf32>,
        %get3A_390 = vector.shape_cast %get3A_389 : vector<1x16xf32> to vector<16xf32>
        %swap3A_391 = arith.index_cast %scan3A_181 : i32 to index
        %swap3A_392 = arith.constant 368 : index
        %swap3A_393 = tpu.vector_load %arg10[%swap3A_391, %swap3A_392] {strides = array<i32>} : memref<16x1024xf32, #tpu.memory_space<vmem>>, vector<1x16xf32>,
        %swap3A_394 = vector.shape_cast %swap3A_393 : vector<1x16xf32> to vector<16xf32>
        %swap3A_395 = vector.shape_cast %get3A_390 : vector<16xf32> to vector<1x16xf32>
        tpu.vector_store %arg10[%swap3A_391, %swap3A_392], %swap3A_395 {add = true, strides = array<i32>} : memref<16x1024xf32, #tpu.memory_space<vmem>>, vector<1x16xf32>,
        %get3A_396 = arith.index_cast %scan3A_181 : i32 to index
        %get3A_397 = arith.constant 384 : index
        %get3A_398 = tpu.vector_load %arg12[%get3A_396, %get3A_397] {strides = array<i32>} : memref<16x1024xf32, #tpu.memory_space<vmem>>, vector<1x16xf32>,
        %get3A_399 = vector.shape_cast %get3A_398 : vector<1x16xf32> to vector<16xf32>
        %swap3A_400 = arith.index_cast %scan3A_181 : i32 to index
        %swap3A_401 = arith.constant 384 : index
        %swap3A_402 = tpu.vector_load %arg10[%swap3A_400, %swap3A_401] {strides = array<i32>} : memref<16x1024xf32, #tpu.memory_space<vmem>>, vector<1x16xf32>,
        %swap3A_403 = vector.shape_cast %swap3A_402 : vector<1x16xf32> to vector<16xf32>
        %swap3A_404 = vector.shape_cast %get3A_399 : vector<16xf32> to vector<1x16xf32>
        tpu.vector_store %arg10[%swap3A_400, %swap3A_401], %swap3A_404 {add = true, strides = array<i32>} : memref<16x1024xf32, #tpu.memory_space<vmem>>, vector<1x16xf32>,
        %get3A_405 = arith.index_cast %scan3A_181 : i32 to index
        %get3A_406 = arith.constant 400 : index
        %get3A_407 = tpu.vector_load %arg12[%get3A_405, %get3A_406] {strides = array<i32>} : memref<16x1024xf32, #tpu.memory_space<vmem>>, vector<1x16xf32>,
        %get3A_408 = vector.shape_cast %get3A_407 : vector<1x16xf32> to vector<16xf32>
        %swap3A_409 = arith.index_cast %scan3A_181 : i32 to index
        %swap3A_410 = arith.constant 400 : index
        %swap3A_411 = tpu.vector_load %arg10[%swap3A_409, %swap3A_410] {strides = array<i32>} : memref<16x1024xf32, #tpu.memory_space<vmem>>, vector<1x16xf32>,
        %swap3A_412 = vector.shape_cast %swap3A_411 : vector<1x16xf32> to vector<16xf32>
        %swap3A_413 = vector.shape_cast %get3A_408 : vector<16xf32> to vector<1x16xf32>
        tpu.vector_store %arg10[%swap3A_409, %swap3A_410], %swap3A_413 {add = true, strides = array<i32>} : memref<16x1024xf32, #tpu.memory_space<vmem>>, vector<1x16xf32>,
        %get3A_414 = arith.index_cast %scan3A_181 : i32 to index
        %get3A_415 = arith.constant 416 : index
        %get3A_416 = tpu.vector_load %arg12[%get3A_414, %get3A_415] {strides = array<i32>} : memref<16x1024xf32, #tpu.memory_space<vmem>>, vector<1x16xf32>,
        %get3A_417 = vector.shape_cast %get3A_416 : vector<1x16xf32> to vector<16xf32>
        %swap3A_418 = arith.index_cast %scan3A_181 : i32 to index
        %swap3A_419 = arith.constant 416 : index
        %swap3A_420 = tpu.vector_load %arg10[%swap3A_418, %swap3A_419] {strides = array<i32>} : memref<16x1024xf32, #tpu.memory_space<vmem>>, vector<1x16xf32>,
        %swap3A_421 = vector.shape_cast %swap3A_420 : vector<1x16xf32> to vector<16xf32>
        %swap3A_422 = vector.shape_cast %get3A_417 : vector<16xf32> to vector<1x16xf32>
        tpu.vector_store %arg10[%swap3A_418, %swap3A_419], %swap3A_422 {add = true, strides = array<i32>} : memref<16x1024xf32, #tpu.memory_space<vmem>>, vector<1x16xf32>,
        %get3A_423 = arith.index_cast %scan3A_181 : i32 to index
        %get3A_424 = arith.constant 432 : index
        %get3A_425 = tpu.vector_load %arg12[%get3A_423, %get3A_424] {strides = array<i32>} : memref<16x1024xf32, #tpu.memory_space<vmem>>, vector<1x16xf32>,
        %get3A_426 = vector.shape_cast %get3A_425 : vector<1x16xf32> to vector<16xf32>
        %swap3A_427 = arith.index_cast %scan3A_181 : i32 to index
        %swap3A_428 = arith.constant 432 : index
        %swap3A_429 = tpu.vector_load %arg10[%swap3A_427, %swap3A_428] {strides = array<i32>} : memref<16x1024xf32, #tpu.memory_space<vmem>>, vector<1x16xf32>,
        %swap3A_430 = vector.shape_cast %swap3A_429 : vector<1x16xf32> to vector<16xf32>
        %swap3A_431 = vector.shape_cast %get3A_426 : vector<16xf32> to vector<1x16xf32>
        tpu.vector_store %arg10[%swap3A_427, %swap3A_428], %swap3A_431 {add = true, strides = array<i32>} : memref<16x1024xf32, #tpu.memory_space<vmem>>, vector<1x16xf32>,
        %get3A_432 = arith.index_cast %scan3A_181 : i32 to index
        %get3A_433 = arith.constant 448 : index
        %get3A_434 = tpu.vector_load %arg12[%get3A_432, %get3A_433] {strides = array<i32>} : memref<16x1024xf32, #tpu.memory_space<vmem>>, vector<1x16xf32>,
        %get3A_435 = vector.shape_cast %get3A_434 : vector<1x16xf32> to vector<16xf32>
        %swap3A_436 = arith.index_cast %scan3A_181 : i32 to index
        %swap3A_437 = arith.constant 448 : index
        %swap3A_438 = tpu.vector_load %arg10[%swap3A_436, %swap3A_437] {strides = array<i32>} : memref<16x1024xf32, #tpu.memory_space<vmem>>, vector<1x16xf32>,
        %swap3A_439 = vector.shape_cast %swap3A_438 : vector<1x16xf32> to vector<16xf32>
        %swap3A_440 = vector.shape_cast %get3A_435 : vector<16xf32> to vector<1x16xf32>
        tpu.vector_store %arg10[%swap3A_436, %swap3A_437], %swap3A_440 {add = true, strides = array<i32>} : memref<16x1024xf32, #tpu.memory_space<vmem>>, vector<1x16xf32>,
        %get3A_441 = arith.index_cast %scan3A_181 : i32 to index
        %get3A_442 = arith.constant 464 : index
        %get3A_443 = tpu.vector_load %arg12[%get3A_441, %get3A_442] {strides = array<i32>} : memref<16x1024xf32, #tpu.memory_space<vmem>>, vector<1x16xf32>,
        %get3A_444 = vector.shape_cast %get3A_443 : vector<1x16xf32> to vector<16xf32>
        %swap3A_445 = arith.index_cast %scan3A_181 : i32 to index
        %swap3A_446 = arith.constant 464 : index
        %swap3A_447 = tpu.vector_load %arg10[%swap3A_445, %swap3A_446] {strides = array<i32>} : memref<16x1024xf32, #tpu.memory_space<vmem>>, vector<1x16xf32>,
        %swap3A_448 = vector.shape_cast %swap3A_447 : vector<1x16xf32> to vector<16xf32>
        %swap3A_449 = vector.shape_cast %get3A_444 : vector<16xf32> to vector<1x16xf32>
        tpu.vector_store %arg10[%swap3A_445, %swap3A_446], %swap3A_449 {add = true, strides = array<i32>} : memref<16x1024xf32, #tpu.memory_space<vmem>>, vector<1x16xf32>,
        %get3A_450 = arith.index_cast %scan3A_181 : i32 to index
        %get3A_451 = arith.constant 480 : index
        %get3A_452 = tpu.vector_load %arg12[%get3A_450, %get3A_451] {strides = array<i32>} : memref<16x1024xf32, #tpu.memory_space<vmem>>, vector<1x16xf32>,
        %get3A_453 = vector.shape_cast %get3A_452 : vector<1x16xf32> to vector<16xf32>
        %swap3A_454 = arith.index_cast %scan3A_181 : i32 to index
        %swap3A_455 = arith.constant 480 : index
        %swap3A_456 = tpu.vector_load %arg10[%swap3A_454, %swap3A_455] {strides = array<i32>} : memref<16x1024xf32, #tpu.memory_space<vmem>>, vector<1x16xf32>,
        %swap3A_457 = vector.shape_cast %swap3A_456 : vector<1x16xf32> to vector<16xf32>
        %swap3A_458 = vector.shape_cast %get3A_453 : vector<16xf32> to vector<1x16xf32>
        tpu.vector_store %arg10[%swap3A_454, %swap3A_455], %swap3A_458 {add = true, strides = array<i32>} : memref<16x1024xf32, #tpu.memory_space<vmem>>, vector<1x16xf32>,
        %get3A_459 = arith.index_cast %scan3A_181 : i32 to index
        %get3A_460 = arith.constant 496 : index
        %get3A_461 = tpu.vector_load %arg12[%get3A_459, %get3A_460] {strides = array<i32>} : memref<16x1024xf32, #tpu.memory_space<vmem>>, vector<1x16xf32>,
        %get3A_462 = vector.shape_cast %get3A_461 : vector<1x16xf32> to vector<16xf32>
        %swap3A_463 = arith.index_cast %scan3A_181 : i32 to index
        %swap3A_464 = arith.constant 496 : index
        %swap3A_465 = tpu.vector_load %arg10[%swap3A_463, %swap3A_464] {strides = array<i32>} : memref<16x1024xf32, #tpu.memory_space<vmem>>, vector<1x16xf32>,
        %swap3A_466 = vector.shape_cast %swap3A_465 : vector<1x16xf32> to vector<16xf32>
        %swap3A_467 = vector.shape_cast %get3A_462 : vector<16xf32> to vector<1x16xf32>
        tpu.vector_store %arg10[%swap3A_463, %swap3A_464], %swap3A_467 {add = true, strides = array<i32>} : memref<16x1024xf32, #tpu.memory_space<vmem>>, vector<1x16xf32>,
        %get3A_468 = arith.index_cast %scan3A_181 : i32 to index
        %get3A_469 = arith.constant 512 : index
        %get3A_470 = tpu.vector_load %arg12[%get3A_468, %get3A_469] {strides = array<i32>} : memref<16x1024xf32, #tpu.memory_space<vmem>>, vector<1x16xf32>,
        %get3A_471 = vector.shape_cast %get3A_470 : vector<1x16xf32> to vector<16xf32>
        %swap3A_472 = arith.index_cast %scan3A_181 : i32 to index
        %swap3A_473 = arith.constant 512 : index
        %swap3A_474 = tpu.vector_load %arg10[%swap3A_472, %swap3A_473] {strides = array<i32>} : memref<16x1024xf32, #tpu.memory_space<vmem>>, vector<1x16xf32>,
        %swap3A_475 = vector.shape_cast %swap3A_474 : vector<1x16xf32> to vector<16xf32>
        %swap3A_476 = vector.shape_cast %get3A_471 : vector<16xf32> to vector<1x16xf32>
        tpu.vector_store %arg10[%swap3A_472, %swap3A_473], %swap3A_476 {add = true, strides = array<i32>} : memref<16x1024xf32, #tpu.memory_space<vmem>>, vector<1x16xf32>,
        %get3A_477 = arith.index_cast %scan3A_181 : i32 to index
        %get3A_478 = arith.constant 528 : index
        %get3A_479 = tpu.vector_load %arg12[%get3A_477, %get3A_478] {strides = array<i32>} : memref<16x1024xf32, #tpu.memory_space<vmem>>, vector<1x16xf32>,
        %get3A_480 = vector.shape_cast %get3A_479 : vector<1x16xf32> to vector<16xf32>
        %swap3A_481 = arith.index_cast %scan3A_181 : i32 to index
        %swap3A_482 = arith.constant 528 : index
        %swap3A_483 = tpu.vector_load %arg10[%swap3A_481, %swap3A_482] {strides = array<i32>} : memref<16x1024xf32, #tpu.memory_space<vmem>>, vector<1x16xf32>,
        %swap3A_484 = vector.shape_cast %swap3A_483 : vector<1x16xf32> to vector<16xf32>
        %swap3A_485 = vector.shape_cast %get3A_480 : vector<16xf32> to vector<1x16xf32>
        tpu.vector_store %arg10[%swap3A_481, %swap3A_482], %swap3A_485 {add = true, strides = array<i32>} : memref<16x1024xf32, #tpu.memory_space<vmem>>, vector<1x16xf32>,
        %get3A_486 = arith.index_cast %scan3A_181 : i32 to index
        %get3A_487 = arith.constant 544 : index
        %get3A_488 = tpu.vector_load %arg12[%get3A_486, %get3A_487] {strides = array<i32>} : memref<16x1024xf32, #tpu.memory_space<vmem>>, vector<1x16xf32>,
        %get3A_489 = vector.shape_cast %get3A_488 : vector<1x16xf32> to vector<16xf32>
        %swap3A_490 = arith.index_cast %scan3A_181 : i32 to index
        %swap3A_491 = arith.constant 544 : index
        %swap3A_492 = tpu.vector_load %arg10[%swap3A_490, %swap3A_491] {strides = array<i32>} : memref<16x1024xf32, #tpu.memory_space<vmem>>, vector<1x16xf32>,
        %swap3A_493 = vector.shape_cast %swap3A_492 : vector<1x16xf32> to vector<16xf32>
        %swap3A_494 = vector.shape_cast %get3A_489 : vector<16xf32> to vector<1x16xf32>
        tpu.vector_store %arg10[%swap3A_490, %swap3A_491], %swap3A_494 {add = true, strides = array<i32>} : memref<16x1024xf32, #tpu.memory_space<vmem>>, vector<1x16xf32>,
        %get3A_495 = arith.index_cast %scan3A_181 : i32 to index
        %get3A_496 = arith.constant 560 : index
        %get3A_497 = tpu.vector_load %arg12[%get3A_495, %get3A_496] {strides = array<i32>} : memref<16x1024xf32, #tpu.memory_space<vmem>>, vector<1x16xf32>,
        %get3A_498 = vector.shape_cast %get3A_497 : vector<1x16xf32> to vector<16xf32>
        %swap3A_499 = arith.index_cast %scan3A_181 : i32 to index
        %swap3A_500 = arith.constant 560 : index
        %swap3A_501 = tpu.vector_load %arg10[%swap3A_499, %swap3A_500] {strides = array<i32>} : memref<16x1024xf32, #tpu.memory_space<vmem>>, vector<1x16xf32>,
        %swap3A_502 = vector.shape_cast %swap3A_501 : vector<1x16xf32> to vector<16xf32>
        %swap3A_503 = vector.shape_cast %get3A_498 : vector<16xf32> to vector<1x16xf32>
        tpu.vector_store %arg10[%swap3A_499, %swap3A_500], %swap3A_503 {add = true, strides = array<i32>} : memref<16x1024xf32, #tpu.memory_space<vmem>>, vector<1x16xf32>,
        %get3A_504 = arith.index_cast %scan3A_181 : i32 to index
        %get3A_505 = arith.constant 576 : index
        %get3A_506 = tpu.vector_load %arg12[%get3A_504, %get3A_505] {strides = array<i32>} : memref<16x1024xf32, #tpu.memory_space<vmem>>, vector<1x16xf32>,
        %get3A_507 = vector.shape_cast %get3A_506 : vector<1x16xf32> to vector<16xf32>
        %swap3A_508 = arith.index_cast %scan3A_181 : i32 to index
        %swap3A_509 = arith.constant 576 : index
        %swap3A_510 = tpu.vector_load %arg10[%swap3A_508, %swap3A_509] {strides = array<i32>} : memref<16x1024xf32, #tpu.memory_space<vmem>>, vector<1x16xf32>,
        %swap3A_511 = vector.shape_cast %swap3A_510 : vector<1x16xf32> to vector<16xf32>
        %swap3A_512 = vector.shape_cast %get3A_507 : vector<16xf32> to vector<1x16xf32>
        tpu.vector_store %arg10[%swap3A_508, %swap3A_509], %swap3A_512 {add = true, strides = array<i32>} : memref<16x1024xf32, #tpu.memory_space<vmem>>, vector<1x16xf32>,
        %get3A_513 = arith.index_cast %scan3A_181 : i32 to index
        %get3A_514 = arith.constant 592 : index
        %get3A_515 = tpu.vector_load %arg12[%get3A_513, %get3A_514] {strides = array<i32>} : memref<16x1024xf32, #tpu.memory_space<vmem>>, vector<1x16xf32>,
        %get3A_516 = vector.shape_cast %get3A_515 : vector<1x16xf32> to vector<16xf32>
        %swap3A_517 = arith.index_cast %scan3A_181 : i32 to index
        %swap3A_518 = arith.constant 592 : index
        %swap3A_519 = tpu.vector_load %arg10[%swap3A_517, %swap3A_518] {strides = array<i32>} : memref<16x1024xf32, #tpu.memory_space<vmem>>, vector<1x16xf32>,
        %swap3A_520 = vector.shape_cast %swap3A_519 : vector<1x16xf32> to vector<16xf32>
        %swap3A_521 = vector.shape_cast %get3A_516 : vector<16xf32> to vector<1x16xf32>
        tpu.vector_store %arg10[%swap3A_517, %swap3A_518], %swap3A_521 {add = true, strides = array<i32>} : memref<16x1024xf32, #tpu.memory_space<vmem>>, vector<1x16xf32>,
        %get3A_522 = arith.index_cast %scan3A_181 : i32 to index
        %get3A_523 = arith.constant 608 : index
        %get3A_524 = tpu.vector_load %arg12[%get3A_522, %get3A_523] {strides = array<i32>} : memref<16x1024xf32, #tpu.memory_space<vmem>>, vector<1x16xf32>,
        %get3A_525 = vector.shape_cast %get3A_524 : vector<1x16xf32> to vector<16xf32>
        %swap3A_526 = arith.index_cast %scan3A_181 : i32 to index
        %swap3A_527 = arith.constant 608 : index
        %swap3A_528 = tpu.vector_load %arg10[%swap3A_526, %swap3A_527] {strides = array<i32>} : memref<16x1024xf32, #tpu.memory_space<vmem>>, vector<1x16xf32>,
        %swap3A_529 = vector.shape_cast %swap3A_528 : vector<1x16xf32> to vector<16xf32>
        %swap3A_530 = vector.shape_cast %get3A_525 : vector<16xf32> to vector<1x16xf32>
        tpu.vector_store %arg10[%swap3A_526, %swap3A_527], %swap3A_530 {add = true, strides = array<i32>} : memref<16x1024xf32, #tpu.memory_space<vmem>>, vector<1x16xf32>,
        %get3A_531 = arith.index_cast %scan3A_181 : i32 to index
        %get3A_532 = arith.constant 624 : index
        %get3A_533 = tpu.vector_load %arg12[%get3A_531, %get3A_532] {strides = array<i32>} : memref<16x1024xf32, #tpu.memory_space<vmem>>, vector<1x16xf32>,
        %get3A_534 = vector.shape_cast %get3A_533 : vector<1x16xf32> to vector<16xf32>
        %swap3A_535 = arith.index_cast %scan3A_181 : i32 to index
        %swap3A_536 = arith.constant 624 : index
        %swap3A_537 = tpu.vector_load %arg10[%swap3A_535, %swap3A_536] {strides = array<i32>} : memref<16x1024xf32, #tpu.memory_space<vmem>>, vector<1x16xf32>,
        %swap3A_538 = vector.shape_cast %swap3A_537 : vector<1x16xf32> to vector<16xf32>
        %swap3A_539 = vector.shape_cast %get3A_534 : vector<16xf32> to vector<1x16xf32>
        tpu.vector_store %arg10[%swap3A_535, %swap3A_536], %swap3A_539 {add = true, strides = array<i32>} : memref<16x1024xf32, #tpu.memory_space<vmem>>, vector<1x16xf32>,
        %get3A_540 = arith.index_cast %scan3A_181 : i32 to index
        %get3A_541 = arith.constant 640 : index
        %get3A_542 = tpu.vector_load %arg12[%get3A_540, %get3A_541] {strides = array<i32>} : memref<16x1024xf32, #tpu.memory_space<vmem>>, vector<1x16xf32>,
        %get3A_543 = vector.shape_cast %get3A_542 : vector<1x16xf32> to vector<16xf32>
        %swap3A_544 = arith.index_cast %scan3A_181 : i32 to index
        %swap3A_545 = arith.constant 640 : index
        %swap3A_546 = tpu.vector_load %arg10[%swap3A_544, %swap3A_545] {strides = array<i32>} : memref<16x1024xf32, #tpu.memory_space<vmem>>, vector<1x16xf32>,
        %swap3A_547 = vector.shape_cast %swap3A_546 : vector<1x16xf32> to vector<16xf32>
        %swap3A_548 = vector.shape_cast %get3A_543 : vector<16xf32> to vector<1x16xf32>
        tpu.vector_store %arg10[%swap3A_544, %swap3A_545], %swap3A_548 {add = true, strides = array<i32>} : memref<16x1024xf32, #tpu.memory_space<vmem>>, vector<1x16xf32>,
        %get3A_549 = arith.index_cast %scan3A_181 : i32 to index
        %get3A_550 = arith.constant 656 : index
        %get3A_551 = tpu.vector_load %arg12[%get3A_549, %get3A_550] {strides = array<i32>} : memref<16x1024xf32, #tpu.memory_space<vmem>>, vector<1x16xf32>,
        %get3A_552 = vector.shape_cast %get3A_551 : vector<1x16xf32> to vector<16xf32>
        %swap3A_553 = arith.index_cast %scan3A_181 : i32 to index
        %swap3A_554 = arith.constant 656 : index
        %swap3A_555 = tpu.vector_load %arg10[%swap3A_553, %swap3A_554] {strides = array<i32>} : memref<16x1024xf32, #tpu.memory_space<vmem>>, vector<1x16xf32>,
        %swap3A_556 = vector.shape_cast %swap3A_555 : vector<1x16xf32> to vector<16xf32>
        %swap3A_557 = vector.shape_cast %get3A_552 : vector<16xf32> to vector<1x16xf32>
        tpu.vector_store %arg10[%swap3A_553, %swap3A_554], %swap3A_557 {add = true, strides = array<i32>} : memref<16x1024xf32, #tpu.memory_space<vmem>>, vector<1x16xf32>,
        %get3A_558 = arith.index_cast %scan3A_181 : i32 to index
        %get3A_559 = arith.constant 672 : index
        %get3A_560 = tpu.vector_load %arg12[%get3A_558, %get3A_559] {strides = array<i32>} : memref<16x1024xf32, #tpu.memory_space<vmem>>, vector<1x16xf32>,
        %get3A_561 = vector.shape_cast %get3A_560 : vector<1x16xf32> to vector<16xf32>
        %swap3A_562 = arith.index_cast %scan3A_181 : i32 to index
        %swap3A_563 = arith.constant 672 : index
        %swap3A_564 = tpu.vector_load %arg10[%swap3A_562, %swap3A_563] {strides = array<i32>} : memref<16x1024xf32, #tpu.memory_space<vmem>>, vector<1x16xf32>,
        %swap3A_565 = vector.shape_cast %swap3A_564 : vector<1x16xf32> to vector<16xf32>
        %swap3A_566 = vector.shape_cast %get3A_561 : vector<16xf32> to vector<1x16xf32>
        tpu.vector_store %arg10[%swap3A_562, %swap3A_563], %swap3A_566 {add = true, strides = array<i32>} : memref<16x1024xf32, #tpu.memory_space<vmem>>, vector<1x16xf32>,
        %get3A_567 = arith.index_cast %scan3A_181 : i32 to index
        %get3A_568 = arith.constant 688 : index
        %get3A_569 = tpu.vector_load %arg12[%get3A_567, %get3A_568] {strides = array<i32>} : memref<16x1024xf32, #tpu.memory_space<vmem>>, vector<1x16xf32>,
        %get3A_570 = vector.shape_cast %get3A_569 : vector<1x16xf32> to vector<16xf32>
        %swap3A_571 = arith.index_cast %scan3A_181 : i32 to index
        %swap3A_572 = arith.constant 688 : index
        %swap3A_573 = tpu.vector_load %arg10[%swap3A_571, %swap3A_572] {strides = array<i32>} : memref<16x1024xf32, #tpu.memory_space<vmem>>, vector<1x16xf32>,
        %swap3A_574 = vector.shape_cast %swap3A_573 : vector<1x16xf32> to vector<16xf32>
        %swap3A_575 = vector.shape_cast %get3A_570 : vector<16xf32> to vector<1x16xf32>
        tpu.vector_store %arg10[%swap3A_571, %swap3A_572], %swap3A_575 {add = true, strides = array<i32>} : memref<16x1024xf32, #tpu.memory_space<vmem>>, vector<1x16xf32>,
        %get3A_576 = arith.index_cast %scan3A_181 : i32 to index
        %get3A_577 = arith.constant 704 : index
        %get3A_578 = tpu.vector_load %arg12[%get3A_576, %get3A_577] {strides = array<i32>} : memref<16x1024xf32, #tpu.memory_space<vmem>>, vector<1x16xf32>,
        %get3A_579 = vector.shape_cast %get3A_578 : vector<1x16xf32> to vector<16xf32>
        %swap3A_580 = arith.index_cast %scan3A_181 : i32 to index
        %swap3A_581 = arith.constant 704 : index
        %swap3A_582 = tpu.vector_load %arg10[%swap3A_580, %swap3A_581] {strides = array<i32>} : memref<16x1024xf32, #tpu.memory_space<vmem>>, vector<1x16xf32>,
        %swap3A_583 = vector.shape_cast %swap3A_582 : vector<1x16xf32> to vector<16xf32>
        %swap3A_584 = vector.shape_cast %get3A_579 : vector<16xf32> to vector<1x16xf32>
        tpu.vector_store %arg10[%swap3A_580, %swap3A_581], %swap3A_584 {add = true, strides = array<i32>} : memref<16x1024xf32, #tpu.memory_space<vmem>>, vector<1x16xf32>,
        %get3A_585 = arith.index_cast %scan3A_181 : i32 to index
        %get3A_586 = arith.constant 720 : index
        %get3A_587 = tpu.vector_load %arg12[%get3A_585, %get3A_586] {strides = array<i32>} : memref<16x1024xf32, #tpu.memory_space<vmem>>, vector<1x16xf32>,
        %get3A_588 = vector.shape_cast %get3A_587 : vector<1x16xf32> to vector<16xf32>
        %swap3A_589 = arith.index_cast %scan3A_181 : i32 to index
        %swap3A_590 = arith.constant 720 : index
        %swap3A_591 = tpu.vector_load %arg10[%swap3A_589, %swap3A_590] {strides = array<i32>} : memref<16x1024xf32, #tpu.memory_space<vmem>>, vector<1x16xf32>,
        %swap3A_592 = vector.shape_cast %swap3A_591 : vector<1x16xf32> to vector<16xf32>
        %swap3A_593 = vector.shape_cast %get3A_588 : vector<16xf32> to vector<1x16xf32>
        tpu.vector_store %arg10[%swap3A_589, %swap3A_590], %swap3A_593 {add = true, strides = array<i32>} : memref<16x1024xf32, #tpu.memory_space<vmem>>, vector<1x16xf32>,
        %get3A_594 = arith.index_cast %scan3A_181 : i32 to index
        %get3A_595 = arith.constant 736 : index
        %get3A_596 = tpu.vector_load %arg12[%get3A_594, %get3A_595] {strides = array<i32>} : memref<16x1024xf32, #tpu.memory_space<vmem>>, vector<1x16xf32>,
        %get3A_597 = vector.shape_cast %get3A_596 : vector<1x16xf32> to vector<16xf32>
        %swap3A_598 = arith.index_cast %scan3A_181 : i32 to index
        %swap3A_599 = arith.constant 736 : index
        %swap3A_600 = tpu.vector_load %arg10[%swap3A_598, %swap3A_599] {strides = array<i32>} : memref<16x1024xf32, #tpu.memory_space<vmem>>, vector<1x16xf32>,
        %swap3A_601 = vector.shape_cast %swap3A_600 : vector<1x16xf32> to vector<16xf32>
        %swap3A_602 = vector.shape_cast %get3A_597 : vector<16xf32> to vector<1x16xf32>
        tpu.vector_store %arg10[%swap3A_598, %swap3A_599], %swap3A_602 {add = true, strides = array<i32>} : memref<16x1024xf32, #tpu.memory_space<vmem>>, vector<1x16xf32>,
        %get3A_603 = arith.index_cast %scan3A_181 : i32 to index
        %get3A_604 = arith.constant 752 : index
        %get3A_605 = tpu.vector_load %arg12[%get3A_603, %get3A_604] {strides = array<i32>} : memref<16x1024xf32, #tpu.memory_space<vmem>>, vector<1x16xf32>,
        %get3A_606 = vector.shape_cast %get3A_605 : vector<1x16xf32> to vector<16xf32>
        %swap3A_607 = arith.index_cast %scan3A_181 : i32 to index
        %swap3A_608 = arith.constant 752 : index
        %swap3A_609 = tpu.vector_load %arg10[%swap3A_607, %swap3A_608] {strides = array<i32>} : memref<16x1024xf32, #tpu.memory_space<vmem>>, vector<1x16xf32>,
        %swap3A_610 = vector.shape_cast %swap3A_609 : vector<1x16xf32> to vector<16xf32>
        %swap3A_611 = vector.shape_cast %get3A_606 : vector<16xf32> to vector<1x16xf32>
        tpu.vector_store %arg10[%swap3A_607, %swap3A_608], %swap3A_611 {add = true, strides = array<i32>} : memref<16x1024xf32, #tpu.memory_space<vmem>>, vector<1x16xf32>,
        %get3A_612 = arith.index_cast %scan3A_181 : i32 to index
        %get3A_613 = arith.constant 768 : index
        %get3A_614 = tpu.vector_load %arg12[%get3A_612, %get3A_613] {strides = array<i32>} : memref<16x1024xf32, #tpu.memory_space<vmem>>, vector<1x16xf32>,
        %get3A_615 = vector.shape_cast %get3A_614 : vector<1x16xf32> to vector<16xf32>
        %swap3A_616 = arith.index_cast %scan3A_181 : i32 to index
        %swap3A_617 = arith.constant 768 : index
        %swap3A_618 = tpu.vector_load %arg10[%swap3A_616, %swap3A_617] {strides = array<i32>} : memref<16x1024xf32, #tpu.memory_space<vmem>>, vector<1x16xf32>,
        %swap3A_619 = vector.shape_cast %swap3A_618 : vector<1x16xf32> to vector<16xf32>
        %swap3A_620 = vector.shape_cast %get3A_615 : vector<16xf32> to vector<1x16xf32>
        tpu.vector_store %arg10[%swap3A_616, %swap3A_617], %swap3A_620 {add = true, strides = array<i32>} : memref<16x1024xf32, #tpu.memory_space<vmem>>, vector<1x16xf32>,
        %get3A_621 = arith.index_cast %scan3A_181 : i32 to index
        %get3A_622 = arith.constant 784 : index
        %get3A_623 = tpu.vector_load %arg12[%get3A_621, %get3A_622] {strides = array<i32>} : memref<16x1024xf32, #tpu.memory_space<vmem>>, vector<1x16xf32>,
        %get3A_624 = vector.shape_cast %get3A_623 : vector<1x16xf32> to vector<16xf32>
        %swap3A_625 = arith.index_cast %scan3A_181 : i32 to index
        %swap3A_626 = arith.constant 784 : index
        %swap3A_627 = tpu.vector_load %arg10[%swap3A_625, %swap3A_626] {strides = array<i32>} : memref<16x1024xf32, #tpu.memory_space<vmem>>, vector<1x16xf32>,
        %swap3A_628 = vector.shape_cast %swap3A_627 : vector<1x16xf32> to vector<16xf32>
        %swap3A_629 = vector.shape_cast %get3A_624 : vector<16xf32> to vector<1x16xf32>
        tpu.vector_store %arg10[%swap3A_625, %swap3A_626], %swap3A_629 {add = true, strides = array<i32>} : memref<16x1024xf32, #tpu.memory_space<vmem>>, vector<1x16xf32>,
        %get3A_630 = arith.index_cast %scan3A_181 : i32 to index
        %get3A_631 = arith.constant 800 : index
        %get3A_632 = tpu.vector_load %arg12[%get3A_630, %get3A_631] {strides = array<i32>} : memref<16x1024xf32, #tpu.memory_space<vmem>>, vector<1x16xf32>,
        %get3A_633 = vector.shape_cast %get3A_632 : vector<1x16xf32> to vector<16xf32>
        %swap3A_634 = arith.index_cast %scan3A_181 : i32 to index
        %swap3A_635 = arith.constant 800 : index
        %swap3A_636 = tpu.vector_load %arg10[%swap3A_634, %swap3A_635] {strides = array<i32>} : memref<16x1024xf32, #tpu.memory_space<vmem>>, vector<1x16xf32>,
        %swap3A_637 = vector.shape_cast %swap3A_636 : vector<1x16xf32> to vector<16xf32>
        %swap3A_638 = vector.shape_cast %get3A_633 : vector<16xf32> to vector<1x16xf32>
        tpu.vector_store %arg10[%swap3A_634, %swap3A_635], %swap3A_638 {add = true, strides = array<i32>} : memref<16x1024xf32, #tpu.memory_space<vmem>>, vector<1x16xf32>,
        %get3A_639 = arith.index_cast %scan3A_181 : i32 to index
        %get3A_640 = arith.constant 816 : index
        %get3A_641 = tpu.vector_load %arg12[%get3A_639, %get3A_640] {strides = array<i32>} : memref<16x1024xf32, #tpu.memory_space<vmem>>, vector<1x16xf32>,
        %get3A_642 = vector.shape_cast %get3A_641 : vector<1x16xf32> to vector<16xf32>
        %swap3A_643 = arith.index_cast %scan3A_181 : i32 to index
        %swap3A_644 = arith.constant 816 : index
        %swap3A_645 = tpu.vector_load %arg10[%swap3A_643, %swap3A_644] {strides = array<i32>} : memref<16x1024xf32, #tpu.memory_space<vmem>>, vector<1x16xf32>,
        %swap3A_646 = vector.shape_cast %swap3A_645 : vector<1x16xf32> to vector<16xf32>
        %swap3A_647 = vector.shape_cast %get3A_642 : vector<16xf32> to vector<1x16xf32>
        tpu.vector_store %arg10[%swap3A_643, %swap3A_644], %swap3A_647 {add = true, strides = array<i32>} : memref<16x1024xf32, #tpu.memory_space<vmem>>, vector<1x16xf32>,
        %get3A_648 = arith.index_cast %scan3A_181 : i32 to index
        %get3A_649 = arith.constant 832 : index
        %get3A_650 = tpu.vector_load %arg12[%get3A_648, %get3A_649] {strides = array<i32>} : memref<16x1024xf32, #tpu.memory_space<vmem>>, vector<1x16xf32>,
        %get3A_651 = vector.shape_cast %get3A_650 : vector<1x16xf32> to vector<16xf32>
        %swap3A_652 = arith.index_cast %scan3A_181 : i32 to index
        %swap3A_653 = arith.constant 832 : index
        %swap3A_654 = tpu.vector_load %arg10[%swap3A_652, %swap3A_653] {strides = array<i32>} : memref<16x1024xf32, #tpu.memory_space<vmem>>, vector<1x16xf32>,
        %swap3A_655 = vector.shape_cast %swap3A_654 : vector<1x16xf32> to vector<16xf32>
        %swap3A_656 = vector.shape_cast %get3A_651 : vector<16xf32> to vector<1x16xf32>
        tpu.vector_store %arg10[%swap3A_652, %swap3A_653], %swap3A_656 {add = true, strides = array<i32>} : memref<16x1024xf32, #tpu.memory_space<vmem>>, vector<1x16xf32>,
        %get3A_657 = arith.index_cast %scan3A_181 : i32 to index
        %get3A_658 = arith.constant 848 : index
        %get3A_659 = tpu.vector_load %arg12[%get3A_657, %get3A_658] {strides = array<i32>} : memref<16x1024xf32, #tpu.memory_space<vmem>>, vector<1x16xf32>,
        %get3A_660 = vector.shape_cast %get3A_659 : vector<1x16xf32> to vector<16xf32>
        %swap3A_661 = arith.index_cast %scan3A_181 : i32 to index
        %swap3A_662 = arith.constant 848 : index
        %swap3A_663 = tpu.vector_load %arg10[%swap3A_661, %swap3A_662] {strides = array<i32>} : memref<16x1024xf32, #tpu.memory_space<vmem>>, vector<1x16xf32>,
        %swap3A_664 = vector.shape_cast %swap3A_663 : vector<1x16xf32> to vector<16xf32>
        %swap3A_665 = vector.shape_cast %get3A_660 : vector<16xf32> to vector<1x16xf32>
        tpu.vector_store %arg10[%swap3A_661, %swap3A_662], %swap3A_665 {add = true, strides = array<i32>} : memref<16x1024xf32, #tpu.memory_space<vmem>>, vector<1x16xf32>,
        %get3A_666 = arith.index_cast %scan3A_181 : i32 to index
        %get3A_667 = arith.constant 864 : index
        %get3A_668 = tpu.vector_load %arg12[%get3A_666, %get3A_667] {strides = array<i32>} : memref<16x1024xf32, #tpu.memory_space<vmem>>, vector<1x16xf32>,
        %get3A_669 = vector.shape_cast %get3A_668 : vector<1x16xf32> to vector<16xf32>
        %swap3A_670 = arith.index_cast %scan3A_181 : i32 to index
        %swap3A_671 = arith.constant 864 : index
        %swap3A_672 = tpu.vector_load %arg10[%swap3A_670, %swap3A_671] {strides = array<i32>} : memref<16x1024xf32, #tpu.memory_space<vmem>>, vector<1x16xf32>,
        %swap3A_673 = vector.shape_cast %swap3A_672 : vector<1x16xf32> to vector<16xf32>
        %swap3A_674 = vector.shape_cast %get3A_669 : vector<16xf32> to vector<1x16xf32>
        tpu.vector_store %arg10[%swap3A_670, %swap3A_671], %swap3A_674 {add = true, strides = array<i32>} : memref<16x1024xf32, #tpu.memory_space<vmem>>, vector<1x16xf32>,
        %get3A_675 = arith.index_cast %scan3A_181 : i32 to index
        %get3A_676 = arith.constant 880 : index
        %get3A_677 = tpu.vector_load %arg12[%get3A_675, %get3A_676] {strides = array<i32>} : memref<16x1024xf32, #tpu.memory_space<vmem>>, vector<1x16xf32>,
        %get3A_678 = vector.shape_cast %get3A_677 : vector<1x16xf32> to vector<16xf32>
        %swap3A_679 = arith.index_cast %scan3A_181 : i32 to index
        %swap3A_680 = arith.constant 880 : index
        %swap3A_681 = tpu.vector_load %arg10[%swap3A_679, %swap3A_680] {strides = array<i32>} : memref<16x1024xf32, #tpu.memory_space<vmem>>, vector<1x16xf32>,
        %swap3A_682 = vector.shape_cast %swap3A_681 : vector<1x16xf32> to vector<16xf32>
        %swap3A_683 = vector.shape_cast %get3A_678 : vector<16xf32> to vector<1x16xf32>
        tpu.vector_store %arg10[%swap3A_679, %swap3A_680], %swap3A_683 {add = true, strides = array<i32>} : memref<16x1024xf32, #tpu.memory_space<vmem>>, vector<1x16xf32>,
        %get3A_684 = arith.index_cast %scan3A_181 : i32 to index
        %get3A_685 = arith.constant 896 : index
        %get3A_686 = tpu.vector_load %arg12[%get3A_684, %get3A_685] {strides = array<i32>} : memref<16x1024xf32, #tpu.memory_space<vmem>>, vector<1x16xf32>,
        %get3A_687 = vector.shape_cast %get3A_686 : vector<1x16xf32> to vector<16xf32>
        %swap3A_688 = arith.index_cast %scan3A_181 : i32 to index
        %swap3A_689 = arith.constant 896 : index
        %swap3A_690 = tpu.vector_load %arg10[%swap3A_688, %swap3A_689] {strides = array<i32>} : memref<16x1024xf32, #tpu.memory_space<vmem>>, vector<1x16xf32>,
        %swap3A_691 = vector.shape_cast %swap3A_690 : vector<1x16xf32> to vector<16xf32>
        %swap3A_692 = vector.shape_cast %get3A_687 : vector<16xf32> to vector<1x16xf32>
        tpu.vector_store %arg10[%swap3A_688, %swap3A_689], %swap3A_692 {add = true, strides = array<i32>} : memref<16x1024xf32, #tpu.memory_space<vmem>>, vector<1x16xf32>,
        %get3A_693 = arith.index_cast %scan3A_181 : i32 to index
        %get3A_694 = arith.constant 912 : index
        %get3A_695 = tpu.vector_load %arg12[%get3A_693, %get3A_694] {strides = array<i32>} : memref<16x1024xf32, #tpu.memory_space<vmem>>, vector<1x16xf32>,
        %get3A_696 = vector.shape_cast %get3A_695 : vector<1x16xf32> to vector<16xf32>
        %swap3A_697 = arith.index_cast %scan3A_181 : i32 to index
        %swap3A_698 = arith.constant 912 : index
        %swap3A_699 = tpu.vector_load %arg10[%swap3A_697, %swap3A_698] {strides = array<i32>} : memref<16x1024xf32, #tpu.memory_space<vmem>>, vector<1x16xf32>,
        %swap3A_700 = vector.shape_cast %swap3A_699 : vector<1x16xf32> to vector<16xf32>
        %swap3A_701 = vector.shape_cast %get3A_696 : vector<16xf32> to vector<1x16xf32>
        tpu.vector_store %arg10[%swap3A_697, %swap3A_698], %swap3A_701 {add = true, strides = array<i32>} : memref<16x1024xf32, #tpu.memory_space<vmem>>, vector<1x16xf32>,
        %get3A_702 = arith.index_cast %scan3A_181 : i32 to index
        %get3A_703 = arith.constant 928 : index
        %get3A_704 = tpu.vector_load %arg12[%get3A_702, %get3A_703] {strides = array<i32>} : memref<16x1024xf32, #tpu.memory_space<vmem>>, vector<1x16xf32>,
        %get3A_705 = vector.shape_cast %get3A_704 : vector<1x16xf32> to vector<16xf32>
        %swap3A_706 = arith.index_cast %scan3A_181 : i32 to index
        %swap3A_707 = arith.constant 928 : index
        %swap3A_708 = tpu.vector_load %arg10[%swap3A_706, %swap3A_707] {strides = array<i32>} : memref<16x1024xf32, #tpu.memory_space<vmem>>, vector<1x16xf32>,
        %swap3A_709 = vector.shape_cast %swap3A_708 : vector<1x16xf32> to vector<16xf32>
        %swap3A_710 = vector.shape_cast %get3A_705 : vector<16xf32> to vector<1x16xf32>
        tpu.vector_store %arg10[%swap3A_706, %swap3A_707], %swap3A_710 {add = true, strides = array<i32>} : memref<16x1024xf32, #tpu.memory_space<vmem>>, vector<1x16xf32>,
        %get3A_711 = arith.index_cast %scan3A_181 : i32 to index
        %get3A_712 = arith.constant 944 : index
        %get3A_713 = tpu.vector_load %arg12[%get3A_711, %get3A_712] {strides = array<i32>} : memref<16x1024xf32, #tpu.memory_space<vmem>>, vector<1x16xf32>,
        %get3A_714 = vector.shape_cast %get3A_713 : vector<1x16xf32> to vector<16xf32>
        %swap3A_715 = arith.index_cast %scan3A_181 : i32 to index
        %swap3A_716 = arith.constant 944 : index
        %swap3A_717 = tpu.vector_load %arg10[%swap3A_715, %swap3A_716] {strides = array<i32>} : memref<16x1024xf32, #tpu.memory_space<vmem>>, vector<1x16xf32>,
        %swap3A_718 = vector.shape_cast %swap3A_717 : vector<1x16xf32> to vector<16xf32>
        %swap3A_719 = vector.shape_cast %get3A_714 : vector<16xf32> to vector<1x16xf32>
        tpu.vector_store %arg10[%swap3A_715, %swap3A_716], %swap3A_719 {add = true, strides = array<i32>} : memref<16x1024xf32, #tpu.memory_space<vmem>>, vector<1x16xf32>,
        %get3A_720 = arith.index_cast %scan3A_181 : i32 to index
        %get3A_721 = arith.constant 960 : index
        %get3A_722 = tpu.vector_load %arg12[%get3A_720, %get3A_721] {strides = array<i32>} : memref<16x1024xf32, #tpu.memory_space<vmem>>, vector<1x16xf32>,
        %get3A_723 = vector.shape_cast %get3A_722 : vector<1x16xf32> to vector<16xf32>
        %swap3A_724 = arith.index_cast %scan3A_181 : i32 to index
        %swap3A_725 = arith.constant 960 : index
        %swap3A_726 = tpu.vector_load %arg10[%swap3A_724, %swap3A_725] {strides = array<i32>} : memref<16x1024xf32, #tpu.memory_space<vmem>>, vector<1x16xf32>,
        %swap3A_727 = vector.shape_cast %swap3A_726 : vector<1x16xf32> to vector<16xf32>
        %swap3A_728 = vector.shape_cast %get3A_723 : vector<16xf32> to vector<1x16xf32>
        tpu.vector_store %arg10[%swap3A_724, %swap3A_725], %swap3A_728 {add = true, strides = array<i32>} : memref<16x1024xf32, #tpu.memory_space<vmem>>, vector<1x16xf32>,
        %get3A_729 = arith.index_cast %scan3A_181 : i32 to index
        %get3A_730 = arith.constant 976 : index
        %get3A_731 = tpu.vector_load %arg12[%get3A_729, %get3A_730] {strides = array<i32>} : memref<16x1024xf32, #tpu.memory_space<vmem>>, vector<1x16xf32>,
        %get3A_732 = vector.shape_cast %get3A_731 : vector<1x16xf32> to vector<16xf32>
        %swap3A_733 = arith.index_cast %scan3A_181 : i32 to index
        %swap3A_734 = arith.constant 976 : index
        %swap3A_735 = tpu.vector_load %arg10[%swap3A_733, %swap3A_734] {strides = array<i32>} : memref<16x1024xf32, #tpu.memory_space<vmem>>, vector<1x16xf32>,
        %swap3A_736 = vector.shape_cast %swap3A_735 : vector<1x16xf32> to vector<16xf32>
        %swap3A_737 = vector.shape_cast %get3A_732 : vector<16xf32> to vector<1x16xf32>
        tpu.vector_store %arg10[%swap3A_733, %swap3A_734], %swap3A_737 {add = true, strides = array<i32>} : memref<16x1024xf32, #tpu.memory_space<vmem>>, vector<1x16xf32>,
        %get3A_738 = arith.index_cast %scan3A_181 : i32 to index
        %get3A_739 = arith.constant 992 : index
        %get3A_740 = tpu.vector_load %arg12[%get3A_738, %get3A_739] {strides = array<i32>} : memref<16x1024xf32, #tpu.memory_space<vmem>>, vector<1x16xf32>,
        %get3A_741 = vector.shape_cast %get3A_740 : vector<1x16xf32> to vector<16xf32>
        %swap3A_742 = arith.index_cast %scan3A_181 : i32 to index
        %swap3A_743 = arith.constant 992 : index
        %swap3A_744 = tpu.vector_load %arg10[%swap3A_742, %swap3A_743] {strides = array<i32>} : memref<16x1024xf32, #tpu.memory_space<vmem>>, vector<1x16xf32>,
        %swap3A_745 = vector.shape_cast %swap3A_744 : vector<1x16xf32> to vector<16xf32>
        %swap3A_746 = vector.shape_cast %get3A_741 : vector<16xf32> to vector<1x16xf32>
        tpu.vector_store %arg10[%swap3A_742, %swap3A_743], %swap3A_746 {add = true, strides = array<i32>} : memref<16x1024xf32, #tpu.memory_space<vmem>>, vector<1x16xf32>,
        %get3A_747 = arith.index_cast %scan3A_181 : i32 to index
        %get3A_748 = arith.constant 1008 : index
        %get3A_749 = tpu.vector_load %arg12[%get3A_747, %get3A_748] {strides = array<i32>} : memref<16x1024xf32, #tpu.memory_space<vmem>>, vector<1x16xf32>,
        %get3A_750 = vector.shape_cast %get3A_749 : vector<1x16xf32> to vector<16xf32>
        %swap3A_751 = arith.index_cast %scan3A_181 : i32 to index
        %swap3A_752 = arith.constant 1008 : index
        %swap3A_753 = tpu.vector_load %arg10[%swap3A_751, %swap3A_752] {strides = array<i32>} : memref<16x1024xf32, #tpu.memory_space<vmem>>, vector<1x16xf32>,
        %swap3A_754 = vector.shape_cast %swap3A_753 : vector<1x16xf32> to vector<16xf32>
        %swap3A_755 = vector.shape_cast %get3A_750 : vector<16xf32> to vector<1x16xf32>
        tpu.vector_store %arg10[%swap3A_751, %swap3A_752], %swap3A_755 {add = true, strides = array<i32>} : memref<16x1024xf32, #tpu.memory_space<vmem>>, vector<1x16xf32>,
      }
      %scan3A_173 = arith.constant 16 : i32
      %mul3A_174 = arith.constant 16 : i32
      %mul3A_175 = arith.muli %add3A_147, %mul3A_174 : i32
      %add3A_176 = arith.addi %mul3A_2, %mul3A_175 : i32
      %dma_start3A_177 = arith.constant 0 : i32
      %dma_start3A_178 = tpu.memref_slice %arg5[%add3A_176, %dma_start3A_177] : memref<16384x1024xf32, #tpu.memory_space<hbm>> -> memref<16x1024xf32, #tpu.memory_space<hbm>>
      %dma_start3A_179 = arith.constant 0 : i32
      %dma_start3A_180 = tpu.memref_slice %arg5[%add3A_176, %dma_start3A_179] : memref<16384x1024xf32, #tpu.memory_space<hbm>> -> memref<16x1024xf32, #tpu.memory_space<hbm>>
      tpu.enqueue_dma source(%arg10 : memref<16x1024xf32, #tpu.memory_space<vmem>>) target(%dma_start3A_180 : memref<16x1024xf32, #tpu.memory_space<hbm>>) target_semaphore(%arg22 : memref<!tpu.dma_semaphore, #tpu.memory_space<semaphore_mem>>)
    }
    %scan3A_17 = arith.constant 8 : i32
    %add3A_18 = arith.constant 448 : i32
    %add3A_19 = arith.addi %mul3A_2, %add3A_18 : i32
    %dma_wait3A = arith.constant 0 : i32
    %dma_wait3A_20 = tpu.memref_slice %arg5[%add3A_19, %dma_wait3A] : memref<16384x1024xf32, #tpu.memory_space<hbm>> -> memref<16x1024xf32, #tpu.memory_space<hbm>>
    %dma_wait3A_21 = arith.constant 0 : i32
    %dma_wait3A_22 = tpu.memref_slice %arg5[%add3A_19, %dma_wait3A_21] : memref<16384x1024xf32, #tpu.memory_space<hbm>> -> memref<16x1024xf32, #tpu.memory_space<hbm>>
    tpu.wait_dma2 semaphore(%arg19 : memref<!tpu.dma_semaphore, #tpu.memory_space<semaphore_mem>>) src(%arg7 : memref<16x1024xf32, #tpu.memory_space<vmem>>) dst(%dma_wait3A_22 : memref<16x1024xf32, #tpu.memory_space<hbm>>)
    %add3A_23 = arith.constant 464 : i32
    %add3A_24 = arith.addi %mul3A_2, %add3A_23 : i32
    %dma_wait3A_25 = arith.constant 0 : i32
    %dma_wait3A_26 = tpu.memref_slice %arg5[%add3A_24, %dma_wait3A_25] : memref<16384x1024xf32, #tpu.memory_space<hbm>> -> memref<16x1024xf32, #tpu.memory_space<hbm>>
    %dma_wait3A_27 = arith.constant 0 : i32
    %dma_wait3A_28 = tpu.memref_slice %arg5[%add3A_24, %dma_wait3A_27] : memref<16384x1024xf32, #tpu.memory_space<hbm>> -> memref<16x1024xf32, #tpu.memory_space<hbm>>
    tpu.wait_dma2 semaphore(%arg20 : memref<!tpu.dma_semaphore, #tpu.memory_space<semaphore_mem>>) src(%arg8 : memref<16x1024xf32, #tpu.memory_space<vmem>>) dst(%dma_wait3A_28 : memref<16x1024xf32, #tpu.memory_space<hbm>>)
    %add3A_29 = arith.constant 480 : i32
    %add3A_30 = arith.addi %mul3A_2, %add3A_29 : i32
    %dma_wait3A_31 = arith.constant 0 : i32
    %dma_wait3A_32 = tpu.memref_slice %arg5[%add3A_30, %dma_wait3A_31] : memref<16384x1024xf32, #tpu.memory_space<hbm>> -> memref<16x1024xf32, #tpu.memory_space<hbm>>
    %dma_wait3A_33 = arith.constant 0 : i32
    %dma_wait3A_34 = tpu.memref_slice %arg5[%add3A_30, %dma_wait3A_33] : memref<16384x1024xf32, #tpu.memory_space<hbm>> -> memref<16x1024xf32, #tpu.memory_space<hbm>>
    tpu.wait_dma2 semaphore(%arg21 : memref<!tpu.dma_semaphore, #tpu.memory_space<semaphore_mem>>) src(%arg9 : memref<16x1024xf32, #tpu.memory_space<vmem>>) dst(%dma_wait3A_34 : memref<16x1024xf32, #tpu.memory_space<hbm>>)
    %add3A_35 = arith.constant 496 : i32
    %add3A_36 = arith.addi %mul3A_2, %add3A_35 : i32
    %dma_wait3A_37 = arith.constant 0 : i32
    %dma_wait3A_38 = tpu.memref_slice %arg5[%add3A_36, %dma_wait3A_37] : memref<16384x1024xf32, #tpu.memory_space<hbm>> -> memref<16x1024xf32, #tpu.memory_space<hbm>>
    %dma_wait3A_39 = arith.constant 0 : i32
    %dma_wait3A_40 = tpu.memref_slice %arg5[%add3A_36, %dma_wait3A_39] : memref<16384x1024xf32, #tpu.memory_space<hbm>> -> memref<16x1024xf32, #tpu.memory_space<hbm>>
    tpu.wait_dma2 semaphore(%arg22 : memref<!tpu.dma_semaphore, #tpu.memory_space<semaphore_mem>>) src(%arg10 : memref<16x1024xf32, #tpu.memory_space<vmem>>) dst(%dma_wait3A_40 : memref<16x1024xf32, #tpu.memory_space<hbm>>)
    return
  }
}

</mosaic_0001>

<sc_bundles>
// kernel: kernel.3.cloned.1.call-start
scs
__scs_entry_jumppad:
0x0: {  	(pc) =	sbr.rel $0x88, $3  }
0x1: {  	(tag) =	ssettag $0x0;
	lr =	simm.s32 $0x1  }
0x2: {  	[smem:$0x3F9E] =	sst lr;
	_ =	strace $0xD0000000  }
0x3: {  	_ = 	snop  }
0x4: {  	_ = 	snop  }
0x5: {  	_ = 	snop  }
0x6: {  	_ = 	snop  }
0x7: {  	_ = 	snop  }
__scs_overlays_trampoline_lowered:
0x8: {  	[smem:$0x3FAD] =	sst s0  }
0x9: {  	[smem:$0x3FAE] =	sst s1  }
0xa: {  	[smem:$0x3FAF] =	sst s2  }
0xb: {  	[smem:$0x3FB0] =	sst s3  }
0xc: {  	[smem:$0x3FB1] =	sst s4  }
0xd: {  	[smem:$0x3FB2] =	sst s5  }
0xe: {  	[smem:$0x3FB3] =	sst s6  }
0xf: {  	[smem:$0x3FB4] =	sst s7  }
0x10: {  	[smem:$0x3FB5] =	sst s8  }
0x11: {  	[smem:$0x3FB6] =	sst s9;
	s0 =	simm.s32 @!p0 $0x0  }
0x12: {  	s1 =	sld [smem:$0x3F9C];
	s0 =	simm.s32 @p0 $0x1  }
0x13: {  	[smem:$0x3FB7] =	sst s0;
	s0 =	simm.s32 @!p1 $0x0  }
0x14: {  	s2 =	sld [smem:$0x3F9B];
	s0 =	simm.s32 @p1 $0x1  }
0x15: {  	[smem:$0x3FB8] =	sst s0;
	s0 =	simm.s32 @!p2 $0x0  }
0x16: {  	s3 =	sld [smem:$0x3FDB];
	s0 =	simm.s32 @p2 $0x1  }
0x17: {  	s4 =	simm.s32 $0x1BF5;
	[smem:$0x3FBA] =	sst s0  }
0x18: {  	s0 =	sld [smem:$0x3F9D];
	_ =	swait.ge [sflag:s4], $0x0  }
0x19: {  	s7 =	sld [smem:$0x3F9E]  }
0x1a: {  	s8 =	sadd.s32 $0xFFFFE003, lr  }
0x1b: {  	s9 =	sadd.s32 $0xFFFFFEF7, lr;
	s5 =	simm.s32 $0xFFFFFFFF;
	p2 =	slt.u32 s8, $0xFFFFF086  }
0x1c: {  	p1 =	slt.u32 s9, $0xF7A;
	s5 =	simm.s32 @!p2 $0x0  }
0x1d: {  	s5 =	simm.s32 @p1 $0x1;
	p0 =	seq.s32 s7, s2  }
0x1e: {  	s7 =	smul.u32 @!p0 $0xF7A, s2;
	p2 =	seq.s32 @!p0 s5, $0x0  }
0x1f: {  	s9 =	smul.u32 $0xF7A, s1;
	s8 =	simm.s32 @!p0 $0x1BF5;
	p2 =	por !p2, p0  }
0x20: {  	[sflag:s8] =	ssyncset.s32 @!p0 $0xFFFFF086;
	s6 =	sadd.s32 @!p0 s3, s7;
	s7 =	simm.s32 @!p0 $0x108  }
0x21: {  	s3 =	sadd.s32 s3, s9;
	s6 =	sadd.s32 @!p0 $0x88, s6;
	s7 =	simm.s32 @p2 $0x1082  }
0x22: {  	[simem:s7], [sflag:s8] =	dma.local @!p0 [hbm:s6], $0xF7A  }
0x23: {  	s9 =	sor.u32 $0xD0000000, s2;
	s6 =	simm.s32 $0x108;
	_ =	swait.ge @!p0 [sflag:s8], $0x0  }
0x24: {  	s3 =	sadd.s32 $0x88, s3;
	s6 =	simm.s32 @!p1 $0x1082;
	[sflag:s4] =	ssyncset.s32 $0xFFFFF086  }
0x25: {  	[simem:s6], [sflag:s4] =	dma.local [hbm:s3], $0xF7A  }
0x26: {  	[smem:$0x3F9E] =	sst s1;
	(tag) =	ssettag s2;
	_ =	strace s9  }
0x27: {  	s1 =	sld [smem:$0x3FAE]  }
0x28: {  	s2 =	sld [smem:$0x3FAF]  }
0x29: {  	s4 =	sld [smem:$0x3FB1]  }
0x2a: {  	p0 =	seq.s32 s5, $0x0;
	s5 =	sld [smem:$0x3FB2]  }
0x2b: {  	s6 =	sld [smem:$0x3FB3]  }
0x2c: {  	s7 =	sld [smem:$0x3FB4]  }
0x2d: {  	s3 =	simm.s32 $0x108;
	s8 =	sld [smem:$0x3FB5]  }
0x2e: {  	s3 =	simm.s32 @!p0 $0x1082;
	s9 =	sld [smem:$0x3FB6]  }
0x2f: {  	lr =	sadd.s32 s0, s3;
	s0 =	sld [smem:$0x3FAD]  }
0x30: {  	s3 =	sld [smem:$0x3FB0]  }
0x31: {  	[smem:$0x3FB9] =	sst s10  }
0x32: {  	s10 =	sld [smem:$0x3FB7];
	_ =	sdelay $0x3  }
0x33: {  	p0 =	seq.s32 s10, $0x1;
	s10 =	sld [smem:$0x3FB9];
	_ =	sdelay $0x3  }
0x34: {  	[smem:$0x3FB9] =	sst s10  }
0x35: {  	s10 =	sld [smem:$0x3FB8];
	_ =	sdelay $0x3  }
0x36: {  	p1 =	seq.s32 s10, $0x1;
	s10 =	sld [smem:$0x3FB9];
	_ =	sdelay $0x3  }
0x37: {  	[smem:$0x3FB9] =	sst s10  }
0x38: {  	s10 =	sld [smem:$0x3FBA]  }
0x39: {  	_ = 	snop;
	(pc) =	sbr.ind lr, $3  }
0x3a: {  	_ = 	snop  }
0x3b: {  	_ = 	snop  }
0x3c: {  	p2 =	seq.s32 s10, $0x1;
	s10 =	sld [smem:$0x3FB9]  }
0x3d: {  	_ =	shalt  }
0x3e: {  	_ =	shalt  }
0x3f: {  	_ =	shalt  }
0x40: {  	_ =	shalt  }
0x41: {  	_ =	shalt  }
0x42: {  	_ =	shalt  }
0x43: {  	_ =	shalt  }
0x44: {  	_ =	shalt  }
0x45: {  	_ =	shalt  }
0x46: {  	_ =	shalt  }
0x47: {  	_ =	shalt  }
0x48: {  	_ =	shalt  }
0x49: {  	_ =	shalt  }
0x4a: {  	_ =	shalt  }
0x4b: {  	_ =	shalt  }
0x4c: {  	_ =	shalt  }
0x4d: {  	_ =	shalt  }
0x4e: {  	_ =	shalt  }
0x4f: {  	_ =	shalt  }
0x50: {  	_ =	shalt  }
0x51: {  	_ =	shalt  }
0x52: {  	_ =	shalt  }
0x53: {  	_ =	shalt  }
0x54: {  	_ =	shalt  }
0x55: {  	_ =	shalt  }
0x56: {  	_ =	shalt  }
0x57: {  	_ =	shalt  }
0x58: {  	_ =	shalt  }
0x59: {  	_ =	shalt  }
0x5a: {  	_ =	shalt  }
0x5b: {  	_ =	shalt  }
0x5c: {  	_ =	shalt  }
0x5d: {  	_ =	shalt  }
0x5e: {  	_ =	shalt  }
0x5f: {  	_ =	shalt  }
0x60: {  	_ =	shalt  }
0x61: {  	_ =	shalt  }
0x62: {  	_ =	shalt  }
0x63: {  	_ =	shalt  }
0x64: {  	_ =	shalt  }
0x65: {  	_ =	shalt  }
0x66: {  	_ =	shalt  }
0x67: {  	_ =	shalt  }
0x68: {  	_ =	shalt  }
0x69: {  	_ =	shalt  }
0x6a: {  	_ =	shalt  }
0x6b: {  	_ =	shalt  }
0x6c: {  	_ =	shalt  }
0x6d: {  	_ =	shalt  }
0x6e: {  	_ =	shalt  }
0x6f: {  	_ =	shalt  }
0x70: {  	_ =	shalt  }
0x71: {  	_ =	shalt  }
0x72: {  	_ =	shalt  }
0x73: {  	_ =	shalt  }
0x74: {  	_ =	shalt  }
0x75: {  	_ =	shalt  }
0x76: {  	_ =	shalt  }
0x77: {  	_ =	shalt  }
0x78: {  	_ =	shalt  }
0x79: {  	_ =	shalt  }
0x7a: {  	_ =	shalt  }
0x7b: {  	_ =	shalt  }
0x7c: {  	_ =	shalt  }
0x7d: {  	_ =	shalt  }
0x7e: {  	_ =	shalt  }
0x7f: {  	_ =	shalt  }
0x80: {  	_ =	shalt  }
0x81: {  	_ =	shalt  }
0x82: {  	_ =	shalt  }
0x83: {  	_ =	shalt  }
0x84: {  	_ =	shalt  }
0x85: {  	_ =	shalt  }
0x86: {  	_ =	shalt  }
0x87: {  	_ =	shalt  }
.Lfunc_end0:
.L_simem_size_0:
called_computation_lowered:
.L_overlay_start_0:
0x88: {  	s2 =	sld [smem:$0x3FD9]  }
0x89: {  	s3 =	sld [smem:$0x3FFE];
	_ =	sdelay $0x1  }
0x8a: {  	s1 =	srdreg.scid  }
0x8b: {  	s0 =	sand.u32 $0x1, s1  }
0x8c: {  	s17 =	sshll.u32 s0, $0xA;
	s2 =	sadd.s32 s3, s2  }
0x8d: {  	s2 =	sadd.s32 s2, s17  }
0x8e: {  	[smem:$0x3FC5] =	sst s2  }
0x8f: {  	_ = 	snop  }
0x90: {  	s2 =	sld [smem:$0x3FC9]  }
0x91: {  	s18 =	sld [smem:$0x3FC7]  }
0x92: {  	s4 =	sld [smem:$0x3FD0];
	(tm) =	ssettm $0x1  }
0x93: {  	s5 =	sld [smem:$0x3FFB];
	_ =	sdelay $0x3  }
0x94: {  	_ =	strace s5  }
0x95: {  	s5 =	sld [smem:$0x3FFC];
	_ =	sdelay $0x3  }
0x96: {  	_ =	strace s5  }
0x97: {  	s5 =	sld [smem:$0x3FFD];
	_ =	sdelay $0x3  }
0x98: {  	_ =	strace s5  }
0x99: {  	_ =	strace $0x8FFFFFFF  }
0x9a: {  	s19 =	sld [smem:$0x3FDB];
	_ =	sdelay $0x1  }
0x9b: {  	s6 =	simm.s32 $_scs_section_size  }
0x9c: {  	s7 =	simm.s32 $_size__tile_overlayer_lowered;
	s8 =	simm.s32 $_tile_overlayer_lowered  }
0x9d: {  	s22 =	simm.s32 $0x1BFF;
	s21 =	sshll.u32 s8, $0x1;
	s5 =	sadd.s32 s6, s19  }
0x9e: {  	s9 =	simm.s32 $0x0;
	s20 =	sshll.u32 s7, $0x1;
	s7 =	sadd.s32 s21, s5  }
0x9f: {  	[timem:s9], [sflag:s22] =	dma.local [hbm:s7], s20  }
0xa0: {  	_ =	swait.ge [sflag:s22], s20  }
0xa1: {  	s6 =	ssub.s32 $0x0, s20;
	[sflag:s22] =	ssyncset.done $0x0  }
0xa2: {  	[sflag:s22] =	ssyncadd.s32 s6;
	_ =	sdelay $0x1  }
0xa3: {  	s23 =	simm.s32 $0x1B8B  }
0xa4: {  	_ =	swait.ge [sflag:s23], $0x1  }
0xa5: {  	[sflag:s23] =	ssyncset.done $0x0  }
0xa6: {  	s25 =	simm.s32 $0x1B8E;
	s24 =	sld [smem:$0x3FFE];
	[sflag:s23] =	ssyncadd.s32 $0xFFFFFFFF  }
0xa7: {  	s26 =	simm.s32 $execute0_lowered;
	[smem:$0x3FD2] =	sst s25  }
0xa8: {  	s7 =	sshll.u32 s26, $0x1;
	_ =	strace $0x80000046;
	[dreg:$0x1] =	wrdreg $0xFFFFFFFF  }
0xa9: {  	s28 =	simm.s32 $_size_execute0_lowered;
	s5 =	sadd.s32 s5, s7;
	[dreg:$0x0] =	wrdreg $0x0  }
0xaa: {  	s7 =	sshll.u32 s28, $0x1;
	[dreg:$0x2] =	wrdreg s5  }
0xab: {  	[dreg:$0x3] =	wrdreg s7  }
0xac: {  	[dreg:$0x4] =	wrdreg $0xC0  }
0xad: {  	_ =	task [dreg:s9], $0x5FFFF  }
0xae: {  	[dreg:$0x1] =	wrdreg $0xFFFFFFFF  }
0xaf: {  	[dreg:$0x0] =	wrdreg $0x60  }
0xb0: {  	[dreg:$0x2] =	wrdreg s2  }
0xb1: {  	[dreg:$0x3] =	wrdreg s24  }
0xb2: {  	[dreg:$0x4] =	wrdreg s18  }
0xb3: {  	[dreg:$0x5] =	wrdreg s4  }
0xb4: {  	[dreg:$0x6] =	wrdreg $0x9  }
0xb5: {  	_ =	task.clear_ibuf [dreg:s9], $0x7FFFF;
	_ =	strace $0x90000046  }
0xb6: {  	s29 =	simm.s32 $0x9;
	_ =	strace $0x80000048  }
0xb7: {  	_ =	swait.ge [sflag:s29], $0x1  }
0xb8: {  	[sflag:s29] =	ssyncadd.s32 $0xFFFFFFFF  }
0xb9: {  	_ =	strace $0x90000048  }
0xba: {  	_ =	sfence  }
0xbb: {  	s30 =	sld [smem:$0x0];
	_ =	sdelay $0x2  }
0xbc: {  	s31 =	sshll.u32 s1, $0xD;
	s1 =	sshrl.u32 s1, $0x2  }
0xbd: {  	s3 =	sand.u32 $0x4000, s31;
	s1 =	sadd.s32 s1, s30  }
0xbe: {  	s0 =	sor.u32 s3, s0;
	s1 =	sshll.u32 s1, $0x11  }
0xbf: {  	s0 =	sor.u32 s1, s0  }
0xc0: {  	s0 =	sadd.s32 $0x8F2B, s0  }
0xc1: {  	[sflag:s0] =	ssyncadd.remote.s32 $0x1  }
0xc2: {  	_ =	sfence.sel $0xFFFF  }
0xc3: {  	[dreg:$0x0] =	wrdreg $0xFFFFFFFF;
	(pc) =	sbr.abs _section_cstart, $3  }
0xc4: {  	[dreg:$0x1] =	wrdreg $0xFFFFFFFF  }
0xc5: {  	_ =	task.clear_ibuf [dreg:s9], $0x2FFFF;
	_ =	strace $0x9FFFFFFF  }
0xc6: {  	(tm) =	ssettm $0x7FFFFFFF  }
0xc7: {  	_ =	shalt  }
tec
execute0_lowered:
.L_overlay_start_1:
0x0: {  	(tag) =	ssettag $0x1  }
0x1: {  	s1 =	rddreg [dreg:$0x0]  }
0x2: {  	s0 =	rddreg [dreg:$0x1];
	s2 =	srdreg.scid  }
0x3: {  	s3 =	rddreg [dreg:$0x2];
	s4 =	stileid.u32  }
0x4: {  	s6 =	rddreg [dreg:$0x3];
	s28 =	simm.s32 $0x16200;
	s29 =	simm.s32 $0x16A00  }
0x5: {  	s30 =	simm.s32 $0x17200;
	s31 =	simm.s32 $0x17A00;
	s12 =	simm.s32 $0x6  }
0x6: {  	s13 =	simm.s32 $0x2;
	s14 =	simm.s32 $0xC200;
	s15 =	simm.s32 $0x3  }
0x7: {  	s16 =	simm.s32 $0x4;
	s19 =	simm.s32 $0x0;
	s2 =	sand.u32 $0x1, s2  }
0x8: {  	s4 =	sshll.u32 s4, $0xA;
	s8 =	sadd.s32 $0x200, s3;
	s5 =	sshll.u32 s2, $0x9  }
0x9: {  	s9 =	sadd.s32 $0x300, s3;
	s2 =	ssub.s32 $0x2, s2;
	s4 =	sor.u32 s5, s4  }
0xa: {  	s5 =	simm.s32 $0x0;
	s24 =	sshrl.u32 s2, $0x1;
	s7 =	sshrl.u32 s4, $0x3  }
0xb: {  	[smem:$0x7FF] =	sst s5;
	s2 =	ssub.s32 s2, s24;
	s25 =	sshll.u32 s4, $0x7  }
0xc: {  	s0 =	sadd.s32 s7, s0;
	_ =	strace $0x80000047;
	s7 =	sadd.s32 $0x100, s3  }
0xd: {  	s10 =	sadd.s32 s1, s25;
	s11 =	sadd.s32 s6, s25;
	s26 =	smax.u32 s2, $0x1  }
0xe: {  	v2 =	vlaneseq.u32;
	s2 =	simm.s32 $0x4200;
	s6 =	simm.s32 $0x1;
	[dreg:$0x6] =	wrdreg s10  }
0xf: {  	vm0 =	vmmov $0xffff;
	v1 =	vshrl.u32 v2, $0x3;
	s0 =	sadd.s32 $0x400, s0;
	[dreg:$0x7] =	wrdreg s26;
	s26 =	simm.s32 $0x14200  }
0x10: {  	v0 =	vand.u32 $0x7, v2;
	v2 =	vor.u32 $0x8, v2;
	v1 =	vmul.u32 $0x8, v1;
	s10 =	simm.s32 $0x8200;
	[dreg:$0x5] =	wrdreg s0;
	s0 =	simm.s32 $0x5  }
.LBB2_1:
0x11: {  	[dreg:$0x8] =	wrdreg s19  }
0x12: {  	s17 =	rddreg [dreg:$0x5];
	s24 =	simm.s32 $0xB  }
0x13: {  	[tilespmem:s5], [sflag:$0xB] =	stream.linear.gather [hbm4b:s17+s5], $0x200, $0x38;
	[tilespmem:$0x18200] =	vst v63  }
0x14: {  	_ =	swait.ge [sflag:s24], $0x200  }
0x15: {  	[sflag:s24] =	ssyncset.done $0x0  }
0x16: {  	[sflag:s24] =	ssyncadd.s32 $0xFFFFFE00  }
0x17: {  	v3 =	vld [tilespmem:$0x0];
	_ =	sdelay $0x4  }
0x18: {  	v4 =	vshll.u32 v3, $0x3  }
0x19: {  	v3 =	vand.u32 $0x7, v3;
	v4 =	vand.u32 $0xFFFFFFC0, v4  }
0x1a: {  	v3 =	vor.u32 v3, v4  }
0x1b: {  	v4 =	vperm.xlane v3, v0;
	_ =	sdelay $0x1  }
0x1c: {  	v4 =	vadd.s32 v1, v4;
	_ =	sdelay $0x3  }
0x1d: {  	s25 =	simm.s32 $0x10200  }
0x1e: {  	[tilespmem:s25], [sflag:$0x5] =	stream.indirect_vreg.gather [hbm4b:s3+s5], $0x80, v4, vm0, $0xb8;
	[tilespmem:$0x18200] =	vst v63  }
0x1f: {  	s18 =	simm.s32 $0x10A00;
	v3 =	vperm.xlane v3, v2  }
0x20: {  	[tilespmem:s18], [sflag:$0x5] =	stream.indirect_vreg.gather [hbm4b:s7+s5], $0x80, v4, vm0, $0xb8;
	[tilespmem:$0x18200] =	vst v63  }
0x21: {  	s19 =	simm.s32 $0x11200;
	v3 =	vadd.s32 v1, v3  }
0x22: {  	[tilespmem:s19], [sflag:$0x5] =	stream.indirect_vreg.gather [hbm4b:s8+s5], $0x80, v4, vm0, $0xb8;
	[tilespmem:$0x18200] =	vst v63  }
0x23: {  	s20 =	simm.s32 $0x11A00  }
0x24: {  	[tilespmem:s20], [sflag:$0x5] =	stream.indirect_vreg.gather [hbm4b:s9+s5], $0x80, v4, vm0, $0xb8;
	[tilespmem:$0x18200] =	vst v63  }
0x25: {  	s21 =	simm.s32 $0x12200  }
0x26: {  	[tilespmem:s21], [sflag:$0x5] =	stream.indirect_vreg.gather [hbm4b:s3+s5], $0x80, v3, vm0, $0xb8;
	[tilespmem:$0x18200] =	vst v63  }
0x27: {  	s22 =	simm.s32 $0x12A00  }
0x28: {  	[tilespmem:s22], [sflag:$0x5] =	stream.indirect_vreg.gather [hbm4b:s7+s5], $0x80, v3, vm0, $0xb8;
	[tilespmem:$0x18200] =	vst v63  }
0x29: {  	s23 =	simm.s32 $0x13200  }
0x2a: {  	[tilespmem:s23], [sflag:$0x5] =	stream.indirect_vreg.gather [hbm4b:s8+s5], $0x80, v3, vm0, $0xb8;
	[tilespmem:$0x18200] =	vst v63  }
0x2b: {  	s24 =	simm.s32 $0x13A00  }
0x2c: {  	[tilespmem:s24], [sflag:$0x5] =	stream.indirect_vreg.gather [hbm4b:s9+s5], $0x80, v3, vm0, $0xb8;
	[tilespmem:$0x18200] =	vst v63  }
0x2d: {  	s17 =	simm.s32 $0x0;
	s25 =	rddreg [dreg:$0x6];
	s18 =	simm.s32 $0x200  }
0x2e: {  	[tilespmem:s18], [sflag:$0x1] =	stream.linear.gather [hbm4b:s25+s5], $0x4000, $0x38;
	[tilespmem:$0x18200] =	vst v63  }
.LBB2_2:
0x2f: {  	s18 =	sshll.u32 s17, $0x2  }
0x30: {  	s19 =	sor.u32 $0x1, s18  }
0x31: {  	s20 =	sshll.u32 s19, $0x4  }
0x32: {  	v3 =	vld [tilespmem:s20+$0x0];
	_ =	sdelay $0x4  }
0x33: {  	v4 =	vshll.u32 v3, $0x3  }
0x34: {  	v3 =	vand.u32 $0x7, v3;
	v4 =	vand.u32 $0xFFFFFFC0, v4  }
0x35: {  	v3 =	vor.u32 v3, v4  }
0x36: {  	v4 =	vperm.xlane v3, v0;
	_ =	sdelay $0x1  }
0x37: {  	v4 =	vadd.s32 v1, v4;
	_ =	sdelay $0x4  }
0x38: {  	[tilespmem:s26], [sflag:$0x6] =	stream.indirect_vreg.gather [hbm4b:s3+s5], $0x80, v4, vm0, $0xb8;
	[tilespmem:$0x18200] =	vst v63  }
0x39: {  	s21 =	simm.s32 $0x14A00;
	v3 =	vperm.xlane v3, v2  }
0x3a: {  	[tilespmem:s21], [sflag:$0x6] =	stream.indirect_vreg.gather [hbm4b:s7+s5], $0x80, v4, vm0, $0xb8;
	[tilespmem:$0x18200] =	vst v63  }
0x3b: {  	s24 =	simm.s32 $0x15200;
	v3 =	vadd.s32 v1, v3  }
0x3c: {  	[tilespmem:s24], [sflag:$0x6] =	stream.indirect_vreg.gather [hbm4b:s8+s5], $0x80, v4, vm0, $0xb8;
	[tilespmem:$0x18200] =	vst v63  }
0x3d: {  	s25 =	simm.s32 $0x15A00  }
0x3e: {  	[tilespmem:s25], [sflag:$0x6] =	stream.indirect_vreg.gather [hbm4b:s9+s5], $0x80, v4, vm0, $0xb8;
	[tilespmem:$0x18200] =	vst v63  }
0x3f: {  	_ = 	snop  }
0x40: {  	[tilespmem:s28], [sflag:$0x6] =	stream.indirect_vreg.gather [hbm4b:s3+s5], $0x80, v3, vm0, $0xb8;
	[tilespmem:$0x18200] =	vst v63  }
0x41: {  	_ = 	snop  }
0x42: {  	[tilespmem:s29], [sflag:$0x6] =	stream.indirect_vreg.gather [hbm4b:s7+s5], $0x80, v3, vm0, $0xb8;
	[tilespmem:$0x18200] =	vst v63  }
0x43: {  	p0 =	seq.s32 s17, $0x0  }
0x44: {  	[tilespmem:s30], [sflag:$0x6] =	stream.indirect_vreg.gather [hbm4b:s8+s5], $0x80, v3, vm0, $0xb8;
	[tilespmem:$0x18200] =	vst v63  }
0x45: {  	s21 =	simm.s32 @!p0 $0x8  }
0x46: {  	[tilespmem:s31], [sflag:$0x6] =	stream.indirect_vreg.gather [hbm4b:s9+s5], $0x80, v3, vm0, $0xb8;
	[tilespmem:$0x18200] =	vst v63  }
0x47: {  	s20 =	sadd.s32 s4, s20;
	_ =	swait.ge @!p0 [sflag:s21], $0x4000  }
0x48: {  	s20 =	sshll.u32 s20, $0x7;
	[sflag:s21] =	ssyncset.done @!p0 $0x0  }
0x49: {  	s26 =	sadd.s32 s1, s20;
	s20 =	simm.s32 $0x0;
	[sflag:s21] =	ssyncadd.s32 @!p0 $0xFFFFC000  }
0x4a: {  	[tilespmem:s2], [sflag:$0x2] =	stream.linear.gather [hbm4b:s26+s20], $0x4000, $0x38;
	[tilespmem:$0x18200] =	vst v63  }
0x4b: {  	_ =	swait.ge [sflag:s0], $0x4000  }
0x4c: {  	[sflag:s0] =	ssyncset.done $0x0  }
0x4d: {  	[sflag:s0] =	ssyncadd.s32 $0xFFFFC000  }
0x4e: {  	_ =	swait.ge [sflag:s6], $0x4000  }
0x4f: {  	s22 =	simm.s32 $0x0;
	[sflag:s6] =	ssyncset.done $0x0  }
0x50: {  	s23 =	simm.s32 $0x0;
	s21 =	simm.s32 $0xFFFFC000;
	[sflag:s6] =	ssyncadd.s32 $0xFFFFC000  }
.LBB2_3:
0x51: {  	s24 =	sadd.s32 $0x4000, s21  }
0x52: {  	s25 =	sand.u32 $0x380, s23;
	s24 =	sand.u32 $0x2000, s24  }
0x53: {  	s24 =	sor.u32 s25, s24  }
0x54: {  	v3 =	vld [tilespmem:s24+$0x10200]  }
0x55: {  	v4 =	vld [tilespmem:s24+$0x10220]  }
0x56: {  	v5 =	vld [tilespmem:s24+$0x10230]  }
0x57: {  	v6 =	vld [tilespmem:s24+$0x10240]  }
0x58: {  	v7 =	vld [tilespmem:s24+$0x10250]  }
0x59: {  	v24 =	vld [tilespmem:s24+$0x10270]  }
0x5a: {  	v25 =	vld [tilespmem:s24+$0x10600]  }
0x5b: {  	v26 =	vld [tilespmem:s24+$0x10610]  }
0x5c: {  	v27 =	vld [tilespmem:s24+$0x10620]  }
0x5d: {  	v28 =	vld [tilespmem:s24+$0x10640]  }
0x5e: {  	v29 =	vld [tilespmem:s24+$0x10650]  }
0x5f: {  	v30 =	vld [tilespmem:s24+$0x10660]  }
0x60: {  	v31 =	vld [tilespmem:s24+$0x10670]  }
0x61: {  	v32 =	vld [tilespmem:s24+$0x10A10]  }
0x62: {  	v33 =	vld [tilespmem:s24+$0x10A20]  }
0x63: {  	v34 =	vld [tilespmem:s24+$0x10A30]  }
0x64: {  	v35 =	vld [tilespmem:s24+$0x10A40]  }
0x65: {  	v36 =	vld [tilespmem:s24+$0x10A60]  }
0x66: {  	v37 =	vld [tilespmem:s24+$0x10A70]  }
0x67: {  	v38 =	vld [tilespmem:s24+$0x10E00]  }
0x68: {  	v39 =	vld [tilespmem:s24+$0x10E10]  }
0x69: {  	v40 =	vld [tilespmem:s24+$0x10E30]  }
0x6a: {  	v41 =	vld [tilespmem:s24+$0x10E40]  }
0x6b: {  	v42 =	vld [tilespmem:s24+$0x10E50]  }
0x6c: {  	v43 =	vld [tilespmem:s24+$0x10E60]  }
0x6d: {  	v44 =	vld [tilespmem:s24+$0x11200]  }
0x6e: {  	v45 =	vld [tilespmem:s24+$0x11210]  }
0x6f: {  	v46 =	vld [tilespmem:s24+$0x11220]  }
0x70: {  	v47 =	vld [tilespmem:s24+$0x11230]  }
0x71: {  	v48 =	vld [tilespmem:s24+$0x11250]  }
0x72: {  	v49 =	vld [tilespmem:s24+$0x11260]  }
0x73: {  	v50 =	vld [tilespmem:s24+$0x11270]  }
0x74: {  	v51 =	vld [tilespmem:s24+$0x11600]  }
0x75: {  	v52 =	vld [tilespmem:s24+$0x11620]  }
0x76: {  	v53 =	vld [tilespmem:s24+$0x11630]  }
0x77: {  	v54 =	vld [tilespmem:s24+$0x11640]  }
0x78: {  	v55 =	vld [tilespmem:s24+$0x11650]  }
0x79: {  	v56 =	vld [tilespmem:s24+$0x11670]  }
0x7a: {  	v57 =	vld [tilespmem:s24+$0x11A00]  }
0x7b: {  	v58 =	vld [tilespmem:s24+$0x11A10]  }
0x7c: {  	v59 =	vld [tilespmem:s24+$0x11A20]  }
0x7d: {  	v60 =	vld [tilespmem:s24+$0x11A40]  }
0x7e: {  	v61 =	vld [tilespmem:s24+$0x11A50]  }
0x7f: {  	v62 =	vld [tilespmem:s24+$0x11A60]  }
0x80: {  	v63 =	vld [tilespmem:s24+$0x11A70]  }
0x81: {  	[tilespmem:s24+$0x200] =	vst.add.f32.msk $0xffff, v3  }
0x82: {  	v3 =	vld [tilespmem:s24+$0x10210]  }
0x83: {  	[tilespmem:s24+$0x220] =	vst.add.f32.msk $0xffff, v4  }
0x84: {  	[tilespmem:s24+$0x230] =	vst.add.f32.msk $0xffff, v5  }
0x85: {  	[tilespmem:s24+$0x240] =	vst.add.f32.msk $0xffff, v6  }
0x86: {  	[tilespmem:s24+$0x250] =	vst.add.f32.msk $0xffff, v7  }
0x87: {  	[tilespmem:s24+$0x210] =	vst.add.f32.msk $0xffff, v3  }
0x88: {  	v3 =	vld [tilespmem:s24+$0x10260]  }
0x89: {  	[tilespmem:s24+$0x270] =	vst.add.f32.msk $0xffff, v24  }
0x8a: {  	[tilespmem:s24+$0x600] =	vst.add.f32.msk $0xffff, v25  }
0x8b: {  	[tilespmem:s24+$0x610] =	vst.add.f32.msk $0xffff, v26  }
0x8c: {  	[tilespmem:s24+$0x620] =	vst.add.f32.msk $0xffff, v27  }
0x8d: {  	[tilespmem:s24+$0x260] =	vst.add.f32.msk $0xffff, v3  }
0x8e: {  	v3 =	vld [tilespmem:s24+$0x10630]  }
0x8f: {  	[tilespmem:s24+$0x640] =	vst.add.f32.msk $0xffff, v28  }
0x90: {  	[tilespmem:s24+$0x650] =	vst.add.f32.msk $0xffff, v29  }
0x91: {  	[tilespmem:s24+$0x660] =	vst.add.f32.msk $0xffff, v30  }
0x92: {  	[tilespmem:s24+$0x670] =	vst.add.f32.msk $0xffff, v31  }
0x93: {  	[tilespmem:s24+$0x630] =	vst.add.f32.msk $0xffff, v3  }
0x94: {  	v3 =	vld [tilespmem:s24+$0x10A00]  }
0x95: {  	[tilespmem:s24+$0xA10] =	vst.add.f32.msk $0xffff, v32  }
0x96: {  	[tilespmem:s24+$0xA20] =	vst.add.f32.msk $0xffff, v33  }
0x97: {  	[tilespmem:s24+$0xA30] =	vst.add.f32.msk $0xffff, v34  }
0x98: {  	[tilespmem:s24+$0xA40] =	vst.add.f32.msk $0xffff, v35  }
0x99: {  	[tilespmem:s24+$0xA00] =	vst.add.f32.msk $0xffff, v3  }
0x9a: {  	v3 =	vld [tilespmem:s24+$0x10A50]  }
0x9b: {  	[tilespmem:s24+$0xA60] =	vst.add.f32.msk $0xffff, v36  }
0x9c: {  	[tilespmem:s24+$0xA70] =	vst.add.f32.msk $0xffff, v37  }
0x9d: {  	[tilespmem:s24+$0xE00] =	vst.add.f32.msk $0xffff, v38  }
0x9e: {  	[tilespmem:s24+$0xE10] =	vst.add.f32.msk $0xffff, v39  }
0x9f: {  	[tilespmem:s24+$0xA50] =	vst.add.f32.msk $0xffff, v3  }
0xa0: {  	v3 =	vld [tilespmem:s24+$0x10E20]  }
0xa1: {  	[tilespmem:s24+$0xE30] =	vst.add.f32.msk $0xffff, v40  }
0xa2: {  	[tilespmem:s24+$0xE40] =	vst.add.f32.msk $0xffff, v41  }
0xa3: {  	[tilespmem:s24+$0xE50] =	vst.add.f32.msk $0xffff, v42  }
0xa4: {  	[tilespmem:s24+$0xE60] =	vst.add.f32.msk $0xffff, v43  }
0xa5: {  	[tilespmem:s24+$0xE20] =	vst.add.f32.msk $0xffff, v3  }
0xa6: {  	v3 =	vld [tilespmem:s24+$0x10E70]  }
0xa7: {  	[tilespmem:s24+$0x1200] =	vst.add.f32.msk $0xffff, v44  }
0xa8: {  	[tilespmem:s24+$0x1210] =	vst.add.f32.msk $0xffff, v45  }
0xa9: {  	[tilespmem:s24+$0x1220] =	vst.add.f32.msk $0xffff, v46  }
0xaa: {  	[tilespmem:s24+$0x1230] =	vst.add.f32.msk $0xffff, v47  }
0xab: {  	[tilespmem:s24+$0xE70] =	vst.add.f32.msk $0xffff, v3  }
0xac: {  	v3 =	vld [tilespmem:s24+$0x11240]  }
0xad: {  	[tilespmem:s24+$0x1250] =	vst.add.f32.msk $0xffff, v48  }
0xae: {  	[tilespmem:s24+$0x1260] =	vst.add.f32.msk $0xffff, v49  }
0xaf: {  	[tilespmem:s24+$0x1270] =	vst.add.f32.msk $0xffff, v50  }
0xb0: {  	[tilespmem:s24+$0x1600] =	vst.add.f32.msk $0xffff, v51  }
0xb1: {  	[tilespmem:s24+$0x1240] =	vst.add.f32.msk $0xffff, v3  }
0xb2: {  	v3 =	vld [tilespmem:s24+$0x11610]  }
0xb3: {  	[tilespmem:s24+$0x1620] =	vst.add.f32.msk $0xffff, v52  }
0xb4: {  	[tilespmem:s24+$0x1630] =	vst.add.f32.msk $0xffff, v53  }
0xb5: {  	[tilespmem:s24+$0x1640] =	vst.add.f32.msk $0xffff, v54  }
0xb6: {  	[tilespmem:s24+$0x1650] =	vst.add.f32.msk $0xffff, v55  }
0xb7: {  	[tilespmem:s24+$0x1610] =	vst.add.f32.msk $0xffff, v3  }
0xb8: {  	v3 =	vld [tilespmem:s24+$0x11660]  }
0xb9: {  	[tilespmem:s24+$0x1670] =	vst.add.f32.msk $0xffff, v56  }
0xba: {  	[tilespmem:s24+$0x1A00] =	vst.add.f32.msk $0xffff, v57  }
0xbb: {  	[tilespmem:s24+$0x1A10] =	vst.add.f32.msk $0xffff, v58  }
0xbc: {  	[tilespmem:s24+$0x1A20] =	vst.add.f32.msk $0xffff, v59  }
0xbd: {  	[tilespmem:s24+$0x1660] =	vst.add.f32.msk $0xffff, v3  }
0xbe: {  	v3 =	vld [tilespmem:s24+$0x11A30]  }
0xbf: {  	[tilespmem:s24+$0x1A40] =	vst.add.f32.msk $0xffff, v60  }
0xc0: {  	s26 =	sand.u32 $0x7, s20;
	[tilespmem:s24+$0x1A50] =	vst.add.f32.msk $0xffff, v61  }
0xc1: {  	s25 =	sshll.u32 s26, $0x7;
	[tilespmem:s24+$0x1A60] =	vst.add.f32.msk $0xffff, v62  }
0xc2: {  	s25 =	sadd.s32 s25, s22;
	[tilespmem:s24+$0x1A70] =	vst.add.f32.msk $0xffff, v63  }
0xc3: {  	s26 =	sor.u32 $0x1C00, s25;
	[tilespmem:s24+$0x1A30] =	vst.add.f32.msk $0xffff, v3  }
0xc4: {  	v3 =	vld [tilespmem:s26+$0x10200];
	_ =	sdelay $0x4  }
0xc5: {  	[tilespmem:s26+$0x200] =	vst.add.f32.msk $0xffff, v3;
	s26 =	sor.u32 $0x1C10, s25  }
0xc6: {  	v3 =	vld [tilespmem:s26+$0x10200];
	_ =	sdelay $0x4  }
0xc7: {  	[tilespmem:s26+$0x200] =	vst.add.f32.msk $0xffff, v3;
	s26 =	sor.u32 $0x1C20, s25  }
0xc8: {  	v3 =	vld [tilespmem:s26+$0x10200];
	_ =	sdelay $0x4  }
0xc9: {  	[tilespmem:s26+$0x200] =	vst.add.f32.msk $0xffff, v3;
	s26 =	sor.u32 $0x1C30, s25  }
0xca: {  	v3 =	vld [tilespmem:s26+$0x10200];
	_ =	sdelay $0x4  }
0xcb: {  	[tilespmem:s26+$0x200] =	vst.add.f32.msk $0xffff, v3;
	s26 =	sor.u32 $0x1C40, s25  }
0xcc: {  	v3 =	vld [tilespmem:s26+$0x10200];
	_ =	sdelay $0x4  }
0xcd: {  	[tilespmem:s26+$0x200] =	vst.add.f32.msk $0xffff, v3;
	s26 =	sor.u32 $0x1C50, s25  }
0xce: {  	v3 =	vld [tilespmem:s26+$0x10200];
	_ =	sdelay $0x4  }
0xcf: {  	[tilespmem:s26+$0x200] =	vst.add.f32.msk $0xffff, v3;
	s26 =	sor.u32 $0x1C60, s25  }
0xd0: {  	v3 =	vld [tilespmem:s26+$0x10200];
	_ =	sdelay $0x4  }
0xd1: {  	[tilespmem:s26+$0x200] =	vst.add.f32.msk $0xffff, v3;
	s26 =	sor.u32 $0x1C70, s25  }
0xd2: {  	p1 =	sne.s32 s23, $0x780;
	v3 =	vld [tilespmem:s26+$0x10200]  }
.Ltmp0:
0xd3: {  	_ = 	snop;
	(pc) =	sbr.rel @p1 .LBB2_3-.Ltmp0, $3  }
0xd4: {  	_ =	sdelay $0x1  }
0xd5: {  	s20 =	sadd.s32 $0x1, s20  }
0xd6: {  	s21 =	sadd.s32 $0x400, s21;
	s23 =	sadd.s32 $0x80, s23;
	s22 =	sadd.s32 $0x400, s22;
	[tilespmem:s26+$0x200] =	vst.add.f32.msk $0xffff, v3  }
0xd7: {  	s20 =	sshll.u32 s17, $0xD  }
0xd8: {  	s21 =	simm.s32 $0x200;
	s20 =	sadd.s32 s20, s11  }
0xd9: {  	[hbm4b:s20+s5] =	stream.linear.scatter [tilespmem:s21], [sflag:$0x7], $0x4000, $0x38;
	[tilespmem:$0x18200] =	vst v63  }
0xda: {  	s20 =	sor.u32 $0x2, s18  }
0xdb: {  	s21 =	sshll.u32 s20, $0x4  }
0xdc: {  	v3 =	vld [tilespmem:s21+$0x0];
	_ =	sdelay $0x4  }
0xdd: {  	v4 =	vshll.u32 v3, $0x3  }
0xde: {  	v3 =	vand.u32 $0x7, v3;
	v4 =	vand.u32 $0xFFFFFFC0, v4  }
0xdf: {  	v3 =	vor.u32 v3, v4  }
0xe0: {  	v4 =	vperm.xlane v3, v0;
	_ =	sdelay $0x1  }
0xe1: {  	v4 =	vadd.s32 v1, v4;
	_ =	sdelay $0x3  }
0xe2: {  	s22 =	simm.s32 $0x10200  }
0xe3: {  	[tilespmem:s22], [sflag:$0x5] =	stream.indirect_vreg.gather [hbm4b:s3+s5], $0x80, v4, vm0, $0xb8;
	[tilespmem:$0x18200] =	vst v63  }
0xe4: {  	s23 =	simm.s32 $0x10A00;
	v3 =	vperm.xlane v3, v2  }
0xe5: {  	[tilespmem:s23], [sflag:$0x5] =	stream.indirect_vreg.gather [hbm4b:s7+s5], $0x80, v4, vm0, $0xb8;
	[tilespmem:$0x18200] =	vst v63  }
0xe6: {  	s24 =	simm.s32 $0x11200;
	v3 =	vadd.s32 v1, v3  }
0xe7: {  	[tilespmem:s24], [sflag:$0x5] =	stream.indirect_vreg.gather [hbm4b:s8+s5], $0x80, v4, vm0, $0xb8;
	[tilespmem:$0x18200] =	vst v63  }
0xe8: {  	s25 =	simm.s32 $0x11A00  }
0xe9: {  	[tilespmem:s25], [sflag:$0x5] =	stream.indirect_vreg.gather [hbm4b:s9+s5], $0x80, v4, vm0, $0xb8;
	[tilespmem:$0x18200] =	vst v63  }
0xea: {  	s26 =	simm.s32 $0x12200  }
0xeb: {  	[tilespmem:s26], [sflag:$0x5] =	stream.indirect_vreg.gather [hbm4b:s3+s5], $0x80, v3, vm0, $0xb8;
	[tilespmem:$0x18200] =	vst v63  }
0xec: {  	s23 =	simm.s32 $0x12A00  }
0xed: {  	[tilespmem:s23], [sflag:$0x5] =	stream.indirect_vreg.gather [hbm4b:s7+s5], $0x80, v3, vm0, $0xb8;
	[tilespmem:$0x18200] =	vst v63  }
0xee: {  	s24 =	simm.s32 $0x13200  }
0xef: {  	[tilespmem:s24], [sflag:$0x5] =	stream.indirect_vreg.gather [hbm4b:s8+s5], $0x80, v3, vm0, $0xb8;
	[tilespmem:$0x18200] =	vst v63  }
0xf0: {  	s22 =	simm.s32 @!p0 $0x9;
	s25 =	simm.s32 $0x13A00  }
0xf1: {  	[tilespmem:s25], [sflag:$0x5] =	stream.indirect_vreg.gather [hbm4b:s9+s5], $0x80, v3, vm0, $0xb8;
	[tilespmem:$0x18200] =	vst v63  }
0xf2: {  	s21 =	sadd.s32 s4, s21;
	_ =	swait.ge @!p0 [sflag:s22], $0x4000  }
0xf3: {  	s21 =	sshll.u32 s21, $0x7;
	[sflag:s22] =	ssyncset.done @!p0 $0x0  }
0xf4: {  	s26 =	sadd.s32 s1, s21;
	s21 =	simm.s32 $0x0;
	[sflag:s22] =	ssyncadd.s32 @!p0 $0xFFFFC000  }
0xf5: {  	[tilespmem:s10], [sflag:$0x3] =	stream.linear.gather [hbm4b:s26+s21], $0x4000, $0x38;
	[tilespmem:$0x18200] =	vst v63  }
0xf6: {  	_ =	swait.ge [sflag:s12], $0x4000  }
0xf7: {  	[sflag:s12] =	ssyncset.done $0x0  }
0xf8: {  	[sflag:s12] =	ssyncadd.s32 $0xFFFFC000  }
0xf9: {  	_ =	swait.ge [sflag:s13], $0x4000  }
0xfa: {  	s23 =	simm.s32 $0x0;
	[sflag:s13] =	ssyncset.done $0x0  }
0xfb: {  	s24 =	simm.s32 $0x0;
	s22 =	simm.s32 $0xFFFFC000;
	[sflag:s13] =	ssyncadd.s32 $0xFFFFC000  }
.LBB2_5:
0xfc: {  	s25 =	sadd.s32 $0x4000, s22  }
0xfd: {  	s26 =	sand.u32 $0x380, s24;
	s25 =	sand.u32 $0x2000, s25  }
0xfe: {  	s25 =	sor.u32 s26, s25  }
0xff: {  	v3 =	vld [tilespmem:s25+$0x14200]  }
0x100: {  	v4 =	vld [tilespmem:s25+$0x14220]  }
0x101: {  	v5 =	vld [tilespmem:s25+$0x14230]  }
0x102: {  	v6 =	vld [tilespmem:s25+$0x14240]  }
0x103: {  	v7 =	vld [tilespmem:s25+$0x14250]  }
0x104: {  	v24 =	vld [tilespmem:s25+$0x14270]  }
0x105: {  	v25 =	vld [tilespmem:s25+$0x14600]  }
0x106: {  	v26 =	vld [tilespmem:s25+$0x14610]  }
0x107: {  	v27 =	vld [tilespmem:s25+$0x14620]  }
0x108: {  	v28 =	vld [tilespmem:s25+$0x14640]  }
0x109: {  	v29 =	vld [tilespmem:s25+$0x14650]  }
0x10a: {  	v30 =	vld [tilespmem:s25+$0x14660]  }
0x10b: {  	v31 =	vld [tilespmem:s25+$0x14670]  }
0x10c: {  	v32 =	vld [tilespmem:s25+$0x14A10]  }
0x10d: {  	v33 =	vld [tilespmem:s25+$0x14A20]  }
0x10e: {  	v34 =	vld [tilespmem:s25+$0x14A30]  }
0x10f: {  	v35 =	vld [tilespmem:s25+$0x14A40]  }
0x110: {  	v36 =	vld [tilespmem:s25+$0x14A60]  }
0x111: {  	v37 =	vld [tilespmem:s25+$0x14A70]  }
0x112: {  	v38 =	vld [tilespmem:s25+$0x14E00]  }
0x113: {  	v39 =	vld [tilespmem:s25+$0x14E10]  }
0x114: {  	v40 =	vld [tilespmem:s25+$0x14E30]  }
0x115: {  	v41 =	vld [tilespmem:s25+$0x14E40]  }
0x116: {  	v42 =	vld [tilespmem:s25+$0x14E50]  }
0x117: {  	v43 =	vld [tilespmem:s25+$0x14E60]  }
0x118: {  	v44 =	vld [tilespmem:s25+$0x15200]  }
0x119: {  	v45 =	vld [tilespmem:s25+$0x15210]  }
0x11a: {  	v46 =	vld [tilespmem:s25+$0x15220]  }
0x11b: {  	v47 =	vld [tilespmem:s25+$0x15230]  }
0x11c: {  	v48 =	vld [tilespmem:s25+$0x15250]  }
0x11d: {  	v49 =	vld [tilespmem:s25+$0x15260]  }
0x11e: {  	v50 =	vld [tilespmem:s25+$0x15270]  }
0x11f: {  	v51 =	vld [tilespmem:s25+$0x15600]  }
0x120: {  	v52 =	vld [tilespmem:s25+$0x15620]  }
0x121: {  	v53 =	vld [tilespmem:s25+$0x15630]  }
0x122: {  	v54 =	vld [tilespmem:s25+$0x15640]  }
0x123: {  	v55 =	vld [tilespmem:s25+$0x15650]  }
0x124: {  	v56 =	vld [tilespmem:s25+$0x15670]  }
0x125: {  	v57 =	vld [tilespmem:s25+$0x15A00]  }
0x126: {  	v58 =	vld [tilespmem:s25+$0x15A10]  }
0x127: {  	v59 =	vld [tilespmem:s25+$0x15A20]  }
0x128: {  	v60 =	vld [tilespmem:s25+$0x15A40]  }
0x129: {  	v61 =	vld [tilespmem:s25+$0x15A50]  }
0x12a: {  	v62 =	vld [tilespmem:s25+$0x15A60]  }
0x12b: {  	v63 =	vld [tilespmem:s25+$0x15A70]  }
0x12c: {  	[tilespmem:s25+$0x4200] =	vst.add.f32.msk $0xffff, v3  }
0x12d: {  	v3 =	vld [tilespmem:s25+$0x14210]  }
0x12e: {  	[tilespmem:s25+$0x4220] =	vst.add.f32.msk $0xffff, v4  }
0x12f: {  	[tilespmem:s25+$0x4230] =	vst.add.f32.msk $0xffff, v5  }
0x130: {  	[tilespmem:s25+$0x4240] =	vst.add.f32.msk $0xffff, v6  }
0x131: {  	[tilespmem:s25+$0x4250] =	vst.add.f32.msk $0xffff, v7  }
0x132: {  	[tilespmem:s25+$0x4210] =	vst.add.f32.msk $0xffff, v3  }
0x133: {  	v3 =	vld [tilespmem:s25+$0x14260]  }
0x134: {  	[tilespmem:s25+$0x4270] =	vst.add.f32.msk $0xffff, v24  }
0x135: {  	[tilespmem:s25+$0x4600] =	vst.add.f32.msk $0xffff, v25  }
0x136: {  	[tilespmem:s25+$0x4610] =	vst.add.f32.msk $0xffff, v26  }
0x137: {  	[tilespmem:s25+$0x4620] =	vst.add.f32.msk $0xffff, v27  }
0x138: {  	[tilespmem:s25+$0x4260] =	vst.add.f32.msk $0xffff, v3  }
0x139: {  	v3 =	vld [tilespmem:s25+$0x14630]  }
0x13a: {  	[tilespmem:s25+$0x4640] =	vst.add.f32.msk $0xffff, v28  }
0x13b: {  	[tilespmem:s25+$0x4650] =	vst.add.f32.msk $0xffff, v29  }
0x13c: {  	[tilespmem:s25+$0x4660] =	vst.add.f32.msk $0xffff, v30  }
0x13d: {  	[tilespmem:s25+$0x4670] =	vst.add.f32.msk $0xffff, v31  }
0x13e: {  	[tilespmem:s25+$0x4630] =	vst.add.f32.msk $0xffff, v3  }
0x13f: {  	v3 =	vld [tilespmem:s25+$0x14A00]  }
0x140: {  	[tilespmem:s25+$0x4A10] =	vst.add.f32.msk $0xffff, v32  }
0x141: {  	[tilespmem:s25+$0x4A20] =	vst.add.f32.msk $0xffff, v33  }
0x142: {  	[tilespmem:s25+$0x4A30] =	vst.add.f32.msk $0xffff, v34  }
0x143: {  	[tilespmem:s25+$0x4A40] =	vst.add.f32.msk $0xffff, v35  }
0x144: {  	[tilespmem:s25+$0x4A00] =	vst.add.f32.msk $0xffff, v3  }
0x145: {  	v3 =	vld [tilespmem:s25+$0x14A50]  }
0x146: {  	[tilespmem:s25+$0x4A60] =	vst.add.f32.msk $0xffff, v36  }
0x147: {  	[tilespmem:s25+$0x4A70] =	vst.add.f32.msk $0xffff, v37  }
0x148: {  	[tilespmem:s25+$0x4E00] =	vst.add.f32.msk $0xffff, v38  }
0x149: {  	[tilespmem:s25+$0x4E10] =	vst.add.f32.msk $0xffff, v39  }
0x14a: {  	[tilespmem:s25+$0x4A50] =	vst.add.f32.msk $0xffff, v3  }
0x14b: {  	v3 =	vld [tilespmem:s25+$0x14E20]  }
0x14c: {  	[tilespmem:s25+$0x4E30] =	vst.add.f32.msk $0xffff, v40  }
0x14d: {  	[tilespmem:s25+$0x4E40] =	vst.add.f32.msk $0xffff, v41  }
0x14e: {  	[tilespmem:s25+$0x4E50] =	vst.add.f32.msk $0xffff, v42  }
0x14f: {  	[tilespmem:s25+$0x4E60] =	vst.add.f32.msk $0xffff, v43  }
0x150: {  	[tilespmem:s25+$0x4E20] =	vst.add.f32.msk $0xffff, v3  }
0x151: {  	v3 =	vld [tilespmem:s25+$0x14E70]  }
0x152: {  	[tilespmem:s25+$0x5200] =	vst.add.f32.msk $0xffff, v44  }
0x153: {  	[tilespmem:s25+$0x5210] =	vst.add.f32.msk $0xffff, v45  }
0x154: {  	[tilespmem:s25+$0x5220] =	vst.add.f32.msk $0xffff, v46  }
0x155: {  	[tilespmem:s25+$0x5230] =	vst.add.f32.msk $0xffff, v47  }
0x156: {  	[tilespmem:s25+$0x4E70] =	vst.add.f32.msk $0xffff, v3  }
0x157: {  	v3 =	vld [tilespmem:s25+$0x15240]  }
0x158: {  	[tilespmem:s25+$0x5250] =	vst.add.f32.msk $0xffff, v48  }
0x159: {  	[tilespmem:s25+$0x5260] =	vst.add.f32.msk $0xffff, v49  }
0x15a: {  	[tilespmem:s25+$0x5270] =	vst.add.f32.msk $0xffff, v50  }
0x15b: {  	[tilespmem:s25+$0x5600] =	vst.add.f32.msk $0xffff, v51  }
0x15c: {  	[tilespmem:s25+$0x5240] =	vst.add.f32.msk $0xffff, v3  }
0x15d: {  	v3 =	vld [tilespmem:s25+$0x15610]  }
0x15e: {  	[tilespmem:s25+$0x5620] =	vst.add.f32.msk $0xffff, v52  }
0x15f: {  	[tilespmem:s25+$0x5630] =	vst.add.f32.msk $0xffff, v53  }
0x160: {  	[tilespmem:s25+$0x5640] =	vst.add.f32.msk $0xffff, v54  }
0x161: {  	[tilespmem:s25+$0x5650] =	vst.add.f32.msk $0xffff, v55  }
0x162: {  	[tilespmem:s25+$0x5610] =	vst.add.f32.msk $0xffff, v3  }
0x163: {  	v3 =	vld [tilespmem:s25+$0x15660]  }
0x164: {  	[tilespmem:s25+$0x5670] =	vst.add.f32.msk $0xffff, v56  }
0x165: {  	[tilespmem:s25+$0x5A00] =	vst.add.f32.msk $0xffff, v57  }
0x166: {  	[tilespmem:s25+$0x5A10] =	vst.add.f32.msk $0xffff, v58  }
0x167: {  	[tilespmem:s25+$0x5A20] =	vst.add.f32.msk $0xffff, v59  }
0x168: {  	[tilespmem:s25+$0x5660] =	vst.add.f32.msk $0xffff, v3  }
0x169: {  	v3 =	vld [tilespmem:s25+$0x15A30]  }
0x16a: {  	[tilespmem:s25+$0x5A40] =	vst.add.f32.msk $0xffff, v60  }
0x16b: {  	s26 =	sand.u32 $0x7, s21;
	[tilespmem:s25+$0x5A50] =	vst.add.f32.msk $0xffff, v61  }
0x16c: {  	s26 =	sshll.u32 s26, $0x7;
	[tilespmem:s25+$0x5A60] =	vst.add.f32.msk $0xffff, v62  }
0x16d: {  	s26 =	sadd.s32 s26, s23;
	[tilespmem:s25+$0x5A70] =	vst.add.f32.msk $0xffff, v63  }
0x16e: {  	[tilespmem:s25+$0x5A30] =	vst.add.f32.msk $0xffff, v3;
	s25 =	sor.u32 $0x1C00, s26  }
0x16f: {  	v3 =	vld [tilespmem:s25+$0x14200];
	_ =	sdelay $0x4  }
0x170: {  	[tilespmem:s25+$0x4200] =	vst.add.f32.msk $0xffff, v3;
	s25 =	sor.u32 $0x1C10, s26  }
0x171: {  	v3 =	vld [tilespmem:s25+$0x14200];
	_ =	sdelay $0x4  }
0x172: {  	[tilespmem:s25+$0x4200] =	vst.add.f32.msk $0xffff, v3;
	s25 =	sor.u32 $0x1C20, s26  }
0x173: {  	v3 =	vld [tilespmem:s25+$0x14200];
	_ =	sdelay $0x4  }
0x174: {  	[tilespmem:s25+$0x4200] =	vst.add.f32.msk $0xffff, v3;
	s25 =	sor.u32 $0x1C30, s26  }
0x175: {  	v3 =	vld [tilespmem:s25+$0x14200];
	_ =	sdelay $0x4  }
0x176: {  	[tilespmem:s25+$0x4200] =	vst.add.f32.msk $0xffff, v3;
	s25 =	sor.u32 $0x1C40, s26  }
0x177: {  	v3 =	vld [tilespmem:s25+$0x14200];
	_ =	sdelay $0x4  }
0x178: {  	[tilespmem:s25+$0x4200] =	vst.add.f32.msk $0xffff, v3;
	s25 =	sor.u32 $0x1C50, s26  }
0x179: {  	v3 =	vld [tilespmem:s25+$0x14200];
	_ =	sdelay $0x4  }
0x17a: {  	[tilespmem:s25+$0x4200] =	vst.add.f32.msk $0xffff, v3;
	s25 =	sor.u32 $0x1C60, s26  }
0x17b: {  	v3 =	vld [tilespmem:s25+$0x14200];
	_ =	sdelay $0x4  }
0x17c: {  	s26 =	sor.u32 $0x1C70, s26;
	[tilespmem:s25+$0x4200] =	vst.add.f32.msk $0xffff, v3  }
0x17d: {  	p1 =	sne.s32 s24, $0x780;
	v3 =	vld [tilespmem:s26+$0x14200]  }
.Ltmp1:
0x17e: {  	_ = 	snop;
	(pc) =	sbr.rel @p1 .LBB2_5-.Ltmp1, $3  }
0x17f: {  	_ =	sdelay $0x1  }
0x180: {  	s22 =	sadd.s32 $0x400, s22  }
0x181: {  	s24 =	sadd.s32 $0x80, s24;
	s21 =	sadd.s32 $0x1, s21;
	s23 =	sadd.s32 $0x400, s23;
	[tilespmem:s26+$0x4200] =	vst.add.f32.msk $0xffff, v3  }
0x182: {  	s19 =	sshll.u32 s19, $0xB;
	s18 =	sor.u32 $0x3, s18  }
0x183: {  	s19 =	sadd.s32 s19, s11;
	s22 =	sshll.u32 s18, $0x4  }
0x184: {  	[hbm4b:s19+s5] =	stream.linear.scatter [tilespmem:s2], [sflag:$0x8], $0x4000, $0x38;
	[tilespmem:$0x18200] =	vst v63  }
0x185: {  	v3 =	vld [tilespmem:s22+$0x0];
	_ =	sdelay $0x4  }
0x186: {  	v4 =	vshll.u32 v3, $0x3  }
0x187: {  	v3 =	vand.u32 $0x7, v3;
	v4 =	vand.u32 $0xFFFFFFC0, v4  }
0x188: {  	v3 =	vor.u32 v3, v4  }
0x189: {  	v4 =	vperm.xlane v3, v0;
	_ =	sdelay $0x1  }
0x18a: {  	v4 =	vadd.s32 v1, v4;
	_ =	sdelay $0x3  }
0x18b: {  	s26 =	simm.s32 $0x14200  }
0x18c: {  	[tilespmem:s26], [sflag:$0x6] =	stream.indirect_vreg.gather [hbm4b:s3+s5], $0x80, v4, vm0, $0xb8;
	[tilespmem:$0x18200] =	vst v63  }
0x18d: {  	s21 =	simm.s32 $0x14A00;
	v3 =	vperm.xlane v3, v2  }
0x18e: {  	[tilespmem:s21], [sflag:$0x6] =	stream.indirect_vreg.gather [hbm4b:s7+s5], $0x80, v4, vm0, $0xb8;
	[tilespmem:$0x18200] =	vst v63  }
0x18f: {  	s23 =	simm.s32 $0x15200;
	v3 =	vadd.s32 v1, v3  }
0x190: {  	[tilespmem:s23], [sflag:$0x6] =	stream.indirect_vreg.gather [hbm4b:s8+s5], $0x80, v4, vm0, $0xb8;
	[tilespmem:$0x18200] =	vst v63  }
0x191: {  	s24 =	simm.s32 $0x15A00  }
0x192: {  	[tilespmem:s24], [sflag:$0x6] =	stream.indirect_vreg.gather [hbm4b:s9+s5], $0x80, v4, vm0, $0xb8;
	[tilespmem:$0x18200] =	vst v63  }
0x193: {  	_ = 	snop  }
0x194: {  	[tilespmem:s28], [sflag:$0x6] =	stream.indirect_vreg.gather [hbm4b:s3+s5], $0x80, v3, vm0, $0xb8;
	[tilespmem:$0x18200] =	vst v63  }
0x195: {  	_ = 	snop  }
0x196: {  	[tilespmem:s29], [sflag:$0x6] =	stream.indirect_vreg.gather [hbm4b:s7+s5], $0x80, v3, vm0, $0xb8;
	[tilespmem:$0x18200] =	vst v63  }
0x197: {  	_ = 	snop  }
0x198: {  	[tilespmem:s30], [sflag:$0x6] =	stream.indirect_vreg.gather [hbm4b:s8+s5], $0x80, v3, vm0, $0xb8;
	[tilespmem:$0x18200] =	vst v63  }
0x199: {  	s21 =	simm.s32 @!p0 $0xA  }
0x19a: {  	[tilespmem:s31], [sflag:$0x6] =	stream.indirect_vreg.gather [hbm4b:s9+s5], $0x80, v3, vm0, $0xb8;
	[tilespmem:$0x18200] =	vst v63  }
0x19b: {  	s19 =	sadd.s32 s4, s22;
	_ =	swait.ge @!p0 [sflag:s21], $0x4000  }
0x19c: {  	s19 =	sshll.u32 s19, $0x7;
	[sflag:s21] =	ssyncset.done @!p0 $0x0  }
0x19d: {  	s25 =	sadd.s32 s1, s19;
	s19 =	simm.s32 $0x0;
	[sflag:s21] =	ssyncadd.s32 @!p0 $0xFFFFC000  }
0x19e: {  	[tilespmem:s14], [sflag:$0x4] =	stream.linear.gather [hbm4b:s25+s19], $0x4000, $0x38;
	[tilespmem:$0x18200] =	vst v63  }
0x19f: {  	_ =	swait.ge [sflag:s0], $0x4000  }
0x1a0: {  	[sflag:s0] =	ssyncset.done $0x0  }
0x1a1: {  	[sflag:s0] =	ssyncadd.s32 $0xFFFFC000  }
0x1a2: {  	_ =	swait.ge [sflag:s15], $0x4000  }
0x1a3: {  	s22 =	simm.s32 $0x0;
	[sflag:s15] =	ssyncset.done $0x0  }
0x1a4: {  	s23 =	simm.s32 $0x0;
	s21 =	simm.s32 $0xFFFFC000;
	[sflag:s15] =	ssyncadd.s32 $0xFFFFC000  }
.LBB2_7:
0x1a5: {  	s24 =	sadd.s32 $0x4000, s21  }
0x1a6: {  	s25 =	sand.u32 $0x380, s23;
	s24 =	sand.u32 $0x2000, s24  }
0x1a7: {  	s24 =	sor.u32 s25, s24  }
0x1a8: {  	v3 =	vld [tilespmem:s24+$0x10200]  }
0x1a9: {  	v4 =	vld [tilespmem:s24+$0x10220]  }
0x1aa: {  	v5 =	vld [tilespmem:s24+$0x10230]  }
0x1ab: {  	v6 =	vld [tilespmem:s24+$0x10240]  }
0x1ac: {  	v7 =	vld [tilespmem:s24+$0x10250]  }
0x1ad: {  	v24 =	vld [tilespmem:s24+$0x10270]  }
0x1ae: {  	v25 =	vld [tilespmem:s24+$0x10600]  }
0x1af: {  	v26 =	vld [tilespmem:s24+$0x10610]  }
0x1b0: {  	v27 =	vld [tilespmem:s24+$0x10620]  }
0x1b1: {  	v28 =	vld [tilespmem:s24+$0x10640]  }
0x1b2: {  	v29 =	vld [tilespmem:s24+$0x10650]  }
0x1b3: {  	v30 =	vld [tilespmem:s24+$0x10660]  }
0x1b4: {  	v31 =	vld [tilespmem:s24+$0x10670]  }
0x1b5: {  	v32 =	vld [tilespmem:s24+$0x10A10]  }
0x1b6: {  	v33 =	vld [tilespmem:s24+$0x10A20]  }
0x1b7: {  	v34 =	vld [tilespmem:s24+$0x10A30]  }
0x1b8: {  	v35 =	vld [tilespmem:s24+$0x10A40]  }
0x1b9: {  	v36 =	vld [tilespmem:s24+$0x10A60]  }
0x1ba: {  	v37 =	vld [tilespmem:s24+$0x10A70]  }
0x1bb: {  	v38 =	vld [tilespmem:s24+$0x10E00]  }
0x1bc: {  	v39 =	vld [tilespmem:s24+$0x10E10]  }
0x1bd: {  	v40 =	vld [tilespmem:s24+$0x10E30]  }
0x1be: {  	v41 =	vld [tilespmem:s24+$0x10E40]  }
0x1bf: {  	v42 =	vld [tilespmem:s24+$0x10E50]  }
0x1c0: {  	v43 =	vld [tilespmem:s24+$0x10E60]  }
0x1c1: {  	v44 =	vld [tilespmem:s24+$0x11200]  }
0x1c2: {  	v45 =	vld [tilespmem:s24+$0x11210]  }
0x1c3: {  	v46 =	vld [tilespmem:s24+$0x11220]  }
0x1c4: {  	v47 =	vld [tilespmem:s24+$0x11230]  }
0x1c5: {  	v48 =	vld [tilespmem:s24+$0x11250]  }
0x1c6: {  	v49 =	vld [tilespmem:s24+$0x11260]  }
0x1c7: {  	v50 =	vld [tilespmem:s24+$0x11270]  }
0x1c8: {  	v51 =	vld [tilespmem:s24+$0x11600]  }
0x1c9: {  	v52 =	vld [tilespmem:s24+$0x11620]  }
0x1ca: {  	v53 =	vld [tilespmem:s24+$0x11630]  }
0x1cb: {  	v54 =	vld [tilespmem:s24+$0x11640]  }
0x1cc: {  	v55 =	vld [tilespmem:s24+$0x11650]  }
0x1cd: {  	v56 =	vld [tilespmem:s24+$0x11670]  }
0x1ce: {  	v57 =	vld [tilespmem:s24+$0x11A00]  }
0x1cf: {  	v58 =	vld [tilespmem:s24+$0x11A10]  }
0x1d0: {  	v59 =	vld [tilespmem:s24+$0x11A20]  }
0x1d1: {  	v60 =	vld [tilespmem:s24+$0x11A40]  }
0x1d2: {  	v61 =	vld [tilespmem:s24+$0x11A50]  }
0x1d3: {  	v62 =	vld [tilespmem:s24+$0x11A60]  }
0x1d4: {  	v63 =	vld [tilespmem:s24+$0x11A70]  }
0x1d5: {  	[tilespmem:s24+$0x8200] =	vst.add.f32.msk $0xffff, v3  }
0x1d6: {  	v3 =	vld [tilespmem:s24+$0x10210]  }
0x1d7: {  	[tilespmem:s24+$0x8220] =	vst.add.f32.msk $0xffff, v4  }
0x1d8: {  	[tilespmem:s24+$0x8230] =	vst.add.f32.msk $0xffff, v5  }
0x1d9: {  	[tilespmem:s24+$0x8240] =	vst.add.f32.msk $0xffff, v6  }
0x1da: {  	[tilespmem:s24+$0x8250] =	vst.add.f32.msk $0xffff, v7  }
0x1db: {  	[tilespmem:s24+$0x8210] =	vst.add.f32.msk $0xffff, v3  }
0x1dc: {  	v3 =	vld [tilespmem:s24+$0x10260]  }
0x1dd: {  	[tilespmem:s24+$0x8270] =	vst.add.f32.msk $0xffff, v24  }
0x1de: {  	[tilespmem:s24+$0x8600] =	vst.add.f32.msk $0xffff, v25  }
0x1df: {  	[tilespmem:s24+$0x8610] =	vst.add.f32.msk $0xffff, v26  }
0x1e0: {  	[tilespmem:s24+$0x8620] =	vst.add.f32.msk $0xffff, v27  }
0x1e1: {  	[tilespmem:s24+$0x8260] =	vst.add.f32.msk $0xffff, v3  }
0x1e2: {  	v3 =	vld [tilespmem:s24+$0x10630]  }
0x1e3: {  	[tilespmem:s24+$0x8640] =	vst.add.f32.msk $0xffff, v28  }
0x1e4: {  	[tilespmem:s24+$0x8650] =	vst.add.f32.msk $0xffff, v29  }
0x1e5: {  	[tilespmem:s24+$0x8660] =	vst.add.f32.msk $0xffff, v30  }
0x1e6: {  	[tilespmem:s24+$0x8670] =	vst.add.f32.msk $0xffff, v31  }
0x1e7: {  	[tilespmem:s24+$0x8630] =	vst.add.f32.msk $0xffff, v3  }
0x1e8: {  	v3 =	vld [tilespmem:s24+$0x10A00]  }
0x1e9: {  	[tilespmem:s24+$0x8A10] =	vst.add.f32.msk $0xffff, v32  }
0x1ea: {  	[tilespmem:s24+$0x8A20] =	vst.add.f32.msk $0xffff, v33  }
0x1eb: {  	[tilespmem:s24+$0x8A30] =	vst.add.f32.msk $0xffff, v34  }
0x1ec: {  	[tilespmem:s24+$0x8A40] =	vst.add.f32.msk $0xffff, v35  }
0x1ed: {  	[tilespmem:s24+$0x8A00] =	vst.add.f32.msk $0xffff, v3  }
0x1ee: {  	v3 =	vld [tilespmem:s24+$0x10A50]  }
0x1ef: {  	[tilespmem:s24+$0x8A60] =	vst.add.f32.msk $0xffff, v36  }
0x1f0: {  	[tilespmem:s24+$0x8A70] =	vst.add.f32.msk $0xffff, v37  }
0x1f1: {  	[tilespmem:s24+$0x8E00] =	vst.add.f32.msk $0xffff, v38  }
0x1f2: {  	[tilespmem:s24+$0x8E10] =	vst.add.f32.msk $0xffff, v39  }
0x1f3: {  	[tilespmem:s24+$0x8A50] =	vst.add.f32.msk $0xffff, v3  }
0x1f4: {  	v3 =	vld [tilespmem:s24+$0x10E20]  }
0x1f5: {  	[tilespmem:s24+$0x8E30] =	vst.add.f32.msk $0xffff, v40  }
0x1f6: {  	[tilespmem:s24+$0x8E40] =	vst.add.f32.msk $0xffff, v41  }
0x1f7: {  	[tilespmem:s24+$0x8E50] =	vst.add.f32.msk $0xffff, v42  }
0x1f8: {  	[tilespmem:s24+$0x8E60] =	vst.add.f32.msk $0xffff, v43  }
0x1f9: {  	[tilespmem:s24+$0x8E20] =	vst.add.f32.msk $0xffff, v3  }
0x1fa: {  	v3 =	vld [tilespmem:s24+$0x10E70]  }
0x1fb: {  	[tilespmem:s24+$0x9200] =	vst.add.f32.msk $0xffff, v44  }
0x1fc: {  	[tilespmem:s24+$0x9210] =	vst.add.f32.msk $0xffff, v45  }
0x1fd: {  	[tilespmem:s24+$0x9220] =	vst.add.f32.msk $0xffff, v46  }
0x1fe: {  	[tilespmem:s24+$0x9230] =	vst.add.f32.msk $0xffff, v47  }
0x1ff: {  	[tilespmem:s24+$0x8E70] =	vst.add.f32.msk $0xffff, v3  }
0x200: {  	v3 =	vld [tilespmem:s24+$0x11240]  }
0x201: {  	[tilespmem:s24+$0x9250] =	vst.add.f32.msk $0xffff, v48  }
0x202: {  	[tilespmem:s24+$0x9260] =	vst.add.f32.msk $0xffff, v49  }
0x203: {  	[tilespmem:s24+$0x9270] =	vst.add.f32.msk $0xffff, v50  }
0x204: {  	[tilespmem:s24+$0x9600] =	vst.add.f32.msk $0xffff, v51  }
0x205: {  	[tilespmem:s24+$0x9240] =	vst.add.f32.msk $0xffff, v3  }
0x206: {  	v3 =	vld [tilespmem:s24+$0x11610]  }
0x207: {  	[tilespmem:s24+$0x9620] =	vst.add.f32.msk $0xffff, v52  }
0x208: {  	[tilespmem:s24+$0x9630] =	vst.add.f32.msk $0xffff, v53  }
0x209: {  	[tilespmem:s24+$0x9640] =	vst.add.f32.msk $0xffff, v54  }
0x20a: {  	[tilespmem:s24+$0x9650] =	vst.add.f32.msk $0xffff, v55  }
0x20b: {  	[tilespmem:s24+$0x9610] =	vst.add.f32.msk $0xffff, v3  }
0x20c: {  	v3 =	vld [tilespmem:s24+$0x11660]  }
0x20d: {  	[tilespmem:s24+$0x9670] =	vst.add.f32.msk $0xffff, v56  }
0x20e: {  	[tilespmem:s24+$0x9A00] =	vst.add.f32.msk $0xffff, v57  }
0x20f: {  	[tilespmem:s24+$0x9A10] =	vst.add.f32.msk $0xffff, v58  }
0x210: {  	[tilespmem:s24+$0x9A20] =	vst.add.f32.msk $0xffff, v59  }
0x211: {  	[tilespmem:s24+$0x9660] =	vst.add.f32.msk $0xffff, v3  }
0x212: {  	v3 =	vld [tilespmem:s24+$0x11A30]  }
0x213: {  	[tilespmem:s24+$0x9A40] =	vst.add.f32.msk $0xffff, v60  }
0x214: {  	s25 =	sand.u32 $0x7, s19;
	[tilespmem:s24+$0x9A50] =	vst.add.f32.msk $0xffff, v61  }
0x215: {  	s25 =	sshll.u32 s25, $0x7;
	[tilespmem:s24+$0x9A60] =	vst.add.f32.msk $0xffff, v62  }
0x216: {  	s25 =	sadd.s32 s25, s22;
	[tilespmem:s24+$0x9A70] =	vst.add.f32.msk $0xffff, v63  }
0x217: {  	[tilespmem:s24+$0x9A30] =	vst.add.f32.msk $0xffff, v3;
	s24 =	sor.u32 $0x1C00, s25  }
0x218: {  	v3 =	vld [tilespmem:s24+$0x10200];
	_ =	sdelay $0x4  }
0x219: {  	[tilespmem:s24+$0x8200] =	vst.add.f32.msk $0xffff, v3;
	s24 =	sor.u32 $0x1C10, s25  }
0x21a: {  	v3 =	vld [tilespmem:s24+$0x10200];
	_ =	sdelay $0x4  }
0x21b: {  	[tilespmem:s24+$0x8200] =	vst.add.f32.msk $0xffff, v3;
	s24 =	sor.u32 $0x1C20, s25  }
0x21c: {  	v3 =	vld [tilespmem:s24+$0x10200];
	_ =	sdelay $0x4  }
0x21d: {  	[tilespmem:s24+$0x8200] =	vst.add.f32.msk $0xffff, v3;
	s24 =	sor.u32 $0x1C30, s25  }
0x21e: {  	v3 =	vld [tilespmem:s24+$0x10200];
	_ =	sdelay $0x4  }
0x21f: {  	[tilespmem:s24+$0x8200] =	vst.add.f32.msk $0xffff, v3;
	s24 =	sor.u32 $0x1C40, s25  }
0x220: {  	v3 =	vld [tilespmem:s24+$0x10200];
	_ =	sdelay $0x4  }
0x221: {  	[tilespmem:s24+$0x8200] =	vst.add.f32.msk $0xffff, v3;
	s24 =	sor.u32 $0x1C50, s25  }
0x222: {  	v3 =	vld [tilespmem:s24+$0x10200];
	_ =	sdelay $0x4  }
0x223: {  	[tilespmem:s24+$0x8200] =	vst.add.f32.msk $0xffff, v3;
	s24 =	sor.u32 $0x1C60, s25  }
0x224: {  	v3 =	vld [tilespmem:s24+$0x10200];
	_ =	sdelay $0x4  }
0x225: {  	s25 =	sor.u32 $0x1C70, s25;
	[tilespmem:s24+$0x8200] =	vst.add.f32.msk $0xffff, v3  }
0x226: {  	p0 =	sne.s32 s23, $0x780;
	v3 =	vld [tilespmem:s25+$0x10200]  }
.Ltmp2:
0x227: {  	_ = 	snop;
	(pc) =	sbr.rel @p0 .LBB2_7-.Ltmp2, $3  }
0x228: {  	_ =	sdelay $0x1  }
0x229: {  	s21 =	sadd.s32 $0x400, s21  }
0x22a: {  	s23 =	sadd.s32 $0x80, s23;
	s19 =	sadd.s32 $0x1, s19;
	s22 =	sadd.s32 $0x400, s22;
	[tilespmem:s25+$0x8200] =	vst.add.f32.msk $0xffff, v3  }
0x22b: {  	s19 =	sshll.u32 s20, $0xB  }
0x22c: {  	p0 =	seq.s32 s17, $0x7;
	s19 =	sadd.s32 s19, s11  }
0x22d: {  	[hbm4b:s19+s5] =	stream.linear.scatter [tilespmem:s10], [sflag:$0x9], $0x4000, $0x38;
	[tilespmem:$0x18200] =	vst v63  }
0x22e: {  	s19 =	sshll.u32 @!p0 s17, $0x6  }
0x22f: {  	v3 =	vld @!p0 [tilespmem:s19+$0x40];
	_ =	sdelay $0x4  }
0x230: {  	v4 =	vshll.u32 @!p0 v3, $0x3  }
0x231: {  	v5 =	vlaneseq.u32 @!p0;
	v3 =	vand.u32 @!p0 $0x7, v3;
	v4 =	vand.u32 @!p0 $0xFFFFFFC0, v4  }
0x232: {  	v6 =	vshrl.u32 @!p0 v5, $0x3;
	v3 =	vor.u32 @!p0 v3, v4;
	v4 =	vand.u32 @!p0 $0x7, v5  }
0x233: {  	v6 =	vmul.u32 @!p0 $0x8, v6;
	v4 =	vperm.xlane @!p0 v3, v4;
	_ =	sdelay $0x1  }
0x234: {  	v4 =	vadd.s32 @!p0 v6, v4;
	_ =	sdelay $0x3  }
0x235: {  	vm1 =	vmmov @!p0 $0xffff;
	s20 =	simm.s32 @!p0 $0x0;
	s21 =	simm.s32 @!p0 $0x10200  }
0x236: {  	v5 =	vor.u32 @!p0 $0x8, v5;
	[tilespmem:s21], [sflag:$0x5] =	stream.indirect_vreg.gather @!p0 [hbm4b:s3+s20], $0x80, v4, vm1, $0xb8;
	[tilespmem:$0x18200] =	vst v63  }
0x237: {  	v3 =	vperm.xlane @!p0 v3, v5;
	s21 =	simm.s32 @!p0 $0x10A00  }
0x238: {  	[tilespmem:s21], [sflag:$0x5] =	stream.indirect_vreg.gather @!p0 [hbm4b:s7+s20], $0x80, v4, vm1, $0xb8;
	[tilespmem:$0x18200] =	vst v63  }
0x239: {  	v3 =	vadd.s32 @!p0 v6, v3;
	s21 =	simm.s32 @!p0 $0x11200  }
0x23a: {  	[tilespmem:s21], [sflag:$0x5] =	stream.indirect_vreg.gather @!p0 [hbm4b:s8+s20], $0x80, v4, vm1, $0xb8;
	[tilespmem:$0x18200] =	vst v63  }
0x23b: {  	s21 =	simm.s32 @!p0 $0x11A00  }
0x23c: {  	[tilespmem:s21], [sflag:$0x5] =	stream.indirect_vreg.gather @!p0 [hbm4b:s9+s20], $0x80, v4, vm1, $0xb8;
	[tilespmem:$0x18200] =	vst v63  }
0x23d: {  	s21 =	simm.s32 @!p0 $0x12200  }
0x23e: {  	[tilespmem:s21], [sflag:$0x5] =	stream.indirect_vreg.gather @!p0 [hbm4b:s3+s20], $0x80, v3, vm1, $0xb8;
	[tilespmem:$0x18200] =	vst v63  }
0x23f: {  	s21 =	simm.s32 @!p0 $0x12A00  }
0x240: {  	[tilespmem:s21], [sflag:$0x5] =	stream.indirect_vreg.gather @!p0 [hbm4b:s7+s20], $0x80, v3, vm1, $0xb8;
	[tilespmem:$0x18200] =	vst v63  }
0x241: {  	s21 =	simm.s32 @!p0 $0x13200  }
0x242: {  	[tilespmem:s21], [sflag:$0x5] =	stream.indirect_vreg.gather @!p0 [hbm4b:s8+s20], $0x80, v3, vm1, $0xb8;
	[tilespmem:$0x18200] =	vst v63  }
0x243: {  	s21 =	simm.s32 @!p0 $0x13A00  }
0x244: {  	[tilespmem:s21], [sflag:$0x5] =	stream.indirect_vreg.gather @!p0 [hbm4b:s9+s20], $0x80, v3, vm1, $0xb8;
	[tilespmem:$0x18200] =	vst v63  }
0x245: {  	s19 =	sadd.s32 @!p0 $0x40, s19;
	s21 =	simm.s32 @!p0 $0x7  }
0x246: {  	s19 =	sadd.s32 @!p0 s4, s19;
	_ =	swait.ge @!p0 [sflag:s21], $0x4000  }
0x247: {  	s19 =	sshll.u32 @!p0 s19, $0x7;
	[sflag:s21] =	ssyncset.done @!p0 $0x0  }
0x248: {  	s19 =	sadd.s32 @!p0 s1, s19;
	[sflag:s21] =	ssyncadd.s32 @!p0 $0xFFFFC000;
	s21 =	simm.s32 @!p0 $0x200  }
0x249: {  	[tilespmem:s21], [sflag:$0x1] =	stream.linear.gather @!p0 [hbm4b:s19+s20], $0x4000, $0x38;
	[tilespmem:$0x18200] =	vst v63  }
0x24a: {  	_ =	swait.ge [sflag:s12], $0x4000  }
0x24b: {  	[sflag:s12] =	ssyncset.done $0x0  }
0x24c: {  	[sflag:s12] =	ssyncadd.s32 $0xFFFFC000  }
0x24d: {  	_ =	swait.ge [sflag:s16], $0x4000  }
0x24e: {  	s22 =	simm.s32 $0x0;
	s19 =	simm.s32 $0x0;
	[sflag:s16] =	ssyncset.done $0x0  }
0x24f: {  	s20 =	simm.s32 $0xFFFFC000;
	s21 =	simm.s32 $0x0;
	[sflag:s16] =	ssyncadd.s32 $0xFFFFC000  }
.LBB2_9:
0x250: {  	s23 =	sadd.s32 $0x4000, s20  }
0x251: {  	s24 =	sand.u32 $0x380, s22;
	s23 =	sand.u32 $0x2000, s23  }
0x252: {  	s23 =	sor.u32 s24, s23  }
0x253: {  	v3 =	vld [tilespmem:s23+$0x14200]  }
0x254: {  	v4 =	vld [tilespmem:s23+$0x14220]  }
0x255: {  	v5 =	vld [tilespmem:s23+$0x14230]  }
0x256: {  	v6 =	vld [tilespmem:s23+$0x14240]  }
0x257: {  	v7 =	vld [tilespmem:s23+$0x14250]  }
0x258: {  	v24 =	vld [tilespmem:s23+$0x14270]  }
0x259: {  	v25 =	vld [tilespmem:s23+$0x14600]  }
0x25a: {  	v26 =	vld [tilespmem:s23+$0x14610]  }
0x25b: {  	v27 =	vld [tilespmem:s23+$0x14620]  }
0x25c: {  	v28 =	vld [tilespmem:s23+$0x14640]  }
0x25d: {  	v29 =	vld [tilespmem:s23+$0x14650]  }
0x25e: {  	v30 =	vld [tilespmem:s23+$0x14660]  }
0x25f: {  	v31 =	vld [tilespmem:s23+$0x14670]  }
0x260: {  	v32 =	vld [tilespmem:s23+$0x14A10]  }
0x261: {  	v33 =	vld [tilespmem:s23+$0x14A20]  }
0x262: {  	v34 =	vld [tilespmem:s23+$0x14A30]  }
0x263: {  	v35 =	vld [tilespmem:s23+$0x14A40]  }
0x264: {  	v36 =	vld [tilespmem:s23+$0x14A60]  }
0x265: {  	v37 =	vld [tilespmem:s23+$0x14A70]  }
0x266: {  	v38 =	vld [tilespmem:s23+$0x14E00]  }
0x267: {  	v39 =	vld [tilespmem:s23+$0x14E10]  }
0x268: {  	v40 =	vld [tilespmem:s23+$0x14E30]  }
0x269: {  	v41 =	vld [tilespmem:s23+$0x14E40]  }
0x26a: {  	v42 =	vld [tilespmem:s23+$0x14E50]  }
0x26b: {  	v43 =	vld [tilespmem:s23+$0x14E60]  }
0x26c: {  	v44 =	vld [tilespmem:s23+$0x15200]  }
0x26d: {  	v45 =	vld [tilespmem:s23+$0x15210]  }
0x26e: {  	v46 =	vld [tilespmem:s23+$0x15220]  }
0x26f: {  	v47 =	vld [tilespmem:s23+$0x15230]  }
0x270: {  	v48 =	vld [tilespmem:s23+$0x15250]  }
0x271: {  	v49 =	vld [tilespmem:s23+$0x15260]  }
0x272: {  	v50 =	vld [tilespmem:s23+$0x15270]  }
0x273: {  	v51 =	vld [tilespmem:s23+$0x15600]  }
0x274: {  	v52 =	vld [tilespmem:s23+$0x15620]  }
0x275: {  	v53 =	vld [tilespmem:s23+$0x15630]  }
0x276: {  	v54 =	vld [tilespmem:s23+$0x15640]  }
0x277: {  	v55 =	vld [tilespmem:s23+$0x15650]  }
0x278: {  	v56 =	vld [tilespmem:s23+$0x15670]  }
0x279: {  	v57 =	vld [tilespmem:s23+$0x15A00]  }
0x27a: {  	v58 =	vld [tilespmem:s23+$0x15A10]  }
0x27b: {  	v59 =	vld [tilespmem:s23+$0x15A20]  }
0x27c: {  	v60 =	vld [tilespmem:s23+$0x15A40]  }
0x27d: {  	v61 =	vld [tilespmem:s23+$0x15A50]  }
0x27e: {  	v62 =	vld [tilespmem:s23+$0x15A60]  }
0x27f: {  	v63 =	vld [tilespmem:s23+$0x15A70]  }
0x280: {  	[tilespmem:s23+$0xC200] =	vst.add.f32.msk $0xffff, v3  }
0x281: {  	v3 =	vld [tilespmem:s23+$0x14210]  }
0x282: {  	[tilespmem:s23+$0xC220] =	vst.add.f32.msk $0xffff, v4  }
0x283: {  	[tilespmem:s23+$0xC230] =	vst.add.f32.msk $0xffff, v5  }
0x284: {  	[tilespmem:s23+$0xC240] =	vst.add.f32.msk $0xffff, v6  }
0x285: {  	[tilespmem:s23+$0xC250] =	vst.add.f32.msk $0xffff, v7  }
0x286: {  	[tilespmem:s23+$0xC210] =	vst.add.f32.msk $0xffff, v3  }
0x287: {  	v3 =	vld [tilespmem:s23+$0x14260]  }
0x288: {  	[tilespmem:s23+$0xC270] =	vst.add.f32.msk $0xffff, v24  }
0x289: {  	[tilespmem:s23+$0xC600] =	vst.add.f32.msk $0xffff, v25  }
0x28a: {  	[tilespmem:s23+$0xC610] =	vst.add.f32.msk $0xffff, v26  }
0x28b: {  	[tilespmem:s23+$0xC620] =	vst.add.f32.msk $0xffff, v27  }
0x28c: {  	[tilespmem:s23+$0xC260] =	vst.add.f32.msk $0xffff, v3  }
0x28d: {  	v3 =	vld [tilespmem:s23+$0x14630]  }
0x28e: {  	[tilespmem:s23+$0xC640] =	vst.add.f32.msk $0xffff, v28  }
0x28f: {  	[tilespmem:s23+$0xC650] =	vst.add.f32.msk $0xffff, v29  }
0x290: {  	[tilespmem:s23+$0xC660] =	vst.add.f32.msk $0xffff, v30  }
0x291: {  	[tilespmem:s23+$0xC670] =	vst.add.f32.msk $0xffff, v31  }
0x292: {  	[tilespmem:s23+$0xC630] =	vst.add.f32.msk $0xffff, v3  }
0x293: {  	v3 =	vld [tilespmem:s23+$0x14A00]  }
0x294: {  	[tilespmem:s23+$0xCA10] =	vst.add.f32.msk $0xffff, v32  }
0x295: {  	[tilespmem:s23+$0xCA20] =	vst.add.f32.msk $0xffff, v33  }
0x296: {  	[tilespmem:s23+$0xCA30] =	vst.add.f32.msk $0xffff, v34  }
0x297: {  	[tilespmem:s23+$0xCA40] =	vst.add.f32.msk $0xffff, v35  }
0x298: {  	[tilespmem:s23+$0xCA00] =	vst.add.f32.msk $0xffff, v3  }
0x299: {  	v3 =	vld [tilespmem:s23+$0x14A50]  }
0x29a: {  	[tilespmem:s23+$0xCA60] =	vst.add.f32.msk $0xffff, v36  }
0x29b: {  	[tilespmem:s23+$0xCA70] =	vst.add.f32.msk $0xffff, v37  }
0x29c: {  	[tilespmem:s23+$0xCE00] =	vst.add.f32.msk $0xffff, v38  }
0x29d: {  	[tilespmem:s23+$0xCE10] =	vst.add.f32.msk $0xffff, v39  }
0x29e: {  	[tilespmem:s23+$0xCA50] =	vst.add.f32.msk $0xffff, v3  }
0x29f: {  	v3 =	vld [tilespmem:s23+$0x14E20]  }
0x2a0: {  	[tilespmem:s23+$0xCE30] =	vst.add.f32.msk $0xffff, v40  }
0x2a1: {  	[tilespmem:s23+$0xCE40] =	vst.add.f32.msk $0xffff, v41  }
0x2a2: {  	[tilespmem:s23+$0xCE50] =	vst.add.f32.msk $0xffff, v42  }
0x2a3: {  	[tilespmem:s23+$0xCE60] =	vst.add.f32.msk $0xffff, v43  }
0x2a4: {  	[tilespmem:s23+$0xCE20] =	vst.add.f32.msk $0xffff, v3  }
0x2a5: {  	v3 =	vld [tilespmem:s23+$0x14E70]  }
0x2a6: {  	[tilespmem:s23+$0xD200] =	vst.add.f32.msk $0xffff, v44  }
0x2a7: {  	[tilespmem:s23+$0xD210] =	vst.add.f32.msk $0xffff, v45  }
0x2a8: {  	[tilespmem:s23+$0xD220] =	vst.add.f32.msk $0xffff, v46  }
0x2a9: {  	[tilespmem:s23+$0xD230] =	vst.add.f32.msk $0xffff, v47  }
0x2aa: {  	[tilespmem:s23+$0xCE70] =	vst.add.f32.msk $0xffff, v3  }
0x2ab: {  	v3 =	vld [tilespmem:s23+$0x15240]  }
0x2ac: {  	[tilespmem:s23+$0xD250] =	vst.add.f32.msk $0xffff, v48  }
0x2ad: {  	[tilespmem:s23+$0xD260] =	vst.add.f32.msk $0xffff, v49  }
0x2ae: {  	[tilespmem:s23+$0xD270] =	vst.add.f32.msk $0xffff, v50  }
0x2af: {  	[tilespmem:s23+$0xD600] =	vst.add.f32.msk $0xffff, v51  }
0x2b0: {  	[tilespmem:s23+$0xD240] =	vst.add.f32.msk $0xffff, v3  }
0x2b1: {  	v3 =	vld [tilespmem:s23+$0x15610]  }
0x2b2: {  	[tilespmem:s23+$0xD620] =	vst.add.f32.msk $0xffff, v52  }
0x2b3: {  	[tilespmem:s23+$0xD630] =	vst.add.f32.msk $0xffff, v53  }
0x2b4: {  	[tilespmem:s23+$0xD640] =	vst.add.f32.msk $0xffff, v54  }
0x2b5: {  	[tilespmem:s23+$0xD650] =	vst.add.f32.msk $0xffff, v55  }
0x2b6: {  	[tilespmem:s23+$0xD610] =	vst.add.f32.msk $0xffff, v3  }
0x2b7: {  	v3 =	vld [tilespmem:s23+$0x15660]  }
0x2b8: {  	[tilespmem:s23+$0xD670] =	vst.add.f32.msk $0xffff, v56  }
0x2b9: {  	[tilespmem:s23+$0xDA00] =	vst.add.f32.msk $0xffff, v57  }
0x2ba: {  	[tilespmem:s23+$0xDA10] =	vst.add.f32.msk $0xffff, v58  }
0x2bb: {  	[tilespmem:s23+$0xDA20] =	vst.add.f32.msk $0xffff, v59  }
0x2bc: {  	[tilespmem:s23+$0xD660] =	vst.add.f32.msk $0xffff, v3  }
0x2bd: {  	v3 =	vld [tilespmem:s23+$0x15A30]  }
0x2be: {  	[tilespmem:s23+$0xDA40] =	vst.add.f32.msk $0xffff, v60  }
0x2bf: {  	s25 =	sand.u32 $0x7, s19;
	[tilespmem:s23+$0xDA50] =	vst.add.f32.msk $0xffff, v61  }
0x2c0: {  	s24 =	sshll.u32 s25, $0x7;
	[tilespmem:s23+$0xDA60] =	vst.add.f32.msk $0xffff, v62  }
0x2c1: {  	s24 =	sadd.s32 s24, s21;
	[tilespmem:s23+$0xDA70] =	vst.add.f32.msk $0xffff, v63  }
0x2c2: {  	s25 =	sor.u32 $0x1C00, s24;
	[tilespmem:s23+$0xDA30] =	vst.add.f32.msk $0xffff, v3  }
0x2c3: {  	v3 =	vld [tilespmem:s25+$0x14200];
	_ =	sdelay $0x4  }
0x2c4: {  	[tilespmem:s25+$0xC200] =	vst.add.f32.msk $0xffff, v3;
	s25 =	sor.u32 $0x1C10, s24  }
0x2c5: {  	v3 =	vld [tilespmem:s25+$0x14200];
	_ =	sdelay $0x4  }
0x2c6: {  	[tilespmem:s25+$0xC200] =	vst.add.f32.msk $0xffff, v3;
	s25 =	sor.u32 $0x1C20, s24  }
0x2c7: {  	v3 =	vld [tilespmem:s25+$0x14200];
	_ =	sdelay $0x4  }
0x2c8: {  	[tilespmem:s25+$0xC200] =	vst.add.f32.msk $0xffff, v3;
	s25 =	sor.u32 $0x1C30, s24  }
0x2c9: {  	v3 =	vld [tilespmem:s25+$0x14200];
	_ =	sdelay $0x4  }
0x2ca: {  	[tilespmem:s25+$0xC200] =	vst.add.f32.msk $0xffff, v3;
	s25 =	sor.u32 $0x1C40, s24  }
0x2cb: {  	v3 =	vld [tilespmem:s25+$0x14200];
	_ =	sdelay $0x4  }
0x2cc: {  	[tilespmem:s25+$0xC200] =	vst.add.f32.msk $0xffff, v3;
	s25 =	sor.u32 $0x1C50, s24  }
0x2cd: {  	v3 =	vld [tilespmem:s25+$0x14200];
	_ =	sdelay $0x4  }
0x2ce: {  	[tilespmem:s25+$0xC200] =	vst.add.f32.msk $0xffff, v3;
	s25 =	sor.u32 $0x1C60, s24  }
0x2cf: {  	v3 =	vld [tilespmem:s25+$0x14200];
	_ =	sdelay $0x4  }
0x2d0: {  	[tilespmem:s25+$0xC200] =	vst.add.f32.msk $0xffff, v3;
	s25 =	sor.u32 $0x1C70, s24  }
0x2d1: {  	p0 =	sne.s32 s22, $0x780;
	v3 =	vld [tilespmem:s25+$0x14200]  }
.Ltmp3:
0x2d2: {  	_ = 	snop;
	(pc) =	sbr.rel @p0 .LBB2_9-.Ltmp3, $3  }
0x2d3: {  	_ =	sdelay $0x1  }
0x2d4: {  	s19 =	sadd.s32 $0x1, s19  }
0x2d5: {  	s20 =	sadd.s32 $0x400, s20;
	s22 =	sadd.s32 $0x80, s22;
	s21 =	sadd.s32 $0x400, s21;
	[tilespmem:s25+$0xC200] =	vst.add.f32.msk $0xffff, v3  }
0x2d6: {  	s17 =	sadd.s32 $0x1, s17  }
0x2d7: {  	p0 =	sne.s32 s17, $0x8  }
.Ltmp4:
0x2d8: {  	_ = 	snop;
	(pc) =	sbr.rel @p0 .LBB2_2-.Ltmp4, $4  }
0x2d9: {  	_ = 	snop  }
0x2da: {  	s18 =	sshll.u32 s18, $0xB  }
0x2db: {  	s18 =	sadd.s32 s18, s11  }
0x2dc: {  	[hbm4b:s18+s5] =	stream.linear.scatter [tilespmem:s14], [sflag:$0xA], $0x4000, $0x38;
	[tilespmem:$0x18200] =	vst v63  }
0x2dd: {  	s17 =	simm.s32 $0x7  }
0x2de: {  	_ =	swait.ge [sflag:s17], $0x4000  }
0x2df: {  	[sflag:s17] =	ssyncset.done $0x0  }
0x2e0: {  	s23 =	simm.s32 $0x8;
	[sflag:s17] =	ssyncadd.s32 $0xFFFFC000  }
0x2e1: {  	_ =	swait.ge [sflag:s23], $0x4000  }
0x2e2: {  	[sflag:s23] =	ssyncset.done $0x0  }
0x2e3: {  	s24 =	simm.s32 $0x9;
	[sflag:s23] =	ssyncadd.s32 $0xFFFFC000  }
0x2e4: {  	_ =	swait.ge [sflag:s24], $0x4000  }
0x2e5: {  	[sflag:s24] =	ssyncset.done $0x0  }
0x2e6: {  	s18 =	simm.s32 $0xA;
	[sflag:s24] =	ssyncadd.s32 $0xFFFFC000  }
0x2e7: {  	_ =	swait.ge [sflag:s18], $0x4000  }
0x2e8: {  	s19 =	rddreg [dreg:$0x8]  }
0x2e9: {  	s25 =	rddreg [dreg:$0x7];
	s19 =	sadd.s32 $0x1, s19  }
0x2ea: {  	p0 =	sne.s32 s19, s25  }
.Ltmp5:
0x2eb: {  	_ = 	snop;
	(pc) =	sbr.rel @p0 .LBB2_1-.Ltmp5, $3  }
0x2ec: {  	_ =	sdelay $0x1  }
0x2ed: {  	[sflag:s18] =	ssyncset.done $0x0  }
0x2ee: {  	[sflag:s18] =	ssyncadd.s32 $0xFFFFC000  }
0x2ef: {  	_ =	sfence.sel $0x180000  }
0x2f0: {  	[bflag:$0x0] =	sbarrier.arrive $0xFFFF  }
0x2f1: {  	_ =	strace $0x90000047  }
0x2f2: {  	s0 =	stileid.u32;
	[bflag:$0x2] =	sbarrier.arrive $0xFFFF  }
0x2f3: {  	p0 =	sne.s32 s0, $0x0;
	s0 =	rddreg [dreg:$0x4]  }
0x2f4: {  	s0 =	sadd.s32 @!p0 $0x100000, s0  }
0x2f5: {  	[sflag:s0] =	ssyncadd.tile.s32 @!p0 $0x1;
	_ =	shalt  }
.Lfunc_end2:
_tile_overlayer_lowered:
.L_overlay_start_2:
0x2f6: {  	(tag) =	ssettag $0x2  }
0x2f7: {  	s0 =	rddreg [dreg:$0x0];
	s2 =	stileid.u32  }
0x2f8: {  	s1 =	rddreg [dreg:$0x1];
	p0 =	sne.s32 s2, $0x0  }
0x2f9: {  	s3 =	rddreg [dreg:$0x2];
	[bflag:$0x3] =	sbarrier.arrive $0xFFFF;
	s2 =	simm.s32 @!p0 $0x1C0B  }
0x2fa: {  	[timem:s3], [sflag:s2] =	dma.local @!p0 [hbm:s0], s1  }
0x2fb: {  	s0 =	simm.s32 @!p0 $0xB  }
0x2fc: {  	_ =	swait.ge @!p0 [sflag:s0], s1  }
0x2fd: {  	s1 =	ssub.s32 @!p0 $0x0, s1;
	[sflag:s0] =	ssyncset.done @!p0 $0x0  }
0x2fe: {  	[sflag:s0] =	ssyncadd.s32 @!p0 s1  }
0x2ff: {  	[bflag:$0x3] =	sbarrier.arrive $0xFFFF  }
0x300: {  	_ =	shalt  }

</sc_bundles>
